<compile_context>
chip_gen: v7x
topology: tpu7x:2x2x1
jax: 0.10.2.dev20260603
libtpu: 0.0.44.dev20260713+nightly
codegen_flags: <defaults>
</compile_context>

<pallas_src>
import functools

import jax
import jax.numpy as jnp
from jax import lax
from jax.experimental import pallas as pl
from jax.experimental.pallas import tpu as pltpu
from jax.experimental.pallas import tpu_sc as plsc

NC = 2
NS = 16
LANES = 16
NW = NC * NS

BATCH = 4096
SEQ = 200
EMBED = 64
VOCAB_ROWS = 1000000
CH0 = 128
CH1 = SEQ - CH0


TCOLS = (VOCAB_ROWS + 127) // 128
NFULL = VOCAB_ROWS // 128
VROWS_PAD = TCOLS * 128

G = 128
NG = BATCH * SEQ // NW // G
EG = EMBED // LANES


def _format_table_sc(table_t, tail_pairs):
    mesh = plsc.VectorSubcoreMesh(core_axis_name="c", subcore_axis_name="s")

    @functools.partial(
        pl.kernel,
        out_type=jax.ShapeDtypeStruct((TCOLS * (G // 2), G), jnp.float32),
        mesh=mesh,
        scratch_types=[
            pltpu.VMEM((EMBED, G), jnp.float32),
            pltpu.VMEM((EMBED, G), jnp.float32),
            pltpu.VMEM((G // 2, G), jnp.float32),
            pltpu.VMEM((G // 2, G), jnp.float32),
            pltpu.SemaphoreType.DMA,
            pltpu.SemaphoreType.DMA,
            pltpu.SemaphoreType.DMA,
            pltpu.SemaphoreType.DMA,
        ],
        compiler_params=pltpu.CompilerParams(
            use_tc_tiling_on_sc=True, needs_layout_passes=False),
    )
    def k(tt_hbm, tail_hbm, out_hbm, in0, in1, out0, out1,
          rs0, rs1, ws0, ws1):
        wid = lax.axis_index("s") * NC + lax.axis_index("c")
        iota = lax.iota(jnp.int32, LANES)

        @pl.when(wid == NW - 1)
        def _():
            pltpu.sync_copy(tail_hbm, out0.at[pl.ds(0, G // 4)])
            pltpu.sync_copy(out0.at[pl.ds(0, G // 4)],
                            out_hbm.at[pl.ds(NFULL * (G // 2), G // 4)])

        def start_read(slab, inb, rsem):
            pltpu.async_copy(
                tt_hbm.at[:, pl.ds(pl.multiple_of(slab * G, G), G)],
                inb, rsem)

        def process(slab, inb, outb, rsem, wsem, not_first):
            pltpu.make_async_copy(
                tt_hbm.at[:, pl.ds(0, G)], inb, rsem).wait()
            @pl.when(not_first)
            def _():
                pltpu.make_async_copy(
                    outb, out_hbm.at[pl.ds(0, G // 2)], wsem).wait()

            def d_one(d):
                e = (iota + d) & (LANES - 1)
                cols = [e + LANES * s for s in range(G // LANES)]
                orows = [c >> 1 for c in cols]
                obases = [(c & 1) * EMBED for c in cols]
                for q in range(EG):
                    rq = iota + q * LANES
                    for s in range(G // LANES):
                        vals = plsc.load_gather(inb, [rq, cols[s]])
                        plsc.store_scatter(
                            outb, [orows[s], obases[s] + rq], vals)

            def d_body(t, carry):
                d_one(2 * t)
                d_one(2 * t + 1)
                return carry

            lax.fori_loop(0, LANES // 2, d_body, 0)
            @pl.when(slab + 2 * NW < NFULL)
            def _():
                start_read(slab + 2 * NW, inb, rsem)
            pltpu.async_copy(
                outb,
                out_hbm.at[pl.ds(pl.multiple_of(slab * (G // 2), G // 2),
                                 G // 2)], wsem)

        start_read(wid, in0, rs0)
        start_read(wid + NW, in1, rs1)

        npairs = (NFULL // NW + 2) // 2

        def pair(t, carry):
            s0 = wid + NW * 2 * t
            s1 = s0 + NW
            @pl.when(s0 < NFULL)
            def _():
                process(s0, in0, out0, rs0, ws0, t > 0)
            @pl.when(s1 < NFULL)
            def _():
                process(s1, in1, out1, rs1, ws1, t > 0)
            return carry

        lax.fori_loop(0, npairs, pair, 0)
        pltpu.make_async_copy(out0, out_hbm.at[pl.ds(0, G // 2)], ws0).wait()
        pltpu.make_async_copy(out1, out_hbm.at[pl.ds(0, G // 2)], ws1).wait()

    return k(table_t, tail_pairs)


def _pooled_sc(x_r, table):
    b_per_w = BATCH // NW
    mesh = plsc.VectorSubcoreMesh(core_axis_name="c", subcore_axis_name="s")

    @functools.partial(
        pl.kernel,
        out_type=jax.ShapeDtypeStruct((BATCH, EMBED), jnp.float32),
        mesh=mesh,
        scratch_types=[
            pltpu.VMEM((NG, G), jnp.int32),
            pltpu.VMEM((G, EMBED), jnp.float32),
            pltpu.VMEM((G, EMBED), jnp.float32),
            pltpu.VMEM((b_per_w, EMBED), jnp.float32),
            pltpu.SemaphoreType.DMA,
            pltpu.SemaphoreType.DMA,
        ],
        compiler_params=pltpu.CompilerParams(use_tc_tiling_on_sc=False),
    )
    def k(x_hbm, table_hbm, out_hbm, idx_v, buf0, buf1, pooled_v, sem0, sem1):
        wid = lax.axis_index("s") * NC + lax.axis_index("c")
        row0 = wid * b_per_w
        pltpu.sync_copy(x_hbm.at[pl.ds(wid * NG, NG)], idx_v)

        inv = jnp.full((LANES,), 1.0 / SEQ, jnp.float32)
        zero = jnp.zeros((LANES,), jnp.float32)

        def start(g, buf, sem):
            return pltpu.async_copy(table_hbm.at[idx_v.at[g]], buf, sem)

        def acc_span(buf, lo, hi, a):
            def add_row(j, a):
                return tuple(
                    a[q] + buf[j, pl.ds(q * LANES, LANES)] for q in range(EG)
                )

            def body4(k, a):
                j = lo + 4 * k
                return add_row(
                    j + 3, add_row(j + 2, add_row(j + 1, add_row(j, a))))

            a = lax.fori_loop(0, (hi - lo) >> 2, body4, a)
            rem = (hi - lo) & 3
            zvec = jnp.zeros((LANES,), jnp.float32)
            for t in range(3):
                jt = jnp.maximum(hi - 1 - t, 0)
                a = tuple(
                    a[q] + jnp.where(rem > t,
                                     buf[jt, pl.ds(q * LANES, LANES)], zvec)
                    for q in range(EG)
                )
            return a

        def process(g, buf, sem, a):
            pltpu.make_async_copy(table_hbm.at[idx_v.at[g]], buf, sem).wait()
            f = g * G
            e = f // SEQ
            bnd = (e + 1) * SEQ - f
            n1 = jnp.minimum(bnd, G)
            a = acc_span(buf, 0, n1, a)
            flush = bnd <= G
            @pl.when(flush)
            def _():
                for q in range(EG):
                    pooled_v[e, pl.ds(q * LANES, LANES)] = a[q] * inv
            a = tuple(jnp.where(flush, zero, a[q]) for q in range(EG))
            a = acc_span(buf, n1, G, a)
            @pl.when(g + 2 < NG)
            def _():
                start(g + 2, buf, sem)
            return a

        start(0, buf0, sem0)
        start(1, buf1, sem1)

        def pair(t, a):
            a = process(2 * t, buf0, sem0, a)
            a = process(2 * t + 1, buf1, sem1, a)
            return a

        lax.fori_loop(0, NG // 2, pair, (zero,) * EG)
        pltpu.sync_copy(pooled_v, out_hbm.at[pl.ds(row0, b_per_w)])

    return k(x_r, table)


def _mlp_tc(pooled, W1, b1r, W2r, b2r):
    def body(p_ref, w1_ref, b1_ref, w2_ref, b2_ref, o_ref):
        h = jnp.dot(p_ref[:], w1_ref[:], preferred_element_type=jnp.float32)
        h = jnp.maximum(h + b1_ref[:], 0.0)
        o_ref[:] = jnp.sum(h * w2_ref[:], axis=1) + b2_ref[0, 0]

    return pl.pallas_call(
        body,
        out_shape=jax.ShapeDtypeStruct((BATCH,), jnp.float32),
        in_specs=[
            pl.BlockSpec(memory_space=pltpu.VMEM),
            pl.BlockSpec(memory_space=pltpu.VMEM),
            pl.BlockSpec(memory_space=pltpu.VMEM),
            pl.BlockSpec(memory_space=pltpu.VMEM),
            pl.BlockSpec(memory_space=pltpu.SMEM),
        ],
        out_specs=pl.BlockSpec(memory_space=pltpu.VMEM),
    )(pooled, W1, b1r, W2r, b2r)


def kernel(x, table, W1, b1, W2, b2):
    x_r = x.astype(jnp.int32).reshape(BATCH * SEQ // G, G)
    tail_pairs = table[NFULL * G:].reshape(G // 4, G)
    table_c = _format_table_sc(table.T, tail_pairs)
    table_lin = table_c.reshape(VROWS_PAD, EMBED)
    pooled = _pooled_sc(x_r, table_lin)
    b1r = b1.reshape(1, -1)
    W2r = W2.reshape(1, -1)
    b2r = b2.reshape(1, 1)
    return _mlp_tc(pooled, W1, b1r, W2r, b2r)

# --- scband reference (transcript-rebuilt; emitter-appended) ---
"""Pipeline reference for scband-baseline-model-28278064677378 (READ-ONLY COPY).

The authoritative reference and input builder live on the scoring server;
editing this copy changes nothing except your own understanding.
"""

import jax, jax.numpy as jnp
import numpy as np

VOCAB = 1000000
EMBED_DIM = 64
HIDDEN_DIM = 256
BATCH = 4096
SEQ = 200

def setup_inputs(seed: int = 0) -> dict:
    key = jax.random.key(seed)
    k1, k2, k3, k4, k5, k6 = jax.random.split(key, 6)
    x = jax.random.randint(k1, (BATCH, SEQ), 0, VOCAB, dtype=jnp.int64) if jax.config.jax_enable_x64 else jax.random.randint(k1, (BATCH, SEQ), 0, VOCAB).astype(jnp.int32)
    table = jax.random.normal(k2, (VOCAB, EMBED_DIM), dtype=jnp.float32)
    table = table.at[0].set(0.0)  # padding_idx=0 row zeroed like nn.Embedding(padding_idx=0)
    W1 = jax.random.normal(k3, (EMBED_DIM, HIDDEN_DIM), dtype=jnp.float32) * (1.0 / np.sqrt(EMBED_DIM))
    b1 = jax.random.normal(k4, (HIDDEN_DIM,), dtype=jnp.float32) * 0.01
    W2 = jax.random.normal(k5, (HIDDEN_DIM, 1), dtype=jnp.float32) * (1.0 / np.sqrt(HIDDEN_DIM))
    b2 = jax.random.normal(k6, (1,), dtype=jnp.float32) * 0.01
    return {"x": x, "table": table, "W1": W1, "b1": b1, "W2": W2, "b2": b2}

def reference(x, table, W1, b1, W2, b2):
    # embedding lookup (gather)
    embedded = jnp.take(table, x, axis=0)          # [B, S, D]
    # lengths is None -> mean pooling over sequence
    pooled = jnp.mean(embedded, axis=1)            # [B, D]
    # dropout is identity at inference
    h = jax.nn.relu(pooled @ W1 + b1)              # [B, H]
    logits = (h @ W2 + b2).squeeze(-1)             # [B]
    return logits

if __name__ == "__main__":
    import jax
    _d = setup_inputs()
    print(jax.jit(kernel)(*tuple(_d.values())))

</pallas_src>

<mosaic_0001>
#map = affine_map<(d0, d1) -> (0, 0)>
module attributes {stable_mosaic.version = 14 : i64} {
  func.func @k(%arg0: i32, %arg1: i32, %arg2: memref<64x1000000xf32, #tpu.memory_space<hbm>>, %arg3: memref<32x128xf32, #tpu.memory_space<hbm>>, %arg4: memref<500032x128xf32, #tpu.memory_space<hbm>>, %arg5: memref<64x128xf32, #tpu.memory_space<vmem>>, %arg6: memref<64x128xf32, #tpu.memory_space<vmem>>, %arg7: memref<64x128xf32, #tpu.memory_space<vmem>>, %arg8: memref<64x128xf32, #tpu.memory_space<vmem>>, %arg9: memref<!tpu.dma_semaphore, #tpu.memory_space<semaphore_mem>>, %arg10: memref<!tpu.dma_semaphore, #tpu.memory_space<semaphore_mem>>, %arg11: memref<!tpu.dma_semaphore, #tpu.memory_space<semaphore_mem>>, %arg12: memref<!tpu.dma_semaphore, #tpu.memory_space<semaphore_mem>>) attributes {dimension_semantics = [#tpu.dimension_semantics<core_parallel>, #tpu.dimension_semantics<subcore_parallel>], iteration_bounds = array<i64: 2, 16>, scalar_prefetch = 0 : i64, scratch_operands = 8 : i64, tpu.core_type = #tpu.core_type<sc_vector_subcore>, window_params = [{transform_indices = #map}, {transform_indices = #map}, {transform_indices = #map}]} {
    %mul3A = arith.constant 2 : i32
    %mul3A_0 = arith.muli %arg1, %mul3A : i32
    %add3A = arith.addi %mul3A_0, %arg0 : i32
    %iota3A = tpu.iota {dimensions = array<i32: 0>} : vector<16xi32>
    %eq3A = arith.constant 31 : i32
    %eq3A_1 = arith.cmpi eq, %add3A, %eq3A : i32
    %convert_element_type3A = arith.extui %eq3A_1 : i1 to i32
    %cond3A = arith.constant 0 : i32
    %cond3A_2 = arith.cmpi ne, %convert_element_type3A, %cond3A : i32
    scf.if %cond3A_2 {
      "tpu.region"() ({
        %run_scoped3A = tpu.sem_alloc : memref<!tpu.dma_semaphore, #tpu.memory_space<semaphore_mem>>
        %dma_start3A_33 = arith.constant 0 : i32
        %dma_start3A_34 = arith.constant 0 : i32
        %dma_start3A_35 = tpu.memref_slice %arg7[%dma_start3A_33, %dma_start3A_34] : memref<64x128xf32, #tpu.memory_space<vmem>> -> memref<32x128xf32, #tpu.memory_space<vmem>>
        %dma_start3A_36 = arith.constant 0 : i32
        %dma_start3A_37 = arith.constant 0 : i32
        %dma_start3A_38 = tpu.memref_slice %arg7[%dma_start3A_36, %dma_start3A_37] : memref<64x128xf32, #tpu.memory_space<vmem>> -> memref<32x128xf32, #tpu.memory_space<vmem>>
        tpu.enqueue_dma source(%arg3 : memref<32x128xf32, #tpu.memory_space<hbm>>) target(%dma_start3A_38 : memref<32x128xf32, #tpu.memory_space<vmem>>) target_semaphore(%run_scoped3A : memref<!tpu.dma_semaphore, #tpu.memory_space<semaphore_mem>>)
        %dma_wait3A_39 = arith.constant 0 : i32
        %dma_wait3A_40 = arith.constant 0 : i32
        %dma_wait3A_41 = tpu.memref_slice %arg7[%dma_wait3A_39, %dma_wait3A_40] : memref<64x128xf32, #tpu.memory_space<vmem>> -> memref<32x128xf32, #tpu.memory_space<vmem>>
        %dma_wait3A_42 = arith.constant 0 : i32
        %dma_wait3A_43 = arith.constant 0 : i32
        %dma_wait3A_44 = tpu.memref_slice %arg7[%dma_wait3A_42, %dma_wait3A_43] : memref<64x128xf32, #tpu.memory_space<vmem>> -> memref<32x128xf32, #tpu.memory_space<vmem>>
        tpu.wait_dma2 semaphore(%run_scoped3A : memref<!tpu.dma_semaphore, #tpu.memory_space<semaphore_mem>>) src(%arg3 : memref<32x128xf32, #tpu.memory_space<hbm>>) dst(%dma_wait3A_44 : memref<32x128xf32, #tpu.memory_space<vmem>>)
        tpu.yield
      }) : () -> ()
      "tpu.region"() ({
        %run_scoped3A = tpu.sem_alloc : memref<!tpu.dma_semaphore, #tpu.memory_space<semaphore_mem>>
        %dma_start3A_33 = arith.constant 0 : i32
        %dma_start3A_34 = arith.constant 0 : i32
        %dma_start3A_35 = tpu.memref_slice %arg7[%dma_start3A_33, %dma_start3A_34] : memref<64x128xf32, #tpu.memory_space<vmem>> -> memref<32x128xf32, #tpu.memory_space<vmem>>
        %dma_start3A_36 = arith.constant 499968 : i32
        %dma_start3A_37 = arith.constant 0 : i32
        %dma_start3A_38 = tpu.memref_slice %arg4[%dma_start3A_36, %dma_start3A_37] : memref<500032x128xf32, #tpu.memory_space<hbm>> -> memref<32x128xf32, #tpu.memory_space<hbm>>
        %dma_start3A_39 = arith.constant 499968 : i32
        %dma_start3A_40 = arith.constant 0 : i32
        %dma_start3A_41 = tpu.memref_slice %arg4[%dma_start3A_39, %dma_start3A_40] : memref<500032x128xf32, #tpu.memory_space<hbm>> -> memref<32x128xf32, #tpu.memory_space<hbm>>
        %dma_start3A_42 = arith.constant 0 : i32
        %dma_start3A_43 = arith.constant 0 : i32
        %dma_start3A_44 = tpu.memref_slice %arg7[%dma_start3A_42, %dma_start3A_43] : memref<64x128xf32, #tpu.memory_space<vmem>> -> memref<32x128xf32, #tpu.memory_space<vmem>>
        tpu.enqueue_dma source(%dma_start3A_44 : memref<32x128xf32, #tpu.memory_space<vmem>>) target(%dma_start3A_41 : memref<32x128xf32, #tpu.memory_space<hbm>>) target_semaphore(%run_scoped3A : memref<!tpu.dma_semaphore, #tpu.memory_space<semaphore_mem>>)
        %dma_wait3A_45 = arith.constant 0 : i32
        %dma_wait3A_46 = arith.constant 0 : i32
        %dma_wait3A_47 = tpu.memref_slice %arg7[%dma_wait3A_45, %dma_wait3A_46] : memref<64x128xf32, #tpu.memory_space<vmem>> -> memref<32x128xf32, #tpu.memory_space<vmem>>
        %dma_wait3A_48 = arith.constant 499968 : i32
        %dma_wait3A_49 = arith.constant 0 : i32
        %dma_wait3A_50 = tpu.memref_slice %arg4[%dma_wait3A_48, %dma_wait3A_49] : memref<500032x128xf32, #tpu.memory_space<hbm>> -> memref<32x128xf32, #tpu.memory_space<hbm>>
        %dma_wait3A_51 = arith.constant 499968 : i32
        %dma_wait3A_52 = arith.constant 0 : i32
        %dma_wait3A_53 = tpu.memref_slice %arg4[%dma_wait3A_51, %dma_wait3A_52] : memref<500032x128xf32, #tpu.memory_space<hbm>> -> memref<32x128xf32, #tpu.memory_space<hbm>>
        %dma_wait3A_54 = arith.constant 0 : i32
        %dma_wait3A_55 = arith.constant 0 : i32
        %dma_wait3A_56 = tpu.memref_slice %arg7[%dma_wait3A_54, %dma_wait3A_55] : memref<64x128xf32, #tpu.memory_space<vmem>> -> memref<32x128xf32, #tpu.memory_space<vmem>>
        tpu.wait_dma2 semaphore(%run_scoped3A : memref<!tpu.dma_semaphore, #tpu.memory_space<semaphore_mem>>) src(%dma_wait3A_56 : memref<32x128xf32, #tpu.memory_space<vmem>>) dst(%dma_wait3A_53 : memref<32x128xf32, #tpu.memory_space<hbm>>)
        tpu.yield
      }) : () -> ()
    } else {
    }
    %mul3A_3 = arith.constant 128 : i32
    %mul3A_4 = arith.muli %add3A, %mul3A_3 : i32
    %multiple_of3A = tpu.assume_multiple %mul3A_4, 128 : i32
    %dma_start3A = arith.constant 0 : i32
    %dma_start3A_5 = tpu.memref_slice %arg2[%dma_start3A, %multiple_of3A] : memref<64x1000000xf32, #tpu.memory_space<hbm>> -> memref<64x128xf32, #tpu.memory_space<hbm>>
    %dma_start3A_6 = arith.constant 0 : i32
    %dma_start3A_7 = tpu.memref_slice %arg2[%dma_start3A_6, %multiple_of3A] : memref<64x1000000xf32, #tpu.memory_space<hbm>> -> memref<64x128xf32, #tpu.memory_space<hbm>>
    tpu.enqueue_dma source(%dma_start3A_7 : memref<64x128xf32, #tpu.memory_space<hbm>>) target(%arg5 : memref<64x128xf32, #tpu.memory_space<vmem>>) target_semaphore(%arg9 : memref<!tpu.dma_semaphore, #tpu.memory_space<semaphore_mem>>)
    %add3A_8 = arith.constant 32 : i32
    %add3A_9 = arith.addi %add3A, %add3A_8 : i32
    %mul3A_10 = arith.constant 128 : i32
    %mul3A_11 = arith.muli %add3A_9, %mul3A_10 : i32
    %multiple_of3A_12 = tpu.assume_multiple %mul3A_11, 128 : i32
    %dma_start3A_13 = arith.constant 0 : i32
    %dma_start3A_14 = tpu.memref_slice %arg2[%dma_start3A_13, %multiple_of3A_12] : memref<64x1000000xf32, #tpu.memory_space<hbm>> -> memref<64x128xf32, #tpu.memory_space<hbm>>
    %dma_start3A_15 = arith.constant 0 : i32
    %dma_start3A_16 = tpu.memref_slice %arg2[%dma_start3A_15, %multiple_of3A_12] : memref<64x1000000xf32, #tpu.memory_space<hbm>> -> memref<64x128xf32, #tpu.memory_space<hbm>>
    tpu.enqueue_dma source(%dma_start3A_16 : memref<64x128xf32, #tpu.memory_space<hbm>>) target(%arg6 : memref<64x128xf32, #tpu.memory_space<vmem>>) target_semaphore(%arg10 : memref<!tpu.dma_semaphore, #tpu.memory_space<semaphore_mem>>)
    %scan3A = arith.constant 0 : i32
    %scan3A_17 = arith.constant 0 : i32
    %scan3A_18 = arith.constant 123 : i32
    %scan3A_19 = arith.addi %scan3A_17, %scan3A_18 : i32
    %scan3A_20 = arith.constant 1 : i32
    scf.for %scan3A_33 = %scan3A_17 to %scan3A_19 step %scan3A_20  : i32 {
      %mul3A_34 = arith.constant 64 : i32
      %mul3A_35 = arith.muli %mul3A_34, %scan3A_33 : i32
      %add3A_36 = arith.addi %add3A, %mul3A_35 : i32
      %add3A_37 = arith.constant 32 : i32
      %add3A_38 = arith.addi %add3A_36, %add3A_37 : i32
      %lt3A = arith.constant 7812 : i32
      %lt3A_39 = arith.cmpi slt, %add3A_36, %lt3A : i32
      %convert_element_type3A_40 = arith.extui %lt3A_39 : i1 to i32
      %cond3A_41 = arith.constant 0 : i32
      %cond3A_42 = arith.cmpi ne, %convert_element_type3A_40, %cond3A_41 : i32
      scf.if %cond3A_42 {
        %gt3A = arith.constant 0 : i32
        %gt3A_48 = arith.cmpi sgt, %scan3A_33, %gt3A : i32
        %dma_wait3A_49 = arith.constant 0 : i32
        %dma_wait3A_50 = arith.constant 0 : i32
        %dma_wait3A_51 = tpu.memref_slice %arg2[%dma_wait3A_49, %dma_wait3A_50] : memref<64x1000000xf32, #tpu.memory_space<hbm>> -> memref<64x128xf32, #tpu.memory_space<hbm>>
        %dma_wait3A_52 = arith.constant 0 : i32
        %dma_wait3A_53 = arith.constant 0 : i32
        %dma_wait3A_54 = tpu.memref_slice %arg2[%dma_wait3A_52, %dma_wait3A_53] : memref<64x1000000xf32, #tpu.memory_space<hbm>> -> memref<64x128xf32, #tpu.memory_space<hbm>>
        tpu.wait_dma2 semaphore(%arg9 : memref<!tpu.dma_semaphore, #tpu.memory_space<semaphore_mem>>) src(%dma_wait3A_54 : memref<64x128xf32, #tpu.memory_space<hbm>>) dst(%arg5 : memref<64x128xf32, #tpu.memory_space<vmem>>)
        %convert_element_type3A_55 = arith.extui %gt3A_48 : i1 to i32
        %cond3A_56 = arith.constant 0 : i32
        %cond3A_57 = arith.cmpi ne, %convert_element_type3A_55, %cond3A_56 : i32
        scf.if %cond3A_57 {
          %dma_wait3A_78 = arith.constant 0 : i32
          %dma_wait3A_79 = arith.constant 0 : i32
          %dma_wait3A_80 = tpu.memref_slice %arg4[%dma_wait3A_78, %dma_wait3A_79] : memref<500032x128xf32, #tpu.memory_space<hbm>> -> memref<64x128xf32, #tpu.memory_space<hbm>>
          %dma_wait3A_81 = arith.constant 0 : i32
          %dma_wait3A_82 = arith.constant 0 : i32
          %dma_wait3A_83 = tpu.memref_slice %arg4[%dma_wait3A_81, %dma_wait3A_82] : memref<500032x128xf32, #tpu.memory_space<hbm>> -> memref<64x128xf32, #tpu.memory_space<hbm>>
          tpu.wait_dma2 semaphore(%arg11 : memref<!tpu.dma_semaphore, #tpu.memory_space<semaphore_mem>>) src(%arg7 : memref<64x128xf32, #tpu.memory_space<vmem>>) dst(%dma_wait3A_83 : memref<64x128xf32, #tpu.memory_space<hbm>>)
        } else {
        }
        %scan3A_58 = arith.constant 0 : i32
        %scan3A_59 = arith.constant 0 : i32
        %scan3A_60 = arith.constant 8 : i32
        %scan3A_61 = arith.addi %scan3A_59, %scan3A_60 : i32
        %scan3A_62 = arith.constant 1 : i32
        scf.for %scan3A_78 = %scan3A_59 to %scan3A_61 step %scan3A_62  : i32 {
          %mul3A_79 = arith.constant 2 : i32
          %mul3A_80 = arith.muli %mul3A_79, %scan3A_78 : i32
          %add3A_81 = vector.broadcast %mul3A_80 : i32 to vector<16xi32>
          %add3A_82 = arith.addi %iota3A, %add3A_81 : vector<16xi32>
          %and3A = arith.constant 15 : i32
          %and3A_83 = vector.broadcast %and3A : i32 to vector<16xi32>
          %and3A_84 = arith.andi %add3A_82, %and3A_83 : vector<16xi32>
          %add3A_85 = arith.constant 0 : i32
          %add3A_86 = vector.broadcast %add3A_85 : i32 to vector<16xi32>
          %add3A_87 = arith.addi %and3A_84, %add3A_86 : vector<16xi32>
          %add3A_88 = arith.constant 16 : i32
          %add3A_89 = vector.broadcast %add3A_88 : i32 to vector<16xi32>
          %add3A_90 = arith.addi %and3A_84, %add3A_89 : vector<16xi32>
          %add3A_91 = arith.constant 32 : i32
          %add3A_92 = vector.broadcast %add3A_91 : i32 to vector<16xi32>
          %add3A_93 = arith.addi %and3A_84, %add3A_92 : vector<16xi32>
          %add3A_94 = arith.constant 48 : i32
          %add3A_95 = vector.broadcast %add3A_94 : i32 to vector<16xi32>
          %add3A_96 = arith.addi %and3A_84, %add3A_95 : vector<16xi32>
          %add3A_97 = arith.constant 64 : i32
          %add3A_98 = vector.broadcast %add3A_97 : i32 to vector<16xi32>
          %add3A_99 = arith.addi %and3A_84, %add3A_98 : vector<16xi32>
          %add3A_100 = arith.constant 80 : i32
          %add3A_101 = vector.broadcast %add3A_100 : i32 to vector<16xi32>
          %add3A_102 = arith.addi %and3A_84, %add3A_101 : vector<16xi32>
          %add3A_103 = arith.constant 96 : i32
          %add3A_104 = vector.broadcast %add3A_103 : i32 to vector<16xi32>
          %add3A_105 = arith.addi %and3A_84, %add3A_104 : vector<16xi32>
          %add3A_106 = arith.constant 112 : i32
          %add3A_107 = vector.broadcast %add3A_106 : i32 to vector<16xi32>
          %add3A_108 = arith.addi %and3A_84, %add3A_107 : vector<16xi32>
          %shift_right_arithmetic3A = arith.constant 1 : i32
          %shift_right_arithmetic3A_109 = vector.broadcast %shift_right_arithmetic3A : i32 to vector<16xi32>
          %shift_right_arithmetic3A_110 = arith.shrsi %add3A_87, %shift_right_arithmetic3A_109 : vector<16xi32>
          %shift_right_arithmetic3A_111 = arith.constant 1 : i32
          %shift_right_arithmetic3A_112 = vector.broadcast %shift_right_arithmetic3A_111 : i32 to vector<16xi32>
          %shift_right_arithmetic3A_113 = arith.shrsi %add3A_90, %shift_right_arithmetic3A_112 : vector<16xi32>
          %shift_right_arithmetic3A_114 = arith.constant 1 : i32
          %shift_right_arithmetic3A_115 = vector.broadcast %shift_right_arithmetic3A_114 : i32 to vector<16xi32>
          %shift_right_arithmetic3A_116 = arith.shrsi %add3A_93, %shift_right_arithmetic3A_115 : vector<16xi32>
          %shift_right_arithmetic3A_117 = arith.constant 1 : i32
          %shift_right_arithmetic3A_118 = vector.broadcast %shift_right_arithmetic3A_117 : i32 to vector<16xi32>
          %shift_right_arithmetic3A_119 = arith.shrsi %add3A_96, %shift_right_arithmetic3A_118 : vector<16xi32>
          %shift_right_arithmetic3A_120 = arith.constant 1 : i32
          %shift_right_arithmetic3A_121 = vector.broadcast %shift_right_arithmetic3A_120 : i32 to vector<16xi32>
          %shift_right_arithmetic3A_122 = arith.shrsi %add3A_99, %shift_right_arithmetic3A_121 : vector<16xi32>
          %shift_right_arithmetic3A_123 = arith.constant 1 : i32
          %shift_right_arithmetic3A_124 = vector.broadcast %shift_right_arithmetic3A_123 : i32 to vector<16xi32>
          %shift_right_arithmetic3A_125 = arith.shrsi %add3A_102, %shift_right_arithmetic3A_124 : vector<16xi32>
          %shift_right_arithmetic3A_126 = arith.constant 1 : i32
          %shift_right_arithmetic3A_127 = vector.broadcast %shift_right_arithmetic3A_126 : i32 to vector<16xi32>
          %shift_right_arithmetic3A_128 = arith.shrsi %add3A_105, %shift_right_arithmetic3A_127 : vector<16xi32>
          %shift_right_arithmetic3A_129 = arith.constant 1 : i32
          %shift_right_arithmetic3A_130 = vector.broadcast %shift_right_arithmetic3A_129 : i32 to vector<16xi32>
          %shift_right_arithmetic3A_131 = arith.shrsi %add3A_108, %shift_right_arithmetic3A_130 : vector<16xi32>
          %and3A_132 = arith.constant 1 : i32
          %and3A_133 = vector.broadcast %and3A_132 : i32 to vector<16xi32>
          %and3A_134 = arith.andi %add3A_87, %and3A_133 : vector<16xi32>
          %mul3A_135 = arith.constant 64 : i32
          %mul3A_136 = vector.broadcast %mul3A_135 : i32 to vector<16xi32>
          %mul3A_137 = arith.muli %and3A_134, %mul3A_136 : vector<16xi32>
          %and3A_138 = arith.constant 1 : i32
          %and3A_139 = vector.broadcast %and3A_138 : i32 to vector<16xi32>
          %and3A_140 = arith.andi %add3A_90, %and3A_139 : vector<16xi32>
          %mul3A_141 = arith.constant 64 : i32
          %mul3A_142 = vector.broadcast %mul3A_141 : i32 to vector<16xi32>
          %mul3A_143 = arith.muli %and3A_140, %mul3A_142 : vector<16xi32>
          %and3A_144 = arith.constant 1 : i32
          %and3A_145 = vector.broadcast %and3A_144 : i32 to vector<16xi32>
          %and3A_146 = arith.andi %add3A_93, %and3A_145 : vector<16xi32>
          %mul3A_147 = arith.constant 64 : i32
          %mul3A_148 = vector.broadcast %mul3A_147 : i32 to vector<16xi32>
          %mul3A_149 = arith.muli %and3A_146, %mul3A_148 : vector<16xi32>
          %and3A_150 = arith.constant 1 : i32
          %and3A_151 = vector.broadcast %and3A_150 : i32 to vector<16xi32>
          %and3A_152 = arith.andi %add3A_96, %and3A_151 : vector<16xi32>
          %mul3A_153 = arith.constant 64 : i32
          %mul3A_154 = vector.broadcast %mul3A_153 : i32 to vector<16xi32>
          %mul3A_155 = arith.muli %and3A_152, %mul3A_154 : vector<16xi32>
          %and3A_156 = arith.constant 1 : i32
          %and3A_157 = vector.broadcast %and3A_156 : i32 to vector<16xi32>
          %and3A_158 = arith.andi %add3A_99, %and3A_157 : vector<16xi32>
          %mul3A_159 = arith.constant 64 : i32
          %mul3A_160 = vector.broadcast %mul3A_159 : i32 to vector<16xi32>
          %mul3A_161 = arith.muli %and3A_158, %mul3A_160 : vector<16xi32>
          %and3A_162 = arith.constant 1 : i32
          %and3A_163 = vector.broadcast %and3A_162 : i32 to vector<16xi32>
          %and3A_164 = arith.andi %add3A_102, %and3A_163 : vector<16xi32>
          %mul3A_165 = arith.constant 64 : i32
          %mul3A_166 = vector.broadcast %mul3A_165 : i32 to vector<16xi32>
          %mul3A_167 = arith.muli %and3A_164, %mul3A_166 : vector<16xi32>
          %and3A_168 = arith.constant 1 : i32
          %and3A_169 = vector.broadcast %and3A_168 : i32 to vector<16xi32>
          %and3A_170 = arith.andi %add3A_105, %and3A_169 : vector<16xi32>
          %mul3A_171 = arith.constant 64 : i32
          %mul3A_172 = vector.broadcast %mul3A_171 : i32 to vector<16xi32>
          %mul3A_173 = arith.muli %and3A_170, %mul3A_172 : vector<16xi32>
          %and3A_174 = arith.constant 1 : i32
          %and3A_175 = vector.broadcast %and3A_174 : i32 to vector<16xi32>
          %and3A_176 = arith.andi %add3A_108, %and3A_175 : vector<16xi32>
          %mul3A_177 = arith.constant 64 : i32
          %mul3A_178 = vector.broadcast %mul3A_177 : i32 to vector<16xi32>
          %mul3A_179 = arith.muli %and3A_176, %mul3A_178 : vector<16xi32>
          %add3A_180 = arith.constant 0 : i32
          %add3A_181 = vector.broadcast %add3A_180 : i32 to vector<16xi32>
          %add3A_182 = arith.addi %iota3A, %add3A_181 : vector<16xi32>
          %gather3A = tpu.vector_load_idx %arg5[%add3A_182, %add3A_87] : memref<64x128xf32, #tpu.memory_space<vmem>>[vector<16xi32>, vector<16xi32>], vector<16xf32>,
          %add3A_183 = arith.addi %mul3A_137, %add3A_182 : vector<16xi32>
          tpu.vector_store_idx %arg7[%shift_right_arithmetic3A_110, %add3A_183], %gather3A : memref<64x128xf32, #tpu.memory_space<vmem>>[vector<16xi32>, vector<16xi32>], vector<16xf32>,
          %gather3A_184 = tpu.vector_load_idx %arg5[%add3A_182, %add3A_90] : memref<64x128xf32, #tpu.memory_space<vmem>>[vector<16xi32>, vector<16xi32>], vector<16xf32>,
          %add3A_185 = arith.addi %mul3A_143, %add3A_182 : vector<16xi32>
          tpu.vector_store_idx %arg7[%shift_right_arithmetic3A_113, %add3A_185], %gather3A_184 : memref<64x128xf32, #tpu.memory_space<vmem>>[vector<16xi32>, vector<16xi32>], vector<16xf32>,
          %gather3A_186 = tpu.vector_load_idx %arg5[%add3A_182, %add3A_93] : memref<64x128xf32, #tpu.memory_space<vmem>>[vector<16xi32>, vector<16xi32>], vector<16xf32>,
          %add3A_187 = arith.addi %mul3A_149, %add3A_182 : vector<16xi32>
          tpu.vector_store_idx %arg7[%shift_right_arithmetic3A_116, %add3A_187], %gather3A_186 : memref<64x128xf32, #tpu.memory_space<vmem>>[vector<16xi32>, vector<16xi32>], vector<16xf32>,
          %gather3A_188 = tpu.vector_load_idx %arg5[%add3A_182, %add3A_96] : memref<64x128xf32, #tpu.memory_space<vmem>>[vector<16xi32>, vector<16xi32>], vector<16xf32>,
          %add3A_189 = arith.addi %mul3A_155, %add3A_182 : vector<16xi32>
          tpu.vector_store_idx %arg7[%shift_right_arithmetic3A_119, %add3A_189], %gather3A_188 : memref<64x128xf32, #tpu.memory_space<vmem>>[vector<16xi32>, vector<16xi32>], vector<16xf32>,
          %gather3A_190 = tpu.vector_load_idx %arg5[%add3A_182, %add3A_99] : memref<64x128xf32, #tpu.memory_space<vmem>>[vector<16xi32>, vector<16xi32>], vector<16xf32>,
          %add3A_191 = arith.addi %mul3A_161, %add3A_182 : vector<16xi32>
          tpu.vector_store_idx %arg7[%shift_right_arithmetic3A_122, %add3A_191], %gather3A_190 : memref<64x128xf32, #tpu.memory_space<vmem>>[vector<16xi32>, vector<16xi32>], vector<16xf32>,
          %gather3A_192 = tpu.vector_load_idx %arg5[%add3A_182, %add3A_102] : memref<64x128xf32, #tpu.memory_space<vmem>>[vector<16xi32>, vector<16xi32>], vector<16xf32>,
          %add3A_193 = arith.addi %mul3A_167, %add3A_182 : vector<16xi32>
          tpu.vector_store_idx %arg7[%shift_right_arithmetic3A_125, %add3A_193], %gather3A_192 : memref<64x128xf32, #tpu.memory_space<vmem>>[vector<16xi32>, vector<16xi32>], vector<16xf32>,
          %gather3A_194 = tpu.vector_load_idx %arg5[%add3A_182, %add3A_105] : memref<64x128xf32, #tpu.memory_space<vmem>>[vector<16xi32>, vector<16xi32>], vector<16xf32>,
          %add3A_195 = arith.addi %mul3A_173, %add3A_182 : vector<16xi32>
          tpu.vector_store_idx %arg7[%shift_right_arithmetic3A_128, %add3A_195], %gather3A_194 : memref<64x128xf32, #tpu.memory_space<vmem>>[vector<16xi32>, vector<16xi32>], vector<16xf32>,
          %gather3A_196 = tpu.vector_load_idx %arg5[%add3A_182, %add3A_108] : memref<64x128xf32, #tpu.memory_space<vmem>>[vector<16xi32>, vector<16xi32>], vector<16xf32>,
          %add3A_197 = arith.addi %mul3A_179, %add3A_182 : vector<16xi32>
          tpu.vector_store_idx %arg7[%shift_right_arithmetic3A_131, %add3A_197], %gather3A_196 : memref<64x128xf32, #tpu.memory_space<vmem>>[vector<16xi32>, vector<16xi32>], vector<16xf32>,
          %add3A_198 = arith.constant 16 : i32
          %add3A_199 = vector.broadcast %add3A_198 : i32 to vector<16xi32>
          %add3A_200 = arith.addi %iota3A, %add3A_199 : vector<16xi32>
          %gather3A_201 = tpu.vector_load_idx %arg5[%add3A_200, %add3A_87] : memref<64x128xf32, #tpu.memory_space<vmem>>[vector<16xi32>, vector<16xi32>], vector<16xf32>,
          %add3A_202 = arith.addi %mul3A_137, %add3A_200 : vector<16xi32>
          tpu.vector_store_idx %arg7[%shift_right_arithmetic3A_110, %add3A_202], %gather3A_201 : memref<64x128xf32, #tpu.memory_space<vmem>>[vector<16xi32>, vector<16xi32>], vector<16xf32>,
          %gather3A_203 = tpu.vector_load_idx %arg5[%add3A_200, %add3A_90] : memref<64x128xf32, #tpu.memory_space<vmem>>[vector<16xi32>, vector<16xi32>], vector<16xf32>,
          %add3A_204 = arith.addi %mul3A_143, %add3A_200 : vector<16xi32>
          tpu.vector_store_idx %arg7[%shift_right_arithmetic3A_113, %add3A_204], %gather3A_203 : memref<64x128xf32, #tpu.memory_space<vmem>>[vector<16xi32>, vector<16xi32>], vector<16xf32>,
          %gather3A_205 = tpu.vector_load_idx %arg5[%add3A_200, %add3A_93] : memref<64x128xf32, #tpu.memory_space<vmem>>[vector<16xi32>, vector<16xi32>], vector<16xf32>,
          %add3A_206 = arith.addi %mul3A_149, %add3A_200 : vector<16xi32>
          tpu.vector_store_idx %arg7[%shift_right_arithmetic3A_116, %add3A_206], %gather3A_205 : memref<64x128xf32, #tpu.memory_space<vmem>>[vector<16xi32>, vector<16xi32>], vector<16xf32>,
          %gather3A_207 = tpu.vector_load_idx %arg5[%add3A_200, %add3A_96] : memref<64x128xf32, #tpu.memory_space<vmem>>[vector<16xi32>, vector<16xi32>], vector<16xf32>,
          %add3A_208 = arith.addi %mul3A_155, %add3A_200 : vector<16xi32>
          tpu.vector_store_idx %arg7[%shift_right_arithmetic3A_119, %add3A_208], %gather3A_207 : memref<64x128xf32, #tpu.memory_space<vmem>>[vector<16xi32>, vector<16xi32>], vector<16xf32>,
          %gather3A_209 = tpu.vector_load_idx %arg5[%add3A_200, %add3A_99] : memref<64x128xf32, #tpu.memory_space<vmem>>[vector<16xi32>, vector<16xi32>], vector<16xf32>,
          %add3A_210 = arith.addi %mul3A_161, %add3A_200 : vector<16xi32>
          tpu.vector_store_idx %arg7[%shift_right_arithmetic3A_122, %add3A_210], %gather3A_209 : memref<64x128xf32, #tpu.memory_space<vmem>>[vector<16xi32>, vector<16xi32>], vector<16xf32>,
          %gather3A_211 = tpu.vector_load_idx %arg5[%add3A_200, %add3A_102] : memref<64x128xf32, #tpu.memory_space<vmem>>[vector<16xi32>, vector<16xi32>], vector<16xf32>,
          %add3A_212 = arith.addi %mul3A_167, %add3A_200 : vector<16xi32>
          tpu.vector_store_idx %arg7[%shift_right_arithmetic3A_125, %add3A_212], %gather3A_211 : memref<64x128xf32, #tpu.memory_space<vmem>>[vector<16xi32>, vector<16xi32>], vector<16xf32>,
          %gather3A_213 = tpu.vector_load_idx %arg5[%add3A_200, %add3A_105] : memref<64x128xf32, #tpu.memory_space<vmem>>[vector<16xi32>, vector<16xi32>], vector<16xf32>,
          %add3A_214 = arith.addi %mul3A_173, %add3A_200 : vector<16xi32>
          tpu.vector_store_idx %arg7[%shift_right_arithmetic3A_128, %add3A_214], %gather3A_213 : memref<64x128xf32, #tpu.memory_space<vmem>>[vector<16xi32>, vector<16xi32>], vector<16xf32>,
          %gather3A_215 = tpu.vector_load_idx %arg5[%add3A_200, %add3A_108] : memref<64x128xf32, #tpu.memory_space<vmem>>[vector<16xi32>, vector<16xi32>], vector<16xf32>,
          %add3A_216 = arith.addi %mul3A_179, %add3A_200 : vector<16xi32>
          tpu.vector_store_idx %arg7[%shift_right_arithmetic3A_131, %add3A_216], %gather3A_215 : memref<64x128xf32, #tpu.memory_space<vmem>>[vector<16xi32>, vector<16xi32>], vector<16xf32>,
          %add3A_217 = arith.constant 32 : i32
          %add3A_218 = vector.broadcast %add3A_217 : i32 to vector<16xi32>
          %add3A_219 = arith.addi %iota3A, %add3A_218 : vector<16xi32>
          %gather3A_220 = tpu.vector_load_idx %arg5[%add3A_219, %add3A_87] : memref<64x128xf32, #tpu.memory_space<vmem>>[vector<16xi32>, vector<16xi32>], vector<16xf32>,
          %add3A_221 = arith.addi %mul3A_137, %add3A_219 : vector<16xi32>
          tpu.vector_store_idx %arg7[%shift_right_arithmetic3A_110, %add3A_221], %gather3A_220 : memref<64x128xf32, #tpu.memory_space<vmem>>[vector<16xi32>, vector<16xi32>], vector<16xf32>,
          %gather3A_222 = tpu.vector_load_idx %arg5[%add3A_219, %add3A_90] : memref<64x128xf32, #tpu.memory_space<vmem>>[vector<16xi32>, vector<16xi32>], vector<16xf32>,
          %add3A_223 = arith.addi %mul3A_143, %add3A_219 : vector<16xi32>
          tpu.vector_store_idx %arg7[%shift_right_arithmetic3A_113, %add3A_223], %gather3A_222 : memref<64x128xf32, #tpu.memory_space<vmem>>[vector<16xi32>, vector<16xi32>], vector<16xf32>,
          %gather3A_224 = tpu.vector_load_idx %arg5[%add3A_219, %add3A_93] : memref<64x128xf32, #tpu.memory_space<vmem>>[vector<16xi32>, vector<16xi32>], vector<16xf32>,
          %add3A_225 = arith.addi %mul3A_149, %add3A_219 : vector<16xi32>
          tpu.vector_store_idx %arg7[%shift_right_arithmetic3A_116, %add3A_225], %gather3A_224 : memref<64x128xf32, #tpu.memory_space<vmem>>[vector<16xi32>, vector<16xi32>], vector<16xf32>,
          %gather3A_226 = tpu.vector_load_idx %arg5[%add3A_219, %add3A_96] : memref<64x128xf32, #tpu.memory_space<vmem>>[vector<16xi32>, vector<16xi32>], vector<16xf32>,
          %add3A_227 = arith.addi %mul3A_155, %add3A_219 : vector<16xi32>
          tpu.vector_store_idx %arg7[%shift_right_arithmetic3A_119, %add3A_227], %gather3A_226 : memref<64x128xf32, #tpu.memory_space<vmem>>[vector<16xi32>, vector<16xi32>], vector<16xf32>,
          %gather3A_228 = tpu.vector_load_idx %arg5[%add3A_219, %add3A_99] : memref<64x128xf32, #tpu.memory_space<vmem>>[vector<16xi32>, vector<16xi32>], vector<16xf32>,
          %add3A_229 = arith.addi %mul3A_161, %add3A_219 : vector<16xi32>
          tpu.vector_store_idx %arg7[%shift_right_arithmetic3A_122, %add3A_229], %gather3A_228 : memref<64x128xf32, #tpu.memory_space<vmem>>[vector<16xi32>, vector<16xi32>], vector<16xf32>,
          %gather3A_230 = tpu.vector_load_idx %arg5[%add3A_219, %add3A_102] : memref<64x128xf32, #tpu.memory_space<vmem>>[vector<16xi32>, vector<16xi32>], vector<16xf32>,
          %add3A_231 = arith.addi %mul3A_167, %add3A_219 : vector<16xi32>
          tpu.vector_store_idx %arg7[%shift_right_arithmetic3A_125, %add3A_231], %gather3A_230 : memref<64x128xf32, #tpu.memory_space<vmem>>[vector<16xi32>, vector<16xi32>], vector<16xf32>,
          %gather3A_232 = tpu.vector_load_idx %arg5[%add3A_219, %add3A_105] : memref<64x128xf32, #tpu.memory_space<vmem>>[vector<16xi32>, vector<16xi32>], vector<16xf32>,
          %add3A_233 = arith.addi %mul3A_173, %add3A_219 : vector<16xi32>
          tpu.vector_store_idx %arg7[%shift_right_arithmetic3A_128, %add3A_233], %gather3A_232 : memref<64x128xf32, #tpu.memory_space<vmem>>[vector<16xi32>, vector<16xi32>], vector<16xf32>,
          %gather3A_234 = tpu.vector_load_idx %arg5[%add3A_219, %add3A_108] : memref<64x128xf32, #tpu.memory_space<vmem>>[vector<16xi32>, vector<16xi32>], vector<16xf32>,
          %add3A_235 = arith.addi %mul3A_179, %add3A_219 : vector<16xi32>
          tpu.vector_store_idx %arg7[%shift_right_arithmetic3A_131, %add3A_235], %gather3A_234 : memref<64x128xf32, #tpu.memory_space<vmem>>[vector<16xi32>, vector<16xi32>], vector<16xf32>,
          %add3A_236 = arith.constant 48 : i32
          %add3A_237 = vector.broadcast %add3A_236 : i32 to vector<16xi32>
          %add3A_238 = arith.addi %iota3A, %add3A_237 : vector<16xi32>
          %gather3A_239 = tpu.vector_load_idx %arg5[%add3A_238, %add3A_87] : memref<64x128xf32, #tpu.memory_space<vmem>>[vector<16xi32>, vector<16xi32>], vector<16xf32>,
          %add3A_240 = arith.addi %mul3A_137, %add3A_238 : vector<16xi32>
          tpu.vector_store_idx %arg7[%shift_right_arithmetic3A_110, %add3A_240], %gather3A_239 : memref<64x128xf32, #tpu.memory_space<vmem>>[vector<16xi32>, vector<16xi32>], vector<16xf32>,
          %gather3A_241 = tpu.vector_load_idx %arg5[%add3A_238, %add3A_90] : memref<64x128xf32, #tpu.memory_space<vmem>>[vector<16xi32>, vector<16xi32>], vector<16xf32>,
          %add3A_242 = arith.addi %mul3A_143, %add3A_238 : vector<16xi32>
          tpu.vector_store_idx %arg7[%shift_right_arithmetic3A_113, %add3A_242], %gather3A_241 : memref<64x128xf32, #tpu.memory_space<vmem>>[vector<16xi32>, vector<16xi32>], vector<16xf32>,
          %gather3A_243 = tpu.vector_load_idx %arg5[%add3A_238, %add3A_93] : memref<64x128xf32, #tpu.memory_space<vmem>>[vector<16xi32>, vector<16xi32>], vector<16xf32>,
          %add3A_244 = arith.addi %mul3A_149, %add3A_238 : vector<16xi32>
          tpu.vector_store_idx %arg7[%shift_right_arithmetic3A_116, %add3A_244], %gather3A_243 : memref<64x128xf32, #tpu.memory_space<vmem>>[vector<16xi32>, vector<16xi32>], vector<16xf32>,
          %gather3A_245 = tpu.vector_load_idx %arg5[%add3A_238, %add3A_96] : memref<64x128xf32, #tpu.memory_space<vmem>>[vector<16xi32>, vector<16xi32>], vector<16xf32>,
          %add3A_246 = arith.addi %mul3A_155, %add3A_238 : vector<16xi32>
          tpu.vector_store_idx %arg7[%shift_right_arithmetic3A_119, %add3A_246], %gather3A_245 : memref<64x128xf32, #tpu.memory_space<vmem>>[vector<16xi32>, vector<16xi32>], vector<16xf32>,
          %gather3A_247 = tpu.vector_load_idx %arg5[%add3A_238, %add3A_99] : memref<64x128xf32, #tpu.memory_space<vmem>>[vector<16xi32>, vector<16xi32>], vector<16xf32>,
          %add3A_248 = arith.addi %mul3A_161, %add3A_238 : vector<16xi32>
          tpu.vector_store_idx %arg7[%shift_right_arithmetic3A_122, %add3A_248], %gather3A_247 : memref<64x128xf32, #tpu.memory_space<vmem>>[vector<16xi32>, vector<16xi32>], vector<16xf32>,
          %gather3A_249 = tpu.vector_load_idx %arg5[%add3A_238, %add3A_102] : memref<64x128xf32, #tpu.memory_space<vmem>>[vector<16xi32>, vector<16xi32>], vector<16xf32>,
          %add3A_250 = arith.addi %mul3A_167, %add3A_238 : vector<16xi32>
          tpu.vector_store_idx %arg7[%shift_right_arithmetic3A_125, %add3A_250], %gather3A_249 : memref<64x128xf32, #tpu.memory_space<vmem>>[vector<16xi32>, vector<16xi32>], vector<16xf32>,
          %gather3A_251 = tpu.vector_load_idx %arg5[%add3A_238, %add3A_105] : memref<64x128xf32, #tpu.memory_space<vmem>>[vector<16xi32>, vector<16xi32>], vector<16xf32>,
          %add3A_252 = arith.addi %mul3A_173, %add3A_238 : vector<16xi32>
          tpu.vector_store_idx %arg7[%shift_right_arithmetic3A_128, %add3A_252], %gather3A_251 : memref<64x128xf32, #tpu.memory_space<vmem>>[vector<16xi32>, vector<16xi32>], vector<16xf32>,
          %gather3A_253 = tpu.vector_load_idx %arg5[%add3A_238, %add3A_108] : memref<64x128xf32, #tpu.memory_space<vmem>>[vector<16xi32>, vector<16xi32>], vector<16xf32>,
          %add3A_254 = arith.addi %mul3A_179, %add3A_238 : vector<16xi32>
          tpu.vector_store_idx %arg7[%shift_right_arithmetic3A_131, %add3A_254], %gather3A_253 : memref<64x128xf32, #tpu.memory_space<vmem>>[vector<16xi32>, vector<16xi32>], vector<16xf32>,
          %mul3A_255 = arith.constant 2 : i32
          %mul3A_256 = arith.muli %mul3A_255, %scan3A_78 : i32
          %add3A_257 = arith.constant 1 : i32
          %add3A_258 = arith.addi %mul3A_256, %add3A_257 : i32
          %add3A_259 = vector.broadcast %add3A_258 : i32 to vector<16xi32>
          %add3A_260 = arith.addi %iota3A, %add3A_259 : vector<16xi32>
          %and3A_261 = arith.constant 15 : i32
          %and3A_262 = vector.broadcast %and3A_261 : i32 to vector<16xi32>
          %and3A_263 = arith.andi %add3A_260, %and3A_262 : vector<16xi32>
          %add3A_264 = arith.constant 0 : i32
          %add3A_265 = vector.broadcast %add3A_264 : i32 to vector<16xi32>
          %add3A_266 = arith.addi %and3A_263, %add3A_265 : vector<16xi32>
          %add3A_267 = arith.constant 16 : i32
          %add3A_268 = vector.broadcast %add3A_267 : i32 to vector<16xi32>
          %add3A_269 = arith.addi %and3A_263, %add3A_268 : vector<16xi32>
          %add3A_270 = arith.constant 32 : i32
          %add3A_271 = vector.broadcast %add3A_270 : i32 to vector<16xi32>
          %add3A_272 = arith.addi %and3A_263, %add3A_271 : vector<16xi32>
          %add3A_273 = arith.constant 48 : i32
          %add3A_274 = vector.broadcast %add3A_273 : i32 to vector<16xi32>
          %add3A_275 = arith.addi %and3A_263, %add3A_274 : vector<16xi32>
          %add3A_276 = arith.constant 64 : i32
          %add3A_277 = vector.broadcast %add3A_276 : i32 to vector<16xi32>
          %add3A_278 = arith.addi %and3A_263, %add3A_277 : vector<16xi32>
          %add3A_279 = arith.constant 80 : i32
          %add3A_280 = vector.broadcast %add3A_279 : i32 to vector<16xi32>
          %add3A_281 = arith.addi %and3A_263, %add3A_280 : vector<16xi32>
          %add3A_282 = arith.constant 96 : i32
          %add3A_283 = vector.broadcast %add3A_282 : i32 to vector<16xi32>
          %add3A_284 = arith.addi %and3A_263, %add3A_283 : vector<16xi32>
          %add3A_285 = arith.constant 112 : i32
          %add3A_286 = vector.broadcast %add3A_285 : i32 to vector<16xi32>
          %add3A_287 = arith.addi %and3A_263, %add3A_286 : vector<16xi32>
          %shift_right_arithmetic3A_288 = arith.constant 1 : i32
          %shift_right_arithmetic3A_289 = vector.broadcast %shift_right_arithmetic3A_288 : i32 to vector<16xi32>
          %shift_right_arithmetic3A_290 = arith.shrsi %add3A_266, %shift_right_arithmetic3A_289 : vector<16xi32>
          %shift_right_arithmetic3A_291 = arith.constant 1 : i32
          %shift_right_arithmetic3A_292 = vector.broadcast %shift_right_arithmetic3A_291 : i32 to vector<16xi32>
          %shift_right_arithmetic3A_293 = arith.shrsi %add3A_269, %shift_right_arithmetic3A_292 : vector<16xi32>
          %shift_right_arithmetic3A_294 = arith.constant 1 : i32
          %shift_right_arithmetic3A_295 = vector.broadcast %shift_right_arithmetic3A_294 : i32 to vector<16xi32>
          %shift_right_arithmetic3A_296 = arith.shrsi %add3A_272, %shift_right_arithmetic3A_295 : vector<16xi32>
          %shift_right_arithmetic3A_297 = arith.constant 1 : i32
          %shift_right_arithmetic3A_298 = vector.broadcast %shift_right_arithmetic3A_297 : i32 to vector<16xi32>
          %shift_right_arithmetic3A_299 = arith.shrsi %add3A_275, %shift_right_arithmetic3A_298 : vector<16xi32>
          %shift_right_arithmetic3A_300 = arith.constant 1 : i32
          %shift_right_arithmetic3A_301 = vector.broadcast %shift_right_arithmetic3A_300 : i32 to vector<16xi32>
          %shift_right_arithmetic3A_302 = arith.shrsi %add3A_278, %shift_right_arithmetic3A_301 : vector<16xi32>
          %shift_right_arithmetic3A_303 = arith.constant 1 : i32
          %shift_right_arithmetic3A_304 = vector.broadcast %shift_right_arithmetic3A_303 : i32 to vector<16xi32>
          %shift_right_arithmetic3A_305 = arith.shrsi %add3A_281, %shift_right_arithmetic3A_304 : vector<16xi32>
          %shift_right_arithmetic3A_306 = arith.constant 1 : i32
          %shift_right_arithmetic3A_307 = vector.broadcast %shift_right_arithmetic3A_306 : i32 to vector<16xi32>
          %shift_right_arithmetic3A_308 = arith.shrsi %add3A_284, %shift_right_arithmetic3A_307 : vector<16xi32>
          %shift_right_arithmetic3A_309 = arith.constant 1 : i32
          %shift_right_arithmetic3A_310 = vector.broadcast %shift_right_arithmetic3A_309 : i32 to vector<16xi32>
          %shift_right_arithmetic3A_311 = arith.shrsi %add3A_287, %shift_right_arithmetic3A_310 : vector<16xi32>
          %and3A_312 = arith.constant 1 : i32
          %and3A_313 = vector.broadcast %and3A_312 : i32 to vector<16xi32>
          %and3A_314 = arith.andi %add3A_266, %and3A_313 : vector<16xi32>
          %mul3A_315 = arith.constant 64 : i32
          %mul3A_316 = vector.broadcast %mul3A_315 : i32 to vector<16xi32>
          %mul3A_317 = arith.muli %and3A_314, %mul3A_316 : vector<16xi32>
          %and3A_318 = arith.constant 1 : i32
          %and3A_319 = vector.broadcast %and3A_318 : i32 to vector<16xi32>
          %and3A_320 = arith.andi %add3A_269, %and3A_319 : vector<16xi32>
          %mul3A_321 = arith.constant 64 : i32
          %mul3A_322 = vector.broadcast %mul3A_321 : i32 to vector<16xi32>
          %mul3A_323 = arith.muli %and3A_320, %mul3A_322 : vector<16xi32>
          %and3A_324 = arith.constant 1 : i32
          %and3A_325 = vector.broadcast %and3A_324 : i32 to vector<16xi32>
          %and3A_326 = arith.andi %add3A_272, %and3A_325 : vector<16xi32>
          %mul3A_327 = arith.constant 64 : i32
          %mul3A_328 = vector.broadcast %mul3A_327 : i32 to vector<16xi32>
          %mul3A_329 = arith.muli %and3A_326, %mul3A_328 : vector<16xi32>
          %and3A_330 = arith.constant 1 : i32
          %and3A_331 = vector.broadcast %and3A_330 : i32 to vector<16xi32>
          %and3A_332 = arith.andi %add3A_275, %and3A_331 : vector<16xi32>
          %mul3A_333 = arith.constant 64 : i32
          %mul3A_334 = vector.broadcast %mul3A_333 : i32 to vector<16xi32>
          %mul3A_335 = arith.muli %and3A_332, %mul3A_334 : vector<16xi32>
          %and3A_336 = arith.constant 1 : i32
          %and3A_337 = vector.broadcast %and3A_336 : i32 to vector<16xi32>
          %and3A_338 = arith.andi %add3A_278, %and3A_337 : vector<16xi32>
          %mul3A_339 = arith.constant 64 : i32
          %mul3A_340 = vector.broadcast %mul3A_339 : i32 to vector<16xi32>
          %mul3A_341 = arith.muli %and3A_338, %mul3A_340 : vector<16xi32>
          %and3A_342 = arith.constant 1 : i32
          %and3A_343 = vector.broadcast %and3A_342 : i32 to vector<16xi32>
          %and3A_344 = arith.andi %add3A_281, %and3A_343 : vector<16xi32>
          %mul3A_345 = arith.constant 64 : i32
          %mul3A_346 = vector.broadcast %mul3A_345 : i32 to vector<16xi32>
          %mul3A_347 = arith.muli %and3A_344, %mul3A_346 : vector<16xi32>
          %and3A_348 = arith.constant 1 : i32
          %and3A_349 = vector.broadcast %and3A_348 : i32 to vector<16xi32>
          %and3A_350 = arith.andi %add3A_284, %and3A_349 : vector<16xi32>
          %mul3A_351 = arith.constant 64 : i32
          %mul3A_352 = vector.broadcast %mul3A_351 : i32 to vector<16xi32>
          %mul3A_353 = arith.muli %and3A_350, %mul3A_352 : vector<16xi32>
          %and3A_354 = arith.constant 1 : i32
          %and3A_355 = vector.broadcast %and3A_354 : i32 to vector<16xi32>
          %and3A_356 = arith.andi %add3A_287, %and3A_355 : vector<16xi32>
          %mul3A_357 = arith.constant 64 : i32
          %mul3A_358 = vector.broadcast %mul3A_357 : i32 to vector<16xi32>
          %mul3A_359 = arith.muli %and3A_356, %mul3A_358 : vector<16xi32>
          %add3A_360 = arith.constant 0 : i32
          %add3A_361 = vector.broadcast %add3A_360 : i32 to vector<16xi32>
          %add3A_362 = arith.addi %iota3A, %add3A_361 : vector<16xi32>
          %gather3A_363 = tpu.vector_load_idx %arg5[%add3A_362, %add3A_266] : memref<64x128xf32, #tpu.memory_space<vmem>>[vector<16xi32>, vector<16xi32>], vector<16xf32>,
          %add3A_364 = arith.addi %mul3A_317, %add3A_362 : vector<16xi32>
          tpu.vector_store_idx %arg7[%shift_right_arithmetic3A_290, %add3A_364], %gather3A_363 : memref<64x128xf32, #tpu.memory_space<vmem>>[vector<16xi32>, vector<16xi32>], vector<16xf32>,
          %gather3A_365 = tpu.vector_load_idx %arg5[%add3A_362, %add3A_269] : memref<64x128xf32, #tpu.memory_space<vmem>>[vector<16xi32>, vector<16xi32>], vector<16xf32>,
          %add3A_366 = arith.addi %mul3A_323, %add3A_362 : vector<16xi32>
          tpu.vector_store_idx %arg7[%shift_right_arithmetic3A_293, %add3A_366], %gather3A_365 : memref<64x128xf32, #tpu.memory_space<vmem>>[vector<16xi32>, vector<16xi32>], vector<16xf32>,
          %gather3A_367 = tpu.vector_load_idx %arg5[%add3A_362, %add3A_272] : memref<64x128xf32, #tpu.memory_space<vmem>>[vector<16xi32>, vector<16xi32>], vector<16xf32>,
          %add3A_368 = arith.addi %mul3A_329, %add3A_362 : vector<16xi32>
          tpu.vector_store_idx %arg7[%shift_right_arithmetic3A_296, %add3A_368], %gather3A_367 : memref<64x128xf32, #tpu.memory_space<vmem>>[vector<16xi32>, vector<16xi32>], vector<16xf32>,
          %gather3A_369 = tpu.vector_load_idx %arg5[%add3A_362, %add3A_275] : memref<64x128xf32, #tpu.memory_space<vmem>>[vector<16xi32>, vector<16xi32>], vector<16xf32>,
          %add3A_370 = arith.addi %mul3A_335, %add3A_362 : vector<16xi32>
          tpu.vector_store_idx %arg7[%shift_right_arithmetic3A_299, %add3A_370], %gather3A_369 : memref<64x128xf32, #tpu.memory_space<vmem>>[vector<16xi32>, vector<16xi32>], vector<16xf32>,
          %gather3A_371 = tpu.vector_load_idx %arg5[%add3A_362, %add3A_278] : memref<64x128xf32, #tpu.memory_space<vmem>>[vector<16xi32>, vector<16xi32>], vector<16xf32>,
          %add3A_372 = arith.addi %mul3A_341, %add3A_362 : vector<16xi32>
          tpu.vector_store_idx %arg7[%shift_right_arithmetic3A_302, %add3A_372], %gather3A_371 : memref<64x128xf32, #tpu.memory_space<vmem>>[vector<16xi32>, vector<16xi32>], vector<16xf32>,
          %gather3A_373 = tpu.vector_load_idx %arg5[%add3A_362, %add3A_281] : memref<64x128xf32, #tpu.memory_space<vmem>>[vector<16xi32>, vector<16xi32>], vector<16xf32>,
          %add3A_374 = arith.addi %mul3A_347, %add3A_362 : vector<16xi32>
          tpu.vector_store_idx %arg7[%shift_right_arithmetic3A_305, %add3A_374], %gather3A_373 : memref<64x128xf32, #tpu.memory_space<vmem>>[vector<16xi32>, vector<16xi32>], vector<16xf32>,
          %gather3A_375 = tpu.vector_load_idx %arg5[%add3A_362, %add3A_284] : memref<64x128xf32, #tpu.memory_space<vmem>>[vector<16xi32>, vector<16xi32>], vector<16xf32>,
          %add3A_376 = arith.addi %mul3A_353, %add3A_362 : vector<16xi32>
          tpu.vector_store_idx %arg7[%shift_right_arithmetic3A_308, %add3A_376], %gather3A_375 : memref<64x128xf32, #tpu.memory_space<vmem>>[vector<16xi32>, vector<16xi32>], vector<16xf32>,
          %gather3A_377 = tpu.vector_load_idx %arg5[%add3A_362, %add3A_287] : memref<64x128xf32, #tpu.memory_space<vmem>>[vector<16xi32>, vector<16xi32>], vector<16xf32>,
          %add3A_378 = arith.addi %mul3A_359, %add3A_362 : vector<16xi32>
          tpu.vector_store_idx %arg7[%shift_right_arithmetic3A_311, %add3A_378], %gather3A_377 : memref<64x128xf32, #tpu.memory_space<vmem>>[vector<16xi32>, vector<16xi32>], vector<16xf32>,
          %add3A_379 = arith.constant 16 : i32
          %add3A_380 = vector.broadcast %add3A_379 : i32 to vector<16xi32>
          %add3A_381 = arith.addi %iota3A, %add3A_380 : vector<16xi32>
          %gather3A_382 = tpu.vector_load_idx %arg5[%add3A_381, %add3A_266] : memref<64x128xf32, #tpu.memory_space<vmem>>[vector<16xi32>, vector<16xi32>], vector<16xf32>,
          %add3A_383 = arith.addi %mul3A_317, %add3A_381 : vector<16xi32>
          tpu.vector_store_idx %arg7[%shift_right_arithmetic3A_290, %add3A_383], %gather3A_382 : memref<64x128xf32, #tpu.memory_space<vmem>>[vector<16xi32>, vector<16xi32>], vector<16xf32>,
          %gather3A_384 = tpu.vector_load_idx %arg5[%add3A_381, %add3A_269] : memref<64x128xf32, #tpu.memory_space<vmem>>[vector<16xi32>, vector<16xi32>], vector<16xf32>,
          %add3A_385 = arith.addi %mul3A_323, %add3A_381 : vector<16xi32>
          tpu.vector_store_idx %arg7[%shift_right_arithmetic3A_293, %add3A_385], %gather3A_384 : memref<64x128xf32, #tpu.memory_space<vmem>>[vector<16xi32>, vector<16xi32>], vector<16xf32>,
          %gather3A_386 = tpu.vector_load_idx %arg5[%add3A_381, %add3A_272] : memref<64x128xf32, #tpu.memory_space<vmem>>[vector<16xi32>, vector<16xi32>], vector<16xf32>,
          %add3A_387 = arith.addi %mul3A_329, %add3A_381 : vector<16xi32>
          tpu.vector_store_idx %arg7[%shift_right_arithmetic3A_296, %add3A_387], %gather3A_386 : memref<64x128xf32, #tpu.memory_space<vmem>>[vector<16xi32>, vector<16xi32>], vector<16xf32>,
          %gather3A_388 = tpu.vector_load_idx %arg5[%add3A_381, %add3A_275] : memref<64x128xf32, #tpu.memory_space<vmem>>[vector<16xi32>, vector<16xi32>], vector<16xf32>,
          %add3A_389 = arith.addi %mul3A_335, %add3A_381 : vector<16xi32>
          tpu.vector_store_idx %arg7[%shift_right_arithmetic3A_299, %add3A_389], %gather3A_388 : memref<64x128xf32, #tpu.memory_space<vmem>>[vector<16xi32>, vector<16xi32>], vector<16xf32>,
          %gather3A_390 = tpu.vector_load_idx %arg5[%add3A_381, %add3A_278] : memref<64x128xf32, #tpu.memory_space<vmem>>[vector<16xi32>, vector<16xi32>], vector<16xf32>,
          %add3A_391 = arith.addi %mul3A_341, %add3A_381 : vector<16xi32>
          tpu.vector_store_idx %arg7[%shift_right_arithmetic3A_302, %add3A_391], %gather3A_390 : memref<64x128xf32, #tpu.memory_space<vmem>>[vector<16xi32>, vector<16xi32>], vector<16xf32>,
          %gather3A_392 = tpu.vector_load_idx %arg5[%add3A_381, %add3A_281] : memref<64x128xf32, #tpu.memory_space<vmem>>[vector<16xi32>, vector<16xi32>], vector<16xf32>,
          %add3A_393 = arith.addi %mul3A_347, %add3A_381 : vector<16xi32>
          tpu.vector_store_idx %arg7[%shift_right_arithmetic3A_305, %add3A_393], %gather3A_392 : memref<64x128xf32, #tpu.memory_space<vmem>>[vector<16xi32>, vector<16xi32>], vector<16xf32>,
          %gather3A_394 = tpu.vector_load_idx %arg5[%add3A_381, %add3A_284] : memref<64x128xf32, #tpu.memory_space<vmem>>[vector<16xi32>, vector<16xi32>], vector<16xf32>,
          %add3A_395 = arith.addi %mul3A_353, %add3A_381 : vector<16xi32>
          tpu.vector_store_idx %arg7[%shift_right_arithmetic3A_308, %add3A_395], %gather3A_394 : memref<64x128xf32, #tpu.memory_space<vmem>>[vector<16xi32>, vector<16xi32>], vector<16xf32>,
          %gather3A_396 = tpu.vector_load_idx %arg5[%add3A_381, %add3A_287] : memref<64x128xf32, #tpu.memory_space<vmem>>[vector<16xi32>, vector<16xi32>], vector<16xf32>,
          %add3A_397 = arith.addi %mul3A_359, %add3A_381 : vector<16xi32>
          tpu.vector_store_idx %arg7[%shift_right_arithmetic3A_311, %add3A_397], %gather3A_396 : memref<64x128xf32, #tpu.memory_space<vmem>>[vector<16xi32>, vector<16xi32>], vector<16xf32>,
          %add3A_398 = arith.constant 32 : i32
          %add3A_399 = vector.broadcast %add3A_398 : i32 to vector<16xi32>
          %add3A_400 = arith.addi %iota3A, %add3A_399 : vector<16xi32>
          %gather3A_401 = tpu.vector_load_idx %arg5[%add3A_400, %add3A_266] : memref<64x128xf32, #tpu.memory_space<vmem>>[vector<16xi32>, vector<16xi32>], vector<16xf32>,
          %add3A_402 = arith.addi %mul3A_317, %add3A_400 : vector<16xi32>
          tpu.vector_store_idx %arg7[%shift_right_arithmetic3A_290, %add3A_402], %gather3A_401 : memref<64x128xf32, #tpu.memory_space<vmem>>[vector<16xi32>, vector<16xi32>], vector<16xf32>,
          %gather3A_403 = tpu.vector_load_idx %arg5[%add3A_400, %add3A_269] : memref<64x128xf32, #tpu.memory_space<vmem>>[vector<16xi32>, vector<16xi32>], vector<16xf32>,
          %add3A_404 = arith.addi %mul3A_323, %add3A_400 : vector<16xi32>
          tpu.vector_store_idx %arg7[%shift_right_arithmetic3A_293, %add3A_404], %gather3A_403 : memref<64x128xf32, #tpu.memory_space<vmem>>[vector<16xi32>, vector<16xi32>], vector<16xf32>,
          %gather3A_405 = tpu.vector_load_idx %arg5[%add3A_400, %add3A_272] : memref<64x128xf32, #tpu.memory_space<vmem>>[vector<16xi32>, vector<16xi32>], vector<16xf32>,
          %add3A_406 = arith.addi %mul3A_329, %add3A_400 : vector<16xi32>
          tpu.vector_store_idx %arg7[%shift_right_arithmetic3A_296, %add3A_406], %gather3A_405 : memref<64x128xf32, #tpu.memory_space<vmem>>[vector<16xi32>, vector<16xi32>], vector<16xf32>,
          %gather3A_407 = tpu.vector_load_idx %arg5[%add3A_400, %add3A_275] : memref<64x128xf32, #tpu.memory_space<vmem>>[vector<16xi32>, vector<16xi32>], vector<16xf32>,
          %add3A_408 = arith.addi %mul3A_335, %add3A_400 : vector<16xi32>
          tpu.vector_store_idx %arg7[%shift_right_arithmetic3A_299, %add3A_408], %gather3A_407 : memref<64x128xf32, #tpu.memory_space<vmem>>[vector<16xi32>, vector<16xi32>], vector<16xf32>,
          %gather3A_409 = tpu.vector_load_idx %arg5[%add3A_400, %add3A_278] : memref<64x128xf32, #tpu.memory_space<vmem>>[vector<16xi32>, vector<16xi32>], vector<16xf32>,
          %add3A_410 = arith.addi %mul3A_341, %add3A_400 : vector<16xi32>
          tpu.vector_store_idx %arg7[%shift_right_arithmetic3A_302, %add3A_410], %gather3A_409 : memref<64x128xf32, #tpu.memory_space<vmem>>[vector<16xi32>, vector<16xi32>], vector<16xf32>,
          %gather3A_411 = tpu.vector_load_idx %arg5[%add3A_400, %add3A_281] : memref<64x128xf32, #tpu.memory_space<vmem>>[vector<16xi32>, vector<16xi32>], vector<16xf32>,
          %add3A_412 = arith.addi %mul3A_347, %add3A_400 : vector<16xi32>
          tpu.vector_store_idx %arg7[%shift_right_arithmetic3A_305, %add3A_412], %gather3A_411 : memref<64x128xf32, #tpu.memory_space<vmem>>[vector<16xi32>, vector<16xi32>], vector<16xf32>,
          %gather3A_413 = tpu.vector_load_idx %arg5[%add3A_400, %add3A_284] : memref<64x128xf32, #tpu.memory_space<vmem>>[vector<16xi32>, vector<16xi32>], vector<16xf32>,
          %add3A_414 = arith.addi %mul3A_353, %add3A_400 : vector<16xi32>
          tpu.vector_store_idx %arg7[%shift_right_arithmetic3A_308, %add3A_414], %gather3A_413 : memref<64x128xf32, #tpu.memory_space<vmem>>[vector<16xi32>, vector<16xi32>], vector<16xf32>,
          %gather3A_415 = tpu.vector_load_idx %arg5[%add3A_400, %add3A_287] : memref<64x128xf32, #tpu.memory_space<vmem>>[vector<16xi32>, vector<16xi32>], vector<16xf32>,
          %add3A_416 = arith.addi %mul3A_359, %add3A_400 : vector<16xi32>
          tpu.vector_store_idx %arg7[%shift_right_arithmetic3A_311, %add3A_416], %gather3A_415 : memref<64x128xf32, #tpu.memory_space<vmem>>[vector<16xi32>, vector<16xi32>], vector<16xf32>,
          %add3A_417 = arith.constant 48 : i32
          %add3A_418 = vector.broadcast %add3A_417 : i32 to vector<16xi32>
          %add3A_419 = arith.addi %iota3A, %add3A_418 : vector<16xi32>
          %gather3A_420 = tpu.vector_load_idx %arg5[%add3A_419, %add3A_266] : memref<64x128xf32, #tpu.memory_space<vmem>>[vector<16xi32>, vector<16xi32>], vector<16xf32>,
          %add3A_421 = arith.addi %mul3A_317, %add3A_419 : vector<16xi32>
          tpu.vector_store_idx %arg7[%shift_right_arithmetic3A_290, %add3A_421], %gather3A_420 : memref<64x128xf32, #tpu.memory_space<vmem>>[vector<16xi32>, vector<16xi32>], vector<16xf32>,
          %gather3A_422 = tpu.vector_load_idx %arg5[%add3A_419, %add3A_269] : memref<64x128xf32, #tpu.memory_space<vmem>>[vector<16xi32>, vector<16xi32>], vector<16xf32>,
          %add3A_423 = arith.addi %mul3A_323, %add3A_419 : vector<16xi32>
          tpu.vector_store_idx %arg7[%shift_right_arithmetic3A_293, %add3A_423], %gather3A_422 : memref<64x128xf32, #tpu.memory_space<vmem>>[vector<16xi32>, vector<16xi32>], vector<16xf32>,
          %gather3A_424 = tpu.vector_load_idx %arg5[%add3A_419, %add3A_272] : memref<64x128xf32, #tpu.memory_space<vmem>>[vector<16xi32>, vector<16xi32>], vector<16xf32>,
          %add3A_425 = arith.addi %mul3A_329, %add3A_419 : vector<16xi32>
          tpu.vector_store_idx %arg7[%shift_right_arithmetic3A_296, %add3A_425], %gather3A_424 : memref<64x128xf32, #tpu.memory_space<vmem>>[vector<16xi32>, vector<16xi32>], vector<16xf32>,
          %gather3A_426 = tpu.vector_load_idx %arg5[%add3A_419, %add3A_275] : memref<64x128xf32, #tpu.memory_space<vmem>>[vector<16xi32>, vector<16xi32>], vector<16xf32>,
          %add3A_427 = arith.addi %mul3A_335, %add3A_419 : vector<16xi32>
          tpu.vector_store_idx %arg7[%shift_right_arithmetic3A_299, %add3A_427], %gather3A_426 : memref<64x128xf32, #tpu.memory_space<vmem>>[vector<16xi32>, vector<16xi32>], vector<16xf32>,
          %gather3A_428 = tpu.vector_load_idx %arg5[%add3A_419, %add3A_278] : memref<64x128xf32, #tpu.memory_space<vmem>>[vector<16xi32>, vector<16xi32>], vector<16xf32>,
          %add3A_429 = arith.addi %mul3A_341, %add3A_419 : vector<16xi32>
          tpu.vector_store_idx %arg7[%shift_right_arithmetic3A_302, %add3A_429], %gather3A_428 : memref<64x128xf32, #tpu.memory_space<vmem>>[vector<16xi32>, vector<16xi32>], vector<16xf32>,
          %gather3A_430 = tpu.vector_load_idx %arg5[%add3A_419, %add3A_281] : memref<64x128xf32, #tpu.memory_space<vmem>>[vector<16xi32>, vector<16xi32>], vector<16xf32>,
          %add3A_431 = arith.addi %mul3A_347, %add3A_419 : vector<16xi32>
          tpu.vector_store_idx %arg7[%shift_right_arithmetic3A_305, %add3A_431], %gather3A_430 : memref<64x128xf32, #tpu.memory_space<vmem>>[vector<16xi32>, vector<16xi32>], vector<16xf32>,
          %gather3A_432 = tpu.vector_load_idx %arg5[%add3A_419, %add3A_284] : memref<64x128xf32, #tpu.memory_space<vmem>>[vector<16xi32>, vector<16xi32>], vector<16xf32>,
          %add3A_433 = arith.addi %mul3A_353, %add3A_419 : vector<16xi32>
          tpu.vector_store_idx %arg7[%shift_right_arithmetic3A_308, %add3A_433], %gather3A_432 : memref<64x128xf32, #tpu.memory_space<vmem>>[vector<16xi32>, vector<16xi32>], vector<16xf32>,
          %gather3A_434 = tpu.vector_load_idx %arg5[%add3A_419, %add3A_287] : memref<64x128xf32, #tpu.memory_space<vmem>>[vector<16xi32>, vector<16xi32>], vector<16xf32>,
          %add3A_435 = arith.addi %mul3A_359, %add3A_419 : vector<16xi32>
          tpu.vector_store_idx %arg7[%shift_right_arithmetic3A_311, %add3A_435], %gather3A_434 : memref<64x128xf32, #tpu.memory_space<vmem>>[vector<16xi32>, vector<16xi32>], vector<16xf32>,
        }
        %scan3A_63 = arith.constant 8 : i32
        %add3A_64 = arith.constant 64 : i32
        %add3A_65 = arith.addi %add3A_36, %add3A_64 : i32
        %lt3A_66 = arith.constant 7812 : i32
        %lt3A_67 = arith.cmpi slt, %add3A_65, %lt3A_66 : i32
        %convert_element_type3A_68 = arith.extui %lt3A_67 : i1 to i32
        %cond3A_69 = arith.constant 0 : i32
        %cond3A_70 = arith.cmpi ne, %convert_element_type3A_68, %cond3A_69 : i32
        scf.if %cond3A_70 {
          %add3A_78 = arith.constant 64 : i32
          %add3A_79 = arith.addi %add3A_36, %add3A_78 : i32
          %mul3A_80 = arith.constant 128 : i32
          %mul3A_81 = arith.muli %add3A_79, %mul3A_80 : i32
          %multiple_of3A_82 = tpu.assume_multiple %mul3A_81, 128 : i32
          %dma_start3A_83 = arith.constant 0 : i32
          %dma_start3A_84 = tpu.memref_slice %arg2[%dma_start3A_83, %multiple_of3A_82] : memref<64x1000000xf32, #tpu.memory_space<hbm>> -> memref<64x128xf32, #tpu.memory_space<hbm>>
          %dma_start3A_85 = arith.constant 0 : i32
          %dma_start3A_86 = tpu.memref_slice %arg2[%dma_start3A_85, %multiple_of3A_82] : memref<64x1000000xf32, #tpu.memory_space<hbm>> -> memref<64x128xf32, #tpu.memory_space<hbm>>
          tpu.enqueue_dma source(%dma_start3A_86 : memref<64x128xf32, #tpu.memory_space<hbm>>) target(%arg5 : memref<64x128xf32, #tpu.memory_space<vmem>>) target_semaphore(%arg9 : memref<!tpu.dma_semaphore, #tpu.memory_space<semaphore_mem>>)
        } else {
        }
        %mul3A_71 = arith.constant 64 : i32
        %mul3A_72 = arith.muli %add3A_36, %mul3A_71 : i32
        %multiple_of3A_73 = tpu.assume_multiple %mul3A_72, 64 : i32
        %dma_start3A_74 = arith.constant 0 : i32
        %dma_start3A_75 = tpu.memref_slice %arg4[%multiple_of3A_73, %dma_start3A_74] : memref<500032x128xf32, #tpu.memory_space<hbm>> -> memref<64x128xf32, #tpu.memory_space<hbm>>
        %dma_start3A_76 = arith.constant 0 : i32
        %dma_start3A_77 = tpu.memref_slice %arg4[%multiple_of3A_73, %dma_start3A_76] : memref<500032x128xf32, #tpu.memory_space<hbm>> -> memref<64x128xf32, #tpu.memory_space<hbm>>
        tpu.enqueue_dma source(%arg7 : memref<64x128xf32, #tpu.memory_space<vmem>>) target(%dma_start3A_77 : memref<64x128xf32, #tpu.memory_space<hbm>>) target_semaphore(%arg11 : memref<!tpu.dma_semaphore, #tpu.memory_space<semaphore_mem>>)
      } else {
      }
      %lt3A_43 = arith.constant 7812 : i32
      %lt3A_44 = arith.cmpi slt, %add3A_38, %lt3A_43 : i32
      %convert_element_type3A_45 = arith.extui %lt3A_44 : i1 to i32
      %cond3A_46 = arith.constant 0 : i32
      %cond3A_47 = arith.cmpi ne, %convert_element_type3A_45, %cond3A_46 : i32
      scf.if %cond3A_47 {
        %gt3A = arith.constant 0 : i32
        %gt3A_48 = arith.cmpi sgt, %scan3A_33, %gt3A : i32
        %dma_wait3A_49 = arith.constant 0 : i32
        %dma_wait3A_50 = arith.constant 0 : i32
        %dma_wait3A_51 = tpu.memref_slice %arg2[%dma_wait3A_49, %dma_wait3A_50] : memref<64x1000000xf32, #tpu.memory_space<hbm>> -> memref<64x128xf32, #tpu.memory_space<hbm>>
        %dma_wait3A_52 = arith.constant 0 : i32
        %dma_wait3A_53 = arith.constant 0 : i32
        %dma_wait3A_54 = tpu.memref_slice %arg2[%dma_wait3A_52, %dma_wait3A_53] : memref<64x1000000xf32, #tpu.memory_space<hbm>> -> memref<64x128xf32, #tpu.memory_space<hbm>>
        tpu.wait_dma2 semaphore(%arg10 : memref<!tpu.dma_semaphore, #tpu.memory_space<semaphore_mem>>) src(%dma_wait3A_54 : memref<64x128xf32, #tpu.memory_space<hbm>>) dst(%arg6 : memref<64x128xf32, #tpu.memory_space<vmem>>)
        %convert_element_type3A_55 = arith.extui %gt3A_48 : i1 to i32
        %cond3A_56 = arith.constant 0 : i32
        %cond3A_57 = arith.cmpi ne, %convert_element_type3A_55, %cond3A_56 : i32
        scf.if %cond3A_57 {
          %dma_wait3A_78 = arith.constant 0 : i32
          %dma_wait3A_79 = arith.constant 0 : i32
          %dma_wait3A_80 = tpu.memref_slice %arg4[%dma_wait3A_78, %dma_wait3A_79] : memref<500032x128xf32, #tpu.memory_space<hbm>> -> memref<64x128xf32, #tpu.memory_space<hbm>>
          %dma_wait3A_81 = arith.constant 0 : i32
          %dma_wait3A_82 = arith.constant 0 : i32
          %dma_wait3A_83 = tpu.memref_slice %arg4[%dma_wait3A_81, %dma_wait3A_82] : memref<500032x128xf32, #tpu.memory_space<hbm>> -> memref<64x128xf32, #tpu.memory_space<hbm>>
          tpu.wait_dma2 semaphore(%arg12 : memref<!tpu.dma_semaphore, #tpu.memory_space<semaphore_mem>>) src(%arg8 : memref<64x128xf32, #tpu.memory_space<vmem>>) dst(%dma_wait3A_83 : memref<64x128xf32, #tpu.memory_space<hbm>>)
        } else {
        }
        %scan3A_58 = arith.constant 0 : i32
        %scan3A_59 = arith.constant 0 : i32
        %scan3A_60 = arith.constant 8 : i32
        %scan3A_61 = arith.addi %scan3A_59, %scan3A_60 : i32
        %scan3A_62 = arith.constant 1 : i32
        scf.for %scan3A_78 = %scan3A_59 to %scan3A_61 step %scan3A_62  : i32 {
          %mul3A_79 = arith.constant 2 : i32
          %mul3A_80 = arith.muli %mul3A_79, %scan3A_78 : i32
          %add3A_81 = vector.broadcast %mul3A_80 : i32 to vector<16xi32>
          %add3A_82 = arith.addi %iota3A, %add3A_81 : vector<16xi32>
          %and3A = arith.constant 15 : i32
          %and3A_83 = vector.broadcast %and3A : i32 to vector<16xi32>
          %and3A_84 = arith.andi %add3A_82, %and3A_83 : vector<16xi32>
          %add3A_85 = arith.constant 0 : i32
          %add3A_86 = vector.broadcast %add3A_85 : i32 to vector<16xi32>
          %add3A_87 = arith.addi %and3A_84, %add3A_86 : vector<16xi32>
          %add3A_88 = arith.constant 16 : i32
          %add3A_89 = vector.broadcast %add3A_88 : i32 to vector<16xi32>
          %add3A_90 = arith.addi %and3A_84, %add3A_89 : vector<16xi32>
          %add3A_91 = arith.constant 32 : i32
          %add3A_92 = vector.broadcast %add3A_91 : i32 to vector<16xi32>
          %add3A_93 = arith.addi %and3A_84, %add3A_92 : vector<16xi32>
          %add3A_94 = arith.constant 48 : i32
          %add3A_95 = vector.broadcast %add3A_94 : i32 to vector<16xi32>
          %add3A_96 = arith.addi %and3A_84, %add3A_95 : vector<16xi32>
          %add3A_97 = arith.constant 64 : i32
          %add3A_98 = vector.broadcast %add3A_97 : i32 to vector<16xi32>
          %add3A_99 = arith.addi %and3A_84, %add3A_98 : vector<16xi32>
          %add3A_100 = arith.constant 80 : i32
          %add3A_101 = vector.broadcast %add3A_100 : i32 to vector<16xi32>
          %add3A_102 = arith.addi %and3A_84, %add3A_101 : vector<16xi32>
          %add3A_103 = arith.constant 96 : i32
          %add3A_104 = vector.broadcast %add3A_103 : i32 to vector<16xi32>
          %add3A_105 = arith.addi %and3A_84, %add3A_104 : vector<16xi32>
          %add3A_106 = arith.constant 112 : i32
          %add3A_107 = vector.broadcast %add3A_106 : i32 to vector<16xi32>
          %add3A_108 = arith.addi %and3A_84, %add3A_107 : vector<16xi32>
          %shift_right_arithmetic3A = arith.constant 1 : i32
          %shift_right_arithmetic3A_109 = vector.broadcast %shift_right_arithmetic3A : i32 to vector<16xi32>
          %shift_right_arithmetic3A_110 = arith.shrsi %add3A_87, %shift_right_arithmetic3A_109 : vector<16xi32>
          %shift_right_arithmetic3A_111 = arith.constant 1 : i32
          %shift_right_arithmetic3A_112 = vector.broadcast %shift_right_arithmetic3A_111 : i32 to vector<16xi32>
          %shift_right_arithmetic3A_113 = arith.shrsi %add3A_90, %shift_right_arithmetic3A_112 : vector<16xi32>
          %shift_right_arithmetic3A_114 = arith.constant 1 : i32
          %shift_right_arithmetic3A_115 = vector.broadcast %shift_right_arithmetic3A_114 : i32 to vector<16xi32>
          %shift_right_arithmetic3A_116 = arith.shrsi %add3A_93, %shift_right_arithmetic3A_115 : vector<16xi32>
          %shift_right_arithmetic3A_117 = arith.constant 1 : i32
          %shift_right_arithmetic3A_118 = vector.broadcast %shift_right_arithmetic3A_117 : i32 to vector<16xi32>
          %shift_right_arithmetic3A_119 = arith.shrsi %add3A_96, %shift_right_arithmetic3A_118 : vector<16xi32>
          %shift_right_arithmetic3A_120 = arith.constant 1 : i32
          %shift_right_arithmetic3A_121 = vector.broadcast %shift_right_arithmetic3A_120 : i32 to vector<16xi32>
          %shift_right_arithmetic3A_122 = arith.shrsi %add3A_99, %shift_right_arithmetic3A_121 : vector<16xi32>
          %shift_right_arithmetic3A_123 = arith.constant 1 : i32
          %shift_right_arithmetic3A_124 = vector.broadcast %shift_right_arithmetic3A_123 : i32 to vector<16xi32>
          %shift_right_arithmetic3A_125 = arith.shrsi %add3A_102, %shift_right_arithmetic3A_124 : vector<16xi32>
          %shift_right_arithmetic3A_126 = arith.constant 1 : i32
          %shift_right_arithmetic3A_127 = vector.broadcast %shift_right_arithmetic3A_126 : i32 to vector<16xi32>
          %shift_right_arithmetic3A_128 = arith.shrsi %add3A_105, %shift_right_arithmetic3A_127 : vector<16xi32>
          %shift_right_arithmetic3A_129 = arith.constant 1 : i32
          %shift_right_arithmetic3A_130 = vector.broadcast %shift_right_arithmetic3A_129 : i32 to vector<16xi32>
          %shift_right_arithmetic3A_131 = arith.shrsi %add3A_108, %shift_right_arithmetic3A_130 : vector<16xi32>
          %and3A_132 = arith.constant 1 : i32
          %and3A_133 = vector.broadcast %and3A_132 : i32 to vector<16xi32>
          %and3A_134 = arith.andi %add3A_87, %and3A_133 : vector<16xi32>
          %mul3A_135 = arith.constant 64 : i32
          %mul3A_136 = vector.broadcast %mul3A_135 : i32 to vector<16xi32>
          %mul3A_137 = arith.muli %and3A_134, %mul3A_136 : vector<16xi32>
          %and3A_138 = arith.constant 1 : i32
          %and3A_139 = vector.broadcast %and3A_138 : i32 to vector<16xi32>
          %and3A_140 = arith.andi %add3A_90, %and3A_139 : vector<16xi32>
          %mul3A_141 = arith.constant 64 : i32
          %mul3A_142 = vector.broadcast %mul3A_141 : i32 to vector<16xi32>
          %mul3A_143 = arith.muli %and3A_140, %mul3A_142 : vector<16xi32>
          %and3A_144 = arith.constant 1 : i32
          %and3A_145 = vector.broadcast %and3A_144 : i32 to vector<16xi32>
          %and3A_146 = arith.andi %add3A_93, %and3A_145 : vector<16xi32>
          %mul3A_147 = arith.constant 64 : i32
          %mul3A_148 = vector.broadcast %mul3A_147 : i32 to vector<16xi32>
          %mul3A_149 = arith.muli %and3A_146, %mul3A_148 : vector<16xi32>
          %and3A_150 = arith.constant 1 : i32
          %and3A_151 = vector.broadcast %and3A_150 : i32 to vector<16xi32>
          %and3A_152 = arith.andi %add3A_96, %and3A_151 : vector<16xi32>
          %mul3A_153 = arith.constant 64 : i32
          %mul3A_154 = vector.broadcast %mul3A_153 : i32 to vector<16xi32>
          %mul3A_155 = arith.muli %and3A_152, %mul3A_154 : vector<16xi32>
          %and3A_156 = arith.constant 1 : i32
          %and3A_157 = vector.broadcast %and3A_156 : i32 to vector<16xi32>
          %and3A_158 = arith.andi %add3A_99, %and3A_157 : vector<16xi32>
          %mul3A_159 = arith.constant 64 : i32
          %mul3A_160 = vector.broadcast %mul3A_159 : i32 to vector<16xi32>
          %mul3A_161 = arith.muli %and3A_158, %mul3A_160 : vector<16xi32>
          %and3A_162 = arith.constant 1 : i32
          %and3A_163 = vector.broadcast %and3A_162 : i32 to vector<16xi32>
          %and3A_164 = arith.andi %add3A_102, %and3A_163 : vector<16xi32>
          %mul3A_165 = arith.constant 64 : i32
          %mul3A_166 = vector.broadcast %mul3A_165 : i32 to vector<16xi32>
          %mul3A_167 = arith.muli %and3A_164, %mul3A_166 : vector<16xi32>
          %and3A_168 = arith.constant 1 : i32
          %and3A_169 = vector.broadcast %and3A_168 : i32 to vector<16xi32>
          %and3A_170 = arith.andi %add3A_105, %and3A_169 : vector<16xi32>
          %mul3A_171 = arith.constant 64 : i32
          %mul3A_172 = vector.broadcast %mul3A_171 : i32 to vector<16xi32>
          %mul3A_173 = arith.muli %and3A_170, %mul3A_172 : vector<16xi32>
          %and3A_174 = arith.constant 1 : i32
          %and3A_175 = vector.broadcast %and3A_174 : i32 to vector<16xi32>
          %and3A_176 = arith.andi %add3A_108, %and3A_175 : vector<16xi32>
          %mul3A_177 = arith.constant 64 : i32
          %mul3A_178 = vector.broadcast %mul3A_177 : i32 to vector<16xi32>
          %mul3A_179 = arith.muli %and3A_176, %mul3A_178 : vector<16xi32>
          %add3A_180 = arith.constant 0 : i32
          %add3A_181 = vector.broadcast %add3A_180 : i32 to vector<16xi32>
          %add3A_182 = arith.addi %iota3A, %add3A_181 : vector<16xi32>
          %gather3A = tpu.vector_load_idx %arg6[%add3A_182, %add3A_87] : memref<64x128xf32, #tpu.memory_space<vmem>>[vector<16xi32>, vector<16xi32>], vector<16xf32>,
          %add3A_183 = arith.addi %mul3A_137, %add3A_182 : vector<16xi32>
          tpu.vector_store_idx %arg8[%shift_right_arithmetic3A_110, %add3A_183], %gather3A : memref<64x128xf32, #tpu.memory_space<vmem>>[vector<16xi32>, vector<16xi32>], vector<16xf32>,
          %gather3A_184 = tpu.vector_load_idx %arg6[%add3A_182, %add3A_90] : memref<64x128xf32, #tpu.memory_space<vmem>>[vector<16xi32>, vector<16xi32>], vector<16xf32>,
          %add3A_185 = arith.addi %mul3A_143, %add3A_182 : vector<16xi32>
          tpu.vector_store_idx %arg8[%shift_right_arithmetic3A_113, %add3A_185], %gather3A_184 : memref<64x128xf32, #tpu.memory_space<vmem>>[vector<16xi32>, vector<16xi32>], vector<16xf32>,
          %gather3A_186 = tpu.vector_load_idx %arg6[%add3A_182, %add3A_93] : memref<64x128xf32, #tpu.memory_space<vmem>>[vector<16xi32>, vector<16xi32>], vector<16xf32>,
          %add3A_187 = arith.addi %mul3A_149, %add3A_182 : vector<16xi32>
          tpu.vector_store_idx %arg8[%shift_right_arithmetic3A_116, %add3A_187], %gather3A_186 : memref<64x128xf32, #tpu.memory_space<vmem>>[vector<16xi32>, vector<16xi32>], vector<16xf32>,
          %gather3A_188 = tpu.vector_load_idx %arg6[%add3A_182, %add3A_96] : memref<64x128xf32, #tpu.memory_space<vmem>>[vector<16xi32>, vector<16xi32>], vector<16xf32>,
          %add3A_189 = arith.addi %mul3A_155, %add3A_182 : vector<16xi32>
          tpu.vector_store_idx %arg8[%shift_right_arithmetic3A_119, %add3A_189], %gather3A_188 : memref<64x128xf32, #tpu.memory_space<vmem>>[vector<16xi32>, vector<16xi32>], vector<16xf32>,
          %gather3A_190 = tpu.vector_load_idx %arg6[%add3A_182, %add3A_99] : memref<64x128xf32, #tpu.memory_space<vmem>>[vector<16xi32>, vector<16xi32>], vector<16xf32>,
          %add3A_191 = arith.addi %mul3A_161, %add3A_182 : vector<16xi32>
          tpu.vector_store_idx %arg8[%shift_right_arithmetic3A_122, %add3A_191], %gather3A_190 : memref<64x128xf32, #tpu.memory_space<vmem>>[vector<16xi32>, vector<16xi32>], vector<16xf32>,
          %gather3A_192 = tpu.vector_load_idx %arg6[%add3A_182, %add3A_102] : memref<64x128xf32, #tpu.memory_space<vmem>>[vector<16xi32>, vector<16xi32>], vector<16xf32>,
          %add3A_193 = arith.addi %mul3A_167, %add3A_182 : vector<16xi32>
          tpu.vector_store_idx %arg8[%shift_right_arithmetic3A_125, %add3A_193], %gather3A_192 : memref<64x128xf32, #tpu.memory_space<vmem>>[vector<16xi32>, vector<16xi32>], vector<16xf32>,
          %gather3A_194 = tpu.vector_load_idx %arg6[%add3A_182, %add3A_105] : memref<64x128xf32, #tpu.memory_space<vmem>>[vector<16xi32>, vector<16xi32>], vector<16xf32>,
          %add3A_195 = arith.addi %mul3A_173, %add3A_182 : vector<16xi32>
          tpu.vector_store_idx %arg8[%shift_right_arithmetic3A_128, %add3A_195], %gather3A_194 : memref<64x128xf32, #tpu.memory_space<vmem>>[vector<16xi32>, vector<16xi32>], vector<16xf32>,
          %gather3A_196 = tpu.vector_load_idx %arg6[%add3A_182, %add3A_108] : memref<64x128xf32, #tpu.memory_space<vmem>>[vector<16xi32>, vector<16xi32>], vector<16xf32>,
          %add3A_197 = arith.addi %mul3A_179, %add3A_182 : vector<16xi32>
          tpu.vector_store_idx %arg8[%shift_right_arithmetic3A_131, %add3A_197], %gather3A_196 : memref<64x128xf32, #tpu.memory_space<vmem>>[vector<16xi32>, vector<16xi32>], vector<16xf32>,
          %add3A_198 = arith.constant 16 : i32
          %add3A_199 = vector.broadcast %add3A_198 : i32 to vector<16xi32>
          %add3A_200 = arith.addi %iota3A, %add3A_199 : vector<16xi32>
          %gather3A_201 = tpu.vector_load_idx %arg6[%add3A_200, %add3A_87] : memref<64x128xf32, #tpu.memory_space<vmem>>[vector<16xi32>, vector<16xi32>], vector<16xf32>,
          %add3A_202 = arith.addi %mul3A_137, %add3A_200 : vector<16xi32>
          tpu.vector_store_idx %arg8[%shift_right_arithmetic3A_110, %add3A_202], %gather3A_201 : memref<64x128xf32, #tpu.memory_space<vmem>>[vector<16xi32>, vector<16xi32>], vector<16xf32>,
          %gather3A_203 = tpu.vector_load_idx %arg6[%add3A_200, %add3A_90] : memref<64x128xf32, #tpu.memory_space<vmem>>[vector<16xi32>, vector<16xi32>], vector<16xf32>,
          %add3A_204 = arith.addi %mul3A_143, %add3A_200 : vector<16xi32>
          tpu.vector_store_idx %arg8[%shift_right_arithmetic3A_113, %add3A_204], %gather3A_203 : memref<64x128xf32, #tpu.memory_space<vmem>>[vector<16xi32>, vector<16xi32>], vector<16xf32>,
          %gather3A_205 = tpu.vector_load_idx %arg6[%add3A_200, %add3A_93] : memref<64x128xf32, #tpu.memory_space<vmem>>[vector<16xi32>, vector<16xi32>], vector<16xf32>,
          %add3A_206 = arith.addi %mul3A_149, %add3A_200 : vector<16xi32>
          tpu.vector_store_idx %arg8[%shift_right_arithmetic3A_116, %add3A_206], %gather3A_205 : memref<64x128xf32, #tpu.memory_space<vmem>>[vector<16xi32>, vector<16xi32>], vector<16xf32>,
          %gather3A_207 = tpu.vector_load_idx %arg6[%add3A_200, %add3A_96] : memref<64x128xf32, #tpu.memory_space<vmem>>[vector<16xi32>, vector<16xi32>], vector<16xf32>,
          %add3A_208 = arith.addi %mul3A_155, %add3A_200 : vector<16xi32>
          tpu.vector_store_idx %arg8[%shift_right_arithmetic3A_119, %add3A_208], %gather3A_207 : memref<64x128xf32, #tpu.memory_space<vmem>>[vector<16xi32>, vector<16xi32>], vector<16xf32>,
          %gather3A_209 = tpu.vector_load_idx %arg6[%add3A_200, %add3A_99] : memref<64x128xf32, #tpu.memory_space<vmem>>[vector<16xi32>, vector<16xi32>], vector<16xf32>,
          %add3A_210 = arith.addi %mul3A_161, %add3A_200 : vector<16xi32>
          tpu.vector_store_idx %arg8[%shift_right_arithmetic3A_122, %add3A_210], %gather3A_209 : memref<64x128xf32, #tpu.memory_space<vmem>>[vector<16xi32>, vector<16xi32>], vector<16xf32>,
          %gather3A_211 = tpu.vector_load_idx %arg6[%add3A_200, %add3A_102] : memref<64x128xf32, #tpu.memory_space<vmem>>[vector<16xi32>, vector<16xi32>], vector<16xf32>,
          %add3A_212 = arith.addi %mul3A_167, %add3A_200 : vector<16xi32>
          tpu.vector_store_idx %arg8[%shift_right_arithmetic3A_125, %add3A_212], %gather3A_211 : memref<64x128xf32, #tpu.memory_space<vmem>>[vector<16xi32>, vector<16xi32>], vector<16xf32>,
          %gather3A_213 = tpu.vector_load_idx %arg6[%add3A_200, %add3A_105] : memref<64x128xf32, #tpu.memory_space<vmem>>[vector<16xi32>, vector<16xi32>], vector<16xf32>,
          %add3A_214 = arith.addi %mul3A_173, %add3A_200 : vector<16xi32>
          tpu.vector_store_idx %arg8[%shift_right_arithmetic3A_128, %add3A_214], %gather3A_213 : memref<64x128xf32, #tpu.memory_space<vmem>>[vector<16xi32>, vector<16xi32>], vector<16xf32>,
          %gather3A_215 = tpu.vector_load_idx %arg6[%add3A_200, %add3A_108] : memref<64x128xf32, #tpu.memory_space<vmem>>[vector<16xi32>, vector<16xi32>], vector<16xf32>,
          %add3A_216 = arith.addi %mul3A_179, %add3A_200 : vector<16xi32>
          tpu.vector_store_idx %arg8[%shift_right_arithmetic3A_131, %add3A_216], %gather3A_215 : memref<64x128xf32, #tpu.memory_space<vmem>>[vector<16xi32>, vector<16xi32>], vector<16xf32>,
          %add3A_217 = arith.constant 32 : i32
          %add3A_218 = vector.broadcast %add3A_217 : i32 to vector<16xi32>
          %add3A_219 = arith.addi %iota3A, %add3A_218 : vector<16xi32>
          %gather3A_220 = tpu.vector_load_idx %arg6[%add3A_219, %add3A_87] : memref<64x128xf32, #tpu.memory_space<vmem>>[vector<16xi32>, vector<16xi32>], vector<16xf32>,
          %add3A_221 = arith.addi %mul3A_137, %add3A_219 : vector<16xi32>
          tpu.vector_store_idx %arg8[%shift_right_arithmetic3A_110, %add3A_221], %gather3A_220 : memref<64x128xf32, #tpu.memory_space<vmem>>[vector<16xi32>, vector<16xi32>], vector<16xf32>,
          %gather3A_222 = tpu.vector_load_idx %arg6[%add3A_219, %add3A_90] : memref<64x128xf32, #tpu.memory_space<vmem>>[vector<16xi32>, vector<16xi32>], vector<16xf32>,
          %add3A_223 = arith.addi %mul3A_143, %add3A_219 : vector<16xi32>
          tpu.vector_store_idx %arg8[%shift_right_arithmetic3A_113, %add3A_223], %gather3A_222 : memref<64x128xf32, #tpu.memory_space<vmem>>[vector<16xi32>, vector<16xi32>], vector<16xf32>,
          %gather3A_224 = tpu.vector_load_idx %arg6[%add3A_219, %add3A_93] : memref<64x128xf32, #tpu.memory_space<vmem>>[vector<16xi32>, vector<16xi32>], vector<16xf32>,
          %add3A_225 = arith.addi %mul3A_149, %add3A_219 : vector<16xi32>
          tpu.vector_store_idx %arg8[%shift_right_arithmetic3A_116, %add3A_225], %gather3A_224 : memref<64x128xf32, #tpu.memory_space<vmem>>[vector<16xi32>, vector<16xi32>], vector<16xf32>,
          %gather3A_226 = tpu.vector_load_idx %arg6[%add3A_219, %add3A_96] : memref<64x128xf32, #tpu.memory_space<vmem>>[vector<16xi32>, vector<16xi32>], vector<16xf32>,
          %add3A_227 = arith.addi %mul3A_155, %add3A_219 : vector<16xi32>
          tpu.vector_store_idx %arg8[%shift_right_arithmetic3A_119, %add3A_227], %gather3A_226 : memref<64x128xf32, #tpu.memory_space<vmem>>[vector<16xi32>, vector<16xi32>], vector<16xf32>,
          %gather3A_228 = tpu.vector_load_idx %arg6[%add3A_219, %add3A_99] : memref<64x128xf32, #tpu.memory_space<vmem>>[vector<16xi32>, vector<16xi32>], vector<16xf32>,
          %add3A_229 = arith.addi %mul3A_161, %add3A_219 : vector<16xi32>
          tpu.vector_store_idx %arg8[%shift_right_arithmetic3A_122, %add3A_229], %gather3A_228 : memref<64x128xf32, #tpu.memory_space<vmem>>[vector<16xi32>, vector<16xi32>], vector<16xf32>,
          %gather3A_230 = tpu.vector_load_idx %arg6[%add3A_219, %add3A_102] : memref<64x128xf32, #tpu.memory_space<vmem>>[vector<16xi32>, vector<16xi32>], vector<16xf32>,
          %add3A_231 = arith.addi %mul3A_167, %add3A_219 : vector<16xi32>
          tpu.vector_store_idx %arg8[%shift_right_arithmetic3A_125, %add3A_231], %gather3A_230 : memref<64x128xf32, #tpu.memory_space<vmem>>[vector<16xi32>, vector<16xi32>], vector<16xf32>,
          %gather3A_232 = tpu.vector_load_idx %arg6[%add3A_219, %add3A_105] : memref<64x128xf32, #tpu.memory_space<vmem>>[vector<16xi32>, vector<16xi32>], vector<16xf32>,
          %add3A_233 = arith.addi %mul3A_173, %add3A_219 : vector<16xi32>
          tpu.vector_store_idx %arg8[%shift_right_arithmetic3A_128, %add3A_233], %gather3A_232 : memref<64x128xf32, #tpu.memory_space<vmem>>[vector<16xi32>, vector<16xi32>], vector<16xf32>,
          %gather3A_234 = tpu.vector_load_idx %arg6[%add3A_219, %add3A_108] : memref<64x128xf32, #tpu.memory_space<vmem>>[vector<16xi32>, vector<16xi32>], vector<16xf32>,
          %add3A_235 = arith.addi %mul3A_179, %add3A_219 : vector<16xi32>
          tpu.vector_store_idx %arg8[%shift_right_arithmetic3A_131, %add3A_235], %gather3A_234 : memref<64x128xf32, #tpu.memory_space<vmem>>[vector<16xi32>, vector<16xi32>], vector<16xf32>,
          %add3A_236 = arith.constant 48 : i32
          %add3A_237 = vector.broadcast %add3A_236 : i32 to vector<16xi32>
          %add3A_238 = arith.addi %iota3A, %add3A_237 : vector<16xi32>
          %gather3A_239 = tpu.vector_load_idx %arg6[%add3A_238, %add3A_87] : memref<64x128xf32, #tpu.memory_space<vmem>>[vector<16xi32>, vector<16xi32>], vector<16xf32>,
          %add3A_240 = arith.addi %mul3A_137, %add3A_238 : vector<16xi32>
          tpu.vector_store_idx %arg8[%shift_right_arithmetic3A_110, %add3A_240], %gather3A_239 : memref<64x128xf32, #tpu.memory_space<vmem>>[vector<16xi32>, vector<16xi32>], vector<16xf32>,
          %gather3A_241 = tpu.vector_load_idx %arg6[%add3A_238, %add3A_90] : memref<64x128xf32, #tpu.memory_space<vmem>>[vector<16xi32>, vector<16xi32>], vector<16xf32>,
          %add3A_242 = arith.addi %mul3A_143, %add3A_238 : vector<16xi32>
          tpu.vector_store_idx %arg8[%shift_right_arithmetic3A_113, %add3A_242], %gather3A_241 : memref<64x128xf32, #tpu.memory_space<vmem>>[vector<16xi32>, vector<16xi32>], vector<16xf32>,
          %gather3A_243 = tpu.vector_load_idx %arg6[%add3A_238, %add3A_93] : memref<64x128xf32, #tpu.memory_space<vmem>>[vector<16xi32>, vector<16xi32>], vector<16xf32>,
          %add3A_244 = arith.addi %mul3A_149, %add3A_238 : vector<16xi32>
          tpu.vector_store_idx %arg8[%shift_right_arithmetic3A_116, %add3A_244], %gather3A_243 : memref<64x128xf32, #tpu.memory_space<vmem>>[vector<16xi32>, vector<16xi32>], vector<16xf32>,
          %gather3A_245 = tpu.vector_load_idx %arg6[%add3A_238, %add3A_96] : memref<64x128xf32, #tpu.memory_space<vmem>>[vector<16xi32>, vector<16xi32>], vector<16xf32>,
          %add3A_246 = arith.addi %mul3A_155, %add3A_238 : vector<16xi32>
          tpu.vector_store_idx %arg8[%shift_right_arithmetic3A_119, %add3A_246], %gather3A_245 : memref<64x128xf32, #tpu.memory_space<vmem>>[vector<16xi32>, vector<16xi32>], vector<16xf32>,
          %gather3A_247 = tpu.vector_load_idx %arg6[%add3A_238, %add3A_99] : memref<64x128xf32, #tpu.memory_space<vmem>>[vector<16xi32>, vector<16xi32>], vector<16xf32>,
          %add3A_248 = arith.addi %mul3A_161, %add3A_238 : vector<16xi32>
          tpu.vector_store_idx %arg8[%shift_right_arithmetic3A_122, %add3A_248], %gather3A_247 : memref<64x128xf32, #tpu.memory_space<vmem>>[vector<16xi32>, vector<16xi32>], vector<16xf32>,
          %gather3A_249 = tpu.vector_load_idx %arg6[%add3A_238, %add3A_102] : memref<64x128xf32, #tpu.memory_space<vmem>>[vector<16xi32>, vector<16xi32>], vector<16xf32>,
          %add3A_250 = arith.addi %mul3A_167, %add3A_238 : vector<16xi32>
          tpu.vector_store_idx %arg8[%shift_right_arithmetic3A_125, %add3A_250], %gather3A_249 : memref<64x128xf32, #tpu.memory_space<vmem>>[vector<16xi32>, vector<16xi32>], vector<16xf32>,
          %gather3A_251 = tpu.vector_load_idx %arg6[%add3A_238, %add3A_105] : memref<64x128xf32, #tpu.memory_space<vmem>>[vector<16xi32>, vector<16xi32>], vector<16xf32>,
          %add3A_252 = arith.addi %mul3A_173, %add3A_238 : vector<16xi32>
          tpu.vector_store_idx %arg8[%shift_right_arithmetic3A_128, %add3A_252], %gather3A_251 : memref<64x128xf32, #tpu.memory_space<vmem>>[vector<16xi32>, vector<16xi32>], vector<16xf32>,
          %gather3A_253 = tpu.vector_load_idx %arg6[%add3A_238, %add3A_108] : memref<64x128xf32, #tpu.memory_space<vmem>>[vector<16xi32>, vector<16xi32>], vector<16xf32>,
          %add3A_254 = arith.addi %mul3A_179, %add3A_238 : vector<16xi32>
          tpu.vector_store_idx %arg8[%shift_right_arithmetic3A_131, %add3A_254], %gather3A_253 : memref<64x128xf32, #tpu.memory_space<vmem>>[vector<16xi32>, vector<16xi32>], vector<16xf32>,
          %mul3A_255 = arith.constant 2 : i32
          %mul3A_256 = arith.muli %mul3A_255, %scan3A_78 : i32
          %add3A_257 = arith.constant 1 : i32
          %add3A_258 = arith.addi %mul3A_256, %add3A_257 : i32
          %add3A_259 = vector.broadcast %add3A_258 : i32 to vector<16xi32>
          %add3A_260 = arith.addi %iota3A, %add3A_259 : vector<16xi32>
          %and3A_261 = arith.constant 15 : i32
          %and3A_262 = vector.broadcast %and3A_261 : i32 to vector<16xi32>
          %and3A_263 = arith.andi %add3A_260, %and3A_262 : vector<16xi32>
          %add3A_264 = arith.constant 0 : i32
          %add3A_265 = vector.broadcast %add3A_264 : i32 to vector<16xi32>
          %add3A_266 = arith.addi %and3A_263, %add3A_265 : vector<16xi32>
          %add3A_267 = arith.constant 16 : i32
          %add3A_268 = vector.broadcast %add3A_267 : i32 to vector<16xi32>
          %add3A_269 = arith.addi %and3A_263, %add3A_268 : vector<16xi32>
          %add3A_270 = arith.constant 32 : i32
          %add3A_271 = vector.broadcast %add3A_270 : i32 to vector<16xi32>
          %add3A_272 = arith.addi %and3A_263, %add3A_271 : vector<16xi32>
          %add3A_273 = arith.constant 48 : i32
          %add3A_274 = vector.broadcast %add3A_273 : i32 to vector<16xi32>
          %add3A_275 = arith.addi %and3A_263, %add3A_274 : vector<16xi32>
          %add3A_276 = arith.constant 64 : i32
          %add3A_277 = vector.broadcast %add3A_276 : i32 to vector<16xi32>
          %add3A_278 = arith.addi %and3A_263, %add3A_277 : vector<16xi32>
          %add3A_279 = arith.constant 80 : i32
          %add3A_280 = vector.broadcast %add3A_279 : i32 to vector<16xi32>
          %add3A_281 = arith.addi %and3A_263, %add3A_280 : vector<16xi32>
          %add3A_282 = arith.constant 96 : i32
          %add3A_283 = vector.broadcast %add3A_282 : i32 to vector<16xi32>
          %add3A_284 = arith.addi %and3A_263, %add3A_283 : vector<16xi32>
          %add3A_285 = arith.constant 112 : i32
          %add3A_286 = vector.broadcast %add3A_285 : i32 to vector<16xi32>
          %add3A_287 = arith.addi %and3A_263, %add3A_286 : vector<16xi32>
          %shift_right_arithmetic3A_288 = arith.constant 1 : i32
          %shift_right_arithmetic3A_289 = vector.broadcast %shift_right_arithmetic3A_288 : i32 to vector<16xi32>
          %shift_right_arithmetic3A_290 = arith.shrsi %add3A_266, %shift_right_arithmetic3A_289 : vector<16xi32>
          %shift_right_arithmetic3A_291 = arith.constant 1 : i32
          %shift_right_arithmetic3A_292 = vector.broadcast %shift_right_arithmetic3A_291 : i32 to vector<16xi32>
          %shift_right_arithmetic3A_293 = arith.shrsi %add3A_269, %shift_right_arithmetic3A_292 : vector<16xi32>
          %shift_right_arithmetic3A_294 = arith.constant 1 : i32
          %shift_right_arithmetic3A_295 = vector.broadcast %shift_right_arithmetic3A_294 : i32 to vector<16xi32>
          %shift_right_arithmetic3A_296 = arith.shrsi %add3A_272, %shift_right_arithmetic3A_295 : vector<16xi32>
          %shift_right_arithmetic3A_297 = arith.constant 1 : i32
          %shift_right_arithmetic3A_298 = vector.broadcast %shift_right_arithmetic3A_297 : i32 to vector<16xi32>
          %shift_right_arithmetic3A_299 = arith.shrsi %add3A_275, %shift_right_arithmetic3A_298 : vector<16xi32>
          %shift_right_arithmetic3A_300 = arith.constant 1 : i32
          %shift_right_arithmetic3A_301 = vector.broadcast %shift_right_arithmetic3A_300 : i32 to vector<16xi32>
          %shift_right_arithmetic3A_302 = arith.shrsi %add3A_278, %shift_right_arithmetic3A_301 : vector<16xi32>
          %shift_right_arithmetic3A_303 = arith.constant 1 : i32
          %shift_right_arithmetic3A_304 = vector.broadcast %shift_right_arithmetic3A_303 : i32 to vector<16xi32>
          %shift_right_arithmetic3A_305 = arith.shrsi %add3A_281, %shift_right_arithmetic3A_304 : vector<16xi32>
          %shift_right_arithmetic3A_306 = arith.constant 1 : i32
          %shift_right_arithmetic3A_307 = vector.broadcast %shift_right_arithmetic3A_306 : i32 to vector<16xi32>
          %shift_right_arithmetic3A_308 = arith.shrsi %add3A_284, %shift_right_arithmetic3A_307 : vector<16xi32>
          %shift_right_arithmetic3A_309 = arith.constant 1 : i32
          %shift_right_arithmetic3A_310 = vector.broadcast %shift_right_arithmetic3A_309 : i32 to vector<16xi32>
          %shift_right_arithmetic3A_311 = arith.shrsi %add3A_287, %shift_right_arithmetic3A_310 : vector<16xi32>
          %and3A_312 = arith.constant 1 : i32
          %and3A_313 = vector.broadcast %and3A_312 : i32 to vector<16xi32>
          %and3A_314 = arith.andi %add3A_266, %and3A_313 : vector<16xi32>
          %mul3A_315 = arith.constant 64 : i32
          %mul3A_316 = vector.broadcast %mul3A_315 : i32 to vector<16xi32>
          %mul3A_317 = arith.muli %and3A_314, %mul3A_316 : vector<16xi32>
          %and3A_318 = arith.constant 1 : i32
          %and3A_319 = vector.broadcast %and3A_318 : i32 to vector<16xi32>
          %and3A_320 = arith.andi %add3A_269, %and3A_319 : vector<16xi32>
          %mul3A_321 = arith.constant 64 : i32
          %mul3A_322 = vector.broadcast %mul3A_321 : i32 to vector<16xi32>
          %mul3A_323 = arith.muli %and3A_320, %mul3A_322 : vector<16xi32>
          %and3A_324 = arith.constant 1 : i32
          %and3A_325 = vector.broadcast %and3A_324 : i32 to vector<16xi32>
          %and3A_326 = arith.andi %add3A_272, %and3A_325 : vector<16xi32>
          %mul3A_327 = arith.constant 64 : i32
          %mul3A_328 = vector.broadcast %mul3A_327 : i32 to vector<16xi32>
          %mul3A_329 = arith.muli %and3A_326, %mul3A_328 : vector<16xi32>
          %and3A_330 = arith.constant 1 : i32
          %and3A_331 = vector.broadcast %and3A_330 : i32 to vector<16xi32>
          %and3A_332 = arith.andi %add3A_275, %and3A_331 : vector<16xi32>
          %mul3A_333 = arith.constant 64 : i32
          %mul3A_334 = vector.broadcast %mul3A_333 : i32 to vector<16xi32>
          %mul3A_335 = arith.muli %and3A_332, %mul3A_334 : vector<16xi32>
          %and3A_336 = arith.constant 1 : i32
          %and3A_337 = vector.broadcast %and3A_336 : i32 to vector<16xi32>
          %and3A_338 = arith.andi %add3A_278, %and3A_337 : vector<16xi32>
          %mul3A_339 = arith.constant 64 : i32
          %mul3A_340 = vector.broadcast %mul3A_339 : i32 to vector<16xi32>
          %mul3A_341 = arith.muli %and3A_338, %mul3A_340 : vector<16xi32>
          %and3A_342 = arith.constant 1 : i32
          %and3A_343 = vector.broadcast %and3A_342 : i32 to vector<16xi32>
          %and3A_344 = arith.andi %add3A_281, %and3A_343 : vector<16xi32>
          %mul3A_345 = arith.constant 64 : i32
          %mul3A_346 = vector.broadcast %mul3A_345 : i32 to vector<16xi32>
          %mul3A_347 = arith.muli %and3A_344, %mul3A_346 : vector<16xi32>
          %and3A_348 = arith.constant 1 : i32
          %and3A_349 = vector.broadcast %and3A_348 : i32 to vector<16xi32>
          %and3A_350 = arith.andi %add3A_284, %and3A_349 : vector<16xi32>
          %mul3A_351 = arith.constant 64 : i32
          %mul3A_352 = vector.broadcast %mul3A_351 : i32 to vector<16xi32>
          %mul3A_353 = arith.muli %and3A_350, %mul3A_352 : vector<16xi32>
          %and3A_354 = arith.constant 1 : i32
          %and3A_355 = vector.broadcast %and3A_354 : i32 to vector<16xi32>
          %and3A_356 = arith.andi %add3A_287, %and3A_355 : vector<16xi32>
          %mul3A_357 = arith.constant 64 : i32
          %mul3A_358 = vector.broadcast %mul3A_357 : i32 to vector<16xi32>
          %mul3A_359 = arith.muli %and3A_356, %mul3A_358 : vector<16xi32>
          %add3A_360 = arith.constant 0 : i32
          %add3A_361 = vector.broadcast %add3A_360 : i32 to vector<16xi32>
          %add3A_362 = arith.addi %iota3A, %add3A_361 : vector<16xi32>
          %gather3A_363 = tpu.vector_load_idx %arg6[%add3A_362, %add3A_266] : memref<64x128xf32, #tpu.memory_space<vmem>>[vector<16xi32>, vector<16xi32>], vector<16xf32>,
          %add3A_364 = arith.addi %mul3A_317, %add3A_362 : vector<16xi32>
          tpu.vector_store_idx %arg8[%shift_right_arithmetic3A_290, %add3A_364], %gather3A_363 : memref<64x128xf32, #tpu.memory_space<vmem>>[vector<16xi32>, vector<16xi32>], vector<16xf32>,
          %gather3A_365 = tpu.vector_load_idx %arg6[%add3A_362, %add3A_269] : memref<64x128xf32, #tpu.memory_space<vmem>>[vector<16xi32>, vector<16xi32>], vector<16xf32>,
          %add3A_366 = arith.addi %mul3A_323, %add3A_362 : vector<16xi32>
          tpu.vector_store_idx %arg8[%shift_right_arithmetic3A_293, %add3A_366], %gather3A_365 : memref<64x128xf32, #tpu.memory_space<vmem>>[vector<16xi32>, vector<16xi32>], vector<16xf32>,
          %gather3A_367 = tpu.vector_load_idx %arg6[%add3A_362, %add3A_272] : memref<64x128xf32, #tpu.memory_space<vmem>>[vector<16xi32>, vector<16xi32>], vector<16xf32>,
          %add3A_368 = arith.addi %mul3A_329, %add3A_362 : vector<16xi32>
          tpu.vector_store_idx %arg8[%shift_right_arithmetic3A_296, %add3A_368], %gather3A_367 : memref<64x128xf32, #tpu.memory_space<vmem>>[vector<16xi32>, vector<16xi32>], vector<16xf32>,
          %gather3A_369 = tpu.vector_load_idx %arg6[%add3A_362, %add3A_275] : memref<64x128xf32, #tpu.memory_space<vmem>>[vector<16xi32>, vector<16xi32>], vector<16xf32>,
          %add3A_370 = arith.addi %mul3A_335, %add3A_362 : vector<16xi32>
          tpu.vector_store_idx %arg8[%shift_right_arithmetic3A_299, %add3A_370], %gather3A_369 : memref<64x128xf32, #tpu.memory_space<vmem>>[vector<16xi32>, vector<16xi32>], vector<16xf32>,
          %gather3A_371 = tpu.vector_load_idx %arg6[%add3A_362, %add3A_278] : memref<64x128xf32, #tpu.memory_space<vmem>>[vector<16xi32>, vector<16xi32>], vector<16xf32>,
          %add3A_372 = arith.addi %mul3A_341, %add3A_362 : vector<16xi32>
          tpu.vector_store_idx %arg8[%shift_right_arithmetic3A_302, %add3A_372], %gather3A_371 : memref<64x128xf32, #tpu.memory_space<vmem>>[vector<16xi32>, vector<16xi32>], vector<16xf32>,
          %gather3A_373 = tpu.vector_load_idx %arg6[%add3A_362, %add3A_281] : memref<64x128xf32, #tpu.memory_space<vmem>>[vector<16xi32>, vector<16xi32>], vector<16xf32>,
          %add3A_374 = arith.addi %mul3A_347, %add3A_362 : vector<16xi32>
          tpu.vector_store_idx %arg8[%shift_right_arithmetic3A_305, %add3A_374], %gather3A_373 : memref<64x128xf32, #tpu.memory_space<vmem>>[vector<16xi32>, vector<16xi32>], vector<16xf32>,
          %gather3A_375 = tpu.vector_load_idx %arg6[%add3A_362, %add3A_284] : memref<64x128xf32, #tpu.memory_space<vmem>>[vector<16xi32>, vector<16xi32>], vector<16xf32>,
          %add3A_376 = arith.addi %mul3A_353, %add3A_362 : vector<16xi32>
          tpu.vector_store_idx %arg8[%shift_right_arithmetic3A_308, %add3A_376], %gather3A_375 : memref<64x128xf32, #tpu.memory_space<vmem>>[vector<16xi32>, vector<16xi32>], vector<16xf32>,
          %gather3A_377 = tpu.vector_load_idx %arg6[%add3A_362, %add3A_287] : memref<64x128xf32, #tpu.memory_space<vmem>>[vector<16xi32>, vector<16xi32>], vector<16xf32>,
          %add3A_378 = arith.addi %mul3A_359, %add3A_362 : vector<16xi32>
          tpu.vector_store_idx %arg8[%shift_right_arithmetic3A_311, %add3A_378], %gather3A_377 : memref<64x128xf32, #tpu.memory_space<vmem>>[vector<16xi32>, vector<16xi32>], vector<16xf32>,
          %add3A_379 = arith.constant 16 : i32
          %add3A_380 = vector.broadcast %add3A_379 : i32 to vector<16xi32>
          %add3A_381 = arith.addi %iota3A, %add3A_380 : vector<16xi32>
          %gather3A_382 = tpu.vector_load_idx %arg6[%add3A_381, %add3A_266] : memref<64x128xf32, #tpu.memory_space<vmem>>[vector<16xi32>, vector<16xi32>], vector<16xf32>,
          %add3A_383 = arith.addi %mul3A_317, %add3A_381 : vector<16xi32>
          tpu.vector_store_idx %arg8[%shift_right_arithmetic3A_290, %add3A_383], %gather3A_382 : memref<64x128xf32, #tpu.memory_space<vmem>>[vector<16xi32>, vector<16xi32>], vector<16xf32>,
          %gather3A_384 = tpu.vector_load_idx %arg6[%add3A_381, %add3A_269] : memref<64x128xf32, #tpu.memory_space<vmem>>[vector<16xi32>, vector<16xi32>], vector<16xf32>,
          %add3A_385 = arith.addi %mul3A_323, %add3A_381 : vector<16xi32>
          tpu.vector_store_idx %arg8[%shift_right_arithmetic3A_293, %add3A_385], %gather3A_384 : memref<64x128xf32, #tpu.memory_space<vmem>>[vector<16xi32>, vector<16xi32>], vector<16xf32>,
          %gather3A_386 = tpu.vector_load_idx %arg6[%add3A_381, %add3A_272] : memref<64x128xf32, #tpu.memory_space<vmem>>[vector<16xi32>, vector<16xi32>], vector<16xf32>,
          %add3A_387 = arith.addi %mul3A_329, %add3A_381 : vector<16xi32>
          tpu.vector_store_idx %arg8[%shift_right_arithmetic3A_296, %add3A_387], %gather3A_386 : memref<64x128xf32, #tpu.memory_space<vmem>>[vector<16xi32>, vector<16xi32>], vector<16xf32>,
          %gather3A_388 = tpu.vector_load_idx %arg6[%add3A_381, %add3A_275] : memref<64x128xf32, #tpu.memory_space<vmem>>[vector<16xi32>, vector<16xi32>], vector<16xf32>,
          %add3A_389 = arith.addi %mul3A_335, %add3A_381 : vector<16xi32>
          tpu.vector_store_idx %arg8[%shift_right_arithmetic3A_299, %add3A_389], %gather3A_388 : memref<64x128xf32, #tpu.memory_space<vmem>>[vector<16xi32>, vector<16xi32>], vector<16xf32>,
          %gather3A_390 = tpu.vector_load_idx %arg6[%add3A_381, %add3A_278] : memref<64x128xf32, #tpu.memory_space<vmem>>[vector<16xi32>, vector<16xi32>], vector<16xf32>,
          %add3A_391 = arith.addi %mul3A_341, %add3A_381 : vector<16xi32>
          tpu.vector_store_idx %arg8[%shift_right_arithmetic3A_302, %add3A_391], %gather3A_390 : memref<64x128xf32, #tpu.memory_space<vmem>>[vector<16xi32>, vector<16xi32>], vector<16xf32>,
          %gather3A_392 = tpu.vector_load_idx %arg6[%add3A_381, %add3A_281] : memref<64x128xf32, #tpu.memory_space<vmem>>[vector<16xi32>, vector<16xi32>], vector<16xf32>,
          %add3A_393 = arith.addi %mul3A_347, %add3A_381 : vector<16xi32>
          tpu.vector_store_idx %arg8[%shift_right_arithmetic3A_305, %add3A_393], %gather3A_392 : memref<64x128xf32, #tpu.memory_space<vmem>>[vector<16xi32>, vector<16xi32>], vector<16xf32>,
          %gather3A_394 = tpu.vector_load_idx %arg6[%add3A_381, %add3A_284] : memref<64x128xf32, #tpu.memory_space<vmem>>[vector<16xi32>, vector<16xi32>], vector<16xf32>,
          %add3A_395 = arith.addi %mul3A_353, %add3A_381 : vector<16xi32>
          tpu.vector_store_idx %arg8[%shift_right_arithmetic3A_308, %add3A_395], %gather3A_394 : memref<64x128xf32, #tpu.memory_space<vmem>>[vector<16xi32>, vector<16xi32>], vector<16xf32>,
          %gather3A_396 = tpu.vector_load_idx %arg6[%add3A_381, %add3A_287] : memref<64x128xf32, #tpu.memory_space<vmem>>[vector<16xi32>, vector<16xi32>], vector<16xf32>,
          %add3A_397 = arith.addi %mul3A_359, %add3A_381 : vector<16xi32>
          tpu.vector_store_idx %arg8[%shift_right_arithmetic3A_311, %add3A_397], %gather3A_396 : memref<64x128xf32, #tpu.memory_space<vmem>>[vector<16xi32>, vector<16xi32>], vector<16xf32>,
          %add3A_398 = arith.constant 32 : i32
          %add3A_399 = vector.broadcast %add3A_398 : i32 to vector<16xi32>
          %add3A_400 = arith.addi %iota3A, %add3A_399 : vector<16xi32>
          %gather3A_401 = tpu.vector_load_idx %arg6[%add3A_400, %add3A_266] : memref<64x128xf32, #tpu.memory_space<vmem>>[vector<16xi32>, vector<16xi32>], vector<16xf32>,
          %add3A_402 = arith.addi %mul3A_317, %add3A_400 : vector<16xi32>
          tpu.vector_store_idx %arg8[%shift_right_arithmetic3A_290, %add3A_402], %gather3A_401 : memref<64x128xf32, #tpu.memory_space<vmem>>[vector<16xi32>, vector<16xi32>], vector<16xf32>,
          %gather3A_403 = tpu.vector_load_idx %arg6[%add3A_400, %add3A_269] : memref<64x128xf32, #tpu.memory_space<vmem>>[vector<16xi32>, vector<16xi32>], vector<16xf32>,
          %add3A_404 = arith.addi %mul3A_323, %add3A_400 : vector<16xi32>
          tpu.vector_store_idx %arg8[%shift_right_arithmetic3A_293, %add3A_404], %gather3A_403 : memref<64x128xf32, #tpu.memory_space<vmem>>[vector<16xi32>, vector<16xi32>], vector<16xf32>,
          %gather3A_405 = tpu.vector_load_idx %arg6[%add3A_400, %add3A_272] : memref<64x128xf32, #tpu.memory_space<vmem>>[vector<16xi32>, vector<16xi32>], vector<16xf32>,
          %add3A_406 = arith.addi %mul3A_329, %add3A_400 : vector<16xi32>
          tpu.vector_store_idx %arg8[%shift_right_arithmetic3A_296, %add3A_406], %gather3A_405 : memref<64x128xf32, #tpu.memory_space<vmem>>[vector<16xi32>, vector<16xi32>], vector<16xf32>,
          %gather3A_407 = tpu.vector_load_idx %arg6[%add3A_400, %add3A_275] : memref<64x128xf32, #tpu.memory_space<vmem>>[vector<16xi32>, vector<16xi32>], vector<16xf32>,
          %add3A_408 = arith.addi %mul3A_335, %add3A_400 : vector<16xi32>
          tpu.vector_store_idx %arg8[%shift_right_arithmetic3A_299, %add3A_408], %gather3A_407 : memref<64x128xf32, #tpu.memory_space<vmem>>[vector<16xi32>, vector<16xi32>], vector<16xf32>,
          %gather3A_409 = tpu.vector_load_idx %arg6[%add3A_400, %add3A_278] : memref<64x128xf32, #tpu.memory_space<vmem>>[vector<16xi32>, vector<16xi32>], vector<16xf32>,
          %add3A_410 = arith.addi %mul3A_341, %add3A_400 : vector<16xi32>
          tpu.vector_store_idx %arg8[%shift_right_arithmetic3A_302, %add3A_410], %gather3A_409 : memref<64x128xf32, #tpu.memory_space<vmem>>[vector<16xi32>, vector<16xi32>], vector<16xf32>,
          %gather3A_411 = tpu.vector_load_idx %arg6[%add3A_400, %add3A_281] : memref<64x128xf32, #tpu.memory_space<vmem>>[vector<16xi32>, vector<16xi32>], vector<16xf32>,
          %add3A_412 = arith.addi %mul3A_347, %add3A_400 : vector<16xi32>
          tpu.vector_store_idx %arg8[%shift_right_arithmetic3A_305, %add3A_412], %gather3A_411 : memref<64x128xf32, #tpu.memory_space<vmem>>[vector<16xi32>, vector<16xi32>], vector<16xf32>,
          %gather3A_413 = tpu.vector_load_idx %arg6[%add3A_400, %add3A_284] : memref<64x128xf32, #tpu.memory_space<vmem>>[vector<16xi32>, vector<16xi32>], vector<16xf32>,
          %add3A_414 = arith.addi %mul3A_353, %add3A_400 : vector<16xi32>
          tpu.vector_store_idx %arg8[%shift_right_arithmetic3A_308, %add3A_414], %gather3A_413 : memref<64x128xf32, #tpu.memory_space<vmem>>[vector<16xi32>, vector<16xi32>], vector<16xf32>,
          %gather3A_415 = tpu.vector_load_idx %arg6[%add3A_400, %add3A_287] : memref<64x128xf32, #tpu.memory_space<vmem>>[vector<16xi32>, vector<16xi32>], vector<16xf32>,
          %add3A_416 = arith.addi %mul3A_359, %add3A_400 : vector<16xi32>
          tpu.vector_store_idx %arg8[%shift_right_arithmetic3A_311, %add3A_416], %gather3A_415 : memref<64x128xf32, #tpu.memory_space<vmem>>[vector<16xi32>, vector<16xi32>], vector<16xf32>,
          %add3A_417 = arith.constant 48 : i32
          %add3A_418 = vector.broadcast %add3A_417 : i32 to vector<16xi32>
          %add3A_419 = arith.addi %iota3A, %add3A_418 : vector<16xi32>
          %gather3A_420 = tpu.vector_load_idx %arg6[%add3A_419, %add3A_266] : memref<64x128xf32, #tpu.memory_space<vmem>>[vector<16xi32>, vector<16xi32>], vector<16xf32>,
          %add3A_421 = arith.addi %mul3A_317, %add3A_419 : vector<16xi32>
          tpu.vector_store_idx %arg8[%shift_right_arithmetic3A_290, %add3A_421], %gather3A_420 : memref<64x128xf32, #tpu.memory_space<vmem>>[vector<16xi32>, vector<16xi32>], vector<16xf32>,
          %gather3A_422 = tpu.vector_load_idx %arg6[%add3A_419, %add3A_269] : memref<64x128xf32, #tpu.memory_space<vmem>>[vector<16xi32>, vector<16xi32>], vector<16xf32>,
          %add3A_423 = arith.addi %mul3A_323, %add3A_419 : vector<16xi32>
          tpu.vector_store_idx %arg8[%shift_right_arithmetic3A_293, %add3A_423], %gather3A_422 : memref<64x128xf32, #tpu.memory_space<vmem>>[vector<16xi32>, vector<16xi32>], vector<16xf32>,
          %gather3A_424 = tpu.vector_load_idx %arg6[%add3A_419, %add3A_272] : memref<64x128xf32, #tpu.memory_space<vmem>>[vector<16xi32>, vector<16xi32>], vector<16xf32>,
          %add3A_425 = arith.addi %mul3A_329, %add3A_419 : vector<16xi32>
          tpu.vector_store_idx %arg8[%shift_right_arithmetic3A_296, %add3A_425], %gather3A_424 : memref<64x128xf32, #tpu.memory_space<vmem>>[vector<16xi32>, vector<16xi32>], vector<16xf32>,
          %gather3A_426 = tpu.vector_load_idx %arg6[%add3A_419, %add3A_275] : memref<64x128xf32, #tpu.memory_space<vmem>>[vector<16xi32>, vector<16xi32>], vector<16xf32>,
          %add3A_427 = arith.addi %mul3A_335, %add3A_419 : vector<16xi32>
          tpu.vector_store_idx %arg8[%shift_right_arithmetic3A_299, %add3A_427], %gather3A_426 : memref<64x128xf32, #tpu.memory_space<vmem>>[vector<16xi32>, vector<16xi32>], vector<16xf32>,
          %gather3A_428 = tpu.vector_load_idx %arg6[%add3A_419, %add3A_278] : memref<64x128xf32, #tpu.memory_space<vmem>>[vector<16xi32>, vector<16xi32>], vector<16xf32>,
          %add3A_429 = arith.addi %mul3A_341, %add3A_419 : vector<16xi32>
          tpu.vector_store_idx %arg8[%shift_right_arithmetic3A_302, %add3A_429], %gather3A_428 : memref<64x128xf32, #tpu.memory_space<vmem>>[vector<16xi32>, vector<16xi32>], vector<16xf32>,
          %gather3A_430 = tpu.vector_load_idx %arg6[%add3A_419, %add3A_281] : memref<64x128xf32, #tpu.memory_space<vmem>>[vector<16xi32>, vector<16xi32>], vector<16xf32>,
          %add3A_431 = arith.addi %mul3A_347, %add3A_419 : vector<16xi32>
          tpu.vector_store_idx %arg8[%shift_right_arithmetic3A_305, %add3A_431], %gather3A_430 : memref<64x128xf32, #tpu.memory_space<vmem>>[vector<16xi32>, vector<16xi32>], vector<16xf32>,
          %gather3A_432 = tpu.vector_load_idx %arg6[%add3A_419, %add3A_284] : memref<64x128xf32, #tpu.memory_space<vmem>>[vector<16xi32>, vector<16xi32>], vector<16xf32>,
          %add3A_433 = arith.addi %mul3A_353, %add3A_419 : vector<16xi32>
          tpu.vector_store_idx %arg8[%shift_right_arithmetic3A_308, %add3A_433], %gather3A_432 : memref<64x128xf32, #tpu.memory_space<vmem>>[vector<16xi32>, vector<16xi32>], vector<16xf32>,
          %gather3A_434 = tpu.vector_load_idx %arg6[%add3A_419, %add3A_287] : memref<64x128xf32, #tpu.memory_space<vmem>>[vector<16xi32>, vector<16xi32>], vector<16xf32>,
          %add3A_435 = arith.addi %mul3A_359, %add3A_419 : vector<16xi32>
          tpu.vector_store_idx %arg8[%shift_right_arithmetic3A_311, %add3A_435], %gather3A_434 : memref<64x128xf32, #tpu.memory_space<vmem>>[vector<16xi32>, vector<16xi32>], vector<16xf32>,
        }
        %scan3A_63 = arith.constant 8 : i32
        %add3A_64 = arith.constant 64 : i32
        %add3A_65 = arith.addi %add3A_38, %add3A_64 : i32
        %lt3A_66 = arith.constant 7812 : i32
        %lt3A_67 = arith.cmpi slt, %add3A_65, %lt3A_66 : i32
        %convert_element_type3A_68 = arith.extui %lt3A_67 : i1 to i32
        %cond3A_69 = arith.constant 0 : i32
        %cond3A_70 = arith.cmpi ne, %convert_element_type3A_68, %cond3A_69 : i32
        scf.if %cond3A_70 {
          %add3A_78 = arith.constant 64 : i32
          %add3A_79 = arith.addi %add3A_38, %add3A_78 : i32
          %mul3A_80 = arith.constant 128 : i32
          %mul3A_81 = arith.muli %add3A_79, %mul3A_80 : i32
          %multiple_of3A_82 = tpu.assume_multiple %mul3A_81, 128 : i32
          %dma_start3A_83 = arith.constant 0 : i32
          %dma_start3A_84 = tpu.memref_slice %arg2[%dma_start3A_83, %multiple_of3A_82] : memref<64x1000000xf32, #tpu.memory_space<hbm>> -> memref<64x128xf32, #tpu.memory_space<hbm>>
          %dma_start3A_85 = arith.constant 0 : i32
          %dma_start3A_86 = tpu.memref_slice %arg2[%dma_start3A_85, %multiple_of3A_82] : memref<64x1000000xf32, #tpu.memory_space<hbm>> -> memref<64x128xf32, #tpu.memory_space<hbm>>
          tpu.enqueue_dma source(%dma_start3A_86 : memref<64x128xf32, #tpu.memory_space<hbm>>) target(%arg6 : memref<64x128xf32, #tpu.memory_space<vmem>>) target_semaphore(%arg10 : memref<!tpu.dma_semaphore, #tpu.memory_space<semaphore_mem>>)
        } else {
        }
        %mul3A_71 = arith.constant 64 : i32
        %mul3A_72 = arith.muli %add3A_38, %mul3A_71 : i32
        %multiple_of3A_73 = tpu.assume_multiple %mul3A_72, 64 : i32
        %dma_start3A_74 = arith.constant 0 : i32
        %dma_start3A_75 = tpu.memref_slice %arg4[%multiple_of3A_73, %dma_start3A_74] : memref<500032x128xf32, #tpu.memory_space<hbm>> -> memref<64x128xf32, #tpu.memory_space<hbm>>
        %dma_start3A_76 = arith.constant 0 : i32
        %dma_start3A_77 = tpu.memref_slice %arg4[%multiple_of3A_73, %dma_start3A_76] : memref<500032x128xf32, #tpu.memory_space<hbm>> -> memref<64x128xf32, #tpu.memory_space<hbm>>
        tpu.enqueue_dma source(%arg8 : memref<64x128xf32, #tpu.memory_space<vmem>>) target(%dma_start3A_77 : memref<64x128xf32, #tpu.memory_space<hbm>>) target_semaphore(%arg12 : memref<!tpu.dma_semaphore, #tpu.memory_space<semaphore_mem>>)
      } else {
      }
    }
    %scan3A_21 = arith.constant 123 : i32
    %dma_wait3A = arith.constant 0 : i32
    %dma_wait3A_22 = arith.constant 0 : i32
    %dma_wait3A_23 = tpu.memref_slice %arg4[%dma_wait3A, %dma_wait3A_22] : memref<500032x128xf32, #tpu.memory_space<hbm>> -> memref<64x128xf32, #tpu.memory_space<hbm>>
    %dma_wait3A_24 = arith.constant 0 : i32
    %dma_wait3A_25 = arith.constant 0 : i32
    %dma_wait3A_26 = tpu.memref_slice %arg4[%dma_wait3A_24, %dma_wait3A_25] : memref<500032x128xf32, #tpu.memory_space<hbm>> -> memref<64x128xf32, #tpu.memory_space<hbm>>
    tpu.wait_dma2 semaphore(%arg11 : memref<!tpu.dma_semaphore, #tpu.memory_space<semaphore_mem>>) src(%arg7 : memref<64x128xf32, #tpu.memory_space<vmem>>) dst(%dma_wait3A_26 : memref<64x128xf32, #tpu.memory_space<hbm>>)
    %dma_wait3A_27 = arith.constant 0 : i32
    %dma_wait3A_28 = arith.constant 0 : i32
    %dma_wait3A_29 = tpu.memref_slice %arg4[%dma_wait3A_27, %dma_wait3A_28] : memref<500032x128xf32, #tpu.memory_space<hbm>> -> memref<64x128xf32, #tpu.memory_space<hbm>>
    %dma_wait3A_30 = arith.constant 0 : i32
    %dma_wait3A_31 = arith.constant 0 : i32
    %dma_wait3A_32 = tpu.memref_slice %arg4[%dma_wait3A_30, %dma_wait3A_31] : memref<500032x128xf32, #tpu.memory_space<hbm>> -> memref<64x128xf32, #tpu.memory_space<hbm>>
    tpu.wait_dma2 semaphore(%arg12 : memref<!tpu.dma_semaphore, #tpu.memory_space<semaphore_mem>>) src(%arg8 : memref<64x128xf32, #tpu.memory_space<vmem>>) dst(%dma_wait3A_32 : memref<64x128xf32, #tpu.memory_space<hbm>>)
    return
  }
}

#map = affine_map<(d0, d1) -> (0, 0)>
module attributes {stable_mosaic.version = 14 : i64} {
  func.func @k(%arg0: i32, %arg1: i32, %arg2: memref<6400x128xi32, #tpu.memory_space<hbm>>, %arg3: memref<1000064x64xf32, #tpu.memory_space<hbm>>, %arg4: memref<4096x64xf32, #tpu.memory_space<hbm>>, %arg5: memref<200x128xi32, #tpu.memory_space<vmem>>, %arg6: memref<128x64xf32, #tpu.memory_space<vmem>>, %arg7: memref<128x64xf32, #tpu.memory_space<vmem>>, %arg8: memref<128x64xf32, #tpu.memory_space<vmem>>, %arg9: memref<!tpu.dma_semaphore, #tpu.memory_space<semaphore_mem>>, %arg10: memref<!tpu.dma_semaphore, #tpu.memory_space<semaphore_mem>>) attributes {dimension_semantics = [#tpu.dimension_semantics<core_parallel>, #tpu.dimension_semantics<subcore_parallel>], iteration_bounds = array<i64: 2, 16>, scalar_prefetch = 0 : i64, scratch_operands = 6 : i64, tpu.core_type = #tpu.core_type<sc_vector_subcore>, window_params = [{transform_indices = #map}, {transform_indices = #map}, {transform_indices = #map}]} {
    %mul3A = arith.constant 2 : i32
    %mul3A_0 = arith.muli %arg1, %mul3A : i32
    %add3A = arith.addi %mul3A_0, %arg0 : i32
    %mul3A_1 = arith.constant 128 : i32
    %mul3A_2 = arith.muli %add3A, %mul3A_1 : i32
    %mul3A_3 = arith.constant 200 : i32
    %mul3A_4 = arith.muli %add3A, %mul3A_3 : i32
    "tpu.region"() ({
      %run_scoped3A = tpu.sem_alloc : memref<!tpu.dma_semaphore, #tpu.memory_space<semaphore_mem>>
      %dma_start3A_26 = arith.constant 0 : i32
      %dma_start3A_27 = tpu.memref_slice %arg2[%mul3A_4, %dma_start3A_26] : memref<6400x128xi32, #tpu.memory_space<hbm>> -> memref<200x128xi32, #tpu.memory_space<hbm>>
      %dma_start3A_28 = arith.constant 0 : i32
      %dma_start3A_29 = tpu.memref_slice %arg2[%mul3A_4, %dma_start3A_28] : memref<6400x128xi32, #tpu.memory_space<hbm>> -> memref<200x128xi32, #tpu.memory_space<hbm>>
      tpu.enqueue_dma source(%dma_start3A_29 : memref<200x128xi32, #tpu.memory_space<hbm>>) target(%arg5 : memref<200x128xi32, #tpu.memory_space<vmem>>) target_semaphore(%run_scoped3A : memref<!tpu.dma_semaphore, #tpu.memory_space<semaphore_mem>>)
      %dma_wait3A = arith.constant 0 : i32
      %dma_wait3A_30 = tpu.memref_slice %arg2[%mul3A_4, %dma_wait3A] : memref<6400x128xi32, #tpu.memory_space<hbm>> -> memref<200x128xi32, #tpu.memory_space<hbm>>
      %dma_wait3A_31 = arith.constant 0 : i32
      %dma_wait3A_32 = tpu.memref_slice %arg2[%mul3A_4, %dma_wait3A_31] : memref<6400x128xi32, #tpu.memory_space<hbm>> -> memref<200x128xi32, #tpu.memory_space<hbm>>
      tpu.wait_dma2 semaphore(%run_scoped3A : memref<!tpu.dma_semaphore, #tpu.memory_space<semaphore_mem>>) src(%dma_wait3A_32 : memref<200x128xi32, #tpu.memory_space<hbm>>) dst(%arg5 : memref<200x128xi32, #tpu.memory_space<vmem>>)
      tpu.yield
    }) : () -> ()
    %broadcast_in_dim3A = arith.constant 5.000000e-03 : f32
    %broadcast_in_dim3A_5 = vector.broadcast %broadcast_in_dim3A : f32 to vector<16xf32>
    %broadcast_in_dim3A_6 = arith.constant 0.000000e+00 : f32
    %broadcast_in_dim3A_7 = vector.broadcast %broadcast_in_dim3A_6 : f32 to vector<16xf32>
    %dma_start3A = arith.constant 0 : i32
    %dma_start3A_8 = arith.constant 0 : i32
    %dma_start3A_9 = tpu.memref_slice %arg5[%dma_start3A, %dma_start3A_8] : memref<200x128xi32, #tpu.memory_space<vmem>> -> memref<1x128xi32, #tpu.memory_space<vmem>>
    %dma_start3A_10 = tpu.memref_squeeze %dma_start3A_9 : memref<1x128xi32, #tpu.memory_space<vmem>> -> memref<128xi32, #tpu.memory_space<vmem>>
    %dma_start3A_11 = arith.constant 0 : i32
    %dma_start3A_12 = arith.constant 0 : i32
    %dma_start3A_13 = tpu.memref_slice %arg3[%dma_start3A_11, %dma_start3A_12] : memref<1000064x64xf32, #tpu.memory_space<hbm>> -> memref<1000064x64xf32, #tpu.memory_space<hbm>>
    tpu.enqueue_indirect_dma source(%dma_start3A_13 : memref<1000064x64xf32, #tpu.memory_space<hbm>>) target(%arg6 : memref<128x64xf32, #tpu.memory_space<vmem>>) offsets(%dma_start3A_10 : memref<128xi32, #tpu.memory_space<vmem>>) semaphore(%arg9 : memref<!tpu.dma_semaphore, #tpu.memory_space<semaphore_mem>>)
    %dma_start3A_14 = arith.constant 1 : i32
    %dma_start3A_15 = arith.constant 0 : i32
    %dma_start3A_16 = tpu.memref_slice %arg5[%dma_start3A_14, %dma_start3A_15] : memref<200x128xi32, #tpu.memory_space<vmem>> -> memref<1x128xi32, #tpu.memory_space<vmem>>
    %dma_start3A_17 = tpu.memref_squeeze %dma_start3A_16 : memref<1x128xi32, #tpu.memory_space<vmem>> -> memref<128xi32, #tpu.memory_space<vmem>>
    %dma_start3A_18 = arith.constant 0 : i32
    %dma_start3A_19 = arith.constant 0 : i32
    %dma_start3A_20 = tpu.memref_slice %arg3[%dma_start3A_18, %dma_start3A_19] : memref<1000064x64xf32, #tpu.memory_space<hbm>> -> memref<1000064x64xf32, #tpu.memory_space<hbm>>
    tpu.enqueue_indirect_dma source(%dma_start3A_20 : memref<1000064x64xf32, #tpu.memory_space<hbm>>) target(%arg7 : memref<128x64xf32, #tpu.memory_space<vmem>>) offsets(%dma_start3A_17 : memref<128xi32, #tpu.memory_space<vmem>>) semaphore(%arg10 : memref<!tpu.dma_semaphore, #tpu.memory_space<semaphore_mem>>)
    %scan3A = arith.constant 0 : i32
    %scan3A_21 = arith.constant 100 : i32
    %scan3A_22 = arith.addi %scan3A, %scan3A_21 : i32
    %scan3A_23 = arith.constant 1 : i32
    %scan3A_24:4 = scf.for %scan3A_26 = %scan3A to %scan3A_22 step %scan3A_23 iter_args(%scan3A_27 = %broadcast_in_dim3A_7, %scan3A_28 = %broadcast_in_dim3A_7, %scan3A_29 = %broadcast_in_dim3A_7, %scan3A_30 = %broadcast_in_dim3A_7) -> (vector<16xf32>, vector<16xf32>, vector<16xf32>, vector<16xf32>)  : i32 {
      %mul3A_31 = arith.constant 2 : i32
      %mul3A_32 = arith.muli %mul3A_31, %scan3A_26 : i32
      %dma_wait3A = arith.constant 0 : i32
      %dma_wait3A_33 = tpu.memref_slice %arg5[%mul3A_32, %dma_wait3A] : memref<200x128xi32, #tpu.memory_space<vmem>> -> memref<1x128xi32, #tpu.memory_space<vmem>>
      %dma_wait3A_34 = tpu.memref_squeeze %dma_wait3A_33 : memref<1x128xi32, #tpu.memory_space<vmem>> -> memref<128xi32, #tpu.memory_space<vmem>>
      %dma_wait3A_35 = arith.constant 0 : i32
      %dma_wait3A_36 = arith.constant 0 : i32
      %dma_wait3A_37 = tpu.memref_slice %arg3[%dma_wait3A_35, %dma_wait3A_36] : memref<1000064x64xf32, #tpu.memory_space<hbm>> -> memref<1000064x64xf32, #tpu.memory_space<hbm>>
      tpu.wait_indirect_dma semaphore(%arg9 : memref<!tpu.dma_semaphore, #tpu.memory_space<semaphore_mem>>) src(%dma_wait3A_37 : memref<1000064x64xf32, #tpu.memory_space<hbm>>) dst(%arg6 : memref<128x64xf32, #tpu.memory_space<vmem>>)
      %mul3A_38 = arith.constant 128 : i32
      %mul3A_39 = arith.muli %mul3A_32, %mul3A_38 : i32
      %jit3A = arith.constant 200 : i32
      %div3A = arith.divsi %mul3A_39, %jit3A : i32
      %sign3A = arith.constant 0 : i32
      %sign3A_40 = arith.cmpi sgt, %mul3A_39, %sign3A : i32
      %sign3A_41 = arith.extui %sign3A_40 : i1 to i32
      %sign3A_42 = arith.constant 0 : i32
      %sign3A_43 = arith.cmpi slt, %mul3A_39, %sign3A_42 : i32
      %sign3A_44 = arith.extui %sign3A_43 : i1 to i32
      %sign3A_45 = arith.subi %sign3A_41, %sign3A_44 : i32
      %sign3A_46 = arith.constant 0 : i32
      %sign3A_47 = arith.cmpi sgt, %jit3A, %sign3A_46 : i32
      %sign3A_48 = arith.extui %sign3A_47 : i1 to i32
      %sign3A_49 = arith.constant 0 : i32
      %sign3A_50 = arith.cmpi slt, %jit3A, %sign3A_49 : i32
      %sign3A_51 = arith.extui %sign3A_50 : i1 to i32
      %sign3A_52 = arith.subi %sign3A_48, %sign3A_51 : i32
      %ne3A = arith.cmpi ne, %sign3A_45, %sign3A_52 : i32
      %rem3A = arith.remsi %mul3A_39, %jit3A : i32
      %ne3A_53 = arith.constant 0 : i32
      %ne3A_54 = arith.cmpi ne, %rem3A, %ne3A_53 : i32
      %and3A = arith.andi %ne3A, %ne3A_54 : i1
      %sub3A = arith.constant 1 : i32
      %sub3A_55 = arith.subi %div3A, %sub3A : i32
      %select_n3A = arith.select %and3A, %sub3A_55, %div3A : i32
      %add3A_56 = arith.constant 1 : i32
      %add3A_57 = arith.addi %select_n3A, %add3A_56 : i32
      %mul3A_58 = arith.constant 200 : i32
      %mul3A_59 = arith.muli %add3A_57, %mul3A_58 : i32
      %sub3A_60 = arith.subi %mul3A_59, %mul3A_39 : i32
      %min3A = arith.constant 128 : i32
      %min3A_61 = arith.minsi %sub3A_60, %min3A : i32
      %sub3A_62 = arith.constant 0 : i32
      %sub3A_63 = arith.subi %min3A_61, %sub3A_62 : i32
      %shift_right_arithmetic3A = arith.constant 2 : i32
      %shift_right_arithmetic3A_64 = arith.shrsi %sub3A_63, %shift_right_arithmetic3A : i32
      %while3A = arith.constant 0 : i32
      %while3A_65 = arith.subi %shift_right_arithmetic3A_64, %while3A : i32
      %while3A_66 = arith.addi %while3A, %while3A_65 : i32
      %while3A_67 = arith.constant 1 : i32
      %while3A_68 = arith.divsi %while3A_65, %while3A_67 : i32
      %while3A_69 = arith.muli %while3A_68, %while3A_67 : i32
      %while3A_70 = arith.addi %while3A, %while3A_69 : i32
      %while3A_71 = arith.constant 1 : i32
      %while3A_72:4 = scf.for %while3A_650 = %while3A to %while3A_70 step %while3A_71 iter_args(%while3A_651 = %scan3A_27, %while3A_652 = %scan3A_28, %while3A_653 = %scan3A_29, %while3A_654 = %scan3A_30) -> (vector<16xf32>, vector<16xf32>, vector<16xf32>, vector<16xf32>)  : i32 {
        %mul3A_655 = arith.constant 4 : i32
        %mul3A_656 = arith.muli %mul3A_655, %while3A_650 : i32
        %add3A_657 = arith.constant 0 : i32
        %add3A_658 = arith.addi %add3A_657, %mul3A_656 : i32
        %add3A_659 = arith.constant 3 : i32
        %add3A_660 = arith.addi %add3A_658, %add3A_659 : i32
        %add3A_661 = arith.constant 2 : i32
        %add3A_662 = arith.addi %add3A_658, %add3A_661 : i32
        %add3A_663 = arith.constant 1 : i32
        %add3A_664 = arith.addi %add3A_658, %add3A_663 : i32
        %get3A_665 = arith.index_cast %add3A_658 : i32 to index
        %get3A_666 = arith.constant 0 : index
        %get3A_667 = tpu.vector_load %arg6[%get3A_665, %get3A_666] {strides = array<i32>} : memref<128x64xf32, #tpu.memory_space<vmem>>, vector<1x16xf32>,
        %get3A_668 = vector.shape_cast %get3A_667 : vector<1x16xf32> to vector<16xf32>
        %add3A_669 = arith.addf %while3A_651, %get3A_668 : vector<16xf32>
        %get3A_670 = arith.index_cast %add3A_658 : i32 to index
        %get3A_671 = arith.constant 16 : index
        %get3A_672 = tpu.vector_load %arg6[%get3A_670, %get3A_671] {strides = array<i32>} : memref<128x64xf32, #tpu.memory_space<vmem>>, vector<1x16xf32>,
        %get3A_673 = vector.shape_cast %get3A_672 : vector<1x16xf32> to vector<16xf32>
        %add3A_674 = arith.addf %while3A_652, %get3A_673 : vector<16xf32>
        %get3A_675 = arith.index_cast %add3A_658 : i32 to index
        %get3A_676 = arith.constant 32 : index
        %get3A_677 = tpu.vector_load %arg6[%get3A_675, %get3A_676] {strides = array<i32>} : memref<128x64xf32, #tpu.memory_space<vmem>>, vector<1x16xf32>,
        %get3A_678 = vector.shape_cast %get3A_677 : vector<1x16xf32> to vector<16xf32>
        %add3A_679 = arith.addf %while3A_653, %get3A_678 : vector<16xf32>
        %get3A_680 = arith.index_cast %add3A_658 : i32 to index
        %get3A_681 = arith.constant 48 : index
        %get3A_682 = tpu.vector_load %arg6[%get3A_680, %get3A_681] {strides = array<i32>} : memref<128x64xf32, #tpu.memory_space<vmem>>, vector<1x16xf32>,
        %get3A_683 = vector.shape_cast %get3A_682 : vector<1x16xf32> to vector<16xf32>
        %add3A_684 = arith.addf %while3A_654, %get3A_683 : vector<16xf32>
        %get3A_685 = arith.index_cast %add3A_664 : i32 to index
        %get3A_686 = arith.constant 0 : index
        %get3A_687 = tpu.vector_load %arg6[%get3A_685, %get3A_686] {strides = array<i32>} : memref<128x64xf32, #tpu.memory_space<vmem>>, vector<1x16xf32>,
        %get3A_688 = vector.shape_cast %get3A_687 : vector<1x16xf32> to vector<16xf32>
        %add3A_689 = arith.addf %add3A_669, %get3A_688 : vector<16xf32>
        %get3A_690 = arith.index_cast %add3A_664 : i32 to index
        %get3A_691 = arith.constant 16 : index
        %get3A_692 = tpu.vector_load %arg6[%get3A_690, %get3A_691] {strides = array<i32>} : memref<128x64xf32, #tpu.memory_space<vmem>>, vector<1x16xf32>,
        %get3A_693 = vector.shape_cast %get3A_692 : vector<1x16xf32> to vector<16xf32>
        %add3A_694 = arith.addf %add3A_674, %get3A_693 : vector<16xf32>
        %get3A_695 = arith.index_cast %add3A_664 : i32 to index
        %get3A_696 = arith.constant 32 : index
        %get3A_697 = tpu.vector_load %arg6[%get3A_695, %get3A_696] {strides = array<i32>} : memref<128x64xf32, #tpu.memory_space<vmem>>, vector<1x16xf32>,
        %get3A_698 = vector.shape_cast %get3A_697 : vector<1x16xf32> to vector<16xf32>
        %add3A_699 = arith.addf %add3A_679, %get3A_698 : vector<16xf32>
        %get3A_700 = arith.index_cast %add3A_664 : i32 to index
        %get3A_701 = arith.constant 48 : index
        %get3A_702 = tpu.vector_load %arg6[%get3A_700, %get3A_701] {strides = array<i32>} : memref<128x64xf32, #tpu.memory_space<vmem>>, vector<1x16xf32>,
        %get3A_703 = vector.shape_cast %get3A_702 : vector<1x16xf32> to vector<16xf32>
        %add3A_704 = arith.addf %add3A_684, %get3A_703 : vector<16xf32>
        %get3A_705 = arith.index_cast %add3A_662 : i32 to index
        %get3A_706 = arith.constant 0 : index
        %get3A_707 = tpu.vector_load %arg6[%get3A_705, %get3A_706] {strides = array<i32>} : memref<128x64xf32, #tpu.memory_space<vmem>>, vector<1x16xf32>,
        %get3A_708 = vector.shape_cast %get3A_707 : vector<1x16xf32> to vector<16xf32>
        %add3A_709 = arith.addf %add3A_689, %get3A_708 : vector<16xf32>
        %get3A_710 = arith.index_cast %add3A_662 : i32 to index
        %get3A_711 = arith.constant 16 : index
        %get3A_712 = tpu.vector_load %arg6[%get3A_710, %get3A_711] {strides = array<i32>} : memref<128x64xf32, #tpu.memory_space<vmem>>, vector<1x16xf32>,
        %get3A_713 = vector.shape_cast %get3A_712 : vector<1x16xf32> to vector<16xf32>
        %add3A_714 = arith.addf %add3A_694, %get3A_713 : vector<16xf32>
        %get3A_715 = arith.index_cast %add3A_662 : i32 to index
        %get3A_716 = arith.constant 32 : index
        %get3A_717 = tpu.vector_load %arg6[%get3A_715, %get3A_716] {strides = array<i32>} : memref<128x64xf32, #tpu.memory_space<vmem>>, vector<1x16xf32>,
        %get3A_718 = vector.shape_cast %get3A_717 : vector<1x16xf32> to vector<16xf32>
        %add3A_719 = arith.addf %add3A_699, %get3A_718 : vector<16xf32>
        %get3A_720 = arith.index_cast %add3A_662 : i32 to index
        %get3A_721 = arith.constant 48 : index
        %get3A_722 = tpu.vector_load %arg6[%get3A_720, %get3A_721] {strides = array<i32>} : memref<128x64xf32, #tpu.memory_space<vmem>>, vector<1x16xf32>,
        %get3A_723 = vector.shape_cast %get3A_722 : vector<1x16xf32> to vector<16xf32>
        %add3A_724 = arith.addf %add3A_704, %get3A_723 : vector<16xf32>
        %get3A_725 = arith.index_cast %add3A_660 : i32 to index
        %get3A_726 = arith.constant 0 : index
        %get3A_727 = tpu.vector_load %arg6[%get3A_725, %get3A_726] {strides = array<i32>} : memref<128x64xf32, #tpu.memory_space<vmem>>, vector<1x16xf32>,
        %get3A_728 = vector.shape_cast %get3A_727 : vector<1x16xf32> to vector<16xf32>
        %add3A_729 = arith.addf %add3A_709, %get3A_728 : vector<16xf32>
        %get3A_730 = arith.index_cast %add3A_660 : i32 to index
        %get3A_731 = arith.constant 16 : index
        %get3A_732 = tpu.vector_load %arg6[%get3A_730, %get3A_731] {strides = array<i32>} : memref<128x64xf32, #tpu.memory_space<vmem>>, vector<1x16xf32>,
        %get3A_733 = vector.shape_cast %get3A_732 : vector<1x16xf32> to vector<16xf32>
        %add3A_734 = arith.addf %add3A_714, %get3A_733 : vector<16xf32>
        %get3A_735 = arith.index_cast %add3A_660 : i32 to index
        %get3A_736 = arith.constant 32 : index
        %get3A_737 = tpu.vector_load %arg6[%get3A_735, %get3A_736] {strides = array<i32>} : memref<128x64xf32, #tpu.memory_space<vmem>>, vector<1x16xf32>,
        %get3A_738 = vector.shape_cast %get3A_737 : vector<1x16xf32> to vector<16xf32>
        %add3A_739 = arith.addf %add3A_719, %get3A_738 : vector<16xf32>
        %get3A_740 = arith.index_cast %add3A_660 : i32 to index
        %get3A_741 = arith.constant 48 : index
        %get3A_742 = tpu.vector_load %arg6[%get3A_740, %get3A_741] {strides = array<i32>} : memref<128x64xf32, #tpu.memory_space<vmem>>, vector<1x16xf32>,
        %get3A_743 = vector.shape_cast %get3A_742 : vector<1x16xf32> to vector<16xf32>
        %add3A_744 = arith.addf %add3A_724, %get3A_743 : vector<16xf32>
        scf.yield %add3A_729, %add3A_734, %add3A_739, %add3A_744 : vector<16xf32>, vector<16xf32>, vector<16xf32>, vector<16xf32>
      }
      %while3A_73 = arith.constant 1 : i32
      %while3A_74:4 = scf.for %while3A_650 = %while3A_70 to %while3A_66 step %while3A_73 iter_args(%while3A_651 = %while3A_72#0, %while3A_652 = %while3A_72#1, %while3A_653 = %while3A_72#2, %while3A_654 = %while3A_72#3) -> (vector<16xf32>, vector<16xf32>, vector<16xf32>, vector<16xf32>)  : i32 {
        %mul3A_655 = arith.constant 4 : i32
        %mul3A_656 = arith.muli %mul3A_655, %while3A_650 : i32
        %add3A_657 = arith.constant 0 : i32
        %add3A_658 = arith.addi %add3A_657, %mul3A_656 : i32
        %add3A_659 = arith.constant 3 : i32
        %add3A_660 = arith.addi %add3A_658, %add3A_659 : i32
        %add3A_661 = arith.constant 2 : i32
        %add3A_662 = arith.addi %add3A_658, %add3A_661 : i32
        %add3A_663 = arith.constant 1 : i32
        %add3A_664 = arith.addi %add3A_658, %add3A_663 : i32
        %get3A_665 = arith.index_cast %add3A_658 : i32 to index
        %get3A_666 = arith.constant 0 : index
        %get3A_667 = tpu.vector_load %arg6[%get3A_665, %get3A_666] {strides = array<i32>} : memref<128x64xf32, #tpu.memory_space<vmem>>, vector<1x16xf32>,
        %get3A_668 = vector.shape_cast %get3A_667 : vector<1x16xf32> to vector<16xf32>
        %add3A_669 = arith.addf %while3A_651, %get3A_668 : vector<16xf32>
        %get3A_670 = arith.index_cast %add3A_658 : i32 to index
        %get3A_671 = arith.constant 16 : index
        %get3A_672 = tpu.vector_load %arg6[%get3A_670, %get3A_671] {strides = array<i32>} : memref<128x64xf32, #tpu.memory_space<vmem>>, vector<1x16xf32>,
        %get3A_673 = vector.shape_cast %get3A_672 : vector<1x16xf32> to vector<16xf32>
        %add3A_674 = arith.addf %while3A_652, %get3A_673 : vector<16xf32>
        %get3A_675 = arith.index_cast %add3A_658 : i32 to index
        %get3A_676 = arith.constant 32 : index
        %get3A_677 = tpu.vector_load %arg6[%get3A_675, %get3A_676] {strides = array<i32>} : memref<128x64xf32, #tpu.memory_space<vmem>>, vector<1x16xf32>,
        %get3A_678 = vector.shape_cast %get3A_677 : vector<1x16xf32> to vector<16xf32>
        %add3A_679 = arith.addf %while3A_653, %get3A_678 : vector<16xf32>
        %get3A_680 = arith.index_cast %add3A_658 : i32 to index
        %get3A_681 = arith.constant 48 : index
        %get3A_682 = tpu.vector_load %arg6[%get3A_680, %get3A_681] {strides = array<i32>} : memref<128x64xf32, #tpu.memory_space<vmem>>, vector<1x16xf32>,
        %get3A_683 = vector.shape_cast %get3A_682 : vector<1x16xf32> to vector<16xf32>
        %add3A_684 = arith.addf %while3A_654, %get3A_683 : vector<16xf32>
        %get3A_685 = arith.index_cast %add3A_664 : i32 to index
        %get3A_686 = arith.constant 0 : index
        %get3A_687 = tpu.vector_load %arg6[%get3A_685, %get3A_686] {strides = array<i32>} : memref<128x64xf32, #tpu.memory_space<vmem>>, vector<1x16xf32>,
        %get3A_688 = vector.shape_cast %get3A_687 : vector<1x16xf32> to vector<16xf32>
        %add3A_689 = arith.addf %add3A_669, %get3A_688 : vector<16xf32>
        %get3A_690 = arith.index_cast %add3A_664 : i32 to index
        %get3A_691 = arith.constant 16 : index
        %get3A_692 = tpu.vector_load %arg6[%get3A_690, %get3A_691] {strides = array<i32>} : memref<128x64xf32, #tpu.memory_space<vmem>>, vector<1x16xf32>,
        %get3A_693 = vector.shape_cast %get3A_692 : vector<1x16xf32> to vector<16xf32>
        %add3A_694 = arith.addf %add3A_674, %get3A_693 : vector<16xf32>
        %get3A_695 = arith.index_cast %add3A_664 : i32 to index
        %get3A_696 = arith.constant 32 : index
        %get3A_697 = tpu.vector_load %arg6[%get3A_695, %get3A_696] {strides = array<i32>} : memref<128x64xf32, #tpu.memory_space<vmem>>, vector<1x16xf32>,
        %get3A_698 = vector.shape_cast %get3A_697 : vector<1x16xf32> to vector<16xf32>
        %add3A_699 = arith.addf %add3A_679, %get3A_698 : vector<16xf32>
        %get3A_700 = arith.index_cast %add3A_664 : i32 to index
        %get3A_701 = arith.constant 48 : index
        %get3A_702 = tpu.vector_load %arg6[%get3A_700, %get3A_701] {strides = array<i32>} : memref<128x64xf32, #tpu.memory_space<vmem>>, vector<1x16xf32>,
        %get3A_703 = vector.shape_cast %get3A_702 : vector<1x16xf32> to vector<16xf32>
        %add3A_704 = arith.addf %add3A_684, %get3A_703 : vector<16xf32>
        %get3A_705 = arith.index_cast %add3A_662 : i32 to index
        %get3A_706 = arith.constant 0 : index
        %get3A_707 = tpu.vector_load %arg6[%get3A_705, %get3A_706] {strides = array<i32>} : memref<128x64xf32, #tpu.memory_space<vmem>>, vector<1x16xf32>,
        %get3A_708 = vector.shape_cast %get3A_707 : vector<1x16xf32> to vector<16xf32>
        %add3A_709 = arith.addf %add3A_689, %get3A_708 : vector<16xf32>
        %get3A_710 = arith.index_cast %add3A_662 : i32 to index
        %get3A_711 = arith.constant 16 : index
        %get3A_712 = tpu.vector_load %arg6[%get3A_710, %get3A_711] {strides = array<i32>} : memref<128x64xf32, #tpu.memory_space<vmem>>, vector<1x16xf32>,
        %get3A_713 = vector.shape_cast %get3A_712 : vector<1x16xf32> to vector<16xf32>
        %add3A_714 = arith.addf %add3A_694, %get3A_713 : vector<16xf32>
        %get3A_715 = arith.index_cast %add3A_662 : i32 to index
        %get3A_716 = arith.constant 32 : index
        %get3A_717 = tpu.vector_load %arg6[%get3A_715, %get3A_716] {strides = array<i32>} : memref<128x64xf32, #tpu.memory_space<vmem>>, vector<1x16xf32>,
        %get3A_718 = vector.shape_cast %get3A_717 : vector<1x16xf32> to vector<16xf32>
        %add3A_719 = arith.addf %add3A_699, %get3A_718 : vector<16xf32>
        %get3A_720 = arith.index_cast %add3A_662 : i32 to index
        %get3A_721 = arith.constant 48 : index
        %get3A_722 = tpu.vector_load %arg6[%get3A_720, %get3A_721] {strides = array<i32>} : memref<128x64xf32, #tpu.memory_space<vmem>>, vector<1x16xf32>,
        %get3A_723 = vector.shape_cast %get3A_722 : vector<1x16xf32> to vector<16xf32>
        %add3A_724 = arith.addf %add3A_704, %get3A_723 : vector<16xf32>
        %get3A_725 = arith.index_cast %add3A_660 : i32 to index
        %get3A_726 = arith.constant 0 : index
        %get3A_727 = tpu.vector_load %arg6[%get3A_725, %get3A_726] {strides = array<i32>} : memref<128x64xf32, #tpu.memory_space<vmem>>, vector<1x16xf32>,
        %get3A_728 = vector.shape_cast %get3A_727 : vector<1x16xf32> to vector<16xf32>
        %add3A_729 = arith.addf %add3A_709, %get3A_728 : vector<16xf32>
        %get3A_730 = arith.index_cast %add3A_660 : i32 to index
        %get3A_731 = arith.constant 16 : index
        %get3A_732 = tpu.vector_load %arg6[%get3A_730, %get3A_731] {strides = array<i32>} : memref<128x64xf32, #tpu.memory_space<vmem>>, vector<1x16xf32>,
        %get3A_733 = vector.shape_cast %get3A_732 : vector<1x16xf32> to vector<16xf32>
        %add3A_734 = arith.addf %add3A_714, %get3A_733 : vector<16xf32>
        %get3A_735 = arith.index_cast %add3A_660 : i32 to index
        %get3A_736 = arith.constant 32 : index
        %get3A_737 = tpu.vector_load %arg6[%get3A_735, %get3A_736] {strides = array<i32>} : memref<128x64xf32, #tpu.memory_space<vmem>>, vector<1x16xf32>,
        %get3A_738 = vector.shape_cast %get3A_737 : vector<1x16xf32> to vector<16xf32>
        %add3A_739 = arith.addf %add3A_719, %get3A_738 : vector<16xf32>
        %get3A_740 = arith.index_cast %add3A_660 : i32 to index
        %get3A_741 = arith.constant 48 : index
        %get3A_742 = tpu.vector_load %arg6[%get3A_740, %get3A_741] {strides = array<i32>} : memref<128x64xf32, #tpu.memory_space<vmem>>, vector<1x16xf32>,
        %get3A_743 = vector.shape_cast %get3A_742 : vector<1x16xf32> to vector<16xf32>
        %add3A_744 = arith.addf %add3A_724, %get3A_743 : vector<16xf32>
        scf.yield %add3A_729, %add3A_734, %add3A_739, %add3A_744 : vector<16xf32>, vector<16xf32>, vector<16xf32>, vector<16xf32>
      }
      %sub3A_75 = arith.constant 0 : i32
      %sub3A_76 = arith.subi %min3A_61, %sub3A_75 : i32
      %and3A_77 = arith.constant 3 : i32
      %and3A_78 = arith.andi %sub3A_76, %and3A_77 : i32
      %broadcast_in_dim3A_79 = arith.constant 0.000000e+00 : f32
      %broadcast_in_dim3A_80 = vector.broadcast %broadcast_in_dim3A_79 : f32 to vector<16xf32>
      %sub3A_81 = arith.constant 1 : i32
      %sub3A_82 = arith.subi %min3A_61, %sub3A_81 : i32
      %sub3A_83 = arith.constant 0 : i32
      %sub3A_84 = arith.subi %sub3A_82, %sub3A_83 : i32
      %max3A = arith.constant 0 : i32
      %max3A_85 = arith.maxsi %sub3A_84, %max3A : i32
      %gt3A = arith.constant 0 : i32
      %gt3A_86 = arith.cmpi sgt, %and3A_78, %gt3A : i32
      %get3A = arith.index_cast %max3A_85 : i32 to index
      %get3A_87 = arith.constant 0 : index
      %get3A_88 = tpu.vector_load %arg6[%get3A, %get3A_87] {strides = array<i32>} : memref<128x64xf32, #tpu.memory_space<vmem>>, vector<1x16xf32>,
      %get3A_89 = vector.shape_cast %get3A_88 : vector<1x16xf32> to vector<16xf32>
      %select_n3A_90 = arith.select %gt3A_86, %get3A_89, %broadcast_in_dim3A_80 : vector<16xf32>
      %add3A_91 = arith.addf %while3A_74#0, %select_n3A_90 : vector<16xf32>
      %gt3A_92 = arith.constant 0 : i32
      %gt3A_93 = arith.cmpi sgt, %and3A_78, %gt3A_92 : i32
      %get3A_94 = arith.index_cast %max3A_85 : i32 to index
      %get3A_95 = arith.constant 16 : index
      %get3A_96 = tpu.vector_load %arg6[%get3A_94, %get3A_95] {strides = array<i32>} : memref<128x64xf32, #tpu.memory_space<vmem>>, vector<1x16xf32>,
      %get3A_97 = vector.shape_cast %get3A_96 : vector<1x16xf32> to vector<16xf32>
      %select_n3A_98 = arith.select %gt3A_93, %get3A_97, %broadcast_in_dim3A_80 : vector<16xf32>
      %add3A_99 = arith.addf %while3A_74#1, %select_n3A_98 : vector<16xf32>
      %gt3A_100 = arith.constant 0 : i32
      %gt3A_101 = arith.cmpi sgt, %and3A_78, %gt3A_100 : i32
      %get3A_102 = arith.index_cast %max3A_85 : i32 to index
      %get3A_103 = arith.constant 32 : index
      %get3A_104 = tpu.vector_load %arg6[%get3A_102, %get3A_103] {strides = array<i32>} : memref<128x64xf32, #tpu.memory_space<vmem>>, vector<1x16xf32>,
      %get3A_105 = vector.shape_cast %get3A_104 : vector<1x16xf32> to vector<16xf32>
      %select_n3A_106 = arith.select %gt3A_101, %get3A_105, %broadcast_in_dim3A_80 : vector<16xf32>
      %add3A_107 = arith.addf %while3A_74#2, %select_n3A_106 : vector<16xf32>
      %gt3A_108 = arith.constant 0 : i32
      %gt3A_109 = arith.cmpi sgt, %and3A_78, %gt3A_108 : i32
      %get3A_110 = arith.index_cast %max3A_85 : i32 to index
      %get3A_111 = arith.constant 48 : index
      %get3A_112 = tpu.vector_load %arg6[%get3A_110, %get3A_111] {strides = array<i32>} : memref<128x64xf32, #tpu.memory_space<vmem>>, vector<1x16xf32>,
      %get3A_113 = vector.shape_cast %get3A_112 : vector<1x16xf32> to vector<16xf32>
      %select_n3A_114 = arith.select %gt3A_109, %get3A_113, %broadcast_in_dim3A_80 : vector<16xf32>
      %add3A_115 = arith.addf %while3A_74#3, %select_n3A_114 : vector<16xf32>
      %sub3A_116 = arith.constant 1 : i32
      %sub3A_117 = arith.subi %min3A_61, %sub3A_116 : i32
      %sub3A_118 = arith.constant 1 : i32
      %sub3A_119 = arith.subi %sub3A_117, %sub3A_118 : i32
      %max3A_120 = arith.constant 0 : i32
      %max3A_121 = arith.maxsi %sub3A_119, %max3A_120 : i32
      %gt3A_122 = arith.constant 1 : i32
      %gt3A_123 = arith.cmpi sgt, %and3A_78, %gt3A_122 : i32
      %get3A_124 = arith.index_cast %max3A_121 : i32 to index
      %get3A_125 = arith.constant 0 : index
      %get3A_126 = tpu.vector_load %arg6[%get3A_124, %get3A_125] {strides = array<i32>} : memref<128x64xf32, #tpu.memory_space<vmem>>, vector<1x16xf32>,
      %get3A_127 = vector.shape_cast %get3A_126 : vector<1x16xf32> to vector<16xf32>
      %select_n3A_128 = arith.select %gt3A_123, %get3A_127, %broadcast_in_dim3A_80 : vector<16xf32>
      %add3A_129 = arith.addf %add3A_91, %select_n3A_128 : vector<16xf32>
      %gt3A_130 = arith.constant 1 : i32
      %gt3A_131 = arith.cmpi sgt, %and3A_78, %gt3A_130 : i32
      %get3A_132 = arith.index_cast %max3A_121 : i32 to index
      %get3A_133 = arith.constant 16 : index
      %get3A_134 = tpu.vector_load %arg6[%get3A_132, %get3A_133] {strides = array<i32>} : memref<128x64xf32, #tpu.memory_space<vmem>>, vector<1x16xf32>,
      %get3A_135 = vector.shape_cast %get3A_134 : vector<1x16xf32> to vector<16xf32>
      %select_n3A_136 = arith.select %gt3A_131, %get3A_135, %broadcast_in_dim3A_80 : vector<16xf32>
      %add3A_137 = arith.addf %add3A_99, %select_n3A_136 : vector<16xf32>
      %gt3A_138 = arith.constant 1 : i32
      %gt3A_139 = arith.cmpi sgt, %and3A_78, %gt3A_138 : i32
      %get3A_140 = arith.index_cast %max3A_121 : i32 to index
      %get3A_141 = arith.constant 32 : index
      %get3A_142 = tpu.vector_load %arg6[%get3A_140, %get3A_141] {strides = array<i32>} : memref<128x64xf32, #tpu.memory_space<vmem>>, vector<1x16xf32>,
      %get3A_143 = vector.shape_cast %get3A_142 : vector<1x16xf32> to vector<16xf32>
      %select_n3A_144 = arith.select %gt3A_139, %get3A_143, %broadcast_in_dim3A_80 : vector<16xf32>
      %add3A_145 = arith.addf %add3A_107, %select_n3A_144 : vector<16xf32>
      %gt3A_146 = arith.constant 1 : i32
      %gt3A_147 = arith.cmpi sgt, %and3A_78, %gt3A_146 : i32
      %get3A_148 = arith.index_cast %max3A_121 : i32 to index
      %get3A_149 = arith.constant 48 : index
      %get3A_150 = tpu.vector_load %arg6[%get3A_148, %get3A_149] {strides = array<i32>} : memref<128x64xf32, #tpu.memory_space<vmem>>, vector<1x16xf32>,
      %get3A_151 = vector.shape_cast %get3A_150 : vector<1x16xf32> to vector<16xf32>
      %select_n3A_152 = arith.select %gt3A_147, %get3A_151, %broadcast_in_dim3A_80 : vector<16xf32>
      %add3A_153 = arith.addf %add3A_115, %select_n3A_152 : vector<16xf32>
      %sub3A_154 = arith.constant 1 : i32
      %sub3A_155 = arith.subi %min3A_61, %sub3A_154 : i32
      %sub3A_156 = arith.constant 2 : i32
      %sub3A_157 = arith.subi %sub3A_155, %sub3A_156 : i32
      %max3A_158 = arith.constant 0 : i32
      %max3A_159 = arith.maxsi %sub3A_157, %max3A_158 : i32
      %gt3A_160 = arith.constant 2 : i32
      %gt3A_161 = arith.cmpi sgt, %and3A_78, %gt3A_160 : i32
      %get3A_162 = arith.index_cast %max3A_159 : i32 to index
      %get3A_163 = arith.constant 0 : index
      %get3A_164 = tpu.vector_load %arg6[%get3A_162, %get3A_163] {strides = array<i32>} : memref<128x64xf32, #tpu.memory_space<vmem>>, vector<1x16xf32>,
      %get3A_165 = vector.shape_cast %get3A_164 : vector<1x16xf32> to vector<16xf32>
      %select_n3A_166 = arith.select %gt3A_161, %get3A_165, %broadcast_in_dim3A_80 : vector<16xf32>
      %add3A_167 = arith.addf %add3A_129, %select_n3A_166 : vector<16xf32>
      %gt3A_168 = arith.constant 2 : i32
      %gt3A_169 = arith.cmpi sgt, %and3A_78, %gt3A_168 : i32
      %get3A_170 = arith.index_cast %max3A_159 : i32 to index
      %get3A_171 = arith.constant 16 : index
      %get3A_172 = tpu.vector_load %arg6[%get3A_170, %get3A_171] {strides = array<i32>} : memref<128x64xf32, #tpu.memory_space<vmem>>, vector<1x16xf32>,
      %get3A_173 = vector.shape_cast %get3A_172 : vector<1x16xf32> to vector<16xf32>
      %select_n3A_174 = arith.select %gt3A_169, %get3A_173, %broadcast_in_dim3A_80 : vector<16xf32>
      %add3A_175 = arith.addf %add3A_137, %select_n3A_174 : vector<16xf32>
      %gt3A_176 = arith.constant 2 : i32
      %gt3A_177 = arith.cmpi sgt, %and3A_78, %gt3A_176 : i32
      %get3A_178 = arith.index_cast %max3A_159 : i32 to index
      %get3A_179 = arith.constant 32 : index
      %get3A_180 = tpu.vector_load %arg6[%get3A_178, %get3A_179] {strides = array<i32>} : memref<128x64xf32, #tpu.memory_space<vmem>>, vector<1x16xf32>,
      %get3A_181 = vector.shape_cast %get3A_180 : vector<1x16xf32> to vector<16xf32>
      %select_n3A_182 = arith.select %gt3A_177, %get3A_181, %broadcast_in_dim3A_80 : vector<16xf32>
      %add3A_183 = arith.addf %add3A_145, %select_n3A_182 : vector<16xf32>
      %gt3A_184 = arith.constant 2 : i32
      %gt3A_185 = arith.cmpi sgt, %and3A_78, %gt3A_184 : i32
      %get3A_186 = arith.index_cast %max3A_159 : i32 to index
      %get3A_187 = arith.constant 48 : index
      %get3A_188 = tpu.vector_load %arg6[%get3A_186, %get3A_187] {strides = array<i32>} : memref<128x64xf32, #tpu.memory_space<vmem>>, vector<1x16xf32>,
      %get3A_189 = vector.shape_cast %get3A_188 : vector<1x16xf32> to vector<16xf32>
      %select_n3A_190 = arith.select %gt3A_185, %get3A_189, %broadcast_in_dim3A_80 : vector<16xf32>
      %add3A_191 = arith.addf %add3A_153, %select_n3A_190 : vector<16xf32>
      %le3A = arith.constant 128 : i32
      %le3A_192 = arith.cmpi sle, %sub3A_60, %le3A : i32
      %convert_element_type3A = arith.extui %le3A_192 : i1 to i32
      %cond3A = arith.constant 0 : i32
      %cond3A_193 = arith.cmpi ne, %convert_element_type3A, %cond3A : i32
      scf.if %cond3A_193 {
        %mul3A_650 = arith.mulf %add3A_167, %broadcast_in_dim3A_5 : vector<16xf32>
        %swap3A = arith.index_cast %select_n3A : i32 to index
        %swap3A_651 = arith.constant 0 : index
        %swap3A_652 = tpu.vector_load %arg8[%swap3A, %swap3A_651] {strides = array<i32>} : memref<128x64xf32, #tpu.memory_space<vmem>>, vector<1x16xf32>,
        %swap3A_653 = vector.shape_cast %swap3A_652 : vector<1x16xf32> to vector<16xf32>
        %swap3A_654 = vector.shape_cast %mul3A_650 : vector<16xf32> to vector<1x16xf32>
        tpu.vector_store %arg8[%swap3A, %swap3A_651], %swap3A_654 {strides = array<i32>} : memref<128x64xf32, #tpu.memory_space<vmem>>, vector<1x16xf32>,
        %mul3A_655 = arith.mulf %add3A_175, %broadcast_in_dim3A_5 : vector<16xf32>
        %swap3A_656 = arith.index_cast %select_n3A : i32 to index
        %swap3A_657 = arith.constant 16 : index
        %swap3A_658 = tpu.vector_load %arg8[%swap3A_656, %swap3A_657] {strides = array<i32>} : memref<128x64xf32, #tpu.memory_space<vmem>>, vector<1x16xf32>,
        %swap3A_659 = vector.shape_cast %swap3A_658 : vector<1x16xf32> to vector<16xf32>
        %swap3A_660 = vector.shape_cast %mul3A_655 : vector<16xf32> to vector<1x16xf32>
        tpu.vector_store %arg8[%swap3A_656, %swap3A_657], %swap3A_660 {strides = array<i32>} : memref<128x64xf32, #tpu.memory_space<vmem>>, vector<1x16xf32>,
        %mul3A_661 = arith.mulf %add3A_183, %broadcast_in_dim3A_5 : vector<16xf32>
        %swap3A_662 = arith.index_cast %select_n3A : i32 to index
        %swap3A_663 = arith.constant 32 : index
        %swap3A_664 = tpu.vector_load %arg8[%swap3A_662, %swap3A_663] {strides = array<i32>} : memref<128x64xf32, #tpu.memory_space<vmem>>, vector<1x16xf32>,
        %swap3A_665 = vector.shape_cast %swap3A_664 : vector<1x16xf32> to vector<16xf32>
        %swap3A_666 = vector.shape_cast %mul3A_661 : vector<16xf32> to vector<1x16xf32>
        tpu.vector_store %arg8[%swap3A_662, %swap3A_663], %swap3A_666 {strides = array<i32>} : memref<128x64xf32, #tpu.memory_space<vmem>>, vector<1x16xf32>,
        %mul3A_667 = arith.mulf %add3A_191, %broadcast_in_dim3A_5 : vector<16xf32>
        %swap3A_668 = arith.index_cast %select_n3A : i32 to index
        %swap3A_669 = arith.constant 48 : index
        %swap3A_670 = tpu.vector_load %arg8[%swap3A_668, %swap3A_669] {strides = array<i32>} : memref<128x64xf32, #tpu.memory_space<vmem>>, vector<1x16xf32>,
        %swap3A_671 = vector.shape_cast %swap3A_670 : vector<1x16xf32> to vector<16xf32>
        %swap3A_672 = vector.shape_cast %mul3A_667 : vector<16xf32> to vector<1x16xf32>
        tpu.vector_store %arg8[%swap3A_668, %swap3A_669], %swap3A_672 {strides = array<i32>} : memref<128x64xf32, #tpu.memory_space<vmem>>, vector<1x16xf32>,
      } else {
      }
      %select_n3A_194 = arith.select %le3A_192, %broadcast_in_dim3A_7, %add3A_167 : vector<16xf32>
      %select_n3A_195 = arith.select %le3A_192, %broadcast_in_dim3A_7, %add3A_175 : vector<16xf32>
      %select_n3A_196 = arith.select %le3A_192, %broadcast_in_dim3A_7, %add3A_183 : vector<16xf32>
      %select_n3A_197 = arith.select %le3A_192, %broadcast_in_dim3A_7, %add3A_191 : vector<16xf32>
      %sub3A_198 = arith.constant 128 : i32
      %sub3A_199 = arith.subi %sub3A_198, %min3A_61 : i32
      %shift_right_arithmetic3A_200 = arith.constant 2 : i32
      %shift_right_arithmetic3A_201 = arith.shrsi %sub3A_199, %shift_right_arithmetic3A_200 : i32
      %while3A_202 = arith.constant 0 : i32
      %while3A_203 = arith.subi %shift_right_arithmetic3A_201, %while3A_202 : i32
      %while3A_204 = arith.addi %while3A_202, %while3A_203 : i32
      %while3A_205 = arith.constant 1 : i32
      %while3A_206 = arith.divsi %while3A_203, %while3A_205 : i32
      %while3A_207 = arith.muli %while3A_206, %while3A_205 : i32
      %while3A_208 = arith.addi %while3A_202, %while3A_207 : i32
      %while3A_209 = arith.constant 1 : i32
      %while3A_210:4 = scf.for %while3A_650 = %while3A_202 to %while3A_208 step %while3A_209 iter_args(%while3A_651 = %select_n3A_194, %while3A_652 = %select_n3A_195, %while3A_653 = %select_n3A_196, %while3A_654 = %select_n3A_197) -> (vector<16xf32>, vector<16xf32>, vector<16xf32>, vector<16xf32>)  : i32 {
        %mul3A_655 = arith.constant 4 : i32
        %mul3A_656 = arith.muli %mul3A_655, %while3A_650 : i32
        %add3A_657 = arith.addi %min3A_61, %mul3A_656 : i32
        %add3A_658 = arith.constant 3 : i32
        %add3A_659 = arith.addi %add3A_657, %add3A_658 : i32
        %add3A_660 = arith.constant 2 : i32
        %add3A_661 = arith.addi %add3A_657, %add3A_660 : i32
        %add3A_662 = arith.constant 1 : i32
        %add3A_663 = arith.addi %add3A_657, %add3A_662 : i32
        %get3A_664 = arith.index_cast %add3A_657 : i32 to index
        %get3A_665 = arith.constant 0 : index
        %get3A_666 = tpu.vector_load %arg6[%get3A_664, %get3A_665] {strides = array<i32>} : memref<128x64xf32, #tpu.memory_space<vmem>>, vector<1x16xf32>,
        %get3A_667 = vector.shape_cast %get3A_666 : vector<1x16xf32> to vector<16xf32>
        %add3A_668 = arith.addf %while3A_651, %get3A_667 : vector<16xf32>
        %get3A_669 = arith.index_cast %add3A_657 : i32 to index
        %get3A_670 = arith.constant 16 : index
        %get3A_671 = tpu.vector_load %arg6[%get3A_669, %get3A_670] {strides = array<i32>} : memref<128x64xf32, #tpu.memory_space<vmem>>, vector<1x16xf32>,
        %get3A_672 = vector.shape_cast %get3A_671 : vector<1x16xf32> to vector<16xf32>
        %add3A_673 = arith.addf %while3A_652, %get3A_672 : vector<16xf32>
        %get3A_674 = arith.index_cast %add3A_657 : i32 to index
        %get3A_675 = arith.constant 32 : index
        %get3A_676 = tpu.vector_load %arg6[%get3A_674, %get3A_675] {strides = array<i32>} : memref<128x64xf32, #tpu.memory_space<vmem>>, vector<1x16xf32>,
        %get3A_677 = vector.shape_cast %get3A_676 : vector<1x16xf32> to vector<16xf32>
        %add3A_678 = arith.addf %while3A_653, %get3A_677 : vector<16xf32>
        %get3A_679 = arith.index_cast %add3A_657 : i32 to index
        %get3A_680 = arith.constant 48 : index
        %get3A_681 = tpu.vector_load %arg6[%get3A_679, %get3A_680] {strides = array<i32>} : memref<128x64xf32, #tpu.memory_space<vmem>>, vector<1x16xf32>,
        %get3A_682 = vector.shape_cast %get3A_681 : vector<1x16xf32> to vector<16xf32>
        %add3A_683 = arith.addf %while3A_654, %get3A_682 : vector<16xf32>
        %get3A_684 = arith.index_cast %add3A_663 : i32 to index
        %get3A_685 = arith.constant 0 : index
        %get3A_686 = tpu.vector_load %arg6[%get3A_684, %get3A_685] {strides = array<i32>} : memref<128x64xf32, #tpu.memory_space<vmem>>, vector<1x16xf32>,
        %get3A_687 = vector.shape_cast %get3A_686 : vector<1x16xf32> to vector<16xf32>
        %add3A_688 = arith.addf %add3A_668, %get3A_687 : vector<16xf32>
        %get3A_689 = arith.index_cast %add3A_663 : i32 to index
        %get3A_690 = arith.constant 16 : index
        %get3A_691 = tpu.vector_load %arg6[%get3A_689, %get3A_690] {strides = array<i32>} : memref<128x64xf32, #tpu.memory_space<vmem>>, vector<1x16xf32>,
        %get3A_692 = vector.shape_cast %get3A_691 : vector<1x16xf32> to vector<16xf32>
        %add3A_693 = arith.addf %add3A_673, %get3A_692 : vector<16xf32>
        %get3A_694 = arith.index_cast %add3A_663 : i32 to index
        %get3A_695 = arith.constant 32 : index
        %get3A_696 = tpu.vector_load %arg6[%get3A_694, %get3A_695] {strides = array<i32>} : memref<128x64xf32, #tpu.memory_space<vmem>>, vector<1x16xf32>,
        %get3A_697 = vector.shape_cast %get3A_696 : vector<1x16xf32> to vector<16xf32>
        %add3A_698 = arith.addf %add3A_678, %get3A_697 : vector<16xf32>
        %get3A_699 = arith.index_cast %add3A_663 : i32 to index
        %get3A_700 = arith.constant 48 : index
        %get3A_701 = tpu.vector_load %arg6[%get3A_699, %get3A_700] {strides = array<i32>} : memref<128x64xf32, #tpu.memory_space<vmem>>, vector<1x16xf32>,
        %get3A_702 = vector.shape_cast %get3A_701 : vector<1x16xf32> to vector<16xf32>
        %add3A_703 = arith.addf %add3A_683, %get3A_702 : vector<16xf32>
        %get3A_704 = arith.index_cast %add3A_661 : i32 to index
        %get3A_705 = arith.constant 0 : index
        %get3A_706 = tpu.vector_load %arg6[%get3A_704, %get3A_705] {strides = array<i32>} : memref<128x64xf32, #tpu.memory_space<vmem>>, vector<1x16xf32>,
        %get3A_707 = vector.shape_cast %get3A_706 : vector<1x16xf32> to vector<16xf32>
        %add3A_708 = arith.addf %add3A_688, %get3A_707 : vector<16xf32>
        %get3A_709 = arith.index_cast %add3A_661 : i32 to index
        %get3A_710 = arith.constant 16 : index
        %get3A_711 = tpu.vector_load %arg6[%get3A_709, %get3A_710] {strides = array<i32>} : memref<128x64xf32, #tpu.memory_space<vmem>>, vector<1x16xf32>,
        %get3A_712 = vector.shape_cast %get3A_711 : vector<1x16xf32> to vector<16xf32>
        %add3A_713 = arith.addf %add3A_693, %get3A_712 : vector<16xf32>
        %get3A_714 = arith.index_cast %add3A_661 : i32 to index
        %get3A_715 = arith.constant 32 : index
        %get3A_716 = tpu.vector_load %arg6[%get3A_714, %get3A_715] {strides = array<i32>} : memref<128x64xf32, #tpu.memory_space<vmem>>, vector<1x16xf32>,
        %get3A_717 = vector.shape_cast %get3A_716 : vector<1x16xf32> to vector<16xf32>
        %add3A_718 = arith.addf %add3A_698, %get3A_717 : vector<16xf32>
        %get3A_719 = arith.index_cast %add3A_661 : i32 to index
        %get3A_720 = arith.constant 48 : index
        %get3A_721 = tpu.vector_load %arg6[%get3A_719, %get3A_720] {strides = array<i32>} : memref<128x64xf32, #tpu.memory_space<vmem>>, vector<1x16xf32>,
        %get3A_722 = vector.shape_cast %get3A_721 : vector<1x16xf32> to vector<16xf32>
        %add3A_723 = arith.addf %add3A_703, %get3A_722 : vector<16xf32>
        %get3A_724 = arith.index_cast %add3A_659 : i32 to index
        %get3A_725 = arith.constant 0 : index
        %get3A_726 = tpu.vector_load %arg6[%get3A_724, %get3A_725] {strides = array<i32>} : memref<128x64xf32, #tpu.memory_space<vmem>>, vector<1x16xf32>,
        %get3A_727 = vector.shape_cast %get3A_726 : vector<1x16xf32> to vector<16xf32>
        %add3A_728 = arith.addf %add3A_708, %get3A_727 : vector<16xf32>
        %get3A_729 = arith.index_cast %add3A_659 : i32 to index
        %get3A_730 = arith.constant 16 : index
        %get3A_731 = tpu.vector_load %arg6[%get3A_729, %get3A_730] {strides = array<i32>} : memref<128x64xf32, #tpu.memory_space<vmem>>, vector<1x16xf32>,
        %get3A_732 = vector.shape_cast %get3A_731 : vector<1x16xf32> to vector<16xf32>
        %add3A_733 = arith.addf %add3A_713, %get3A_732 : vector<16xf32>
        %get3A_734 = arith.index_cast %add3A_659 : i32 to index
        %get3A_735 = arith.constant 32 : index
        %get3A_736 = tpu.vector_load %arg6[%get3A_734, %get3A_735] {strides = array<i32>} : memref<128x64xf32, #tpu.memory_space<vmem>>, vector<1x16xf32>,
        %get3A_737 = vector.shape_cast %get3A_736 : vector<1x16xf32> to vector<16xf32>
        %add3A_738 = arith.addf %add3A_718, %get3A_737 : vector<16xf32>
        %get3A_739 = arith.index_cast %add3A_659 : i32 to index
        %get3A_740 = arith.constant 48 : index
        %get3A_741 = tpu.vector_load %arg6[%get3A_739, %get3A_740] {strides = array<i32>} : memref<128x64xf32, #tpu.memory_space<vmem>>, vector<1x16xf32>,
        %get3A_742 = vector.shape_cast %get3A_741 : vector<1x16xf32> to vector<16xf32>
        %add3A_743 = arith.addf %add3A_723, %get3A_742 : vector<16xf32>
        scf.yield %add3A_728, %add3A_733, %add3A_738, %add3A_743 : vector<16xf32>, vector<16xf32>, vector<16xf32>, vector<16xf32>
      }
      %while3A_211 = arith.constant 1 : i32
      %while3A_212:4 = scf.for %while3A_650 = %while3A_208 to %while3A_204 step %while3A_211 iter_args(%while3A_651 = %while3A_210#0, %while3A_652 = %while3A_210#1, %while3A_653 = %while3A_210#2, %while3A_654 = %while3A_210#3) -> (vector<16xf32>, vector<16xf32>, vector<16xf32>, vector<16xf32>)  : i32 {
        %mul3A_655 = arith.constant 4 : i32
        %mul3A_656 = arith.muli %mul3A_655, %while3A_650 : i32
        %add3A_657 = arith.addi %min3A_61, %mul3A_656 : i32
        %add3A_658 = arith.constant 3 : i32
        %add3A_659 = arith.addi %add3A_657, %add3A_658 : i32
        %add3A_660 = arith.constant 2 : i32
        %add3A_661 = arith.addi %add3A_657, %add3A_660 : i32
        %add3A_662 = arith.constant 1 : i32
        %add3A_663 = arith.addi %add3A_657, %add3A_662 : i32
        %get3A_664 = arith.index_cast %add3A_657 : i32 to index
        %get3A_665 = arith.constant 0 : index
        %get3A_666 = tpu.vector_load %arg6[%get3A_664, %get3A_665] {strides = array<i32>} : memref<128x64xf32, #tpu.memory_space<vmem>>, vector<1x16xf32>,
        %get3A_667 = vector.shape_cast %get3A_666 : vector<1x16xf32> to vector<16xf32>
        %add3A_668 = arith.addf %while3A_651, %get3A_667 : vector<16xf32>
        %get3A_669 = arith.index_cast %add3A_657 : i32 to index
        %get3A_670 = arith.constant 16 : index
        %get3A_671 = tpu.vector_load %arg6[%get3A_669, %get3A_670] {strides = array<i32>} : memref<128x64xf32, #tpu.memory_space<vmem>>, vector<1x16xf32>,
        %get3A_672 = vector.shape_cast %get3A_671 : vector<1x16xf32> to vector<16xf32>
        %add3A_673 = arith.addf %while3A_652, %get3A_672 : vector<16xf32>
        %get3A_674 = arith.index_cast %add3A_657 : i32 to index
        %get3A_675 = arith.constant 32 : index
        %get3A_676 = tpu.vector_load %arg6[%get3A_674, %get3A_675] {strides = array<i32>} : memref<128x64xf32, #tpu.memory_space<vmem>>, vector<1x16xf32>,
        %get3A_677 = vector.shape_cast %get3A_676 : vector<1x16xf32> to vector<16xf32>
        %add3A_678 = arith.addf %while3A_653, %get3A_677 : vector<16xf32>
        %get3A_679 = arith.index_cast %add3A_657 : i32 to index
        %get3A_680 = arith.constant 48 : index
        %get3A_681 = tpu.vector_load %arg6[%get3A_679, %get3A_680] {strides = array<i32>} : memref<128x64xf32, #tpu.memory_space<vmem>>, vector<1x16xf32>,
        %get3A_682 = vector.shape_cast %get3A_681 : vector<1x16xf32> to vector<16xf32>
        %add3A_683 = arith.addf %while3A_654, %get3A_682 : vector<16xf32>
        %get3A_684 = arith.index_cast %add3A_663 : i32 to index
        %get3A_685 = arith.constant 0 : index
        %get3A_686 = tpu.vector_load %arg6[%get3A_684, %get3A_685] {strides = array<i32>} : memref<128x64xf32, #tpu.memory_space<vmem>>, vector<1x16xf32>,
        %get3A_687 = vector.shape_cast %get3A_686 : vector<1x16xf32> to vector<16xf32>
        %add3A_688 = arith.addf %add3A_668, %get3A_687 : vector<16xf32>
        %get3A_689 = arith.index_cast %add3A_663 : i32 to index
        %get3A_690 = arith.constant 16 : index
        %get3A_691 = tpu.vector_load %arg6[%get3A_689, %get3A_690] {strides = array<i32>} : memref<128x64xf32, #tpu.memory_space<vmem>>, vector<1x16xf32>,
        %get3A_692 = vector.shape_cast %get3A_691 : vector<1x16xf32> to vector<16xf32>
        %add3A_693 = arith.addf %add3A_673, %get3A_692 : vector<16xf32>
        %get3A_694 = arith.index_cast %add3A_663 : i32 to index
        %get3A_695 = arith.constant 32 : index
        %get3A_696 = tpu.vector_load %arg6[%get3A_694, %get3A_695] {strides = array<i32>} : memref<128x64xf32, #tpu.memory_space<vmem>>, vector<1x16xf32>,
        %get3A_697 = vector.shape_cast %get3A_696 : vector<1x16xf32> to vector<16xf32>
        %add3A_698 = arith.addf %add3A_678, %get3A_697 : vector<16xf32>
        %get3A_699 = arith.index_cast %add3A_663 : i32 to index
        %get3A_700 = arith.constant 48 : index
        %get3A_701 = tpu.vector_load %arg6[%get3A_699, %get3A_700] {strides = array<i32>} : memref<128x64xf32, #tpu.memory_space<vmem>>, vector<1x16xf32>,
        %get3A_702 = vector.shape_cast %get3A_701 : vector<1x16xf32> to vector<16xf32>
        %add3A_703 = arith.addf %add3A_683, %get3A_702 : vector<16xf32>
        %get3A_704 = arith.index_cast %add3A_661 : i32 to index
        %get3A_705 = arith.constant 0 : index
        %get3A_706 = tpu.vector_load %arg6[%get3A_704, %get3A_705] {strides = array<i32>} : memref<128x64xf32, #tpu.memory_space<vmem>>, vector<1x16xf32>,
        %get3A_707 = vector.shape_cast %get3A_706 : vector<1x16xf32> to vector<16xf32>
        %add3A_708 = arith.addf %add3A_688, %get3A_707 : vector<16xf32>
        %get3A_709 = arith.index_cast %add3A_661 : i32 to index
        %get3A_710 = arith.constant 16 : index
        %get3A_711 = tpu.vector_load %arg6[%get3A_709, %get3A_710] {strides = array<i32>} : memref<128x64xf32, #tpu.memory_space<vmem>>, vector<1x16xf32>,
        %get3A_712 = vector.shape_cast %get3A_711 : vector<1x16xf32> to vector<16xf32>
        %add3A_713 = arith.addf %add3A_693, %get3A_712 : vector<16xf32>
        %get3A_714 = arith.index_cast %add3A_661 : i32 to index
        %get3A_715 = arith.constant 32 : index
        %get3A_716 = tpu.vector_load %arg6[%get3A_714, %get3A_715] {strides = array<i32>} : memref<128x64xf32, #tpu.memory_space<vmem>>, vector<1x16xf32>,
        %get3A_717 = vector.shape_cast %get3A_716 : vector<1x16xf32> to vector<16xf32>
        %add3A_718 = arith.addf %add3A_698, %get3A_717 : vector<16xf32>
        %get3A_719 = arith.index_cast %add3A_661 : i32 to index
        %get3A_720 = arith.constant 48 : index
        %get3A_721 = tpu.vector_load %arg6[%get3A_719, %get3A_720] {strides = array<i32>} : memref<128x64xf32, #tpu.memory_space<vmem>>, vector<1x16xf32>,
        %get3A_722 = vector.shape_cast %get3A_721 : vector<1x16xf32> to vector<16xf32>
        %add3A_723 = arith.addf %add3A_703, %get3A_722 : vector<16xf32>
        %get3A_724 = arith.index_cast %add3A_659 : i32 to index
        %get3A_725 = arith.constant 0 : index
        %get3A_726 = tpu.vector_load %arg6[%get3A_724, %get3A_725] {strides = array<i32>} : memref<128x64xf32, #tpu.memory_space<vmem>>, vector<1x16xf32>,
        %get3A_727 = vector.shape_cast %get3A_726 : vector<1x16xf32> to vector<16xf32>
        %add3A_728 = arith.addf %add3A_708, %get3A_727 : vector<16xf32>
        %get3A_729 = arith.index_cast %add3A_659 : i32 to index
        %get3A_730 = arith.constant 16 : index
        %get3A_731 = tpu.vector_load %arg6[%get3A_729, %get3A_730] {strides = array<i32>} : memref<128x64xf32, #tpu.memory_space<vmem>>, vector<1x16xf32>,
        %get3A_732 = vector.shape_cast %get3A_731 : vector<1x16xf32> to vector<16xf32>
        %add3A_733 = arith.addf %add3A_713, %get3A_732 : vector<16xf32>
        %get3A_734 = arith.index_cast %add3A_659 : i32 to index
        %get3A_735 = arith.constant 32 : index
        %get3A_736 = tpu.vector_load %arg6[%get3A_734, %get3A_735] {strides = array<i32>} : memref<128x64xf32, #tpu.memory_space<vmem>>, vector<1x16xf32>,
        %get3A_737 = vector.shape_cast %get3A_736 : vector<1x16xf32> to vector<16xf32>
        %add3A_738 = arith.addf %add3A_718, %get3A_737 : vector<16xf32>
        %get3A_739 = arith.index_cast %add3A_659 : i32 to index
        %get3A_740 = arith.constant 48 : index
        %get3A_741 = tpu.vector_load %arg6[%get3A_739, %get3A_740] {strides = array<i32>} : memref<128x64xf32, #tpu.memory_space<vmem>>, vector<1x16xf32>,
        %get3A_742 = vector.shape_cast %get3A_741 : vector<1x16xf32> to vector<16xf32>
        %add3A_743 = arith.addf %add3A_723, %get3A_742 : vector<16xf32>
        scf.yield %add3A_728, %add3A_733, %add3A_738, %add3A_743 : vector<16xf32>, vector<16xf32>, vector<16xf32>, vector<16xf32>
      }
      %sub3A_213 = arith.constant 128 : i32
      %sub3A_214 = arith.subi %sub3A_213, %min3A_61 : i32
      %and3A_215 = arith.constant 3 : i32
      %and3A_216 = arith.andi %sub3A_214, %and3A_215 : i32
      %broadcast_in_dim3A_217 = arith.constant 0.000000e+00 : f32
      %broadcast_in_dim3A_218 = vector.broadcast %broadcast_in_dim3A_217 : f32 to vector<16xf32>
      %max3A_219 = arith.constant 127 : i32
      %max3A_220 = arith.constant 0 : i32
      %max3A_221 = arith.maxsi %max3A_219, %max3A_220 : i32
      %gt3A_222 = arith.constant 0 : i32
      %gt3A_223 = arith.cmpi sgt, %and3A_216, %gt3A_222 : i32
      %get3A_224 = arith.index_cast %max3A_221 : i32 to index
      %get3A_225 = arith.constant 0 : index
      %get3A_226 = tpu.vector_load %arg6[%get3A_224, %get3A_225] {strides = array<i32>} : memref<128x64xf32, #tpu.memory_space<vmem>>, vector<1x16xf32>,
      %get3A_227 = vector.shape_cast %get3A_226 : vector<1x16xf32> to vector<16xf32>
      %select_n3A_228 = arith.select %gt3A_223, %get3A_227, %broadcast_in_dim3A_218 : vector<16xf32>
      %add3A_229 = arith.addf %while3A_212#0, %select_n3A_228 : vector<16xf32>
      %gt3A_230 = arith.constant 0 : i32
      %gt3A_231 = arith.cmpi sgt, %and3A_216, %gt3A_230 : i32
      %get3A_232 = arith.index_cast %max3A_221 : i32 to index
      %get3A_233 = arith.constant 16 : index
      %get3A_234 = tpu.vector_load %arg6[%get3A_232, %get3A_233] {strides = array<i32>} : memref<128x64xf32, #tpu.memory_space<vmem>>, vector<1x16xf32>,
      %get3A_235 = vector.shape_cast %get3A_234 : vector<1x16xf32> to vector<16xf32>
      %select_n3A_236 = arith.select %gt3A_231, %get3A_235, %broadcast_in_dim3A_218 : vector<16xf32>
      %add3A_237 = arith.addf %while3A_212#1, %select_n3A_236 : vector<16xf32>
      %gt3A_238 = arith.constant 0 : i32
      %gt3A_239 = arith.cmpi sgt, %and3A_216, %gt3A_238 : i32
      %get3A_240 = arith.index_cast %max3A_221 : i32 to index
      %get3A_241 = arith.constant 32 : index
      %get3A_242 = tpu.vector_load %arg6[%get3A_240, %get3A_241] {strides = array<i32>} : memref<128x64xf32, #tpu.memory_space<vmem>>, vector<1x16xf32>,
      %get3A_243 = vector.shape_cast %get3A_242 : vector<1x16xf32> to vector<16xf32>
      %select_n3A_244 = arith.select %gt3A_239, %get3A_243, %broadcast_in_dim3A_218 : vector<16xf32>
      %add3A_245 = arith.addf %while3A_212#2, %select_n3A_244 : vector<16xf32>
      %gt3A_246 = arith.constant 0 : i32
      %gt3A_247 = arith.cmpi sgt, %and3A_216, %gt3A_246 : i32
      %get3A_248 = arith.index_cast %max3A_221 : i32 to index
      %get3A_249 = arith.constant 48 : index
      %get3A_250 = tpu.vector_load %arg6[%get3A_248, %get3A_249] {strides = array<i32>} : memref<128x64xf32, #tpu.memory_space<vmem>>, vector<1x16xf32>,
      %get3A_251 = vector.shape_cast %get3A_250 : vector<1x16xf32> to vector<16xf32>
      %select_n3A_252 = arith.select %gt3A_247, %get3A_251, %broadcast_in_dim3A_218 : vector<16xf32>
      %add3A_253 = arith.addf %while3A_212#3, %select_n3A_252 : vector<16xf32>
      %max3A_254 = arith.constant 126 : i32
      %max3A_255 = arith.constant 0 : i32
      %max3A_256 = arith.maxsi %max3A_254, %max3A_255 : i32
      %gt3A_257 = arith.constant 1 : i32
      %gt3A_258 = arith.cmpi sgt, %and3A_216, %gt3A_257 : i32
      %get3A_259 = arith.index_cast %max3A_256 : i32 to index
      %get3A_260 = arith.constant 0 : index
      %get3A_261 = tpu.vector_load %arg6[%get3A_259, %get3A_260] {strides = array<i32>} : memref<128x64xf32, #tpu.memory_space<vmem>>, vector<1x16xf32>,
      %get3A_262 = vector.shape_cast %get3A_261 : vector<1x16xf32> to vector<16xf32>
      %select_n3A_263 = arith.select %gt3A_258, %get3A_262, %broadcast_in_dim3A_218 : vector<16xf32>
      %add3A_264 = arith.addf %add3A_229, %select_n3A_263 : vector<16xf32>
      %gt3A_265 = arith.constant 1 : i32
      %gt3A_266 = arith.cmpi sgt, %and3A_216, %gt3A_265 : i32
      %get3A_267 = arith.index_cast %max3A_256 : i32 to index
      %get3A_268 = arith.constant 16 : index
      %get3A_269 = tpu.vector_load %arg6[%get3A_267, %get3A_268] {strides = array<i32>} : memref<128x64xf32, #tpu.memory_space<vmem>>, vector<1x16xf32>,
      %get3A_270 = vector.shape_cast %get3A_269 : vector<1x16xf32> to vector<16xf32>
      %select_n3A_271 = arith.select %gt3A_266, %get3A_270, %broadcast_in_dim3A_218 : vector<16xf32>
      %add3A_272 = arith.addf %add3A_237, %select_n3A_271 : vector<16xf32>
      %gt3A_273 = arith.constant 1 : i32
      %gt3A_274 = arith.cmpi sgt, %and3A_216, %gt3A_273 : i32
      %get3A_275 = arith.index_cast %max3A_256 : i32 to index
      %get3A_276 = arith.constant 32 : index
      %get3A_277 = tpu.vector_load %arg6[%get3A_275, %get3A_276] {strides = array<i32>} : memref<128x64xf32, #tpu.memory_space<vmem>>, vector<1x16xf32>,
      %get3A_278 = vector.shape_cast %get3A_277 : vector<1x16xf32> to vector<16xf32>
      %select_n3A_279 = arith.select %gt3A_274, %get3A_278, %broadcast_in_dim3A_218 : vector<16xf32>
      %add3A_280 = arith.addf %add3A_245, %select_n3A_279 : vector<16xf32>
      %gt3A_281 = arith.constant 1 : i32
      %gt3A_282 = arith.cmpi sgt, %and3A_216, %gt3A_281 : i32
      %get3A_283 = arith.index_cast %max3A_256 : i32 to index
      %get3A_284 = arith.constant 48 : index
      %get3A_285 = tpu.vector_load %arg6[%get3A_283, %get3A_284] {strides = array<i32>} : memref<128x64xf32, #tpu.memory_space<vmem>>, vector<1x16xf32>,
      %get3A_286 = vector.shape_cast %get3A_285 : vector<1x16xf32> to vector<16xf32>
      %select_n3A_287 = arith.select %gt3A_282, %get3A_286, %broadcast_in_dim3A_218 : vector<16xf32>
      %add3A_288 = arith.addf %add3A_253, %select_n3A_287 : vector<16xf32>
      %max3A_289 = arith.constant 125 : i32
      %max3A_290 = arith.constant 0 : i32
      %max3A_291 = arith.maxsi %max3A_289, %max3A_290 : i32
      %gt3A_292 = arith.constant 2 : i32
      %gt3A_293 = arith.cmpi sgt, %and3A_216, %gt3A_292 : i32
      %get3A_294 = arith.index_cast %max3A_291 : i32 to index
      %get3A_295 = arith.constant 0 : index
      %get3A_296 = tpu.vector_load %arg6[%get3A_294, %get3A_295] {strides = array<i32>} : memref<128x64xf32, #tpu.memory_space<vmem>>, vector<1x16xf32>,
      %get3A_297 = vector.shape_cast %get3A_296 : vector<1x16xf32> to vector<16xf32>
      %select_n3A_298 = arith.select %gt3A_293, %get3A_297, %broadcast_in_dim3A_218 : vector<16xf32>
      %add3A_299 = arith.addf %add3A_264, %select_n3A_298 : vector<16xf32>
      %gt3A_300 = arith.constant 2 : i32
      %gt3A_301 = arith.cmpi sgt, %and3A_216, %gt3A_300 : i32
      %get3A_302 = arith.index_cast %max3A_291 : i32 to index
      %get3A_303 = arith.constant 16 : index
      %get3A_304 = tpu.vector_load %arg6[%get3A_302, %get3A_303] {strides = array<i32>} : memref<128x64xf32, #tpu.memory_space<vmem>>, vector<1x16xf32>,
      %get3A_305 = vector.shape_cast %get3A_304 : vector<1x16xf32> to vector<16xf32>
      %select_n3A_306 = arith.select %gt3A_301, %get3A_305, %broadcast_in_dim3A_218 : vector<16xf32>
      %add3A_307 = arith.addf %add3A_272, %select_n3A_306 : vector<16xf32>
      %gt3A_308 = arith.constant 2 : i32
      %gt3A_309 = arith.cmpi sgt, %and3A_216, %gt3A_308 : i32
      %get3A_310 = arith.index_cast %max3A_291 : i32 to index
      %get3A_311 = arith.constant 32 : index
      %get3A_312 = tpu.vector_load %arg6[%get3A_310, %get3A_311] {strides = array<i32>} : memref<128x64xf32, #tpu.memory_space<vmem>>, vector<1x16xf32>,
      %get3A_313 = vector.shape_cast %get3A_312 : vector<1x16xf32> to vector<16xf32>
      %select_n3A_314 = arith.select %gt3A_309, %get3A_313, %broadcast_in_dim3A_218 : vector<16xf32>
      %add3A_315 = arith.addf %add3A_280, %select_n3A_314 : vector<16xf32>
      %gt3A_316 = arith.constant 2 : i32
      %gt3A_317 = arith.cmpi sgt, %and3A_216, %gt3A_316 : i32
      %get3A_318 = arith.index_cast %max3A_291 : i32 to index
      %get3A_319 = arith.constant 48 : index
      %get3A_320 = tpu.vector_load %arg6[%get3A_318, %get3A_319] {strides = array<i32>} : memref<128x64xf32, #tpu.memory_space<vmem>>, vector<1x16xf32>,
      %get3A_321 = vector.shape_cast %get3A_320 : vector<1x16xf32> to vector<16xf32>
      %select_n3A_322 = arith.select %gt3A_317, %get3A_321, %broadcast_in_dim3A_218 : vector<16xf32>
      %add3A_323 = arith.addf %add3A_288, %select_n3A_322 : vector<16xf32>
      %add3A_324 = arith.constant 2 : i32
      %add3A_325 = arith.addi %mul3A_32, %add3A_324 : i32
      %lt3A = arith.constant 200 : i32
      %lt3A_326 = arith.cmpi slt, %add3A_325, %lt3A : i32
      %convert_element_type3A_327 = arith.extui %lt3A_326 : i1 to i32
      %cond3A_328 = arith.constant 0 : i32
      %cond3A_329 = arith.cmpi ne, %convert_element_type3A_327, %cond3A_328 : i32
      scf.if %cond3A_329 {
        %add3A_650 = arith.constant 2 : i32
        %add3A_651 = arith.addi %mul3A_32, %add3A_650 : i32
        %dma_start3A_652 = arith.constant 0 : i32
        %dma_start3A_653 = tpu.memref_slice %arg5[%add3A_651, %dma_start3A_652] : memref<200x128xi32, #tpu.memory_space<vmem>> -> memref<1x128xi32, #tpu.memory_space<vmem>>
        %dma_start3A_654 = tpu.memref_squeeze %dma_start3A_653 : memref<1x128xi32, #tpu.memory_space<vmem>> -> memref<128xi32, #tpu.memory_space<vmem>>
        %dma_start3A_655 = arith.constant 0 : i32
        %dma_start3A_656 = arith.constant 0 : i32
        %dma_start3A_657 = tpu.memref_slice %arg3[%dma_start3A_655, %dma_start3A_656] : memref<1000064x64xf32, #tpu.memory_space<hbm>> -> memref<1000064x64xf32, #tpu.memory_space<hbm>>
        tpu.enqueue_indirect_dma source(%dma_start3A_657 : memref<1000064x64xf32, #tpu.memory_space<hbm>>) target(%arg6 : memref<128x64xf32, #tpu.memory_space<vmem>>) offsets(%dma_start3A_654 : memref<128xi32, #tpu.memory_space<vmem>>) semaphore(%arg9 : memref<!tpu.dma_semaphore, #tpu.memory_space<semaphore_mem>>)
      } else {
      }
      %mul3A_330 = arith.constant 2 : i32
      %mul3A_331 = arith.muli %mul3A_330, %scan3A_26 : i32
      %add3A_332 = arith.constant 1 : i32
      %add3A_333 = arith.addi %mul3A_331, %add3A_332 : i32
      %dma_wait3A_334 = arith.constant 0 : i32
      %dma_wait3A_335 = tpu.memref_slice %arg5[%add3A_333, %dma_wait3A_334] : memref<200x128xi32, #tpu.memory_space<vmem>> -> memref<1x128xi32, #tpu.memory_space<vmem>>
      %dma_wait3A_336 = tpu.memref_squeeze %dma_wait3A_335 : memref<1x128xi32, #tpu.memory_space<vmem>> -> memref<128xi32, #tpu.memory_space<vmem>>
      %dma_wait3A_337 = arith.constant 0 : i32
      %dma_wait3A_338 = arith.constant 0 : i32
      %dma_wait3A_339 = tpu.memref_slice %arg3[%dma_wait3A_337, %dma_wait3A_338] : memref<1000064x64xf32, #tpu.memory_space<hbm>> -> memref<1000064x64xf32, #tpu.memory_space<hbm>>
      tpu.wait_indirect_dma semaphore(%arg10 : memref<!tpu.dma_semaphore, #tpu.memory_space<semaphore_mem>>) src(%dma_wait3A_339 : memref<1000064x64xf32, #tpu.memory_space<hbm>>) dst(%arg7 : memref<128x64xf32, #tpu.memory_space<vmem>>)
      %mul3A_340 = arith.constant 128 : i32
      %mul3A_341 = arith.muli %add3A_333, %mul3A_340 : i32
      %jit3A_342 = arith.constant 200 : i32
      %div3A_343 = arith.divsi %mul3A_341, %jit3A_342 : i32
      %sign3A_344 = arith.constant 0 : i32
      %sign3A_345 = arith.cmpi sgt, %mul3A_341, %sign3A_344 : i32
      %sign3A_346 = arith.extui %sign3A_345 : i1 to i32
      %sign3A_347 = arith.constant 0 : i32
      %sign3A_348 = arith.cmpi slt, %mul3A_341, %sign3A_347 : i32
      %sign3A_349 = arith.extui %sign3A_348 : i1 to i32
      %sign3A_350 = arith.subi %sign3A_346, %sign3A_349 : i32
      %sign3A_351 = arith.constant 0 : i32
      %sign3A_352 = arith.cmpi sgt, %jit3A_342, %sign3A_351 : i32
      %sign3A_353 = arith.extui %sign3A_352 : i1 to i32
      %sign3A_354 = arith.constant 0 : i32
      %sign3A_355 = arith.cmpi slt, %jit3A_342, %sign3A_354 : i32
      %sign3A_356 = arith.extui %sign3A_355 : i1 to i32
      %sign3A_357 = arith.subi %sign3A_353, %sign3A_356 : i32
      %ne3A_358 = arith.cmpi ne, %sign3A_350, %sign3A_357 : i32
      %rem3A_359 = arith.remsi %mul3A_341, %jit3A_342 : i32
      %ne3A_360 = arith.constant 0 : i32
      %ne3A_361 = arith.cmpi ne, %rem3A_359, %ne3A_360 : i32
      %and3A_362 = arith.andi %ne3A_358, %ne3A_361 : i1
      %sub3A_363 = arith.constant 1 : i32
      %sub3A_364 = arith.subi %div3A_343, %sub3A_363 : i32
      %select_n3A_365 = arith.select %and3A_362, %sub3A_364, %div3A_343 : i32
      %add3A_366 = arith.constant 1 : i32
      %add3A_367 = arith.addi %select_n3A_365, %add3A_366 : i32
      %mul3A_368 = arith.constant 200 : i32
      %mul3A_369 = arith.muli %add3A_367, %mul3A_368 : i32
      %sub3A_370 = arith.subi %mul3A_369, %mul3A_341 : i32
      %min3A_371 = arith.constant 128 : i32
      %min3A_372 = arith.minsi %sub3A_370, %min3A_371 : i32
      %sub3A_373 = arith.constant 0 : i32
      %sub3A_374 = arith.subi %min3A_372, %sub3A_373 : i32
      %shift_right_arithmetic3A_375 = arith.constant 2 : i32
      %shift_right_arithmetic3A_376 = arith.shrsi %sub3A_374, %shift_right_arithmetic3A_375 : i32
      %while3A_377 = arith.constant 0 : i32
      %while3A_378 = arith.subi %shift_right_arithmetic3A_376, %while3A_377 : i32
      %while3A_379 = arith.addi %while3A_377, %while3A_378 : i32
      %while3A_380 = arith.constant 1 : i32
      %while3A_381 = arith.divsi %while3A_378, %while3A_380 : i32
      %while3A_382 = arith.muli %while3A_381, %while3A_380 : i32
      %while3A_383 = arith.addi %while3A_377, %while3A_382 : i32
      %while3A_384 = arith.constant 1 : i32
      %while3A_385:4 = scf.for %while3A_650 = %while3A_377 to %while3A_383 step %while3A_384 iter_args(%while3A_651 = %add3A_299, %while3A_652 = %add3A_307, %while3A_653 = %add3A_315, %while3A_654 = %add3A_323) -> (vector<16xf32>, vector<16xf32>, vector<16xf32>, vector<16xf32>)  : i32 {
        %mul3A_655 = arith.constant 4 : i32
        %mul3A_656 = arith.muli %mul3A_655, %while3A_650 : i32
        %add3A_657 = arith.constant 0 : i32
        %add3A_658 = arith.addi %add3A_657, %mul3A_656 : i32
        %add3A_659 = arith.constant 3 : i32
        %add3A_660 = arith.addi %add3A_658, %add3A_659 : i32
        %add3A_661 = arith.constant 2 : i32
        %add3A_662 = arith.addi %add3A_658, %add3A_661 : i32
        %add3A_663 = arith.constant 1 : i32
        %add3A_664 = arith.addi %add3A_658, %add3A_663 : i32
        %get3A_665 = arith.index_cast %add3A_658 : i32 to index
        %get3A_666 = arith.constant 0 : index
        %get3A_667 = tpu.vector_load %arg7[%get3A_665, %get3A_666] {strides = array<i32>} : memref<128x64xf32, #tpu.memory_space<vmem>>, vector<1x16xf32>,
        %get3A_668 = vector.shape_cast %get3A_667 : vector<1x16xf32> to vector<16xf32>
        %add3A_669 = arith.addf %while3A_651, %get3A_668 : vector<16xf32>
        %get3A_670 = arith.index_cast %add3A_658 : i32 to index
        %get3A_671 = arith.constant 16 : index
        %get3A_672 = tpu.vector_load %arg7[%get3A_670, %get3A_671] {strides = array<i32>} : memref<128x64xf32, #tpu.memory_space<vmem>>, vector<1x16xf32>,
        %get3A_673 = vector.shape_cast %get3A_672 : vector<1x16xf32> to vector<16xf32>
        %add3A_674 = arith.addf %while3A_652, %get3A_673 : vector<16xf32>
        %get3A_675 = arith.index_cast %add3A_658 : i32 to index
        %get3A_676 = arith.constant 32 : index
        %get3A_677 = tpu.vector_load %arg7[%get3A_675, %get3A_676] {strides = array<i32>} : memref<128x64xf32, #tpu.memory_space<vmem>>, vector<1x16xf32>,
        %get3A_678 = vector.shape_cast %get3A_677 : vector<1x16xf32> to vector<16xf32>
        %add3A_679 = arith.addf %while3A_653, %get3A_678 : vector<16xf32>
        %get3A_680 = arith.index_cast %add3A_658 : i32 to index
        %get3A_681 = arith.constant 48 : index
        %get3A_682 = tpu.vector_load %arg7[%get3A_680, %get3A_681] {strides = array<i32>} : memref<128x64xf32, #tpu.memory_space<vmem>>, vector<1x16xf32>,
        %get3A_683 = vector.shape_cast %get3A_682 : vector<1x16xf32> to vector<16xf32>
        %add3A_684 = arith.addf %while3A_654, %get3A_683 : vector<16xf32>
        %get3A_685 = arith.index_cast %add3A_664 : i32 to index
        %get3A_686 = arith.constant 0 : index
        %get3A_687 = tpu.vector_load %arg7[%get3A_685, %get3A_686] {strides = array<i32>} : memref<128x64xf32, #tpu.memory_space<vmem>>, vector<1x16xf32>,
        %get3A_688 = vector.shape_cast %get3A_687 : vector<1x16xf32> to vector<16xf32>
        %add3A_689 = arith.addf %add3A_669, %get3A_688 : vector<16xf32>
        %get3A_690 = arith.index_cast %add3A_664 : i32 to index
        %get3A_691 = arith.constant 16 : index
        %get3A_692 = tpu.vector_load %arg7[%get3A_690, %get3A_691] {strides = array<i32>} : memref<128x64xf32, #tpu.memory_space<vmem>>, vector<1x16xf32>,
        %get3A_693 = vector.shape_cast %get3A_692 : vector<1x16xf32> to vector<16xf32>
        %add3A_694 = arith.addf %add3A_674, %get3A_693 : vector<16xf32>
        %get3A_695 = arith.index_cast %add3A_664 : i32 to index
        %get3A_696 = arith.constant 32 : index
        %get3A_697 = tpu.vector_load %arg7[%get3A_695, %get3A_696] {strides = array<i32>} : memref<128x64xf32, #tpu.memory_space<vmem>>, vector<1x16xf32>,
        %get3A_698 = vector.shape_cast %get3A_697 : vector<1x16xf32> to vector<16xf32>
        %add3A_699 = arith.addf %add3A_679, %get3A_698 : vector<16xf32>
        %get3A_700 = arith.index_cast %add3A_664 : i32 to index
        %get3A_701 = arith.constant 48 : index
        %get3A_702 = tpu.vector_load %arg7[%get3A_700, %get3A_701] {strides = array<i32>} : memref<128x64xf32, #tpu.memory_space<vmem>>, vector<1x16xf32>,
        %get3A_703 = vector.shape_cast %get3A_702 : vector<1x16xf32> to vector<16xf32>
        %add3A_704 = arith.addf %add3A_684, %get3A_703 : vector<16xf32>
        %get3A_705 = arith.index_cast %add3A_662 : i32 to index
        %get3A_706 = arith.constant 0 : index
        %get3A_707 = tpu.vector_load %arg7[%get3A_705, %get3A_706] {strides = array<i32>} : memref<128x64xf32, #tpu.memory_space<vmem>>, vector<1x16xf32>,
        %get3A_708 = vector.shape_cast %get3A_707 : vector<1x16xf32> to vector<16xf32>
        %add3A_709 = arith.addf %add3A_689, %get3A_708 : vector<16xf32>
        %get3A_710 = arith.index_cast %add3A_662 : i32 to index
        %get3A_711 = arith.constant 16 : index
        %get3A_712 = tpu.vector_load %arg7[%get3A_710, %get3A_711] {strides = array<i32>} : memref<128x64xf32, #tpu.memory_space<vmem>>, vector<1x16xf32>,
        %get3A_713 = vector.shape_cast %get3A_712 : vector<1x16xf32> to vector<16xf32>
        %add3A_714 = arith.addf %add3A_694, %get3A_713 : vector<16xf32>
        %get3A_715 = arith.index_cast %add3A_662 : i32 to index
        %get3A_716 = arith.constant 32 : index
        %get3A_717 = tpu.vector_load %arg7[%get3A_715, %get3A_716] {strides = array<i32>} : memref<128x64xf32, #tpu.memory_space<vmem>>, vector<1x16xf32>,
        %get3A_718 = vector.shape_cast %get3A_717 : vector<1x16xf32> to vector<16xf32>
        %add3A_719 = arith.addf %add3A_699, %get3A_718 : vector<16xf32>
        %get3A_720 = arith.index_cast %add3A_662 : i32 to index
        %get3A_721 = arith.constant 48 : index
        %get3A_722 = tpu.vector_load %arg7[%get3A_720, %get3A_721] {strides = array<i32>} : memref<128x64xf32, #tpu.memory_space<vmem>>, vector<1x16xf32>,
        %get3A_723 = vector.shape_cast %get3A_722 : vector<1x16xf32> to vector<16xf32>
        %add3A_724 = arith.addf %add3A_704, %get3A_723 : vector<16xf32>
        %get3A_725 = arith.index_cast %add3A_660 : i32 to index
        %get3A_726 = arith.constant 0 : index
        %get3A_727 = tpu.vector_load %arg7[%get3A_725, %get3A_726] {strides = array<i32>} : memref<128x64xf32, #tpu.memory_space<vmem>>, vector<1x16xf32>,
        %get3A_728 = vector.shape_cast %get3A_727 : vector<1x16xf32> to vector<16xf32>
        %add3A_729 = arith.addf %add3A_709, %get3A_728 : vector<16xf32>
        %get3A_730 = arith.index_cast %add3A_660 : i32 to index
        %get3A_731 = arith.constant 16 : index
        %get3A_732 = tpu.vector_load %arg7[%get3A_730, %get3A_731] {strides = array<i32>} : memref<128x64xf32, #tpu.memory_space<vmem>>, vector<1x16xf32>,
        %get3A_733 = vector.shape_cast %get3A_732 : vector<1x16xf32> to vector<16xf32>
        %add3A_734 = arith.addf %add3A_714, %get3A_733 : vector<16xf32>
        %get3A_735 = arith.index_cast %add3A_660 : i32 to index
        %get3A_736 = arith.constant 32 : index
        %get3A_737 = tpu.vector_load %arg7[%get3A_735, %get3A_736] {strides = array<i32>} : memref<128x64xf32, #tpu.memory_space<vmem>>, vector<1x16xf32>,
        %get3A_738 = vector.shape_cast %get3A_737 : vector<1x16xf32> to vector<16xf32>
        %add3A_739 = arith.addf %add3A_719, %get3A_738 : vector<16xf32>
        %get3A_740 = arith.index_cast %add3A_660 : i32 to index
        %get3A_741 = arith.constant 48 : index
        %get3A_742 = tpu.vector_load %arg7[%get3A_740, %get3A_741] {strides = array<i32>} : memref<128x64xf32, #tpu.memory_space<vmem>>, vector<1x16xf32>,
        %get3A_743 = vector.shape_cast %get3A_742 : vector<1x16xf32> to vector<16xf32>
        %add3A_744 = arith.addf %add3A_724, %get3A_743 : vector<16xf32>
        scf.yield %add3A_729, %add3A_734, %add3A_739, %add3A_744 : vector<16xf32>, vector<16xf32>, vector<16xf32>, vector<16xf32>
      }
      %while3A_386 = arith.constant 1 : i32
      %while3A_387:4 = scf.for %while3A_650 = %while3A_383 to %while3A_379 step %while3A_386 iter_args(%while3A_651 = %while3A_385#0, %while3A_652 = %while3A_385#1, %while3A_653 = %while3A_385#2, %while3A_654 = %while3A_385#3) -> (vector<16xf32>, vector<16xf32>, vector<16xf32>, vector<16xf32>)  : i32 {
        %mul3A_655 = arith.constant 4 : i32
        %mul3A_656 = arith.muli %mul3A_655, %while3A_650 : i32
        %add3A_657 = arith.constant 0 : i32
        %add3A_658 = arith.addi %add3A_657, %mul3A_656 : i32
        %add3A_659 = arith.constant 3 : i32
        %add3A_660 = arith.addi %add3A_658, %add3A_659 : i32
        %add3A_661 = arith.constant 2 : i32
        %add3A_662 = arith.addi %add3A_658, %add3A_661 : i32
        %add3A_663 = arith.constant 1 : i32
        %add3A_664 = arith.addi %add3A_658, %add3A_663 : i32
        %get3A_665 = arith.index_cast %add3A_658 : i32 to index
        %get3A_666 = arith.constant 0 : index
        %get3A_667 = tpu.vector_load %arg7[%get3A_665, %get3A_666] {strides = array<i32>} : memref<128x64xf32, #tpu.memory_space<vmem>>, vector<1x16xf32>,
        %get3A_668 = vector.shape_cast %get3A_667 : vector<1x16xf32> to vector<16xf32>
        %add3A_669 = arith.addf %while3A_651, %get3A_668 : vector<16xf32>
        %get3A_670 = arith.index_cast %add3A_658 : i32 to index
        %get3A_671 = arith.constant 16 : index
        %get3A_672 = tpu.vector_load %arg7[%get3A_670, %get3A_671] {strides = array<i32>} : memref<128x64xf32, #tpu.memory_space<vmem>>, vector<1x16xf32>,
        %get3A_673 = vector.shape_cast %get3A_672 : vector<1x16xf32> to vector<16xf32>
        %add3A_674 = arith.addf %while3A_652, %get3A_673 : vector<16xf32>
        %get3A_675 = arith.index_cast %add3A_658 : i32 to index
        %get3A_676 = arith.constant 32 : index
        %get3A_677 = tpu.vector_load %arg7[%get3A_675, %get3A_676] {strides = array<i32>} : memref<128x64xf32, #tpu.memory_space<vmem>>, vector<1x16xf32>,
        %get3A_678 = vector.shape_cast %get3A_677 : vector<1x16xf32> to vector<16xf32>
        %add3A_679 = arith.addf %while3A_653, %get3A_678 : vector<16xf32>
        %get3A_680 = arith.index_cast %add3A_658 : i32 to index
        %get3A_681 = arith.constant 48 : index
        %get3A_682 = tpu.vector_load %arg7[%get3A_680, %get3A_681] {strides = array<i32>} : memref<128x64xf32, #tpu.memory_space<vmem>>, vector<1x16xf32>,
        %get3A_683 = vector.shape_cast %get3A_682 : vector<1x16xf32> to vector<16xf32>
        %add3A_684 = arith.addf %while3A_654, %get3A_683 : vector<16xf32>
        %get3A_685 = arith.index_cast %add3A_664 : i32 to index
        %get3A_686 = arith.constant 0 : index
        %get3A_687 = tpu.vector_load %arg7[%get3A_685, %get3A_686] {strides = array<i32>} : memref<128x64xf32, #tpu.memory_space<vmem>>, vector<1x16xf32>,
        %get3A_688 = vector.shape_cast %get3A_687 : vector<1x16xf32> to vector<16xf32>
        %add3A_689 = arith.addf %add3A_669, %get3A_688 : vector<16xf32>
        %get3A_690 = arith.index_cast %add3A_664 : i32 to index
        %get3A_691 = arith.constant 16 : index
        %get3A_692 = tpu.vector_load %arg7[%get3A_690, %get3A_691] {strides = array<i32>} : memref<128x64xf32, #tpu.memory_space<vmem>>, vector<1x16xf32>,
        %get3A_693 = vector.shape_cast %get3A_692 : vector<1x16xf32> to vector<16xf32>
        %add3A_694 = arith.addf %add3A_674, %get3A_693 : vector<16xf32>
        %get3A_695 = arith.index_cast %add3A_664 : i32 to index
        %get3A_696 = arith.constant 32 : index
        %get3A_697 = tpu.vector_load %arg7[%get3A_695, %get3A_696] {strides = array<i32>} : memref<128x64xf32, #tpu.memory_space<vmem>>, vector<1x16xf32>,
        %get3A_698 = vector.shape_cast %get3A_697 : vector<1x16xf32> to vector<16xf32>
        %add3A_699 = arith.addf %add3A_679, %get3A_698 : vector<16xf32>
        %get3A_700 = arith.index_cast %add3A_664 : i32 to index
        %get3A_701 = arith.constant 48 : index
        %get3A_702 = tpu.vector_load %arg7[%get3A_700, %get3A_701] {strides = array<i32>} : memref<128x64xf32, #tpu.memory_space<vmem>>, vector<1x16xf32>,
        %get3A_703 = vector.shape_cast %get3A_702 : vector<1x16xf32> to vector<16xf32>
        %add3A_704 = arith.addf %add3A_684, %get3A_703 : vector<16xf32>
        %get3A_705 = arith.index_cast %add3A_662 : i32 to index
        %get3A_706 = arith.constant 0 : index
        %get3A_707 = tpu.vector_load %arg7[%get3A_705, %get3A_706] {strides = array<i32>} : memref<128x64xf32, #tpu.memory_space<vmem>>, vector<1x16xf32>,
        %get3A_708 = vector.shape_cast %get3A_707 : vector<1x16xf32> to vector<16xf32>
        %add3A_709 = arith.addf %add3A_689, %get3A_708 : vector<16xf32>
        %get3A_710 = arith.index_cast %add3A_662 : i32 to index
        %get3A_711 = arith.constant 16 : index
        %get3A_712 = tpu.vector_load %arg7[%get3A_710, %get3A_711] {strides = array<i32>} : memref<128x64xf32, #tpu.memory_space<vmem>>, vector<1x16xf32>,
        %get3A_713 = vector.shape_cast %get3A_712 : vector<1x16xf32> to vector<16xf32>
        %add3A_714 = arith.addf %add3A_694, %get3A_713 : vector<16xf32>
        %get3A_715 = arith.index_cast %add3A_662 : i32 to index
        %get3A_716 = arith.constant 32 : index
        %get3A_717 = tpu.vector_load %arg7[%get3A_715, %get3A_716] {strides = array<i32>} : memref<128x64xf32, #tpu.memory_space<vmem>>, vector<1x16xf32>,
        %get3A_718 = vector.shape_cast %get3A_717 : vector<1x16xf32> to vector<16xf32>
        %add3A_719 = arith.addf %add3A_699, %get3A_718 : vector<16xf32>
        %get3A_720 = arith.index_cast %add3A_662 : i32 to index
        %get3A_721 = arith.constant 48 : index
        %get3A_722 = tpu.vector_load %arg7[%get3A_720, %get3A_721] {strides = array<i32>} : memref<128x64xf32, #tpu.memory_space<vmem>>, vector<1x16xf32>,
        %get3A_723 = vector.shape_cast %get3A_722 : vector<1x16xf32> to vector<16xf32>
        %add3A_724 = arith.addf %add3A_704, %get3A_723 : vector<16xf32>
        %get3A_725 = arith.index_cast %add3A_660 : i32 to index
        %get3A_726 = arith.constant 0 : index
        %get3A_727 = tpu.vector_load %arg7[%get3A_725, %get3A_726] {strides = array<i32>} : memref<128x64xf32, #tpu.memory_space<vmem>>, vector<1x16xf32>,
        %get3A_728 = vector.shape_cast %get3A_727 : vector<1x16xf32> to vector<16xf32>
        %add3A_729 = arith.addf %add3A_709, %get3A_728 : vector<16xf32>
        %get3A_730 = arith.index_cast %add3A_660 : i32 to index
        %get3A_731 = arith.constant 16 : index
        %get3A_732 = tpu.vector_load %arg7[%get3A_730, %get3A_731] {strides = array<i32>} : memref<128x64xf32, #tpu.memory_space<vmem>>, vector<1x16xf32>,
        %get3A_733 = vector.shape_cast %get3A_732 : vector<1x16xf32> to vector<16xf32>
        %add3A_734 = arith.addf %add3A_714, %get3A_733 : vector<16xf32>
        %get3A_735 = arith.index_cast %add3A_660 : i32 to index
        %get3A_736 = arith.constant 32 : index
        %get3A_737 = tpu.vector_load %arg7[%get3A_735, %get3A_736] {strides = array<i32>} : memref<128x64xf32, #tpu.memory_space<vmem>>, vector<1x16xf32>,
        %get3A_738 = vector.shape_cast %get3A_737 : vector<1x16xf32> to vector<16xf32>
        %add3A_739 = arith.addf %add3A_719, %get3A_738 : vector<16xf32>
        %get3A_740 = arith.index_cast %add3A_660 : i32 to index
        %get3A_741 = arith.constant 48 : index
        %get3A_742 = tpu.vector_load %arg7[%get3A_740, %get3A_741] {strides = array<i32>} : memref<128x64xf32, #tpu.memory_space<vmem>>, vector<1x16xf32>,
        %get3A_743 = vector.shape_cast %get3A_742 : vector<1x16xf32> to vector<16xf32>
        %add3A_744 = arith.addf %add3A_724, %get3A_743 : vector<16xf32>
        scf.yield %add3A_729, %add3A_734, %add3A_739, %add3A_744 : vector<16xf32>, vector<16xf32>, vector<16xf32>, vector<16xf32>
      }
      %sub3A_388 = arith.constant 0 : i32
      %sub3A_389 = arith.subi %min3A_372, %sub3A_388 : i32
      %and3A_390 = arith.constant 3 : i32
      %and3A_391 = arith.andi %sub3A_389, %and3A_390 : i32
      %broadcast_in_dim3A_392 = arith.constant 0.000000e+00 : f32
      %broadcast_in_dim3A_393 = vector.broadcast %broadcast_in_dim3A_392 : f32 to vector<16xf32>
      %sub3A_394 = arith.constant 1 : i32
      %sub3A_395 = arith.subi %min3A_372, %sub3A_394 : i32
      %sub3A_396 = arith.constant 0 : i32
      %sub3A_397 = arith.subi %sub3A_395, %sub3A_396 : i32
      %max3A_398 = arith.constant 0 : i32
      %max3A_399 = arith.maxsi %sub3A_397, %max3A_398 : i32
      %gt3A_400 = arith.constant 0 : i32
      %gt3A_401 = arith.cmpi sgt, %and3A_391, %gt3A_400 : i32
      %get3A_402 = arith.index_cast %max3A_399 : i32 to index
      %get3A_403 = arith.constant 0 : index
      %get3A_404 = tpu.vector_load %arg7[%get3A_402, %get3A_403] {strides = array<i32>} : memref<128x64xf32, #tpu.memory_space<vmem>>, vector<1x16xf32>,
      %get3A_405 = vector.shape_cast %get3A_404 : vector<1x16xf32> to vector<16xf32>
      %select_n3A_406 = arith.select %gt3A_401, %get3A_405, %broadcast_in_dim3A_393 : vector<16xf32>
      %add3A_407 = arith.addf %while3A_387#0, %select_n3A_406 : vector<16xf32>
      %gt3A_408 = arith.constant 0 : i32
      %gt3A_409 = arith.cmpi sgt, %and3A_391, %gt3A_408 : i32
      %get3A_410 = arith.index_cast %max3A_399 : i32 to index
      %get3A_411 = arith.constant 16 : index
      %get3A_412 = tpu.vector_load %arg7[%get3A_410, %get3A_411] {strides = array<i32>} : memref<128x64xf32, #tpu.memory_space<vmem>>, vector<1x16xf32>,
      %get3A_413 = vector.shape_cast %get3A_412 : vector<1x16xf32> to vector<16xf32>
      %select_n3A_414 = arith.select %gt3A_409, %get3A_413, %broadcast_in_dim3A_393 : vector<16xf32>
      %add3A_415 = arith.addf %while3A_387#1, %select_n3A_414 : vector<16xf32>
      %gt3A_416 = arith.constant 0 : i32
      %gt3A_417 = arith.cmpi sgt, %and3A_391, %gt3A_416 : i32
      %get3A_418 = arith.index_cast %max3A_399 : i32 to index
      %get3A_419 = arith.constant 32 : index
      %get3A_420 = tpu.vector_load %arg7[%get3A_418, %get3A_419] {strides = array<i32>} : memref<128x64xf32, #tpu.memory_space<vmem>>, vector<1x16xf32>,
      %get3A_421 = vector.shape_cast %get3A_420 : vector<1x16xf32> to vector<16xf32>
      %select_n3A_422 = arith.select %gt3A_417, %get3A_421, %broadcast_in_dim3A_393 : vector<16xf32>
      %add3A_423 = arith.addf %while3A_387#2, %select_n3A_422 : vector<16xf32>
      %gt3A_424 = arith.constant 0 : i32
      %gt3A_425 = arith.cmpi sgt, %and3A_391, %gt3A_424 : i32
      %get3A_426 = arith.index_cast %max3A_399 : i32 to index
      %get3A_427 = arith.constant 48 : index
      %get3A_428 = tpu.vector_load %arg7[%get3A_426, %get3A_427] {strides = array<i32>} : memref<128x64xf32, #tpu.memory_space<vmem>>, vector<1x16xf32>,
      %get3A_429 = vector.shape_cast %get3A_428 : vector<1x16xf32> to vector<16xf32>
      %select_n3A_430 = arith.select %gt3A_425, %get3A_429, %broadcast_in_dim3A_393 : vector<16xf32>
      %add3A_431 = arith.addf %while3A_387#3, %select_n3A_430 : vector<16xf32>
      %sub3A_432 = arith.constant 1 : i32
      %sub3A_433 = arith.subi %min3A_372, %sub3A_432 : i32
      %sub3A_434 = arith.constant 1 : i32
      %sub3A_435 = arith.subi %sub3A_433, %sub3A_434 : i32
      %max3A_436 = arith.constant 0 : i32
      %max3A_437 = arith.maxsi %sub3A_435, %max3A_436 : i32
      %gt3A_438 = arith.constant 1 : i32
      %gt3A_439 = arith.cmpi sgt, %and3A_391, %gt3A_438 : i32
      %get3A_440 = arith.index_cast %max3A_437 : i32 to index
      %get3A_441 = arith.constant 0 : index
      %get3A_442 = tpu.vector_load %arg7[%get3A_440, %get3A_441] {strides = array<i32>} : memref<128x64xf32, #tpu.memory_space<vmem>>, vector<1x16xf32>,
      %get3A_443 = vector.shape_cast %get3A_442 : vector<1x16xf32> to vector<16xf32>
      %select_n3A_444 = arith.select %gt3A_439, %get3A_443, %broadcast_in_dim3A_393 : vector<16xf32>
      %add3A_445 = arith.addf %add3A_407, %select_n3A_444 : vector<16xf32>
      %gt3A_446 = arith.constant 1 : i32
      %gt3A_447 = arith.cmpi sgt, %and3A_391, %gt3A_446 : i32
      %get3A_448 = arith.index_cast %max3A_437 : i32 to index
      %get3A_449 = arith.constant 16 : index
      %get3A_450 = tpu.vector_load %arg7[%get3A_448, %get3A_449] {strides = array<i32>} : memref<128x64xf32, #tpu.memory_space<vmem>>, vector<1x16xf32>,
      %get3A_451 = vector.shape_cast %get3A_450 : vector<1x16xf32> to vector<16xf32>
      %select_n3A_452 = arith.select %gt3A_447, %get3A_451, %broadcast_in_dim3A_393 : vector<16xf32>
      %add3A_453 = arith.addf %add3A_415, %select_n3A_452 : vector<16xf32>
      %gt3A_454 = arith.constant 1 : i32
      %gt3A_455 = arith.cmpi sgt, %and3A_391, %gt3A_454 : i32
      %get3A_456 = arith.index_cast %max3A_437 : i32 to index
      %get3A_457 = arith.constant 32 : index
      %get3A_458 = tpu.vector_load %arg7[%get3A_456, %get3A_457] {strides = array<i32>} : memref<128x64xf32, #tpu.memory_space<vmem>>, vector<1x16xf32>,
      %get3A_459 = vector.shape_cast %get3A_458 : vector<1x16xf32> to vector<16xf32>
      %select_n3A_460 = arith.select %gt3A_455, %get3A_459, %broadcast_in_dim3A_393 : vector<16xf32>
      %add3A_461 = arith.addf %add3A_423, %select_n3A_460 : vector<16xf32>
      %gt3A_462 = arith.constant 1 : i32
      %gt3A_463 = arith.cmpi sgt, %and3A_391, %gt3A_462 : i32
      %get3A_464 = arith.index_cast %max3A_437 : i32 to index
      %get3A_465 = arith.constant 48 : index
      %get3A_466 = tpu.vector_load %arg7[%get3A_464, %get3A_465] {strides = array<i32>} : memref<128x64xf32, #tpu.memory_space<vmem>>, vector<1x16xf32>,
      %get3A_467 = vector.shape_cast %get3A_466 : vector<1x16xf32> to vector<16xf32>
      %select_n3A_468 = arith.select %gt3A_463, %get3A_467, %broadcast_in_dim3A_393 : vector<16xf32>
      %add3A_469 = arith.addf %add3A_431, %select_n3A_468 : vector<16xf32>
      %sub3A_470 = arith.constant 1 : i32
      %sub3A_471 = arith.subi %min3A_372, %sub3A_470 : i32
      %sub3A_472 = arith.constant 2 : i32
      %sub3A_473 = arith.subi %sub3A_471, %sub3A_472 : i32
      %max3A_474 = arith.constant 0 : i32
      %max3A_475 = arith.maxsi %sub3A_473, %max3A_474 : i32
      %gt3A_476 = arith.constant 2 : i32
      %gt3A_477 = arith.cmpi sgt, %and3A_391, %gt3A_476 : i32
      %get3A_478 = arith.index_cast %max3A_475 : i32 to index
      %get3A_479 = arith.constant 0 : index
      %get3A_480 = tpu.vector_load %arg7[%get3A_478, %get3A_479] {strides = array<i32>} : memref<128x64xf32, #tpu.memory_space<vmem>>, vector<1x16xf32>,
      %get3A_481 = vector.shape_cast %get3A_480 : vector<1x16xf32> to vector<16xf32>
      %select_n3A_482 = arith.select %gt3A_477, %get3A_481, %broadcast_in_dim3A_393 : vector<16xf32>
      %add3A_483 = arith.addf %add3A_445, %select_n3A_482 : vector<16xf32>
      %gt3A_484 = arith.constant 2 : i32
      %gt3A_485 = arith.cmpi sgt, %and3A_391, %gt3A_484 : i32
      %get3A_486 = arith.index_cast %max3A_475 : i32 to index
      %get3A_487 = arith.constant 16 : index
      %get3A_488 = tpu.vector_load %arg7[%get3A_486, %get3A_487] {strides = array<i32>} : memref<128x64xf32, #tpu.memory_space<vmem>>, vector<1x16xf32>,
      %get3A_489 = vector.shape_cast %get3A_488 : vector<1x16xf32> to vector<16xf32>
      %select_n3A_490 = arith.select %gt3A_485, %get3A_489, %broadcast_in_dim3A_393 : vector<16xf32>
      %add3A_491 = arith.addf %add3A_453, %select_n3A_490 : vector<16xf32>
      %gt3A_492 = arith.constant 2 : i32
      %gt3A_493 = arith.cmpi sgt, %and3A_391, %gt3A_492 : i32
      %get3A_494 = arith.index_cast %max3A_475 : i32 to index
      %get3A_495 = arith.constant 32 : index
      %get3A_496 = tpu.vector_load %arg7[%get3A_494, %get3A_495] {strides = array<i32>} : memref<128x64xf32, #tpu.memory_space<vmem>>, vector<1x16xf32>,
      %get3A_497 = vector.shape_cast %get3A_496 : vector<1x16xf32> to vector<16xf32>
      %select_n3A_498 = arith.select %gt3A_493, %get3A_497, %broadcast_in_dim3A_393 : vector<16xf32>
      %add3A_499 = arith.addf %add3A_461, %select_n3A_498 : vector<16xf32>
      %gt3A_500 = arith.constant 2 : i32
      %gt3A_501 = arith.cmpi sgt, %and3A_391, %gt3A_500 : i32
      %get3A_502 = arith.index_cast %max3A_475 : i32 to index
      %get3A_503 = arith.constant 48 : index
      %get3A_504 = tpu.vector_load %arg7[%get3A_502, %get3A_503] {strides = array<i32>} : memref<128x64xf32, #tpu.memory_space<vmem>>, vector<1x16xf32>,
      %get3A_505 = vector.shape_cast %get3A_504 : vector<1x16xf32> to vector<16xf32>
      %select_n3A_506 = arith.select %gt3A_501, %get3A_505, %broadcast_in_dim3A_393 : vector<16xf32>
      %add3A_507 = arith.addf %add3A_469, %select_n3A_506 : vector<16xf32>
      %le3A_508 = arith.constant 128 : i32
      %le3A_509 = arith.cmpi sle, %sub3A_370, %le3A_508 : i32
      %convert_element_type3A_510 = arith.extui %le3A_509 : i1 to i32
      %cond3A_511 = arith.constant 0 : i32
      %cond3A_512 = arith.cmpi ne, %convert_element_type3A_510, %cond3A_511 : i32
      scf.if %cond3A_512 {
        %mul3A_650 = arith.mulf %add3A_483, %broadcast_in_dim3A_5 : vector<16xf32>
        %swap3A = arith.index_cast %select_n3A_365 : i32 to index
        %swap3A_651 = arith.constant 0 : index
        %swap3A_652 = tpu.vector_load %arg8[%swap3A, %swap3A_651] {strides = array<i32>} : memref<128x64xf32, #tpu.memory_space<vmem>>, vector<1x16xf32>,
        %swap3A_653 = vector.shape_cast %swap3A_652 : vector<1x16xf32> to vector<16xf32>
        %swap3A_654 = vector.shape_cast %mul3A_650 : vector<16xf32> to vector<1x16xf32>
        tpu.vector_store %arg8[%swap3A, %swap3A_651], %swap3A_654 {strides = array<i32>} : memref<128x64xf32, #tpu.memory_space<vmem>>, vector<1x16xf32>,
        %mul3A_655 = arith.mulf %add3A_491, %broadcast_in_dim3A_5 : vector<16xf32>
        %swap3A_656 = arith.index_cast %select_n3A_365 : i32 to index
        %swap3A_657 = arith.constant 16 : index
        %swap3A_658 = tpu.vector_load %arg8[%swap3A_656, %swap3A_657] {strides = array<i32>} : memref<128x64xf32, #tpu.memory_space<vmem>>, vector<1x16xf32>,
        %swap3A_659 = vector.shape_cast %swap3A_658 : vector<1x16xf32> to vector<16xf32>
        %swap3A_660 = vector.shape_cast %mul3A_655 : vector<16xf32> to vector<1x16xf32>
        tpu.vector_store %arg8[%swap3A_656, %swap3A_657], %swap3A_660 {strides = array<i32>} : memref<128x64xf32, #tpu.memory_space<vmem>>, vector<1x16xf32>,
        %mul3A_661 = arith.mulf %add3A_499, %broadcast_in_dim3A_5 : vector<16xf32>
        %swap3A_662 = arith.index_cast %select_n3A_365 : i32 to index
        %swap3A_663 = arith.constant 32 : index
        %swap3A_664 = tpu.vector_load %arg8[%swap3A_662, %swap3A_663] {strides = array<i32>} : memref<128x64xf32, #tpu.memory_space<vmem>>, vector<1x16xf32>,
        %swap3A_665 = vector.shape_cast %swap3A_664 : vector<1x16xf32> to vector<16xf32>
        %swap3A_666 = vector.shape_cast %mul3A_661 : vector<16xf32> to vector<1x16xf32>
        tpu.vector_store %arg8[%swap3A_662, %swap3A_663], %swap3A_666 {strides = array<i32>} : memref<128x64xf32, #tpu.memory_space<vmem>>, vector<1x16xf32>,
        %mul3A_667 = arith.mulf %add3A_507, %broadcast_in_dim3A_5 : vector<16xf32>
        %swap3A_668 = arith.index_cast %select_n3A_365 : i32 to index
        %swap3A_669 = arith.constant 48 : index
        %swap3A_670 = tpu.vector_load %arg8[%swap3A_668, %swap3A_669] {strides = array<i32>} : memref<128x64xf32, #tpu.memory_space<vmem>>, vector<1x16xf32>,
        %swap3A_671 = vector.shape_cast %swap3A_670 : vector<1x16xf32> to vector<16xf32>
        %swap3A_672 = vector.shape_cast %mul3A_667 : vector<16xf32> to vector<1x16xf32>
        tpu.vector_store %arg8[%swap3A_668, %swap3A_669], %swap3A_672 {strides = array<i32>} : memref<128x64xf32, #tpu.memory_space<vmem>>, vector<1x16xf32>,
      } else {
      }
      %select_n3A_513 = arith.select %le3A_509, %broadcast_in_dim3A_7, %add3A_483 : vector<16xf32>
      %select_n3A_514 = arith.select %le3A_509, %broadcast_in_dim3A_7, %add3A_491 : vector<16xf32>
      %select_n3A_515 = arith.select %le3A_509, %broadcast_in_dim3A_7, %add3A_499 : vector<16xf32>
      %select_n3A_516 = arith.select %le3A_509, %broadcast_in_dim3A_7, %add3A_507 : vector<16xf32>
      %sub3A_517 = arith.constant 128 : i32
      %sub3A_518 = arith.subi %sub3A_517, %min3A_372 : i32
      %shift_right_arithmetic3A_519 = arith.constant 2 : i32
      %shift_right_arithmetic3A_520 = arith.shrsi %sub3A_518, %shift_right_arithmetic3A_519 : i32
      %while3A_521 = arith.constant 0 : i32
      %while3A_522 = arith.subi %shift_right_arithmetic3A_520, %while3A_521 : i32
      %while3A_523 = arith.addi %while3A_521, %while3A_522 : i32
      %while3A_524 = arith.constant 1 : i32
      %while3A_525 = arith.divsi %while3A_522, %while3A_524 : i32
      %while3A_526 = arith.muli %while3A_525, %while3A_524 : i32
      %while3A_527 = arith.addi %while3A_521, %while3A_526 : i32
      %while3A_528 = arith.constant 1 : i32
      %while3A_529:4 = scf.for %while3A_650 = %while3A_521 to %while3A_527 step %while3A_528 iter_args(%while3A_651 = %select_n3A_513, %while3A_652 = %select_n3A_514, %while3A_653 = %select_n3A_515, %while3A_654 = %select_n3A_516) -> (vector<16xf32>, vector<16xf32>, vector<16xf32>, vector<16xf32>)  : i32 {
        %mul3A_655 = arith.constant 4 : i32
        %mul3A_656 = arith.muli %mul3A_655, %while3A_650 : i32
        %add3A_657 = arith.addi %min3A_372, %mul3A_656 : i32
        %add3A_658 = arith.constant 3 : i32
        %add3A_659 = arith.addi %add3A_657, %add3A_658 : i32
        %add3A_660 = arith.constant 2 : i32
        %add3A_661 = arith.addi %add3A_657, %add3A_660 : i32
        %add3A_662 = arith.constant 1 : i32
        %add3A_663 = arith.addi %add3A_657, %add3A_662 : i32
        %get3A_664 = arith.index_cast %add3A_657 : i32 to index
        %get3A_665 = arith.constant 0 : index
        %get3A_666 = tpu.vector_load %arg7[%get3A_664, %get3A_665] {strides = array<i32>} : memref<128x64xf32, #tpu.memory_space<vmem>>, vector<1x16xf32>,
        %get3A_667 = vector.shape_cast %get3A_666 : vector<1x16xf32> to vector<16xf32>
        %add3A_668 = arith.addf %while3A_651, %get3A_667 : vector<16xf32>
        %get3A_669 = arith.index_cast %add3A_657 : i32 to index
        %get3A_670 = arith.constant 16 : index
        %get3A_671 = tpu.vector_load %arg7[%get3A_669, %get3A_670] {strides = array<i32>} : memref<128x64xf32, #tpu.memory_space<vmem>>, vector<1x16xf32>,
        %get3A_672 = vector.shape_cast %get3A_671 : vector<1x16xf32> to vector<16xf32>
        %add3A_673 = arith.addf %while3A_652, %get3A_672 : vector<16xf32>
        %get3A_674 = arith.index_cast %add3A_657 : i32 to index
        %get3A_675 = arith.constant 32 : index
        %get3A_676 = tpu.vector_load %arg7[%get3A_674, %get3A_675] {strides = array<i32>} : memref<128x64xf32, #tpu.memory_space<vmem>>, vector<1x16xf32>,
        %get3A_677 = vector.shape_cast %get3A_676 : vector<1x16xf32> to vector<16xf32>
        %add3A_678 = arith.addf %while3A_653, %get3A_677 : vector<16xf32>
        %get3A_679 = arith.index_cast %add3A_657 : i32 to index
        %get3A_680 = arith.constant 48 : index
        %get3A_681 = tpu.vector_load %arg7[%get3A_679, %get3A_680] {strides = array<i32>} : memref<128x64xf32, #tpu.memory_space<vmem>>, vector<1x16xf32>,
        %get3A_682 = vector.shape_cast %get3A_681 : vector<1x16xf32> to vector<16xf32>
        %add3A_683 = arith.addf %while3A_654, %get3A_682 : vector<16xf32>
        %get3A_684 = arith.index_cast %add3A_663 : i32 to index
        %get3A_685 = arith.constant 0 : index
        %get3A_686 = tpu.vector_load %arg7[%get3A_684, %get3A_685] {strides = array<i32>} : memref<128x64xf32, #tpu.memory_space<vmem>>, vector<1x16xf32>,
        %get3A_687 = vector.shape_cast %get3A_686 : vector<1x16xf32> to vector<16xf32>
        %add3A_688 = arith.addf %add3A_668, %get3A_687 : vector<16xf32>
        %get3A_689 = arith.index_cast %add3A_663 : i32 to index
        %get3A_690 = arith.constant 16 : index
        %get3A_691 = tpu.vector_load %arg7[%get3A_689, %get3A_690] {strides = array<i32>} : memref<128x64xf32, #tpu.memory_space<vmem>>, vector<1x16xf32>,
        %get3A_692 = vector.shape_cast %get3A_691 : vector<1x16xf32> to vector<16xf32>
        %add3A_693 = arith.addf %add3A_673, %get3A_692 : vector<16xf32>
        %get3A_694 = arith.index_cast %add3A_663 : i32 to index
        %get3A_695 = arith.constant 32 : index
        %get3A_696 = tpu.vector_load %arg7[%get3A_694, %get3A_695] {strides = array<i32>} : memref<128x64xf32, #tpu.memory_space<vmem>>, vector<1x16xf32>,
        %get3A_697 = vector.shape_cast %get3A_696 : vector<1x16xf32> to vector<16xf32>
        %add3A_698 = arith.addf %add3A_678, %get3A_697 : vector<16xf32>
        %get3A_699 = arith.index_cast %add3A_663 : i32 to index
        %get3A_700 = arith.constant 48 : index
        %get3A_701 = tpu.vector_load %arg7[%get3A_699, %get3A_700] {strides = array<i32>} : memref<128x64xf32, #tpu.memory_space<vmem>>, vector<1x16xf32>,
        %get3A_702 = vector.shape_cast %get3A_701 : vector<1x16xf32> to vector<16xf32>
        %add3A_703 = arith.addf %add3A_683, %get3A_702 : vector<16xf32>
        %get3A_704 = arith.index_cast %add3A_661 : i32 to index
        %get3A_705 = arith.constant 0 : index
        %get3A_706 = tpu.vector_load %arg7[%get3A_704, %get3A_705] {strides = array<i32>} : memref<128x64xf32, #tpu.memory_space<vmem>>, vector<1x16xf32>,
        %get3A_707 = vector.shape_cast %get3A_706 : vector<1x16xf32> to vector<16xf32>
        %add3A_708 = arith.addf %add3A_688, %get3A_707 : vector<16xf32>
        %get3A_709 = arith.index_cast %add3A_661 : i32 to index
        %get3A_710 = arith.constant 16 : index
        %get3A_711 = tpu.vector_load %arg7[%get3A_709, %get3A_710] {strides = array<i32>} : memref<128x64xf32, #tpu.memory_space<vmem>>, vector<1x16xf32>,
        %get3A_712 = vector.shape_cast %get3A_711 : vector<1x16xf32> to vector<16xf32>
        %add3A_713 = arith.addf %add3A_693, %get3A_712 : vector<16xf32>
        %get3A_714 = arith.index_cast %add3A_661 : i32 to index
        %get3A_715 = arith.constant 32 : index
        %get3A_716 = tpu.vector_load %arg7[%get3A_714, %get3A_715] {strides = array<i32>} : memref<128x64xf32, #tpu.memory_space<vmem>>, vector<1x16xf32>,
        %get3A_717 = vector.shape_cast %get3A_716 : vector<1x16xf32> to vector<16xf32>
        %add3A_718 = arith.addf %add3A_698, %get3A_717 : vector<16xf32>
        %get3A_719 = arith.index_cast %add3A_661 : i32 to index
        %get3A_720 = arith.constant 48 : index
        %get3A_721 = tpu.vector_load %arg7[%get3A_719, %get3A_720] {strides = array<i32>} : memref<128x64xf32, #tpu.memory_space<vmem>>, vector<1x16xf32>,
        %get3A_722 = vector.shape_cast %get3A_721 : vector<1x16xf32> to vector<16xf32>
        %add3A_723 = arith.addf %add3A_703, %get3A_722 : vector<16xf32>
        %get3A_724 = arith.index_cast %add3A_659 : i32 to index
        %get3A_725 = arith.constant 0 : index
        %get3A_726 = tpu.vector_load %arg7[%get3A_724, %get3A_725] {strides = array<i32>} : memref<128x64xf32, #tpu.memory_space<vmem>>, vector<1x16xf32>,
        %get3A_727 = vector.shape_cast %get3A_726 : vector<1x16xf32> to vector<16xf32>
        %add3A_728 = arith.addf %add3A_708, %get3A_727 : vector<16xf32>
        %get3A_729 = arith.index_cast %add3A_659 : i32 to index
        %get3A_730 = arith.constant 16 : index
        %get3A_731 = tpu.vector_load %arg7[%get3A_729, %get3A_730] {strides = array<i32>} : memref<128x64xf32, #tpu.memory_space<vmem>>, vector<1x16xf32>,
        %get3A_732 = vector.shape_cast %get3A_731 : vector<1x16xf32> to vector<16xf32>
        %add3A_733 = arith.addf %add3A_713, %get3A_732 : vector<16xf32>
        %get3A_734 = arith.index_cast %add3A_659 : i32 to index
        %get3A_735 = arith.constant 32 : index
        %get3A_736 = tpu.vector_load %arg7[%get3A_734, %get3A_735] {strides = array<i32>} : memref<128x64xf32, #tpu.memory_space<vmem>>, vector<1x16xf32>,
        %get3A_737 = vector.shape_cast %get3A_736 : vector<1x16xf32> to vector<16xf32>
        %add3A_738 = arith.addf %add3A_718, %get3A_737 : vector<16xf32>
        %get3A_739 = arith.index_cast %add3A_659 : i32 to index
        %get3A_740 = arith.constant 48 : index
        %get3A_741 = tpu.vector_load %arg7[%get3A_739, %get3A_740] {strides = array<i32>} : memref<128x64xf32, #tpu.memory_space<vmem>>, vector<1x16xf32>,
        %get3A_742 = vector.shape_cast %get3A_741 : vector<1x16xf32> to vector<16xf32>
        %add3A_743 = arith.addf %add3A_723, %get3A_742 : vector<16xf32>
        scf.yield %add3A_728, %add3A_733, %add3A_738, %add3A_743 : vector<16xf32>, vector<16xf32>, vector<16xf32>, vector<16xf32>
      }
      %while3A_530 = arith.constant 1 : i32
      %while3A_531:4 = scf.for %while3A_650 = %while3A_527 to %while3A_523 step %while3A_530 iter_args(%while3A_651 = %while3A_529#0, %while3A_652 = %while3A_529#1, %while3A_653 = %while3A_529#2, %while3A_654 = %while3A_529#3) -> (vector<16xf32>, vector<16xf32>, vector<16xf32>, vector<16xf32>)  : i32 {
        %mul3A_655 = arith.constant 4 : i32
        %mul3A_656 = arith.muli %mul3A_655, %while3A_650 : i32
        %add3A_657 = arith.addi %min3A_372, %mul3A_656 : i32
        %add3A_658 = arith.constant 3 : i32
        %add3A_659 = arith.addi %add3A_657, %add3A_658 : i32
        %add3A_660 = arith.constant 2 : i32
        %add3A_661 = arith.addi %add3A_657, %add3A_660 : i32
        %add3A_662 = arith.constant 1 : i32
        %add3A_663 = arith.addi %add3A_657, %add3A_662 : i32
        %get3A_664 = arith.index_cast %add3A_657 : i32 to index
        %get3A_665 = arith.constant 0 : index
        %get3A_666 = tpu.vector_load %arg7[%get3A_664, %get3A_665] {strides = array<i32>} : memref<128x64xf32, #tpu.memory_space<vmem>>, vector<1x16xf32>,
        %get3A_667 = vector.shape_cast %get3A_666 : vector<1x16xf32> to vector<16xf32>
        %add3A_668 = arith.addf %while3A_651, %get3A_667 : vector<16xf32>
        %get3A_669 = arith.index_cast %add3A_657 : i32 to index
        %get3A_670 = arith.constant 16 : index
        %get3A_671 = tpu.vector_load %arg7[%get3A_669, %get3A_670] {strides = array<i32>} : memref<128x64xf32, #tpu.memory_space<vmem>>, vector<1x16xf32>,
        %get3A_672 = vector.shape_cast %get3A_671 : vector<1x16xf32> to vector<16xf32>
        %add3A_673 = arith.addf %while3A_652, %get3A_672 : vector<16xf32>
        %get3A_674 = arith.index_cast %add3A_657 : i32 to index
        %get3A_675 = arith.constant 32 : index
        %get3A_676 = tpu.vector_load %arg7[%get3A_674, %get3A_675] {strides = array<i32>} : memref<128x64xf32, #tpu.memory_space<vmem>>, vector<1x16xf32>,
        %get3A_677 = vector.shape_cast %get3A_676 : vector<1x16xf32> to vector<16xf32>
        %add3A_678 = arith.addf %while3A_653, %get3A_677 : vector<16xf32>
        %get3A_679 = arith.index_cast %add3A_657 : i32 to index
        %get3A_680 = arith.constant 48 : index
        %get3A_681 = tpu.vector_load %arg7[%get3A_679, %get3A_680] {strides = array<i32>} : memref<128x64xf32, #tpu.memory_space<vmem>>, vector<1x16xf32>,
        %get3A_682 = vector.shape_cast %get3A_681 : vector<1x16xf32> to vector<16xf32>
        %add3A_683 = arith.addf %while3A_654, %get3A_682 : vector<16xf32>
        %get3A_684 = arith.index_cast %add3A_663 : i32 to index
        %get3A_685 = arith.constant 0 : index
        %get3A_686 = tpu.vector_load %arg7[%get3A_684, %get3A_685] {strides = array<i32>} : memref<128x64xf32, #tpu.memory_space<vmem>>, vector<1x16xf32>,
        %get3A_687 = vector.shape_cast %get3A_686 : vector<1x16xf32> to vector<16xf32>
        %add3A_688 = arith.addf %add3A_668, %get3A_687 : vector<16xf32>
        %get3A_689 = arith.index_cast %add3A_663 : i32 to index
        %get3A_690 = arith.constant 16 : index
        %get3A_691 = tpu.vector_load %arg7[%get3A_689, %get3A_690] {strides = array<i32>} : memref<128x64xf32, #tpu.memory_space<vmem>>, vector<1x16xf32>,
        %get3A_692 = vector.shape_cast %get3A_691 : vector<1x16xf32> to vector<16xf32>
        %add3A_693 = arith.addf %add3A_673, %get3A_692 : vector<16xf32>
        %get3A_694 = arith.index_cast %add3A_663 : i32 to index
        %get3A_695 = arith.constant 32 : index
        %get3A_696 = tpu.vector_load %arg7[%get3A_694, %get3A_695] {strides = array<i32>} : memref<128x64xf32, #tpu.memory_space<vmem>>, vector<1x16xf32>,
        %get3A_697 = vector.shape_cast %get3A_696 : vector<1x16xf32> to vector<16xf32>
        %add3A_698 = arith.addf %add3A_678, %get3A_697 : vector<16xf32>
        %get3A_699 = arith.index_cast %add3A_663 : i32 to index
        %get3A_700 = arith.constant 48 : index
        %get3A_701 = tpu.vector_load %arg7[%get3A_699, %get3A_700] {strides = array<i32>} : memref<128x64xf32, #tpu.memory_space<vmem>>, vector<1x16xf32>,
        %get3A_702 = vector.shape_cast %get3A_701 : vector<1x16xf32> to vector<16xf32>
        %add3A_703 = arith.addf %add3A_683, %get3A_702 : vector<16xf32>
        %get3A_704 = arith.index_cast %add3A_661 : i32 to index
        %get3A_705 = arith.constant 0 : index
        %get3A_706 = tpu.vector_load %arg7[%get3A_704, %get3A_705] {strides = array<i32>} : memref<128x64xf32, #tpu.memory_space<vmem>>, vector<1x16xf32>,
        %get3A_707 = vector.shape_cast %get3A_706 : vector<1x16xf32> to vector<16xf32>
        %add3A_708 = arith.addf %add3A_688, %get3A_707 : vector<16xf32>
        %get3A_709 = arith.index_cast %add3A_661 : i32 to index
        %get3A_710 = arith.constant 16 : index
        %get3A_711 = tpu.vector_load %arg7[%get3A_709, %get3A_710] {strides = array<i32>} : memref<128x64xf32, #tpu.memory_space<vmem>>, vector<1x16xf32>,
        %get3A_712 = vector.shape_cast %get3A_711 : vector<1x16xf32> to vector<16xf32>
        %add3A_713 = arith.addf %add3A_693, %get3A_712 : vector<16xf32>
        %get3A_714 = arith.index_cast %add3A_661 : i32 to index
        %get3A_715 = arith.constant 32 : index
        %get3A_716 = tpu.vector_load %arg7[%get3A_714, %get3A_715] {strides = array<i32>} : memref<128x64xf32, #tpu.memory_space<vmem>>, vector<1x16xf32>,
        %get3A_717 = vector.shape_cast %get3A_716 : vector<1x16xf32> to vector<16xf32>
        %add3A_718 = arith.addf %add3A_698, %get3A_717 : vector<16xf32>
        %get3A_719 = arith.index_cast %add3A_661 : i32 to index
        %get3A_720 = arith.constant 48 : index
        %get3A_721 = tpu.vector_load %arg7[%get3A_719, %get3A_720] {strides = array<i32>} : memref<128x64xf32, #tpu.memory_space<vmem>>, vector<1x16xf32>,
        %get3A_722 = vector.shape_cast %get3A_721 : vector<1x16xf32> to vector<16xf32>
        %add3A_723 = arith.addf %add3A_703, %get3A_722 : vector<16xf32>
        %get3A_724 = arith.index_cast %add3A_659 : i32 to index
        %get3A_725 = arith.constant 0 : index
        %get3A_726 = tpu.vector_load %arg7[%get3A_724, %get3A_725] {strides = array<i32>} : memref<128x64xf32, #tpu.memory_space<vmem>>, vector<1x16xf32>,
        %get3A_727 = vector.shape_cast %get3A_726 : vector<1x16xf32> to vector<16xf32>
        %add3A_728 = arith.addf %add3A_708, %get3A_727 : vector<16xf32>
        %get3A_729 = arith.index_cast %add3A_659 : i32 to index
        %get3A_730 = arith.constant 16 : index
        %get3A_731 = tpu.vector_load %arg7[%get3A_729, %get3A_730] {strides = array<i32>} : memref<128x64xf32, #tpu.memory_space<vmem>>, vector<1x16xf32>,
        %get3A_732 = vector.shape_cast %get3A_731 : vector<1x16xf32> to vector<16xf32>
        %add3A_733 = arith.addf %add3A_713, %get3A_732 : vector<16xf32>
        %get3A_734 = arith.index_cast %add3A_659 : i32 to index
        %get3A_735 = arith.constant 32 : index
        %get3A_736 = tpu.vector_load %arg7[%get3A_734, %get3A_735] {strides = array<i32>} : memref<128x64xf32, #tpu.memory_space<vmem>>, vector<1x16xf32>,
        %get3A_737 = vector.shape_cast %get3A_736 : vector<1x16xf32> to vector<16xf32>
        %add3A_738 = arith.addf %add3A_718, %get3A_737 : vector<16xf32>
        %get3A_739 = arith.index_cast %add3A_659 : i32 to index
        %get3A_740 = arith.constant 48 : index
        %get3A_741 = tpu.vector_load %arg7[%get3A_739, %get3A_740] {strides = array<i32>} : memref<128x64xf32, #tpu.memory_space<vmem>>, vector<1x16xf32>,
        %get3A_742 = vector.shape_cast %get3A_741 : vector<1x16xf32> to vector<16xf32>
        %add3A_743 = arith.addf %add3A_723, %get3A_742 : vector<16xf32>
        scf.yield %add3A_728, %add3A_733, %add3A_738, %add3A_743 : vector<16xf32>, vector<16xf32>, vector<16xf32>, vector<16xf32>
      }
      %sub3A_532 = arith.constant 128 : i32
      %sub3A_533 = arith.subi %sub3A_532, %min3A_372 : i32
      %and3A_534 = arith.constant 3 : i32
      %and3A_535 = arith.andi %sub3A_533, %and3A_534 : i32
      %broadcast_in_dim3A_536 = arith.constant 0.000000e+00 : f32
      %broadcast_in_dim3A_537 = vector.broadcast %broadcast_in_dim3A_536 : f32 to vector<16xf32>
      %max3A_538 = arith.constant 127 : i32
      %max3A_539 = arith.constant 0 : i32
      %max3A_540 = arith.maxsi %max3A_538, %max3A_539 : i32
      %gt3A_541 = arith.constant 0 : i32
      %gt3A_542 = arith.cmpi sgt, %and3A_535, %gt3A_541 : i32
      %get3A_543 = arith.index_cast %max3A_540 : i32 to index
      %get3A_544 = arith.constant 0 : index
      %get3A_545 = tpu.vector_load %arg7[%get3A_543, %get3A_544] {strides = array<i32>} : memref<128x64xf32, #tpu.memory_space<vmem>>, vector<1x16xf32>,
      %get3A_546 = vector.shape_cast %get3A_545 : vector<1x16xf32> to vector<16xf32>
      %select_n3A_547 = arith.select %gt3A_542, %get3A_546, %broadcast_in_dim3A_537 : vector<16xf32>
      %add3A_548 = arith.addf %while3A_531#0, %select_n3A_547 : vector<16xf32>
      %gt3A_549 = arith.constant 0 : i32
      %gt3A_550 = arith.cmpi sgt, %and3A_535, %gt3A_549 : i32
      %get3A_551 = arith.index_cast %max3A_540 : i32 to index
      %get3A_552 = arith.constant 16 : index
      %get3A_553 = tpu.vector_load %arg7[%get3A_551, %get3A_552] {strides = array<i32>} : memref<128x64xf32, #tpu.memory_space<vmem>>, vector<1x16xf32>,
      %get3A_554 = vector.shape_cast %get3A_553 : vector<1x16xf32> to vector<16xf32>
      %select_n3A_555 = arith.select %gt3A_550, %get3A_554, %broadcast_in_dim3A_537 : vector<16xf32>
      %add3A_556 = arith.addf %while3A_531#1, %select_n3A_555 : vector<16xf32>
      %gt3A_557 = arith.constant 0 : i32
      %gt3A_558 = arith.cmpi sgt, %and3A_535, %gt3A_557 : i32
      %get3A_559 = arith.index_cast %max3A_540 : i32 to index
      %get3A_560 = arith.constant 32 : index
      %get3A_561 = tpu.vector_load %arg7[%get3A_559, %get3A_560] {strides = array<i32>} : memref<128x64xf32, #tpu.memory_space<vmem>>, vector<1x16xf32>,
      %get3A_562 = vector.shape_cast %get3A_561 : vector<1x16xf32> to vector<16xf32>
      %select_n3A_563 = arith.select %gt3A_558, %get3A_562, %broadcast_in_dim3A_537 : vector<16xf32>
      %add3A_564 = arith.addf %while3A_531#2, %select_n3A_563 : vector<16xf32>
      %gt3A_565 = arith.constant 0 : i32
      %gt3A_566 = arith.cmpi sgt, %and3A_535, %gt3A_565 : i32
      %get3A_567 = arith.index_cast %max3A_540 : i32 to index
      %get3A_568 = arith.constant 48 : index
      %get3A_569 = tpu.vector_load %arg7[%get3A_567, %get3A_568] {strides = array<i32>} : memref<128x64xf32, #tpu.memory_space<vmem>>, vector<1x16xf32>,
      %get3A_570 = vector.shape_cast %get3A_569 : vector<1x16xf32> to vector<16xf32>
      %select_n3A_571 = arith.select %gt3A_566, %get3A_570, %broadcast_in_dim3A_537 : vector<16xf32>
      %add3A_572 = arith.addf %while3A_531#3, %select_n3A_571 : vector<16xf32>
      %max3A_573 = arith.constant 126 : i32
      %max3A_574 = arith.constant 0 : i32
      %max3A_575 = arith.maxsi %max3A_573, %max3A_574 : i32
      %gt3A_576 = arith.constant 1 : i32
      %gt3A_577 = arith.cmpi sgt, %and3A_535, %gt3A_576 : i32
      %get3A_578 = arith.index_cast %max3A_575 : i32 to index
      %get3A_579 = arith.constant 0 : index
      %get3A_580 = tpu.vector_load %arg7[%get3A_578, %get3A_579] {strides = array<i32>} : memref<128x64xf32, #tpu.memory_space<vmem>>, vector<1x16xf32>,
      %get3A_581 = vector.shape_cast %get3A_580 : vector<1x16xf32> to vector<16xf32>
      %select_n3A_582 = arith.select %gt3A_577, %get3A_581, %broadcast_in_dim3A_537 : vector<16xf32>
      %add3A_583 = arith.addf %add3A_548, %select_n3A_582 : vector<16xf32>
      %gt3A_584 = arith.constant 1 : i32
      %gt3A_585 = arith.cmpi sgt, %and3A_535, %gt3A_584 : i32
      %get3A_586 = arith.index_cast %max3A_575 : i32 to index
      %get3A_587 = arith.constant 16 : index
      %get3A_588 = tpu.vector_load %arg7[%get3A_586, %get3A_587] {strides = array<i32>} : memref<128x64xf32, #tpu.memory_space<vmem>>, vector<1x16xf32>,
      %get3A_589 = vector.shape_cast %get3A_588 : vector<1x16xf32> to vector<16xf32>
      %select_n3A_590 = arith.select %gt3A_585, %get3A_589, %broadcast_in_dim3A_537 : vector<16xf32>
      %add3A_591 = arith.addf %add3A_556, %select_n3A_590 : vector<16xf32>
      %gt3A_592 = arith.constant 1 : i32
      %gt3A_593 = arith.cmpi sgt, %and3A_535, %gt3A_592 : i32
      %get3A_594 = arith.index_cast %max3A_575 : i32 to index
      %get3A_595 = arith.constant 32 : index
      %get3A_596 = tpu.vector_load %arg7[%get3A_594, %get3A_595] {strides = array<i32>} : memref<128x64xf32, #tpu.memory_space<vmem>>, vector<1x16xf32>,
      %get3A_597 = vector.shape_cast %get3A_596 : vector<1x16xf32> to vector<16xf32>
      %select_n3A_598 = arith.select %gt3A_593, %get3A_597, %broadcast_in_dim3A_537 : vector<16xf32>
      %add3A_599 = arith.addf %add3A_564, %select_n3A_598 : vector<16xf32>
      %gt3A_600 = arith.constant 1 : i32
      %gt3A_601 = arith.cmpi sgt, %and3A_535, %gt3A_600 : i32
      %get3A_602 = arith.index_cast %max3A_575 : i32 to index
      %get3A_603 = arith.constant 48 : index
      %get3A_604 = tpu.vector_load %arg7[%get3A_602, %get3A_603] {strides = array<i32>} : memref<128x64xf32, #tpu.memory_space<vmem>>, vector<1x16xf32>,
      %get3A_605 = vector.shape_cast %get3A_604 : vector<1x16xf32> to vector<16xf32>
      %select_n3A_606 = arith.select %gt3A_601, %get3A_605, %broadcast_in_dim3A_537 : vector<16xf32>
      %add3A_607 = arith.addf %add3A_572, %select_n3A_606 : vector<16xf32>
      %max3A_608 = arith.constant 125 : i32
      %max3A_609 = arith.constant 0 : i32
      %max3A_610 = arith.maxsi %max3A_608, %max3A_609 : i32
      %gt3A_611 = arith.constant 2 : i32
      %gt3A_612 = arith.cmpi sgt, %and3A_535, %gt3A_611 : i32
      %get3A_613 = arith.index_cast %max3A_610 : i32 to index
      %get3A_614 = arith.constant 0 : index
      %get3A_615 = tpu.vector_load %arg7[%get3A_613, %get3A_614] {strides = array<i32>} : memref<128x64xf32, #tpu.memory_space<vmem>>, vector<1x16xf32>,
      %get3A_616 = vector.shape_cast %get3A_615 : vector<1x16xf32> to vector<16xf32>
      %select_n3A_617 = arith.select %gt3A_612, %get3A_616, %broadcast_in_dim3A_537 : vector<16xf32>
      %add3A_618 = arith.addf %add3A_583, %select_n3A_617 : vector<16xf32>
      %gt3A_619 = arith.constant 2 : i32
      %gt3A_620 = arith.cmpi sgt, %and3A_535, %gt3A_619 : i32
      %get3A_621 = arith.index_cast %max3A_610 : i32 to index
      %get3A_622 = arith.constant 16 : index
      %get3A_623 = tpu.vector_load %arg7[%get3A_621, %get3A_622] {strides = array<i32>} : memref<128x64xf32, #tpu.memory_space<vmem>>, vector<1x16xf32>,
      %get3A_624 = vector.shape_cast %get3A_623 : vector<1x16xf32> to vector<16xf32>
      %select_n3A_625 = arith.select %gt3A_620, %get3A_624, %broadcast_in_dim3A_537 : vector<16xf32>
      %add3A_626 = arith.addf %add3A_591, %select_n3A_625 : vector<16xf32>
      %gt3A_627 = arith.constant 2 : i32
      %gt3A_628 = arith.cmpi sgt, %and3A_535, %gt3A_627 : i32
      %get3A_629 = arith.index_cast %max3A_610 : i32 to index
      %get3A_630 = arith.constant 32 : index
      %get3A_631 = tpu.vector_load %arg7[%get3A_629, %get3A_630] {strides = array<i32>} : memref<128x64xf32, #tpu.memory_space<vmem>>, vector<1x16xf32>,
      %get3A_632 = vector.shape_cast %get3A_631 : vector<1x16xf32> to vector<16xf32>
      %select_n3A_633 = arith.select %gt3A_628, %get3A_632, %broadcast_in_dim3A_537 : vector<16xf32>
      %add3A_634 = arith.addf %add3A_599, %select_n3A_633 : vector<16xf32>
      %gt3A_635 = arith.constant 2 : i32
      %gt3A_636 = arith.cmpi sgt, %and3A_535, %gt3A_635 : i32
      %get3A_637 = arith.index_cast %max3A_610 : i32 to index
      %get3A_638 = arith.constant 48 : index
      %get3A_639 = tpu.vector_load %arg7[%get3A_637, %get3A_638] {strides = array<i32>} : memref<128x64xf32, #tpu.memory_space<vmem>>, vector<1x16xf32>,
      %get3A_640 = vector.shape_cast %get3A_639 : vector<1x16xf32> to vector<16xf32>
      %select_n3A_641 = arith.select %gt3A_636, %get3A_640, %broadcast_in_dim3A_537 : vector<16xf32>
      %add3A_642 = arith.addf %add3A_607, %select_n3A_641 : vector<16xf32>
      %add3A_643 = arith.constant 2 : i32
      %add3A_644 = arith.addi %add3A_333, %add3A_643 : i32
      %lt3A_645 = arith.constant 200 : i32
      %lt3A_646 = arith.cmpi slt, %add3A_644, %lt3A_645 : i32
      %convert_element_type3A_647 = arith.extui %lt3A_646 : i1 to i32
      %cond3A_648 = arith.constant 0 : i32
      %cond3A_649 = arith.cmpi ne, %convert_element_type3A_647, %cond3A_648 : i32
      scf.if %cond3A_649 {
        %add3A_650 = arith.constant 2 : i32
        %add3A_651 = arith.addi %add3A_333, %add3A_650 : i32
        %dma_start3A_652 = arith.constant 0 : i32
        %dma_start3A_653 = tpu.memref_slice %arg5[%add3A_651, %dma_start3A_652] : memref<200x128xi32, #tpu.memory_space<vmem>> -> memref<1x128xi32, #tpu.memory_space<vmem>>
        %dma_start3A_654 = tpu.memref_squeeze %dma_start3A_653 : memref<1x128xi32, #tpu.memory_space<vmem>> -> memref<128xi32, #tpu.memory_space<vmem>>
        %dma_start3A_655 = arith.constant 0 : i32
        %dma_start3A_656 = arith.constant 0 : i32
        %dma_start3A_657 = tpu.memref_slice %arg3[%dma_start3A_655, %dma_start3A_656] : memref<1000064x64xf32, #tpu.memory_space<hbm>> -> memref<1000064x64xf32, #tpu.memory_space<hbm>>
        tpu.enqueue_indirect_dma source(%dma_start3A_657 : memref<1000064x64xf32, #tpu.memory_space<hbm>>) target(%arg7 : memref<128x64xf32, #tpu.memory_space<vmem>>) offsets(%dma_start3A_654 : memref<128xi32, #tpu.memory_space<vmem>>) semaphore(%arg10 : memref<!tpu.dma_semaphore, #tpu.memory_space<semaphore_mem>>)
      } else {
      }
      scf.yield %add3A_618, %add3A_626, %add3A_634, %add3A_642 : vector<16xf32>, vector<16xf32>, vector<16xf32>, vector<16xf32>
    }
    %scan3A_25 = arith.constant 100 : i32
    "tpu.region"() ({
      %run_scoped3A = tpu.sem_alloc : memref<!tpu.dma_semaphore, #tpu.memory_space<semaphore_mem>>
      %dma_start3A_26 = arith.constant 0 : i32
      %dma_start3A_27 = tpu.memref_slice %arg4[%mul3A_2, %dma_start3A_26] : memref<4096x64xf32, #tpu.memory_space<hbm>> -> memref<128x64xf32, #tpu.memory_space<hbm>>
      %dma_start3A_28 = arith.constant 0 : i32
      %dma_start3A_29 = tpu.memref_slice %arg4[%mul3A_2, %dma_start3A_28] : memref<4096x64xf32, #tpu.memory_space<hbm>> -> memref<128x64xf32, #tpu.memory_space<hbm>>
      tpu.enqueue_dma source(%arg8 : memref<128x64xf32, #tpu.memory_space<vmem>>) target(%dma_start3A_29 : memref<128x64xf32, #tpu.memory_space<hbm>>) target_semaphore(%run_scoped3A : memref<!tpu.dma_semaphore, #tpu.memory_space<semaphore_mem>>)
      %dma_wait3A = arith.constant 0 : i32
      %dma_wait3A_30 = tpu.memref_slice %arg4[%mul3A_2, %dma_wait3A] : memref<4096x64xf32, #tpu.memory_space<hbm>> -> memref<128x64xf32, #tpu.memory_space<hbm>>
      %dma_wait3A_31 = arith.constant 0 : i32
      %dma_wait3A_32 = tpu.memref_slice %arg4[%mul3A_2, %dma_wait3A_31] : memref<4096x64xf32, #tpu.memory_space<hbm>> -> memref<128x64xf32, #tpu.memory_space<hbm>>
      tpu.wait_dma2 semaphore(%run_scoped3A : memref<!tpu.dma_semaphore, #tpu.memory_space<semaphore_mem>>) src(%arg8 : memref<128x64xf32, #tpu.memory_space<vmem>>) dst(%dma_wait3A_32 : memref<128x64xf32, #tpu.memory_space<hbm>>)
      tpu.yield
    }) : () -> ()
    return
  }
}

module attributes {stable_mosaic.version = 14 : i64} {
  func.func @body(%arg0: memref<4096x64xf32, #tpu.memory_space<vmem>>, %arg1: memref<64x256xf32, #tpu.memory_space<vmem>>, %arg2: memref<1x256xf32, #tpu.memory_space<vmem>>, %arg3: memref<1x256xf32, #tpu.memory_space<vmem>>, %arg4: memref<1x1xf32, #tpu.memory_space<smem>>, %arg5: memref<4096xf32, #tpu.memory_space<vmem>>) attributes {dimension_semantics = [], scalar_prefetch = 0 : i64, scratch_operands = 0 : i64, tpu.core_type = #tpu.core_type<tc>} {
    %get3A = arith.constant 0 : index
    %get3A_0 = arith.constant 0 : index
    %get3A_1 = vector.load %arg0[%get3A, %get3A_0] : memref<4096x64xf32, #tpu.memory_space<vmem>>, vector<4096x64xf32>
    %get3A_2 = arith.constant 0 : index
    %get3A_3 = arith.constant 0 : index
    %get3A_4 = vector.load %arg1[%get3A_2, %get3A_3] : memref<64x256xf32, #tpu.memory_space<vmem>>, vector<64x256xf32>
    %dot_general3A = arith.constant dense<0.000000e+00> : vector<4096x256xf32>
    %dot_general3A_5 = tpu.matmul %get3A_1, %get3A_4, %dot_general3A {dimension_numbers = #tpu.dot_dimension_numbers<[1], [0], [0], [1], [0, 0, 1, 1], [], []>, transpose_lhs_hint = false} : vector<4096x64xf32>, vector<64x256xf32>, vector<4096x256xf32> -> vector<4096x256xf32>
    %get3A_6 = arith.constant 0 : index
    %get3A_7 = arith.constant 0 : index
    %get3A_8 = vector.load %arg2[%get3A_6, %get3A_7] : memref<1x256xf32, #tpu.memory_space<vmem>>, vector<1x256xf32>
    %add3A = vector.broadcast %get3A_8 : vector<1x256xf32> to vector<4096x256xf32>
    %add3A_9 = arith.addf %dot_general3A_5, %add3A : vector<4096x256xf32>
    %max3A = arith.constant 0.000000e+00 : f32
    %max3A_10 = vector.broadcast %max3A : f32 to vector<4096x256xf32>
    %max3A_11 = arith.maximumf %add3A_9, %max3A_10 : vector<4096x256xf32>
    %get3A_12 = arith.constant 0 : index
    %get3A_13 = arith.constant 0 : index
    %get3A_14 = vector.load %arg3[%get3A_12, %get3A_13] : memref<1x256xf32, #tpu.memory_space<vmem>>, vector<1x256xf32>
    %mul3A = vector.broadcast %get3A_14 : vector<1x256xf32> to vector<4096x256xf32>
    %mul3A_15 = arith.mulf %max3A_11, %mul3A : vector<4096x256xf32>
    %reduce_sum3A = arith.constant dense<0.000000e+00> : vector<4096xf32>
    %reduce_sum3A_16 = vector.multi_reduction <add>, %mul3A_15, %reduce_sum3A [1] : vector<4096x256xf32> to vector<4096xf32>
    %get3A_17 = arith.constant 0 : index
    %get3A_18 = arith.constant 0 : index
    %get3A_19 = memref.load %arg4[%get3A_17, %get3A_18] : memref<1x1xf32, #tpu.memory_space<smem>>
    %add3A_20 = vector.broadcast %get3A_19 : f32 to vector<4096xf32>
    %add3A_21 = arith.addf %reduce_sum3A_16, %add3A_20 : vector<4096xf32>
    %swap3A = arith.constant 0 : index
    %swap3A_22 = vector.load %arg5[%swap3A] : memref<4096xf32, #tpu.memory_space<vmem>>, vector<4096xf32>
    tpu.vector_store %arg5[%swap3A], %add3A_21 {strides = array<i32>} : memref<4096xf32, #tpu.memory_space<vmem>>, vector<4096xf32>,
    return
  }
}

</mosaic_0001>

<sc_bundles>
// kernel: kernel.5.cloned.1.call-start
scs
__scs_entry_jumppad:
0x0: {  	(pc) =	sbr.rel $0x88, $3  }
0x1: {  	(tag) =	ssettag $0x0;
	lr =	simm.s32 $0x1  }
0x2: {  	[smem:$0x3F9B] =	sst lr;
	_ =	strace $0xD0000000  }
0x3: {  	_ = 	snop  }
0x4: {  	_ = 	snop  }
0x5: {  	_ = 	snop  }
0x6: {  	_ = 	snop  }
0x7: {  	_ = 	snop  }
__scs_overlays_trampoline_lowered:
0x8: {  	[smem:$0x3FAA] =	sst s0  }
0x9: {  	[smem:$0x3FAB] =	sst s1  }
0xa: {  	[smem:$0x3FAC] =	sst s2  }
0xb: {  	[smem:$0x3FAD] =	sst s3  }
0xc: {  	[smem:$0x3FAE] =	sst s4  }
0xd: {  	[smem:$0x3FAF] =	sst s5  }
0xe: {  	[smem:$0x3FB0] =	sst s6  }
0xf: {  	[smem:$0x3FB1] =	sst s7  }
0x10: {  	[smem:$0x3FB2] =	sst s8  }
0x11: {  	[smem:$0x3FB3] =	sst s9;
	s0 =	simm.s32 @!p0 $0x0  }
0x12: {  	s1 =	sld [smem:$0x3F99];
	s0 =	simm.s32 @p0 $0x1  }
0x13: {  	[smem:$0x3FB4] =	sst s0;
	s0 =	simm.s32 @!p1 $0x0  }
0x14: {  	s2 =	sld [smem:$0x3F98];
	s0 =	simm.s32 @p1 $0x1  }
0x15: {  	[smem:$0x3FB5] =	sst s0;
	s0 =	simm.s32 @!p2 $0x0  }
0x16: {  	s3 =	sld [smem:$0x3FDB];
	s0 =	simm.s32 @p2 $0x1  }
0x17: {  	s4 =	simm.s32 $0x1BF5;
	[smem:$0x3FB7] =	sst s0  }
0x18: {  	s0 =	sld [smem:$0x3F9A];
	_ =	swait.ge [sflag:s4], $0x0  }
0x19: {  	s7 =	sld [smem:$0x3F9B]  }
0x1a: {  	s8 =	sadd.s32 $0xFFFFE003, lr  }
0x1b: {  	s9 =	sadd.s32 $0xFFFFFEF7, lr;
	s5 =	simm.s32 $0xFFFFFFFF;
	p2 =	slt.u32 s8, $0xFFFFF086  }
0x1c: {  	p1 =	slt.u32 s9, $0xF7A;
	s5 =	simm.s32 @!p2 $0x0  }
0x1d: {  	s5 =	simm.s32 @p1 $0x1;
	p0 =	seq.s32 s7, s2  }
0x1e: {  	s7 =	smul.u32 @!p0 $0xF7A, s2;
	p2 =	seq.s32 @!p0 s5, $0x0  }
0x1f: {  	s9 =	smul.u32 $0xF7A, s1;
	s8 =	simm.s32 @!p0 $0x1BF5;
	p2 =	por !p2, p0  }
0x20: {  	[sflag:s8] =	ssyncset.s32 @!p0 $0xFFFFF086;
	s6 =	sadd.s32 @!p0 s3, s7;
	s7 =	simm.s32 @!p0 $0x108  }
0x21: {  	s3 =	sadd.s32 s3, s9;
	s6 =	sadd.s32 @!p0 $0x88, s6;
	s7 =	simm.s32 @p2 $0x1082  }
0x22: {  	[simem:s7], [sflag:s8] =	dma.local @!p0 [hbm:s6], $0xF7A  }
0x23: {  	s9 =	sor.u32 $0xD0000000, s2;
	s6 =	simm.s32 $0x108;
	_ =	swait.ge @!p0 [sflag:s8], $0x0  }
0x24: {  	s3 =	sadd.s32 $0x88, s3;
	s6 =	simm.s32 @!p1 $0x1082;
	[sflag:s4] =	ssyncset.s32 $0xFFFFF086  }
0x25: {  	[simem:s6], [sflag:s4] =	dma.local [hbm:s3], $0xF7A  }
0x26: {  	[smem:$0x3F9B] =	sst s1;
	(tag) =	ssettag s2;
	_ =	strace s9  }
0x27: {  	s1 =	sld [smem:$0x3FAB]  }
0x28: {  	s2 =	sld [smem:$0x3FAC]  }
0x29: {  	s4 =	sld [smem:$0x3FAE]  }
0x2a: {  	p0 =	seq.s32 s5, $0x0;
	s5 =	sld [smem:$0x3FAF]  }
0x2b: {  	s6 =	sld [smem:$0x3FB0]  }
0x2c: {  	s7 =	sld [smem:$0x3FB1]  }
0x2d: {  	s3 =	simm.s32 $0x108;
	s8 =	sld [smem:$0x3FB2]  }
0x2e: {  	s3 =	simm.s32 @!p0 $0x1082;
	s9 =	sld [smem:$0x3FB3]  }
0x2f: {  	lr =	sadd.s32 s0, s3;
	s0 =	sld [smem:$0x3FAA]  }
0x30: {  	s3 =	sld [smem:$0x3FAD]  }
0x31: {  	[smem:$0x3FB6] =	sst s10  }
0x32: {  	s10 =	sld [smem:$0x3FB4];
	_ =	sdelay $0x3  }
0x33: {  	p0 =	seq.s32 s10, $0x1;
	s10 =	sld [smem:$0x3FB6];
	_ =	sdelay $0x3  }
0x34: {  	[smem:$0x3FB6] =	sst s10  }
0x35: {  	s10 =	sld [smem:$0x3FB5];
	_ =	sdelay $0x3  }
0x36: {  	p1 =	seq.s32 s10, $0x1;
	s10 =	sld [smem:$0x3FB6];
	_ =	sdelay $0x3  }
0x37: {  	[smem:$0x3FB6] =	sst s10  }
0x38: {  	s10 =	sld [smem:$0x3FB7]  }
0x39: {  	_ = 	snop;
	(pc) =	sbr.ind lr, $3  }
0x3a: {  	_ = 	snop  }
0x3b: {  	_ = 	snop  }
0x3c: {  	p2 =	seq.s32 s10, $0x1;
	s10 =	sld [smem:$0x3FB6]  }
0x3d: {  	_ =	shalt  }
0x3e: {  	_ =	shalt  }
0x3f: {  	_ =	shalt  }
0x40: {  	_ =	shalt  }
0x41: {  	_ =	shalt  }
0x42: {  	_ =	shalt  }
0x43: {  	_ =	shalt  }
0x44: {  	_ =	shalt  }
0x45: {  	_ =	shalt  }
0x46: {  	_ =	shalt  }
0x47: {  	_ =	shalt  }
0x48: {  	_ =	shalt  }
0x49: {  	_ =	shalt  }
0x4a: {  	_ =	shalt  }
0x4b: {  	_ =	shalt  }
0x4c: {  	_ =	shalt  }
0x4d: {  	_ =	shalt  }
0x4e: {  	_ =	shalt  }
0x4f: {  	_ =	shalt  }
0x50: {  	_ =	shalt  }
0x51: {  	_ =	shalt  }
0x52: {  	_ =	shalt  }
0x53: {  	_ =	shalt  }
0x54: {  	_ =	shalt  }
0x55: {  	_ =	shalt  }
0x56: {  	_ =	shalt  }
0x57: {  	_ =	shalt  }
0x58: {  	_ =	shalt  }
0x59: {  	_ =	shalt  }
0x5a: {  	_ =	shalt  }
0x5b: {  	_ =	shalt  }
0x5c: {  	_ =	shalt  }
0x5d: {  	_ =	shalt  }
0x5e: {  	_ =	shalt  }
0x5f: {  	_ =	shalt  }
0x60: {  	_ =	shalt  }
0x61: {  	_ =	shalt  }
0x62: {  	_ =	shalt  }
0x63: {  	_ =	shalt  }
0x64: {  	_ =	shalt  }
0x65: {  	_ =	shalt  }
0x66: {  	_ =	shalt  }
0x67: {  	_ =	shalt  }
0x68: {  	_ =	shalt  }
0x69: {  	_ =	shalt  }
0x6a: {  	_ =	shalt  }
0x6b: {  	_ =	shalt  }
0x6c: {  	_ =	shalt  }
0x6d: {  	_ =	shalt  }
0x6e: {  	_ =	shalt  }
0x6f: {  	_ =	shalt  }
0x70: {  	_ =	shalt  }
0x71: {  	_ =	shalt  }
0x72: {  	_ =	shalt  }
0x73: {  	_ =	shalt  }
0x74: {  	_ =	shalt  }
0x75: {  	_ =	shalt  }
0x76: {  	_ =	shalt  }
0x77: {  	_ =	shalt  }
0x78: {  	_ =	shalt  }
0x79: {  	_ =	shalt  }
0x7a: {  	_ =	shalt  }
0x7b: {  	_ =	shalt  }
0x7c: {  	_ =	shalt  }
0x7d: {  	_ =	shalt  }
0x7e: {  	_ =	shalt  }
0x7f: {  	_ =	shalt  }
0x80: {  	_ =	shalt  }
0x81: {  	_ =	shalt  }
0x82: {  	_ =	shalt  }
0x83: {  	_ =	shalt  }
0x84: {  	_ =	shalt  }
0x85: {  	_ =	shalt  }
0x86: {  	_ =	shalt  }
0x87: {  	_ =	shalt  }
.Lfunc_end0:
.L_simem_size_0:
called_computation_lowered:
.L_overlay_start_0:
0x88: {  	s2 =	sld [smem:$0x3FD9]  }
0x89: {  	s3 =	sld [smem:$0x3FFE];
	_ =	sdelay $0x1  }
0x8a: {  	s1 =	srdreg.scid  }
0x8b: {  	s0 =	sand.u32 $0x1, s1  }
0x8c: {  	s17 =	sshll.u32 s0, $0xA;
	s2 =	sadd.s32 s3, s2  }
0x8d: {  	s2 =	sadd.s32 s2, s17  }
0x8e: {  	[smem:$0x3FC2] =	sst s2  }
0x8f: {  	_ = 	snop  }
0x90: {  	s2 =	sld [smem:$0x3FC8]  }
0x91: {  	s18 =	sld [smem:$0x3FD0];
	(tm) =	ssettm $0x1  }
0x92: {  	s4 =	sld [smem:$0x3FFB];
	_ =	sdelay $0x3  }
0x93: {  	_ =	strace s4  }
0x94: {  	s4 =	sld [smem:$0x3FFC];
	_ =	sdelay $0x3  }
0x95: {  	_ =	strace s4  }
0x96: {  	s4 =	sld [smem:$0x3FFD];
	_ =	sdelay $0x3  }
0x97: {  	_ =	strace s4  }
0x98: {  	_ =	strace $0x8FFFFFFF  }
0x99: {  	s19 =	sld [smem:$0x3FDB];
	_ =	sdelay $0x1  }
0x9a: {  	s5 =	simm.s32 $_scs_section_size  }
0x9b: {  	s6 =	simm.s32 $_size__tile_overlayer_lowered;
	s7 =	simm.s32 $_tile_overlayer_lowered  }
0x9c: {  	s22 =	simm.s32 $0x1BFF;
	s21 =	sshll.u32 s7, $0x1;
	s4 =	sadd.s32 s5, s19  }
0x9d: {  	s8 =	simm.s32 $0x0;
	s20 =	sshll.u32 s6, $0x1;
	s6 =	sadd.s32 s21, s4  }
0x9e: {  	[timem:s8], [sflag:s22] =	dma.local [hbm:s6], s20  }
0x9f: {  	_ =	swait.ge [sflag:s22], s20  }
0xa0: {  	s5 =	ssub.s32 $0x0, s20;
	[sflag:s22] =	ssyncset.done $0x0  }
0xa1: {  	[sflag:s22] =	ssyncadd.s32 s5;
	_ =	sdelay $0x1  }
0xa2: {  	s23 =	simm.s32 $0x1B8B  }
0xa3: {  	_ =	swait.ge [sflag:s23], $0x1  }
0xa4: {  	[sflag:s23] =	ssyncset.done $0x0  }
0xa5: {  	s25 =	simm.s32 $0x1B8E;
	s24 =	sld [smem:$0x3FFE];
	[sflag:s23] =	ssyncadd.s32 $0xFFFFFFFF  }
0xa6: {  	s26 =	simm.s32 $execute0_lowered;
	[smem:$0x3FD2] =	sst s25  }
0xa7: {  	s6 =	sshll.u32 s26, $0x1;
	_ =	strace $0x80000046;
	[dreg:$0x1] =	wrdreg $0xFFFFFFFF  }
0xa8: {  	s28 =	simm.s32 $_size_execute0_lowered;
	s4 =	sadd.s32 s4, s6;
	[dreg:$0x0] =	wrdreg $0x0  }
0xa9: {  	s6 =	sshll.u32 s28, $0x1;
	[dreg:$0x2] =	wrdreg s4  }
0xaa: {  	[dreg:$0x3] =	wrdreg s6  }
0xab: {  	[dreg:$0x4] =	wrdreg $0xC0  }
0xac: {  	_ =	task [dreg:s8], $0x5FFFF  }
0xad: {  	[dreg:$0x1] =	wrdreg $0xFFFFFFFF  }
0xae: {  	[dreg:$0x0] =	wrdreg $0x60  }
0xaf: {  	[dreg:$0x2] =	wrdreg s2  }
0xb0: {  	[dreg:$0x3] =	wrdreg s18  }
0xb1: {  	[dreg:$0x4] =	wrdreg s24  }
0xb2: {  	[dreg:$0x5] =	wrdreg $0x9  }
0xb3: {  	_ =	task.clear_ibuf [dreg:s8], $0x6FFFF;
	_ =	strace $0x90000046  }
0xb4: {  	s29 =	simm.s32 $0x9;
	_ =	strace $0x80000048  }
0xb5: {  	_ =	swait.ge [sflag:s29], $0x1  }
0xb6: {  	[sflag:s29] =	ssyncadd.s32 $0xFFFFFFFF  }
0xb7: {  	_ =	strace $0x90000048  }
0xb8: {  	_ =	sfence  }
0xb9: {  	s30 =	sld [smem:$0x0];
	_ =	sdelay $0x2  }
0xba: {  	s31 =	sshll.u32 s1, $0xD;
	s1 =	sshrl.u32 s1, $0x2  }
0xbb: {  	s3 =	sand.u32 $0x4000, s31;
	s1 =	sadd.s32 s1, s30  }
0xbc: {  	s0 =	sor.u32 s3, s0;
	s1 =	sshll.u32 s1, $0x11  }
0xbd: {  	s0 =	sor.u32 s1, s0  }
0xbe: {  	s0 =	sadd.s32 $0x8F2B, s0  }
0xbf: {  	[sflag:s0] =	ssyncadd.remote.s32 $0x1  }
0xc0: {  	_ =	sfence.sel $0xFFFF  }
0xc1: {  	[dreg:$0x0] =	wrdreg $0xFFFFFFFF;
	(pc) =	sbr.abs _section_cstart, $3  }
0xc2: {  	[dreg:$0x1] =	wrdreg $0xFFFFFFFF  }
0xc3: {  	_ =	task.clear_ibuf [dreg:s8], $0x2FFFF;
	_ =	strace $0x9FFFFFFF  }
0xc4: {  	(tm) =	ssettm $0x7FFFFFFF  }
0xc5: {  	_ =	shalt  }
tec
execute0_lowered:
.L_overlay_start_1:
0x0: {  	(tag) =	ssettag $0x1  }
0x1: {  	v0 =	vlaneseq.u32  }
0x2: {  	v2 =	vimm.s32 $0x4B0A4908;
	v3 =	vimm.s32 $0x4F0E4D0C;
	v4 =	vimm.s32 $0x44F  }
0x3: {  	vm14 =	vcmask $0x300;
	vm13 =	vcmask $0x704;
	vm15 =	vcmask $0x1F10  }
0x4: {  	vm12 =	vcmask $0xB08;
	v5 =	vimm.s32 $0x43024100;
	v4 =	vsel vm14, $0x400, v4  }
0x5: {  	vm11 =	vcmask $0xF0C;
	vm10 =	vcmask $0x1310;
	v4 =	vsel vm13, $0x441, v4  }
0x6: {  	v6 =	vimm.s32 $0x47064504;
	vm9 =	vcmask $0x1714;
	v4 =	vsel vm12, $0x402, v4  }
0x7: {  	vm8 =	vcmask $0x1B18;
	vm7 =	vcmask $0x1F1C;
	v4 =	vsel vm11, $0x443, v4  }
0x8: {  	v2 =	vunpack.c.0.s8.s32 v2;
	v3 =	vunpack.c.0.s8.s32 v3;
	v4 =	vsel vm10, $0x404, v4  }
0x9: {  	v5 =	vunpack.c.0.s8.s32 v5;
	v6 =	vunpack.c.0.s8.s32 v6;
	v4 =	vsel vm9, $0x445, v4  }
0xa: {  	vm6 =	vcmask $0x2320;
	v2 =	vsel vm15, v3, v2;
	v3 =	vsel vm8, $0x406, v4  }
0xb: {  	vm5 =	vcmask $0x2724;
	v4 =	vsel vm15, v6, v5;
	v3 =	vsel vm7, $0x447, v3  }
0xc: {  	vm4 =	vcmask $0x2B28;
	v36 =	vcombine.low v4, v2;
	v2 =	vsel vm6, $0x408, v3  }
0xd: {  	vm3 =	vcmask $0x2F2C;
	v3 =	vimm.s32 $0x84F;
	v2 =	vsel vm5, $0x449, v2  }
0xe: {  	vm2 =	vcmask $0x3330;
	v3 =	vsel vm14, $0x800, v3;
	v2 =	vsel vm4, $0x40A, v2  }
0xf: {  	vm1 =	vcmask $0x3734;
	v3 =	vsel vm13, $0x841, v3;
	v2 =	vsel vm3, $0x44B, v2  }
0x10: {  	vm0 =	vcmask $0x3B38;
	v3 =	vsel vm12, $0x802, v3;
	v2 =	vsel vm2, $0x40C, v2  }
0x11: {  	v1 =	vmul.u32 $0x80, v0;
	v4 =	vsel vm11, $0x843, v3;
	v2 =	vsel vm1, $0x44D, v2  }
0x12: {  	v48 =	vsel vm0, $0x40E, v2;
	v2 =	vsel vm10, $0x804, v4  }
0x13: {  	v0 =	vor.u32 $0x10, v1;
	v4 =	vimm.s32 $0xC4F;
	v2 =	vsel vm9, $0x845, v2  }
0x14: {  	v6 =	vimm.s32 $0x104F;
	v4 =	vsel vm14, $0xC00, v4;
	v2 =	vsel vm8, $0x806, v2  }
0x15: {  	v6 =	vsel vm14, $0x1000, v6;
	v4 =	vsel vm13, $0xC41, v4;
	v2 =	vsel vm7, $0x847, v2  }
0x16: {  	v6 =	vsel vm13, $0x1041, v6;
	v4 =	vsel vm12, $0xC02, v4;
	v2 =	vsel vm6, $0x808, v2  }
0x17: {  	v6 =	vsel vm12, $0x1002, v6;
	v4 =	vsel vm11, $0xC43, v4;
	v2 =	vsel vm5, $0x849, v2  }
0x18: {  	v6 =	vsel vm11, $0x1043, v6;
	v4 =	vsel vm10, $0xC04, v4;
	v2 =	vsel vm4, $0x80A, v2  }
0x19: {  	v6 =	vsel vm10, $0x1004, v6;
	v4 =	vsel vm9, $0xC45, v4;
	v2 =	vsel vm3, $0x84B, v2  }
0x1a: {  	v6 =	vsel vm9, $0x1045, v6;
	v4 =	vsel vm8, $0xC06, v4;
	v2 =	vsel vm2, $0x80C, v2  }
0x1b: {  	v6 =	vsel vm8, $0x1006, v6;
	v4 =	vsel vm7, $0xC47, v4;
	v2 =	vsel vm1, $0x84D, v2  }
0x1c: {  	[tilespmem:$0x1FE20] =	vst v0;
	v0 =	vsel vm0, $0x80E, v2;
	v2 =	vsel vm6, $0xC08, v4;
	v4 =	vsel vm7, $0x1047, v6  }
0x1d: {  	v2 =	vsel vm5, $0xC49, v2;
	v4 =	vsel vm6, $0x1008, v4  }
0x1e: {  	v6 =	vimm.s32 $0x144F;
	v2 =	vsel vm4, $0xC0A, v2;
	v4 =	vsel vm5, $0x1049, v4  }
0x1f: {  	v6 =	vsel vm14, $0x1400, v6;
	v2 =	vsel vm3, $0xC4B, v2;
	v4 =	vsel vm4, $0x100A, v4  }
0x20: {  	v6 =	vsel vm13, $0x1441, v6;
	v2 =	vsel vm2, $0xC0C, v2;
	v4 =	vsel vm3, $0x104B, v4  }
0x21: {  	v6 =	vsel vm12, $0x1402, v6;
	v2 =	vsel vm1, $0xC4D, v2;
	v4 =	vsel vm2, $0x100C, v4  }
0x22: {  	v46 =	vsel vm0, $0xC0E, v2;
	v2 =	vsel vm1, $0x104D, v4;
	v4 =	vsel vm11, $0x1443, v6  }
0x23: {  	v26 =	vsel vm0, $0x100E, v2;
	v2 =	vsel vm10, $0x1404, v4  }
0x24: {  	v4 =	vimm.s32 $0x184F;
	v2 =	vsel vm9, $0x1445, v2  }
0x25: {  	v6 =	vimm.s32 $0x1C4F;
	v4 =	vsel vm14, $0x1800, v4;
	v2 =	vsel vm8, $0x1406, v2  }
0x26: {  	v6 =	vsel vm14, $0x1C00, v6;
	v4 =	vsel vm13, $0x1841, v4;
	v2 =	vsel vm7, $0x1447, v2  }
0x27: {  	v6 =	vsel vm13, $0x1C41, v6;
	v4 =	vsel vm12, $0x1802, v4;
	v2 =	vsel vm6, $0x1408, v2  }
0x28: {  	v6 =	vsel vm12, $0x1C02, v6;
	v4 =	vsel vm11, $0x1843, v4;
	v2 =	vsel vm5, $0x1449, v2  }
0x29: {  	v6 =	vsel vm11, $0x1C43, v6;
	v4 =	vsel vm10, $0x1804, v4;
	v2 =	vsel vm4, $0x140A, v2  }
0x2a: {  	v6 =	vsel vm10, $0x1C04, v6;
	v4 =	vsel vm9, $0x1845, v4;
	v2 =	vsel vm3, $0x144B, v2  }
0x2b: {  	v6 =	vsel vm9, $0x1C45, v6;
	v4 =	vsel vm8, $0x1806, v4;
	v2 =	vsel vm2, $0x140C, v2  }
0x2c: {  	v6 =	vsel vm8, $0x1C06, v6;
	v4 =	vsel vm7, $0x1847, v4;
	v2 =	vsel vm1, $0x144D, v2  }
0x2d: {  	[tilespmem:$0x1FE30] =	vst v0;
	v0 =	vsel vm0, $0x140E, v2;
	v2 =	vsel vm6, $0x1808, v4;
	v4 =	vsel vm7, $0x1C47, v6  }
0x2e: {  	v2 =	vsel vm5, $0x1849, v2;
	v4 =	vsel vm6, $0x1C08, v4  }
0x2f: {  	v6 =	vimm.s32 $0x45F;
	v2 =	vsel vm4, $0x180A, v2;
	v4 =	vsel vm5, $0x1C49, v4  }
0x30: {  	v6 =	vsel vm14, $0x410, v6;
	v2 =	vsel vm3, $0x184B, v2;
	v4 =	vsel vm4, $0x1C0A, v4  }
0x31: {  	v6 =	vsel vm13, $0x451, v6;
	v2 =	vsel vm2, $0x180C, v2;
	v4 =	vsel vm3, $0x1C4B, v4  }
0x32: {  	v6 =	vsel vm12, $0x412, v6;
	v2 =	vsel vm1, $0x184D, v2;
	v4 =	vsel vm2, $0x1C0C, v4  }
0x33: {  	[tilespmem:$0x1FE40] =	vst v0;
	v0 =	vsel vm0, $0x180E, v2;
	v2 =	vsel vm1, $0x1C4D, v4;
	v4 =	vsel vm11, $0x453, v6  }
0x34: {  	v14 =	vsel vm0, $0x1C0E, v2;
	v2 =	vsel vm10, $0x414, v4  }
0x35: {  	v8 =	vimm.s32 $0x53125110;
	v10 =	vimm.s32 $0x57165514;
	v2 =	vsel vm9, $0x455, v2  }
0x36: {  	v8 =	vunpack.c.0.s8.s32 v8;
	v10 =	vunpack.c.0.s8.s32 v10;
	v2 =	vsel vm8, $0x416, v2  }
0x37: {  	v6 =	vimm.s32 $0x5F1E5D1C;
	v4 =	vimm.s32 $0x5B1A5918;
	v2 =	vsel vm7, $0x457, v2  }
0x38: {  	v6 =	vunpack.c.0.s8.s32 v6;
	v4 =	vunpack.c.0.s8.s32 v4;
	v2 =	vsel vm6, $0x418, v2  }
0x39: {  	v12 =	vimm.s32 $0x85F;
	v8 =	vsel vm15, v10, v8;
	v2 =	vsel vm5, $0x459, v2  }
0x3a: {  	v4 =	vsel vm15, v6, v4;
	v6 =	vsel vm14, $0x810, v12;
	v2 =	vsel vm4, $0x41A, v2  }
0x3b: {  	[tilespmem:$0x1FE50] =	vst v0;
	v0 =	vor.u32 $0x70, v1;
	v6 =	vsel vm13, $0x851, v6;
	v2 =	vsel vm3, $0x45B, v2  }
0x3c: {  	[tilespmem:$0x1FE60] =	vst v0;
	v0 =	vcombine.low v8, v4;
	v4 =	vsel vm12, $0x812, v6;
	v2 =	vsel vm2, $0x41C, v2  }
0x3d: {  	v7 =	vor.u32 $0x30, v1;
	v4 =	vsel vm11, $0x853, v4;
	v2 =	vsel vm1, $0x45D, v2  }
0x3e: {  	v58 =	vsel vm0, $0x41E, v2;
	v2 =	vsel vm10, $0x814, v4;
	v4 =	vimm.s32 $0xC5F  }
0x3f: {  	v9 =	vor.u32 $0x40, v1;
	v2 =	vsel vm9, $0x855, v2;
	v4 =	vsel vm14, $0xC10, v4  }
0x40: {  	v6 =	vimm.s32 $0x105F;
	v2 =	vsel vm8, $0x816, v2;
	v4 =	vsel vm13, $0xC51, v4  }
0x41: {  	v6 =	vsel vm14, $0x1010, v6;
	v2 =	vsel vm7, $0x857, v2;
	v4 =	vsel vm12, $0xC12, v4  }
0x42: {  	v6 =	vsel vm13, $0x1051, v6;
	v2 =	vsel vm6, $0x818, v2;
	v4 =	vsel vm11, $0xC53, v4  }
0x43: {  	v6 =	vsel vm12, $0x1012, v6;
	v2 =	vsel vm5, $0x859, v2;
	v4 =	vsel vm10, $0xC14, v4  }
0x44: {  	v6 =	vsel vm11, $0x1053, v6;
	v2 =	vsel vm4, $0x81A, v2;
	v4 =	vsel vm9, $0xC55, v4  }
0x45: {  	v6 =	vsel vm10, $0x1014, v6;
	v2 =	vsel vm3, $0x85B, v2;
	v4 =	vsel vm8, $0xC16, v4  }
0x46: {  	v6 =	vsel vm9, $0x1055, v6;
	v2 =	vsel vm2, $0x81C, v2;
	v4 =	vsel vm7, $0xC57, v4  }
0x47: {  	v6 =	vsel vm8, $0x1016, v6;
	v2 =	vsel vm1, $0x85D, v2;
	v4 =	vsel vm6, $0xC18, v4  }
0x48: {  	[tilespmem:$0x1FE70] =	vst v0;
	v0 =	vsel vm0, $0x81E, v2;
	v2 =	vsel vm5, $0xC59, v4;
	v4 =	vsel vm7, $0x1057, v6  }
0x49: {  	v11 =	vor.u32 $0x50, v1;
	v2 =	vsel vm4, $0xC1A, v2;
	v4 =	vsel vm6, $0x1018, v4  }
0x4a: {  	v6 =	vimm.s32 $0x145F;
	v2 =	vsel vm3, $0xC5B, v2;
	v4 =	vsel vm5, $0x1059, v4  }
0x4b: {  	v6 =	vsel vm14, $0x1410, v6;
	v2 =	vsel vm2, $0xC1C, v2;
	v4 =	vsel vm4, $0x101A, v4  }
0x4c: {  	v6 =	vsel vm13, $0x1451, v6;
	v2 =	vsel vm1, $0xC5D, v2;
	v4 =	vsel vm3, $0x105B, v4  }
0x4d: {  	v44 =	vsel vm0, $0xC1E, v2;
	v2 =	vsel vm2, $0x101C, v4;
	v4 =	vsel vm12, $0x1412, v6  }
0x4e: {  	v13 =	vor.u32 $0x60, v1;
	v2 =	vsel vm1, $0x105D, v2;
	v4 =	vsel vm11, $0x1453, v4  }
0x4f: {  	v3 =	vsel vm0, $0x101E, v2;
	v2 =	vsel vm10, $0x1414, v4;
	v4 =	vimm.s32 $0x185F  }
0x50: {  	v17 =	vor.u32 $0x800, v1;
	v2 =	vsel vm9, $0x1455, v2;
	v4 =	vsel vm14, $0x1810, v4  }
0x51: {  	v6 =	vimm.s32 $0x1C5F;
	v2 =	vsel vm8, $0x1416, v2;
	v4 =	vsel vm13, $0x1851, v4  }
0x52: {  	v6 =	vsel vm14, $0x1C10, v6;
	v2 =	vsel vm7, $0x1457, v2;
	v4 =	vsel vm12, $0x1812, v4  }
0x53: {  	v6 =	vsel vm13, $0x1C51, v6;
	v2 =	vsel vm6, $0x1418, v2;
	v4 =	vsel vm11, $0x1853, v4  }
0x54: {  	v6 =	vsel vm12, $0x1C12, v6;
	v2 =	vsel vm5, $0x1459, v2;
	v4 =	vsel vm10, $0x1814, v4  }
0x55: {  	v6 =	vsel vm11, $0x1C53, v6;
	v2 =	vsel vm4, $0x141A, v2;
	v4 =	vsel vm9, $0x1855, v4  }
0x56: {  	v6 =	vsel vm10, $0x1C14, v6;
	v2 =	vsel vm3, $0x145B, v2;
	v4 =	vsel vm8, $0x1816, v4  }
0x57: {  	v6 =	vsel vm9, $0x1C55, v6;
	v2 =	vsel vm2, $0x141C, v2;
	v4 =	vsel vm7, $0x1857, v4  }
0x58: {  	v6 =	vsel vm8, $0x1C16, v6;
	v2 =	vsel vm1, $0x145D, v2;
	v4 =	vsel vm6, $0x1818, v4  }
0x59: {  	v40 =	vsel vm0, $0x141E, v2;
	v2 =	vsel vm5, $0x1859, v4;
	v4 =	vsel vm7, $0x1C57, v6  }
0x5a: {  	v19 =	vor.u32 $0x810, v1;
	v2 =	vsel vm4, $0x181A, v2;
	v4 =	vsel vm6, $0x1C18, v4  }
0x5b: {  	v6 =	vimm.s32 $0x46F;
	v2 =	vsel vm3, $0x185B, v2;
	v4 =	vsel vm5, $0x1C59, v4  }
0x5c: {  	v6 =	vsel vm14, $0x420, v6;
	v2 =	vsel vm2, $0x181C, v2;
	v4 =	vsel vm4, $0x1C1A, v4  }
0x5d: {  	v6 =	vsel vm13, $0x461, v6;
	v2 =	vsel vm1, $0x185D, v2;
	v4 =	vsel vm3, $0x1C5B, v4  }
0x5e: {  	[tilespmem:$0x1FE80] =	vst v0;
	v0 =	vsel vm0, $0x181E, v2;
	v2 =	vsel vm2, $0x1C1C, v4;
	v4 =	vsel vm12, $0x422, v6  }
0x5f: {  	v10 =	vimm.s32 $0x86F;
	v2 =	vsel vm1, $0x1C5D, v2;
	v4 =	vsel vm11, $0x463, v4  }
0x60: {  	v10 =	vsel vm14, $0x820, v10;
	[tilespmem:$0x1FE90] =	vst v0;
	v0 =	vsel vm0, $0x1C1E, v2;
	v2 =	vsel vm10, $0x424, v4  }
0x61: {  	v21 =	vor.u32 $0x820, v1;
	v10 =	vsel vm13, $0x861, v10;
	v2 =	vsel vm9, $0x465, v2  }
0x62: {  	v23 =	vor.u32 $0x830, v1;
	v10 =	vsel vm12, $0x822, v10;
	v2 =	vsel vm8, $0x426, v2  }
0x63: {  	v12 =	vimm.s32 $0x67266524;
	v8 =	vimm.s32 $0x63226120;
	v2 =	vsel vm7, $0x467, v2  }
0x64: {  	v6 =	vimm.s32 $0x6F2E6D2C;
	v4 =	vimm.s32 $0x6B2A6928;
	v2 =	vsel vm6, $0x428, v2  }
0x65: {  	v6 =	vunpack.c.0.s8.s32 v6;
	v4 =	vunpack.c.0.s8.s32 v4;
	v2 =	vsel vm5, $0x469, v2  }
0x66: {  	v12 =	vunpack.c.0.s8.s32 v12;
	v8 =	vunpack.c.0.s8.s32 v8;
	v2 =	vsel vm4, $0x42A, v2  }
0x67: {  	v4 =	vsel vm15, v6, v4;
	v6 =	vsel vm11, $0x863, v10;
	v2 =	vsel vm3, $0x46B, v2  }
0x68: {  	v8 =	vsel vm15, v12, v8;
	v6 =	vsel vm10, $0x824, v6;
	v2 =	vsel vm2, $0x42C, v2  }
0x69: {  	[tilespmem:$0x1FEA0] =	vst v0;
	v0 =	vcombine.low v8, v4;
	v4 =	vsel vm9, $0x865, v6;
	v2 =	vsel vm1, $0x46D, v2  }
0x6a: {  	v25 =	vor.u32 $0x840, v1;
	v50 =	vsel vm0, $0x42E, v2;
	v2 =	vsel vm8, $0x826, v4  }
0x6b: {  	v27 =	vor.u32 $0x850, v1;
	v4 =	vimm.s32 $0xC6F;
	v2 =	vsel vm7, $0x867, v2  }
0x6c: {  	v6 =	vimm.s32 $0x106F;
	v4 =	vsel vm14, $0xC20, v4;
	v2 =	vsel vm6, $0x828, v2  }
0x6d: {  	v6 =	vsel vm14, $0x1020, v6;
	v4 =	vsel vm13, $0xC61, v4;
	v2 =	vsel vm5, $0x869, v2  }
0x6e: {  	v6 =	vsel vm13, $0x1061, v6;
	v4 =	vsel vm12, $0xC22, v4;
	v2 =	vsel vm4, $0x82A, v2  }
0x6f: {  	v6 =	vsel vm12, $0x1022, v6;
	v4 =	vsel vm11, $0xC63, v4;
	v2 =	vsel vm3, $0x86B, v2  }
0x70: {  	v6 =	vsel vm11, $0x1063, v6;
	v4 =	vsel vm10, $0xC24, v4;
	v2 =	vsel vm2, $0x82C, v2  }
0x71: {  	v6 =	vsel vm10, $0x1024, v6;
	v4 =	vsel vm9, $0xC65, v4;
	v2 =	vsel vm1, $0x86D, v2  }
0x72: {  	[tilespmem:$0x1FEB0] =	vst v0;
	v0 =	vsel vm0, $0x82E, v2;
	v2 =	vsel vm8, $0xC26, v4;
	v4 =	vsel vm9, $0x1065, v6  }
0x73: {  	v29 =	vor.u32 $0x860, v1;
	v2 =	vsel vm7, $0xC67, v2;
	v4 =	vsel vm8, $0x1026, v4  }
0x74: {  	v6 =	vimm.s32 $0x146F;
	v2 =	vsel vm6, $0xC28, v2;
	v4 =	vsel vm7, $0x1067, v4  }
0x75: {  	v6 =	vsel vm14, $0x1420, v6;
	v2 =	vsel vm5, $0xC69, v2;
	v4 =	vsel vm6, $0x1028, v4  }
0x76: {  	v6 =	vsel vm13, $0x1461, v6;
	v2 =	vsel vm4, $0xC2A, v2;
	v4 =	vsel vm5, $0x1069, v4  }
0x77: {  	v6 =	vsel vm12, $0x1422, v6;
	v2 =	vsel vm3, $0xC6B, v2;
	v4 =	vsel vm4, $0x102A, v4  }
0x78: {  	v6 =	vsel vm11, $0x1463, v6;
	v2 =	vsel vm2, $0xC2C, v2;
	v4 =	vsel vm3, $0x106B, v4  }
0x79: {  	v6 =	vsel vm10, $0x1424, v6;
	v2 =	vsel vm1, $0xC6D, v2;
	v4 =	vsel vm2, $0x102C, v4  }
0x7a: {  	[tilespmem:$0x1FEC0] =	vst v0;
	v0 =	vsel vm0, $0xC2E, v2;
	v2 =	vsel vm1, $0x106D, v4;
	v4 =	vsel vm9, $0x1465, v6  }
0x7b: {  	v31 =	vor.u32 $0x870, v1;
	v32 =	vsel vm0, $0x102E, v2;
	v2 =	vsel vm8, $0x1426, v4  }
0x7c: {  	v33 =	vor.u32 $0x1000, v1;
	v4 =	vimm.s32 $0x186F;
	v2 =	vsel vm7, $0x1467, v2  }
0x7d: {  	v6 =	vimm.s32 $0x1C6F;
	v4 =	vsel vm14, $0x1820, v4;
	v2 =	vsel vm6, $0x1428, v2  }
0x7e: {  	v6 =	vsel vm14, $0x1C20, v6;
	v4 =	vsel vm13, $0x1861, v4;
	v2 =	vsel vm5, $0x1469, v2  }
0x7f: {  	v6 =	vsel vm13, $0x1C61, v6;
	v4 =	vsel vm12, $0x1822, v4;
	v2 =	vsel vm4, $0x142A, v2  }
0x80: {  	v6 =	vsel vm12, $0x1C22, v6;
	v4 =	vsel vm11, $0x1863, v4;
	v2 =	vsel vm3, $0x146B, v2  }
0x81: {  	v6 =	vsel vm11, $0x1C63, v6;
	v4 =	vsel vm10, $0x1824, v4;
	v2 =	vsel vm2, $0x142C, v2  }
0x82: {  	v6 =	vsel vm10, $0x1C24, v6;
	v4 =	vsel vm9, $0x1865, v4;
	v2 =	vsel vm1, $0x146D, v2  }
0x83: {  	v34 =	vsel vm0, $0x142E, v2;
	v2 =	vsel vm8, $0x1826, v4;
	v4 =	vsel vm9, $0x1C65, v6  }
0x84: {  	v35 =	vor.u32 $0x1010, v1;
	v2 =	vsel vm7, $0x1867, v2;
	v4 =	vsel vm8, $0x1C26, v4  }
0x85: {  	v6 =	vimm.s32 $0x47F;
	v2 =	vsel vm6, $0x1828, v2;
	v4 =	vsel vm7, $0x1C67, v4  }
0x86: {  	v6 =	vsel vm14, $0x430, v6;
	v2 =	vsel vm5, $0x1869, v2;
	v4 =	vsel vm6, $0x1C28, v4  }
0x87: {  	v6 =	vsel vm13, $0x471, v6;
	v2 =	vsel vm4, $0x182A, v2;
	v4 =	vsel vm5, $0x1C69, v4  }
0x88: {  	v6 =	vsel vm12, $0x432, v6;
	v2 =	vsel vm3, $0x186B, v2;
	v4 =	vsel vm4, $0x1C2A, v4  }
0x89: {  	v6 =	vsel vm11, $0x473, v6;
	v2 =	vsel vm2, $0x182C, v2;
	v4 =	vsel vm3, $0x1C6B, v4  }
0x8a: {  	v6 =	vsel vm10, $0x434, v6;
	v2 =	vsel vm1, $0x186D, v2;
	v4 =	vsel vm2, $0x1C2C, v4  }
0x8b: {  	[tilespmem:$0x1FED0] =	vst v0;
	v0 =	vsel vm0, $0x182E, v2;
	v2 =	vsel vm1, $0x1C6D, v4;
	v4 =	vsel vm9, $0x475, v6  }
0x8c: {  	v37 =	vor.u32 $0x1020, v1;
	v12 =	vimm.s32 $0x77367534;
	v4 =	vsel vm8, $0x436, v4  }
0x8d: {  	v12 =	vunpack.c.0.s8.s32 v12;
	v10 =	vimm.s32 $0x73327130;
	v4 =	vsel vm7, $0x477, v4  }
0x8e: {  	v8 =	vimm.s32 $0x7F3E7D3C;
	v10 =	vunpack.c.0.s8.s32 v10;
	v4 =	vsel vm6, $0x438, v4  }
0x8f: {  	v8 =	vunpack.c.0.s8.s32 v8;
	v6 =	vimm.s32 $0x7B3A7938;
	v4 =	vsel vm5, $0x479, v4  }
0x90: {  	[tilespmem:$0x1FEE0] =	vst v0;
	v6 =	vunpack.c.0.s8.s32 v6;
	v0 =	vsel vm0, $0x1C2E, v2;
	v2 =	vsel vm4, $0x43A, v4  }
0x91: {  	v39 =	vor.u32 $0x1030, v1;
	v41 =	vor.u32 $0x1040, v1;
	v2 =	vsel vm3, $0x47B, v2  }
0x92: {  	v4 =	vsel vm15, v8, v6;
	v6 =	vsel vm15, v12, v10;
	v2 =	vsel vm2, $0x43C, v2  }
0x93: {  	v22 =	vcombine.low v6, v4;
	v4 =	vimm.s32 $0x87F;
	v2 =	vsel vm1, $0x47D, v2  }
0x94: {  	v52 =	vsel vm0, $0x43E, v2;
	v2 =	vsel vm14, $0x830, v4;
	v4 =	vimm.s32 $0xC7F  }
0x95: {  	v43 =	vor.u32 $0x1050, v1;
	v2 =	vsel vm13, $0x871, v2;
	v4 =	vsel vm14, $0xC30, v4  }
0x96: {  	v6 =	vimm.s32 $0x107F;
	v2 =	vsel vm12, $0x832, v2;
	v4 =	vsel vm13, $0xC71, v4  }
0x97: {  	v6 =	vsel vm14, $0x1030, v6;
	v2 =	vsel vm11, $0x873, v2;
	v4 =	vsel vm12, $0xC32, v4  }
0x98: {  	v6 =	vsel vm13, $0x1071, v6;
	v2 =	vsel vm10, $0x834, v2;
	v4 =	vsel vm11, $0xC73, v4  }
0x99: {  	v6 =	vsel vm12, $0x1032, v6;
	v2 =	vsel vm9, $0x875, v2;
	v4 =	vsel vm10, $0xC34, v4  }
0x9a: {  	v6 =	vsel vm11, $0x1073, v6;
	v2 =	vsel vm8, $0x836, v2;
	v4 =	vsel vm9, $0xC75, v4  }
0x9b: {  	v6 =	vsel vm10, $0x1034, v6;
	v2 =	vsel vm7, $0x877, v2;
	v4 =	vsel vm8, $0xC36, v4  }
0x9c: {  	v6 =	vsel vm9, $0x1075, v6;
	v2 =	vsel vm6, $0x838, v2;
	v4 =	vsel vm7, $0xC77, v4  }
0x9d: {  	v6 =	vsel vm8, $0x1036, v6;
	v2 =	vsel vm5, $0x879, v2;
	v4 =	vsel vm6, $0xC38, v4  }
0x9e: {  	v6 =	vsel vm7, $0x1077, v6;
	v2 =	vsel vm4, $0x83A, v2;
	v4 =	vsel vm5, $0xC79, v4  }
0x9f: {  	v6 =	vsel vm6, $0x1038, v6;
	v2 =	vsel vm3, $0x87B, v2;
	v4 =	vsel vm4, $0xC3A, v4  }
0xa0: {  	v6 =	vsel vm5, $0x1079, v6;
	v2 =	vsel vm2, $0x83C, v2;
	v4 =	vsel vm3, $0xC7B, v4  }
0xa1: {  	v6 =	vsel vm4, $0x103A, v6;
	v2 =	vsel vm1, $0x87D, v2;
	v4 =	vsel vm2, $0xC3C, v4  }
0xa2: {  	v20 =	vsel vm0, $0x83E, v2;
	v2 =	vsel vm1, $0xC7D, v4;
	v4 =	vsel vm3, $0x107B, v6  }
0xa3: {  	v45 =	vor.u32 $0x1060, v1;
	v38 =	vsel vm0, $0xC3E, v2;
	v2 =	vsel vm2, $0x103C, v4  }
0xa4: {  	s10 =	rddreg [dreg:$0x0];
	v47 =	vor.u32 $0x1070, v1;
	v4 =	vimm.s32 $0x147F;
	v2 =	vsel vm1, $0x107D, v2  }
0xa5: {  	s0 =	rddreg [dreg:$0x1];
	v49 =	vor.u32 $0x1800, v1;
	v60 =	vsel vm0, $0x103E, v2;
	v2 =	vsel vm14, $0x1430, v4  }
0xa6: {  	s6 =	rddreg [dreg:$0x2];
	s3 =	simm.s32 $0x0;
	v51 =	vor.u32 $0x1810, v1;
	v4 =	vimm.s32 $0x187F;
	v2 =	vsel vm13, $0x1471, v2  }
0xa7: {  	[smem:$0x7FF] =	sst s3;
	[tilespmem:$0x1FEF0] =	vst v0;
	v6 =	vimm.s32 $0x1C7F;
	v4 =	vsel vm14, $0x1830, v4;
	v2 =	vsel vm12, $0x1432, v2  }
0xa8: {  	s1 =	rddreg [dreg:$0x3];
	_ =	strace $0x80000047;
	[tilespmem:$0x1FF80] =	vst v50;
	v6 =	vsel vm14, $0x1C30, v6;
	v4 =	vsel vm13, $0x1871, v4;
	v2 =	vsel vm11, $0x1473, v2  }
0xa9: {  	[tilespmem:$0x1FF90] =	vst v48;
	v6 =	vsel vm13, $0x1C71, v6;
	v4 =	vsel vm12, $0x1832, v4;
	v2 =	vsel vm10, $0x1434, v2  }
0xaa: {  	[tilespmem:$0x1FFA0] =	vst v46;
	v6 =	vsel vm12, $0x1C32, v6;
	v4 =	vsel vm11, $0x1873, v4;
	v2 =	vsel vm9, $0x1475, v2  }
0xab: {  	[tilespmem:$0x1FFB0] =	vst v26;
	v6 =	vsel vm11, $0x1C73, v6;
	v4 =	vsel vm10, $0x1834, v4;
	v2 =	vsel vm8, $0x1436, v2  }
0xac: {  	[tilespmem:$0x1FFC0] =	vst v58;
	v6 =	vsel vm10, $0x1C34, v6;
	v4 =	vsel vm9, $0x1875, v4;
	v2 =	vsel vm7, $0x1477, v2  }
0xad: {  	[tilespmem:$0x1FFD0] =	vst v44;
	v6 =	vsel vm9, $0x1C75, v6;
	v4 =	vsel vm8, $0x1836, v4;
	v2 =	vsel vm6, $0x1438, v2  }
0xae: {  	s12 =	simm.s32 $0x400;
	[tilespmem:$0x1FFF0] =	vst v14;
	v8 =	vmovc v3;
	v6 =	vsel vm8, $0x1C36, v6;
	v4 =	vsel vm7, $0x1877, v4;
	v2 =	vsel vm5, $0x1479, v2  }
0xaf: {  	s4 =	srdreg.scid;
	s2 =	stileid.u32;
	s13 =	simm.s32 $0x7A1400;
	[tilespmem:$0x1FFE0] =	vst v8;
	v6 =	vsel vm7, $0x1C77, v6;
	v4 =	vsel vm6, $0x1838, v4;
	v2 =	vsel vm4, $0x143A, v2  }
0xb0: {  	s14 =	simm.s32 $0x2000;
	s15 =	simm.s32 $0x1;
	s16 =	simm.s32 $0x4000;
	[tilespmem:$0x1FF50] =	vst v22;
	v6 =	vsel vm6, $0x1C38, v6;
	v4 =	vsel vm5, $0x1879, v4;
	v2 =	vsel vm3, $0x147B, v2  }
0xb1: {  	s17 =	simm.s32 $0x2;
	s18 =	simm.s32 $0x6000;
	s19 =	simm.s32 $0x3;
	[tilespmem:$0x1FF30] =	vst v52;
	v6 =	vsel vm5, $0x1C79, v6;
	v4 =	vsel vm4, $0x183A, v4;
	v2 =	vsel vm2, $0x143C, v2  }
0xb2: {  	s20 =	simm.s32 $0x4;
	s21 =	simm.s32 $0x0;
	s4 =	sand.u32 $0x1, s4;
	[tilespmem:$0x1FF00] =	vst v20;
	v6 =	vsel vm4, $0x1C3A, v6;
	v4 =	vsel vm3, $0x187B, v4;
	v2 =	vsel vm1, $0x147D, v2  }
.Ltmp0:
0xb3: {  	s5 =	sshll.u32 s2, $0x1;
	s7 =	ssub.s32 $0x2, s4;
	[tilespmem:$0x1FF60] =	vst v38;
	v6 =	vsel vm3, $0x1C7B, v6;
	v30 =	vsel vm0, $0x143E, v2;
	v2 =	vsel vm2, $0x183C, v4;
	(pc) =	sbr.rel .LBB2_1-.Ltmp0, $4  }
0xb4: {  	s4 =	sor.u32 s4, s5;
	s5 =	sadd.s32 $0x1000, s6;
	s6 =	sadd.s32 $0x7A2000, s6;
	v53 =	vor.u32 $0x1820, v1;
	[tilespmem:$0x1FF40] =	vst v60;
	v4 =	vsel vm2, $0x1C3C, v6;
	v2 =	vsel vm1, $0x187D, v2  }
0xb5: {  	v55 =	vor.u32 $0x1830, v1;
	s8 =	sshrl.u32 s7, $0x1;
	s9 =	sshll.u32 s4, $0x7;
	p0 =	sne.s32 s4, $0x1F;
	v4 =	vsel vm1, $0x1C7D, v4;
	[tilespmem:$0x1FF20] =	vst v30;
	v24 =	vsel vm0, $0x183E, v2  }
0xb6: {  	v57 =	vor.u32 $0x1840, v1;
	v59 =	vor.u32 $0x1850, v1;
	s11 =	ssub.s32 s7, s8;
	s7 =	sadd.s32 s10, s9;
	s9 =	sadd.s32 $0x2000, s10;
	v0 =	vsel vm0, $0x1C3E, v4;
	[tilespmem:$0x1FF10] =	vst v24  }
0xb7: {  	v61 =	vor.u32 $0x1860, v1;
	s10 =	sadd.s32 $0x3000, s10;
	s8 =	sadd.s32 $0x1000, s7;
	s11 =	smax.u32 s11, $0x1;
	v5 =	vor.u32 $0x20, v1;
	v3 =	vmovc v1;
	v2 =	vor.u32 $0x1870, v1;
	[tilespmem:$0x1FF70] =	vst v0  }
.LBB2_10:
0xb8: {  	s21 =	sadd.s32 $0x1, s21  }
0xb9: {  	_ =	swait.ge [sflag:s19], $0x2000;
	p1 =	sne.s32 s21, s11  }
.Ltmp1:
0xba: {  	[sflag:s19] =	ssyncset.done $0x0;
	(pc) =	sbr.rel @!p1 .LBB2_11-.Ltmp1, $4  }
0xbb: {  	[sflag:s19] =	ssyncadd.s32 $0xFFFFE000  }
0xbc: {  	_ =	swait.ge [sflag:s20], $0x2000  }
0xbd: {  	[sflag:s20] =	ssyncset.done $0x0  }
0xbe: {  	[sflag:s20] =	ssyncadd.s32 $0xFFFFE000  }
.LBB2_1:
0xbf: {  	s22 =	simm.s32 @!p0 $0x0;
	s23 =	simm.s32 @!p0 $0x4000;
	s24 =	simm.s32 @!p0 $0x5  }
0xc0: {  	[tilespmem:s23], [sflag:$0x5] =	stream.linear.gather @!p0 [hbm4b:s0+s22], $0x1000, $0x38;
	[tilespmem:$0x8000] =	vst v63  }
0xc1: {  	_ =	swait.ge @!p0 [sflag:s24], $0x1000  }
0xc2: {  	[sflag:s24] =	ssyncset.done @!p0 $0x0  }
0xc3: {  	[sflag:s24] =	ssyncadd.s32 @!p0 $0xFFFFF000  }
0xc4: {  	[hbm4b:s6+s22] =	stream.linear.scatter @!p0 [tilespmem:s23], [sflag:$0x5], $0x1000, $0x38;
	[tilespmem:$0x8000] =	vst v63  }
0xc5: {  	_ =	swait.ge @!p0 [sflag:s24], $0x1000  }
.Ltmp2:
0xc6: {  	[sflag:s24] =	ssyncset.done @!p0 $0x0;
	(pc) =	sbr.rel .LBB2_2-.Ltmp2, $4  }
0xc7: {  	[sflag:s24] =	ssyncadd.s32 @!p0 $0xFFFFF000  }
0xc8: {  	[tilespmem:s3], [sflag:$0x1] =	stream.strided.gather [hbm4b:s7+s12], $0x2000, s13, s12, $0x38;
	[tilespmem:$0x8000] =	vst v63  }
0xc9: {  	s22 =	simm.s32 $0x0  }
0xca: {  	[tilespmem:s14], [sflag:$0x2] =	stream.strided.gather [hbm4b:s8+s12], $0x2000, s13, s12, $0x38;
	[tilespmem:$0x8000] =	vst v63  }
.LBB2_9:
0xcb: {  	s22 =	sadd.s32 $0x1, s22  }
0xcc: {  	p1 =	sne.s32 s22, $0x7B  }
.Ltmp3:
0xcd: {  	_ = 	snop;
	(pc) =	sbr.rel @!p1 .LBB2_10-.Ltmp3, $1  }
0xce: {  	_ =	sdelay $0x3  }
.LBB2_2:
0xcf: {  	s23 =	sshll.u32 s22, $0x6  }
0xd0: {  	s23 =	sor.u32 s4, s23  }
0xd1: {  	p1 =	sgt.u32 s23, $0x1E83  }
.Ltmp4:
0xd2: {  	_ = 	snop;
	(pc) =	sbr.rel @p1 .LBB2_9-.Ltmp4, $1  }
0xd3: {  	_ =	sdelay $0x3  }
0xd4: {  	s24 =	simm.s32 $0x0;
	v1 =	vlaneseq.u32;
	_ =	swait.ge [sflag:s15], $0x2000  }
0xd5: {  	p1 =	seq.s32 s22, $0x0;
	v16 =	vadd.s32 s24, v1;
	[sflag:s15] =	ssyncset.done $0x0  }
0xd6: {  	s24 =	simm.s32 @!p1 $0x3;
	v6 =	vand.u32 $0xF, v16;
	[sflag:s15] =	ssyncadd.s32 $0xFFFFE000  }
0xd7: {  	v18 =	vmov v8;
	v8 =	vor.u32 v3, v6;
	_ =	swait.ge @!p1 [sflag:s24], $0x2000  }
0xd8: {  	v4 =	vmovc v13;
	v13 =	vmovc v11;
	v11 =	vmov v9;
	v9 =	vmov v7;
	v7 =	vmov v5;
	v5 =	vld [tilespmem:$0x1FE20];
	_ =	sdelay $0x1  }
0xd9: {  	v10 =	vshll.u32 v16, $0x6;
	[sflag:s24] =	ssyncset.done @!p1 $0x0  }
0xda: {  	v10 =	vand.u32 $0x380, v10;
	[sflag:s24] =	ssyncadd.s32 @!p1 $0xFFFFE000  }
0xdb: {  	v12 =	vor.u32 v36, v10;
	v8 =	vld.idx.msk [tilespmem:v8+s3+$0x0], $0xffff  }
0xdc: {  	v56 =	vmov v14;
	v14 =	vor.u32 v5, v16;
	_ =	sdelay $0x3  }
0xdd: {  	[tilespmem:v12+s16+$0x0] =	vst.idx.msk $0xffff, v8  }
0xde: {  	v12 =	vor.u32 v48, v10;
	v8 =	vld.idx.msk [tilespmem:v14+s3+$0x0], $0xffff;
	_ =	sdelay $0x4  }
0xdf: {  	v14 =	vor.u32 v7, v6;
	[tilespmem:v12+s16+$0x0] =	vst.idx.msk $0xffff, v8;
	v12 =	vld [tilespmem:$0x1FE30];
	_ =	sdelay $0x4  }
0xe0: {  	v8 =	vld.idx.msk [tilespmem:v14+s3+$0x0], $0xffff;
	v12 =	vor.u32 v12, v10  }
0xe1: {  	v14 =	vor.u32 v9, v16;
	_ =	sdelay $0x3  }
0xe2: {  	[tilespmem:v12+s16+$0x0] =	vst.idx.msk $0xffff, v8  }
0xe3: {  	v12 =	vor.u32 v46, v10;
	v8 =	vld.idx.msk [tilespmem:v14+s3+$0x0], $0xffff  }
0xe4: {  	v14 =	vor.u32 v11, v6;
	_ =	sdelay $0x3  }
0xe5: {  	[tilespmem:v12+s16+$0x0] =	vst.idx.msk $0xffff, v8  }
0xe6: {  	v12 =	vor.u32 v26, v10;
	v8 =	vld.idx.msk [tilespmem:v14+s3+$0x0], $0xffff  }
0xe7: {  	v54 =	vmov v52;
	v52 =	vld [tilespmem:$0x1FE40];
	v14 =	vor.u32 v13, v16;
	_ =	sdelay $0x3  }
0xe8: {  	[tilespmem:v12+s16+$0x0] =	vst.idx.msk $0xffff, v8  }
0xe9: {  	v12 =	vor.u32 v52, v10;
	v8 =	vld.idx.msk [tilespmem:v14+s3+$0x0], $0xffff;
	_ =	sdelay $0x4  }
0xea: {  	v14 =	vor.u32 v4, v6;
	[tilespmem:v12+s16+$0x0] =	vst.idx.msk $0xffff, v8;
	v12 =	vld [tilespmem:$0x1FE50]  }
0xeb: {  	v46 =	vld [tilespmem:$0x1FE60];
	_ =	sdelay $0x3  }
0xec: {  	v8 =	vld.idx.msk [tilespmem:v14+s3+$0x0], $0xffff;
	v12 =	vor.u32 v12, v10  }
0xed: {  	v14 =	vor.u32 v46, v16;
	_ =	sdelay $0x3  }
0xee: {  	[tilespmem:v12+s16+$0x0] =	vst.idx.msk $0xffff, v8  }
0xef: {  	v12 =	vor.u32 v56, v10;
	v8 =	vld.idx.msk [tilespmem:v14+s3+$0x0], $0xffff  }
0xf0: {  	v63 =	vld [tilespmem:$0x1FE70];
	v14 =	vor.u32 v17, v6;
	_ =	sdelay $0x3  }
0xf1: {  	[tilespmem:v12+s16+$0x0] =	vst.idx.msk $0xffff, v8  }
0xf2: {  	v12 =	vor.u32 v63, v10;
	v8 =	vld.idx.msk [tilespmem:v14+s3+$0x0], $0xffff  }
0xf3: {  	v14 =	vor.u32 v19, v16;
	_ =	sdelay $0x3  }
0xf4: {  	[tilespmem:v12+s16+$0x0] =	vst.idx.msk $0xffff, v8  }
0xf5: {  	v12 =	vor.u32 v58, v10;
	v8 =	vld.idx.msk [tilespmem:v14+s3+$0x0], $0xffff  }
0xf6: {  	v62 =	vld [tilespmem:$0x1FE80];
	v14 =	vor.u32 v21, v6;
	_ =	sdelay $0x3  }
0xf7: {  	[tilespmem:v12+s16+$0x0] =	vst.idx.msk $0xffff, v8  }
0xf8: {  	v12 =	vor.u32 v62, v10;
	v8 =	vld.idx.msk [tilespmem:v14+s3+$0x0], $0xffff  }
0xf9: {  	v14 =	vor.u32 v23, v16;
	_ =	sdelay $0x3  }
0xfa: {  	[tilespmem:v12+s16+$0x0] =	vst.idx.msk $0xffff, v8  }
0xfb: {  	v12 =	vor.u32 v44, v10;
	v8 =	vld.idx.msk [tilespmem:v14+s3+$0x0], $0xffff  }
0xfc: {  	v14 =	vor.u32 v25, v6;
	_ =	sdelay $0x3  }
0xfd: {  	[tilespmem:v12+s16+$0x0] =	vst.idx.msk $0xffff, v8  }
0xfe: {  	v12 =	vor.u32 v18, v10;
	v8 =	vld.idx.msk [tilespmem:v14+s3+$0x0], $0xffff  }
0xff: {  	v14 =	vor.u32 v27, v16;
	_ =	sdelay $0x3  }
0x100: {  	[tilespmem:v12+s16+$0x0] =	vst.idx.msk $0xffff, v8  }
0x101: {  	v12 =	vor.u32 v40, v10;
	v8 =	vld.idx.msk [tilespmem:v14+s3+$0x0], $0xffff  }
0x102: {  	v15 =	vmov v50;
	v50 =	vmov v40;
	v40 =	vld [tilespmem:$0x1FE90];
	v14 =	vor.u32 v29, v6;
	_ =	sdelay $0x3  }
0x103: {  	[tilespmem:v12+s16+$0x0] =	vst.idx.msk $0xffff, v8  }
0x104: {  	v12 =	vor.u32 v40, v10;
	v8 =	vld.idx.msk [tilespmem:v14+s3+$0x0], $0xffff  }
0x105: {  	v26 =	vmov v38;
	v38 =	vmov v0;
	v0 =	vld [tilespmem:$0x1FEA0];
	v14 =	vor.u32 v31, v16;
	_ =	sdelay $0x3  }
0x106: {  	[tilespmem:v12+s16+$0x0] =	vst.idx.msk $0xffff, v8  }
0x107: {  	v12 =	vor.u32 v0, v10;
	v8 =	vld.idx.msk [tilespmem:v14+s3+$0x0], $0xffff  }
0x108: {  	v0 =	vld [tilespmem:$0x1FEB0];
	v14 =	vor.u32 v33, v6;
	_ =	sdelay $0x3  }
0x109: {  	[tilespmem:v12+s16+$0x0] =	vst.idx.msk $0xffff, v8  }
0x10a: {  	v12 =	vor.u32 v0, v10;
	v8 =	vld.idx.msk [tilespmem:v14+s3+$0x0], $0xffff  }
0x10b: {  	v14 =	vor.u32 v35, v16;
	_ =	sdelay $0x3  }
0x10c: {  	[tilespmem:v12+s16+$0x0] =	vst.idx.msk $0xffff, v8  }
0x10d: {  	v12 =	vor.u32 v15, v10;
	v8 =	vld.idx.msk [tilespmem:v14+s3+$0x0], $0xffff  }
0x10e: {  	v0 =	vld [tilespmem:$0x1FEC0];
	v14 =	vor.u32 v37, v6;
	_ =	sdelay $0x3  }
0x10f: {  	[tilespmem:v12+s16+$0x0] =	vst.idx.msk $0xffff, v8  }
0x110: {  	v12 =	vor.u32 v0, v10;
	v8 =	vld.idx.msk [tilespmem:v14+s3+$0x0], $0xffff  }
0x111: {  	v15 =	vld [tilespmem:$0x1FED0];
	v14 =	vor.u32 v39, v16;
	_ =	sdelay $0x3  }
0x112: {  	[tilespmem:v12+s16+$0x0] =	vst.idx.msk $0xffff, v8  }
0x113: {  	v12 =	vor.u32 v15, v10;
	v8 =	vld.idx.msk [tilespmem:v14+s3+$0x0], $0xffff  }
0x114: {  	v14 =	vor.u32 v41, v6;
	_ =	sdelay $0x3  }
0x115: {  	[tilespmem:v12+s16+$0x0] =	vst.idx.msk $0xffff, v8  }
0x116: {  	v12 =	vor.u32 v32, v10;
	v8 =	vld.idx.msk [tilespmem:v14+s3+$0x0], $0xffff  }
0x117: {  	v14 =	vor.u32 v43, v16;
	_ =	sdelay $0x3  }
0x118: {  	[tilespmem:v12+s16+$0x0] =	vst.idx.msk $0xffff, v8  }
0x119: {  	v12 =	vor.u32 v34, v10;
	v8 =	vld.idx.msk [tilespmem:v14+s3+$0x0], $0xffff  }
0x11a: {  	v18 =	vld [tilespmem:$0x1FEE0];
	v14 =	vor.u32 v45, v6;
	_ =	sdelay $0x3  }
0x11b: {  	[tilespmem:v12+s16+$0x0] =	vst.idx.msk $0xffff, v8  }
0x11c: {  	v12 =	vor.u32 v18, v10;
	v8 =	vld.idx.msk [tilespmem:v14+s3+$0x0], $0xffff  }
0x11d: {  	v42 =	vld [tilespmem:$0x1FEF0];
	v14 =	vor.u32 v47, v16;
	_ =	sdelay $0x3  }
0x11e: {  	[tilespmem:v12+s16+$0x0] =	vst.idx.msk $0xffff, v8  }
0x11f: {  	v12 =	vor.u32 v42, v10;
	v8 =	vld.idx.msk [tilespmem:v14+s3+$0x0], $0xffff  }
0x120: {  	v14 =	vor.u32 v49, v6;
	_ =	sdelay $0x3  }
0x121: {  	[tilespmem:v12+s16+$0x0] =	vst.idx.msk $0xffff, v8  }
0x122: {  	v12 =	vor.u32 v22, v10;
	v8 =	vld.idx.msk [tilespmem:v14+s3+$0x0], $0xffff  }
0x123: {  	v14 =	vor.u32 v51, v16;
	_ =	sdelay $0x3  }
0x124: {  	[tilespmem:v12+s16+$0x0] =	vst.idx.msk $0xffff, v8  }
0x125: {  	v12 =	vor.u32 v54, v10;
	v8 =	vld.idx.msk [tilespmem:v14+s3+$0x0], $0xffff  }
0x126: {  	v14 =	vor.u32 v53, v6;
	_ =	sdelay $0x3  }
0x127: {  	[tilespmem:v12+s16+$0x0] =	vst.idx.msk $0xffff, v8  }
0x128: {  	v12 =	vor.u32 v20, v10;
	v8 =	vld.idx.msk [tilespmem:v14+s3+$0x0], $0xffff  }
0x129: {  	v14 =	vor.u32 v55, v16;
	_ =	sdelay $0x3  }
0x12a: {  	[tilespmem:v12+s16+$0x0] =	vst.idx.msk $0xffff, v8  }
0x12b: {  	v12 =	vor.u32 v26, v10;
	v8 =	vld.idx.msk [tilespmem:v14+s3+$0x0], $0xffff  }
0x12c: {  	v14 =	vor.u32 v57, v6;
	_ =	sdelay $0x3  }
0x12d: {  	[tilespmem:v12+s16+$0x0] =	vst.idx.msk $0xffff, v8  }
0x12e: {  	v12 =	vor.u32 v60, v10;
	v8 =	vld.idx.msk [tilespmem:v14+s3+$0x0], $0xffff  }
0x12f: {  	v14 =	vor.u32 v59, v16;
	_ =	sdelay $0x3  }
0x130: {  	[tilespmem:v12+s16+$0x0] =	vst.idx.msk $0xffff, v8  }
0x131: {  	v12 =	vor.u32 v30, v10;
	v8 =	vld.idx.msk [tilespmem:v14+s3+$0x0], $0xffff  }
0x132: {  	v6 =	vor.u32 v61, v6;
	_ =	sdelay $0x3  }
0x133: {  	[tilespmem:v12+s16+$0x0] =	vst.idx.msk $0xffff, v8  }
0x134: {  	v8 =	vor.u32 v24, v10;
	v6 =	vld.idx.msk [tilespmem:v6+s3+$0x0], $0xffff  }
0x135: {  	v12 =	vor.u32 v2, v16;
	_ =	sdelay $0x2  }
0x136: {  	s31 =	simm.s32 $0x1  }
0x137: {  	[tilespmem:v8+s16+$0x0] =	vst.idx.msk $0xffff, v6;
	v6 =	vadd.s32 s31, v1  }
0x138: {  	v8 =	vor.u32 v38, v10;
	v14 =	vld.idx.msk [tilespmem:v12+s3+$0x0], $0xffff;
	v10 =	vand.u32 $0xF, v6  }
0x139: {  	v12 =	vor.u32 v3, v10;
	_ =	sdelay $0x1  }
0x13a: {  	v6 =	vshll.u32 v6, $0x6  }
0x13b: {  	v54 =	vand.u32 $0x40, v6  }
0x13c: {  	v16 =	vand.u32 $0x380, v6;
	[tilespmem:v8+s16+$0x0] =	vst.idx.msk $0xffff, v14;
	v14 =	vor.u32 v1, v54  }
0x13d: {  	v6 =	vld.idx.msk [tilespmem:v12+s3+$0x0], $0xffff;
	v8 =	vor.u32 v14, v16  }
0x13e: {  	v12 =	vor.u32 v5, v10;
	_ =	sdelay $0x3  }
0x13f: {  	v0 =	vor.u32 $0x400, v16;
	[tilespmem:v8+s16+$0x0] =	vst.idx.msk $0xffff, v6  }
0x140: {  	v8 =	vor.u32 v14, v0;
	v6 =	vld.idx.msk [tilespmem:v12+s3+$0x0], $0xffff  }
0x141: {  	v12 =	vor.u32 v7, v10;
	_ =	sdelay $0x3  }
0x142: {  	v15 =	vor.u32 $0x800, v16;
	[tilespmem:v8+s16+$0x0] =	vst.idx.msk $0xffff, v6  }
0x143: {  	v8 =	vor.u32 v14, v15;
	v6 =	vld.idx.msk [tilespmem:v12+s3+$0x0], $0xffff  }
0x144: {  	v12 =	vor.u32 v9, v10;
	_ =	sdelay $0x3  }
0x145: {  	v22 =	vor.u32 $0xC00, v16;
	[tilespmem:v8+s16+$0x0] =	vst.idx.msk $0xffff, v6  }
0x146: {  	v8 =	vor.u32 v14, v22;
	v6 =	vld.idx.msk [tilespmem:v12+s3+$0x0], $0xffff  }
0x147: {  	v12 =	vor.u32 v11, v10;
	_ =	sdelay $0x3  }
0x148: {  	v24 =	vor.u32 $0x1000, v16;
	[tilespmem:v8+s16+$0x0] =	vst.idx.msk $0xffff, v6  }
0x149: {  	v8 =	vor.u32 v14, v24;
	v6 =	vld.idx.msk [tilespmem:v12+s3+$0x0], $0xffff  }
0x14a: {  	v12 =	vor.u32 v13, v10;
	_ =	sdelay $0x3  }
0x14b: {  	v26 =	vor.u32 $0x1400, v16;
	[tilespmem:v8+s16+$0x0] =	vst.idx.msk $0xffff, v6  }
0x14c: {  	v8 =	vor.u32 v14, v26;
	v6 =	vld.idx.msk [tilespmem:v12+s3+$0x0], $0xffff  }
0x14d: {  	v12 =	vor.u32 v4, v10;
	_ =	sdelay $0x3  }
0x14e: {  	v28 =	vor.u32 $0x1800, v16;
	[tilespmem:v8+s16+$0x0] =	vst.idx.msk $0xffff, v6  }
0x14f: {  	v8 =	vor.u32 v14, v28;
	v6 =	vld.idx.msk [tilespmem:v12+s3+$0x0], $0xffff  }
0x150: {  	v30 =	vor.u32 v46, v10;
	_ =	sdelay $0x3  }
0x151: {  	v12 =	vor.u32 $0x1C00, v16;
	[tilespmem:v8+s16+$0x0] =	vst.idx.msk $0xffff, v6  }
0x152: {  	v8 =	vor.u32 v14, v12;
	v6 =	vld.idx.msk [tilespmem:v30+s3+$0x0], $0xffff  }
0x153: {  	v30 =	vor.u32 v17, v10;
	_ =	sdelay $0x2  }
0x154: {  	v14 =	vor.u32 $0x10, v1  }
0x155: {  	[tilespmem:v8+s16+$0x0] =	vst.idx.msk $0xffff, v6;
	v6 =	vor.u32 v14, v54  }
0x156: {  	[tilespmem:$0x1FDF0] =	vst v14;
	v14 =	vld.idx.msk [tilespmem:v30+s3+$0x0], $0xffff;
	v30 =	vor.u32 v6, v16  }
0x157: {  	v8 =	vor.u32 v19, v10;
	_ =	sdelay $0x3  }
0x158: {  	[tilespmem:v30+s16+$0x0] =	vst.idx.msk $0xffff, v14  }
0x159: {  	v14 =	vor.u32 v6, v0;
	v8 =	vld.idx.msk [tilespmem:v8+s3+$0x0], $0xffff  }
0x15a: {  	v30 =	vor.u32 v21, v10;
	_ =	sdelay $0x3  }
0x15b: {  	[tilespmem:v14+s16+$0x0] =	vst.idx.msk $0xffff, v8  }
0x15c: {  	v14 =	vor.u32 v6, v15;
	v8 =	vld.idx.msk [tilespmem:v30+s3+$0x0], $0xffff  }
0x15d: {  	v30 =	vor.u32 v23, v10;
	_ =	sdelay $0x3  }
0x15e: {  	[tilespmem:v14+s16+$0x0] =	vst.idx.msk $0xffff, v8  }
0x15f: {  	v14 =	vor.u32 v6, v22;
	v8 =	vld.idx.msk [tilespmem:v30+s3+$0x0], $0xffff  }
0x160: {  	v30 =	vor.u32 v25, v10;
	_ =	sdelay $0x3  }
0x161: {  	[tilespmem:v14+s16+$0x0] =	vst.idx.msk $0xffff, v8  }
0x162: {  	v14 =	vor.u32 v6, v24;
	v8 =	vld.idx.msk [tilespmem:v30+s3+$0x0], $0xffff  }
0x163: {  	v30 =	vor.u32 v27, v10;
	_ =	sdelay $0x3  }
0x164: {  	[tilespmem:v14+s16+$0x0] =	vst.idx.msk $0xffff, v8  }
0x165: {  	v14 =	vor.u32 v6, v26;
	v8 =	vld.idx.msk [tilespmem:v30+s3+$0x0], $0xffff  }
0x166: {  	v30 =	vor.u32 v29, v10;
	_ =	sdelay $0x3  }
0x167: {  	[tilespmem:v14+s16+$0x0] =	vst.idx.msk $0xffff, v8  }
0x168: {  	v14 =	vor.u32 v6, v28;
	v8 =	vld.idx.msk [tilespmem:v30+s3+$0x0], $0xffff  }
0x169: {  	v30 =	vor.u32 v31, v10;
	_ =	sdelay $0x3  }
0x16a: {  	[tilespmem:v14+s16+$0x0] =	vst.idx.msk $0xffff, v8  }
0x16b: {  	v14 =	vor.u32 v6, v12;
	v8 =	vld.idx.msk [tilespmem:v30+s3+$0x0], $0xffff  }
0x16c: {  	v30 =	vor.u32 v33, v10;
	_ =	sdelay $0x2  }
0x16d: {  	v6 =	vor.u32 $0x20, v1  }
0x16e: {  	[tilespmem:v14+s16+$0x0] =	vst.idx.msk $0xffff, v8;
	v8 =	vor.u32 v6, v54  }
0x16f: {  	v18 =	vld.idx.msk [tilespmem:v30+s3+$0x0], $0xffff;
	v30 =	vor.u32 v8, v16  }
0x170: {  	v14 =	vor.u32 v35, v10;
	_ =	sdelay $0x3  }
0x171: {  	[tilespmem:v30+s16+$0x0] =	vst.idx.msk $0xffff, v18  }
0x172: {  	v18 =	vor.u32 v8, v0;
	v14 =	vld.idx.msk [tilespmem:v14+s3+$0x0], $0xffff  }
0x173: {  	v30 =	vor.u32 v37, v10;
	_ =	sdelay $0x3  }
0x174: {  	[tilespmem:v18+s16+$0x0] =	vst.idx.msk $0xffff, v14  }
0x175: {  	v18 =	vor.u32 v8, v15;
	v14 =	vld.idx.msk [tilespmem:v30+s3+$0x0], $0xffff  }
0x176: {  	v30 =	vor.u32 v39, v10;
	_ =	sdelay $0x3  }
0x177: {  	[tilespmem:v18+s16+$0x0] =	vst.idx.msk $0xffff, v14  }
0x178: {  	v18 =	vor.u32 v8, v22;
	v14 =	vld.idx.msk [tilespmem:v30+s3+$0x0], $0xffff  }
0x179: {  	v30 =	vor.u32 v41, v10;
	_ =	sdelay $0x3  }
0x17a: {  	[tilespmem:v18+s16+$0x0] =	vst.idx.msk $0xffff, v14  }
0x17b: {  	v18 =	vor.u32 v8, v24;
	v14 =	vld.idx.msk [tilespmem:v30+s3+$0x0], $0xffff  }
0x17c: {  	v30 =	vor.u32 v43, v10;
	_ =	sdelay $0x3  }
0x17d: {  	[tilespmem:v18+s16+$0x0] =	vst.idx.msk $0xffff, v14  }
0x17e: {  	v18 =	vor.u32 v8, v26;
	v14 =	vld.idx.msk [tilespmem:v30+s3+$0x0], $0xffff  }
0x17f: {  	v30 =	vor.u32 v45, v10;
	_ =	sdelay $0x3  }
0x180: {  	[tilespmem:v18+s16+$0x0] =	vst.idx.msk $0xffff, v14  }
0x181: {  	v18 =	vor.u32 v8, v28;
	v14 =	vld.idx.msk [tilespmem:v30+s3+$0x0], $0xffff  }
0x182: {  	v30 =	vor.u32 v47, v10;
	_ =	sdelay $0x3  }
0x183: {  	[tilespmem:v18+s16+$0x0] =	vst.idx.msk $0xffff, v14  }
0x184: {  	v18 =	vor.u32 v8, v12;
	v14 =	vld.idx.msk [tilespmem:v30+s3+$0x0], $0xffff  }
0x185: {  	v20 =	vor.u32 v49, v10;
	_ =	sdelay $0x2  }
0x186: {  	[tilespmem:$0x1FE00] =	vst v6;
	v6 =	vor.u32 $0x30, v1  }
0x187: {  	v30 =	vor.u32 v6, v54;
	[tilespmem:v18+s16+$0x0] =	vst.idx.msk $0xffff, v14  }
0x188: {  	v16 =	vor.u32 v30, v16;
	v14 =	vld.idx.msk [tilespmem:v20+s3+$0x0], $0xffff  }
0x189: {  	v18 =	vor.u32 v51, v10;
	_ =	sdelay $0x3  }
0x18a: {  	[tilespmem:v16+s16+$0x0] =	vst.idx.msk $0xffff, v14  }
0x18b: {  	v16 =	vor.u32 v30, v0;
	v14 =	vld.idx.msk [tilespmem:v18+s3+$0x0], $0xffff  }
0x18c: {  	v18 =	vor.u32 v53, v10;
	_ =	sdelay $0x3  }
0x18d: {  	[tilespmem:v16+s16+$0x0] =	vst.idx.msk $0xffff, v14  }
0x18e: {  	v16 =	vor.u32 v30, v15;
	v14 =	vld.idx.msk [tilespmem:v18+s3+$0x0], $0xffff  }
0x18f: {  	v18 =	vor.u32 v55, v10;
	_ =	sdelay $0x3  }
0x190: {  	[tilespmem:v16+s16+$0x0] =	vst.idx.msk $0xffff, v14  }
0x191: {  	v16 =	vor.u32 v30, v22;
	v14 =	vld.idx.msk [tilespmem:v18+s3+$0x0], $0xffff  }
0x192: {  	v18 =	vor.u32 v57, v10;
	_ =	sdelay $0x3  }
0x193: {  	[tilespmem:v16+s16+$0x0] =	vst.idx.msk $0xffff, v14  }
0x194: {  	v16 =	vor.u32 v30, v24;
	v14 =	vld.idx.msk [tilespmem:v18+s3+$0x0], $0xffff  }
0x195: {  	v18 =	vor.u32 v59, v10;
	_ =	sdelay $0x3  }
0x196: {  	[tilespmem:v16+s16+$0x0] =	vst.idx.msk $0xffff, v14  }
0x197: {  	v16 =	vor.u32 v30, v26;
	v14 =	vld.idx.msk [tilespmem:v18+s3+$0x0], $0xffff  }
0x198: {  	v18 =	vor.u32 v61, v10;
	_ =	sdelay $0x3  }
0x199: {  	[tilespmem:v16+s16+$0x0] =	vst.idx.msk $0xffff, v14  }
0x19a: {  	v16 =	vor.u32 v30, v28;
	v14 =	vld.idx.msk [tilespmem:v18+s3+$0x0], $0xffff  }
0x19b: {  	v42 =	vld [tilespmem:$0x1FFE0];
	v18 =	vor.u32 v2, v10  }
0x19c: {  	v60 =	vmov v52;
	v52 =	vmov v58;
	v58 =	vld [tilespmem:$0x1FE50]  }
0x19d: {  	v54 =	vmov v63;
	v63 =	vld [tilespmem:$0x1FE30]  }
0x19e: {  	v0 =	vld [tilespmem:$0x1FFB0]  }
0x19f: {  	s25 =	simm.s32 $0x2;
	v15 =	vmov v40;
	v40 =	vmov v50;
	v50 =	vmov v62;
	v62 =	vld [tilespmem:$0x1FFA0];
	[tilespmem:v16+s16+$0x0] =	vst.idx.msk $0xffff, v14  }
0x1a0: {  	s26 =	simm.s32 $0x4;
	s24 =	sor.u32 $0x20, s23;
	[tilespmem:$0x1FE10] =	vst v6;
	v10 =	vadd.s32 s25, v1;
	v16 =	vld.idx.msk [tilespmem:v18+s3+$0x0], $0xffff  }
.LBB2_4:
0x1a1: {  	v14 =	vand.u32 $0xF, v10;
	v12 =	vor.u32 v30, v12  }
0x1a2: {  	v18 =	vor.u32 v3, v14;
	_ =	sdelay $0x2  }
0x1a3: {  	v20 =	vshll.u32 v10, $0x6  }
0x1a4: {  	[tilespmem:v12+s16+$0x0] =	vst.idx.msk $0xffff, v16;
	v12 =	vand.u32 $0x380, v20  }
0x1a5: {  	v16 =	vld.idx.msk [tilespmem:v18+s3+$0x0], $0xffff;
	v18 =	vor.u32 v36, v12  }
0x1a6: {  	v20 =	vor.u32 v5, v10;
	_ =	sdelay $0x3  }
0x1a7: {  	[tilespmem:v18+s16+$0x0] =	vst.idx.msk $0xffff, v16  }
0x1a8: {  	v18 =	vor.u32 v48, v12;
	v16 =	vld.idx.msk [tilespmem:v20+s3+$0x0], $0xffff  }
0x1a9: {  	v20 =	vor.u32 v7, v14;
	_ =	sdelay $0x3  }
0x1aa: {  	[tilespmem:v18+s16+$0x0] =	vst.idx.msk $0xffff, v16  }
0x1ab: {  	v18 =	vor.u32 v63, v12;
	v16 =	vld.idx.msk [tilespmem:v20+s3+$0x0], $0xffff  }
0x1ac: {  	v20 =	vor.u32 v9, v10;
	_ =	sdelay $0x3  }
0x1ad: {  	[tilespmem:v18+s16+$0x0] =	vst.idx.msk $0xffff, v16  }
0x1ae: {  	v18 =	vor.u32 v62, v12;
	v16 =	vld.idx.msk [tilespmem:v20+s3+$0x0], $0xffff  }
0x1af: {  	v20 =	vor.u32 v11, v14;
	_ =	sdelay $0x3  }
0x1b0: {  	[tilespmem:v18+s16+$0x0] =	vst.idx.msk $0xffff, v16  }
0x1b1: {  	v18 =	vor.u32 v0, v12;
	v16 =	vld.idx.msk [tilespmem:v20+s3+$0x0], $0xffff  }
0x1b2: {  	v20 =	vor.u32 v13, v10;
	_ =	sdelay $0x3  }
0x1b3: {  	[tilespmem:v18+s16+$0x0] =	vst.idx.msk $0xffff, v16  }
0x1b4: {  	v18 =	vor.u32 v60, v12;
	v16 =	vld.idx.msk [tilespmem:v20+s3+$0x0], $0xffff  }
0x1b5: {  	v20 =	vor.u32 v4, v14;
	_ =	sdelay $0x3  }
0x1b6: {  	[tilespmem:v18+s16+$0x0] =	vst.idx.msk $0xffff, v16  }
0x1b7: {  	v18 =	vor.u32 v58, v12;
	v16 =	vld.idx.msk [tilespmem:v20+s3+$0x0], $0xffff  }
0x1b8: {  	v20 =	vor.u32 v46, v10;
	_ =	sdelay $0x3  }
0x1b9: {  	[tilespmem:v18+s16+$0x0] =	vst.idx.msk $0xffff, v16  }
0x1ba: {  	v18 =	vor.u32 v56, v12;
	v16 =	vld.idx.msk [tilespmem:v20+s3+$0x0], $0xffff  }
0x1bb: {  	v20 =	vor.u32 v17, v14;
	_ =	sdelay $0x3  }
0x1bc: {  	[tilespmem:v18+s16+$0x0] =	vst.idx.msk $0xffff, v16  }
0x1bd: {  	v18 =	vor.u32 v54, v12;
	v16 =	vld.idx.msk [tilespmem:v20+s3+$0x0], $0xffff  }
0x1be: {  	v20 =	vor.u32 v19, v10;
	_ =	sdelay $0x3  }
0x1bf: {  	[tilespmem:v18+s16+$0x0] =	vst.idx.msk $0xffff, v16  }
0x1c0: {  	v18 =	vor.u32 v52, v12;
	v16 =	vld.idx.msk [tilespmem:v20+s3+$0x0], $0xffff  }
0x1c1: {  	v20 =	vor.u32 v21, v14;
	_ =	sdelay $0x3  }
0x1c2: {  	[tilespmem:v18+s16+$0x0] =	vst.idx.msk $0xffff, v16  }
0x1c3: {  	v18 =	vor.u32 v50, v12;
	v16 =	vld.idx.msk [tilespmem:v20+s3+$0x0], $0xffff  }
0x1c4: {  	v20 =	vor.u32 v23, v10;
	_ =	sdelay $0x3  }
0x1c5: {  	[tilespmem:v18+s16+$0x0] =	vst.idx.msk $0xffff, v16  }
0x1c6: {  	v18 =	vor.u32 v44, v12;
	v16 =	vld.idx.msk [tilespmem:v20+s3+$0x0], $0xffff  }
0x1c7: {  	v20 =	vor.u32 v25, v14;
	_ =	sdelay $0x3  }
0x1c8: {  	[tilespmem:v18+s16+$0x0] =	vst.idx.msk $0xffff, v16  }
0x1c9: {  	v18 =	vor.u32 v42, v12;
	v16 =	vld.idx.msk [tilespmem:v20+s3+$0x0], $0xffff  }
0x1ca: {  	v20 =	vor.u32 v27, v10;
	_ =	sdelay $0x3  }
0x1cb: {  	[tilespmem:v18+s16+$0x0] =	vst.idx.msk $0xffff, v16  }
0x1cc: {  	v18 =	vor.u32 v40, v12;
	v16 =	vld.idx.msk [tilespmem:v20+s3+$0x0], $0xffff  }
0x1cd: {  	v20 =	vor.u32 v29, v14;
	_ =	sdelay $0x3  }
0x1ce: {  	[tilespmem:v18+s16+$0x0] =	vst.idx.msk $0xffff, v16  }
0x1cf: {  	v18 =	vor.u32 v15, v12;
	v16 =	vld.idx.msk [tilespmem:v20+s3+$0x0], $0xffff  }
0x1d0: {  	v6 =	vld [tilespmem:$0x1FEA0];
	v20 =	vor.u32 v31, v10;
	_ =	sdelay $0x3  }
0x1d1: {  	[tilespmem:v18+s16+$0x0] =	vst.idx.msk $0xffff, v16  }
0x1d2: {  	v18 =	vor.u32 v6, v12;
	v16 =	vld.idx.msk [tilespmem:v20+s3+$0x0], $0xffff  }
0x1d3: {  	v6 =	vld [tilespmem:$0x1FEB0];
	v20 =	vor.u32 v33, v14;
	_ =	sdelay $0x3  }
0x1d4: {  	[tilespmem:v18+s16+$0x0] =	vst.idx.msk $0xffff, v16  }
0x1d5: {  	v18 =	vor.u32 v6, v12;
	v16 =	vld.idx.msk [tilespmem:v20+s3+$0x0], $0xffff  }
0x1d6: {  	v6 =	vld [tilespmem:$0x1FF80];
	v20 =	vor.u32 v35, v10;
	_ =	sdelay $0x3  }
0x1d7: {  	[tilespmem:v18+s16+$0x0] =	vst.idx.msk $0xffff, v16  }
0x1d8: {  	v18 =	vor.u32 v6, v12;
	v16 =	vld.idx.msk [tilespmem:v20+s3+$0x0], $0xffff  }
0x1d9: {  	v6 =	vld [tilespmem:$0x1FEC0];
	v20 =	vor.u32 v37, v14;
	_ =	sdelay $0x3  }
0x1da: {  	[tilespmem:v18+s16+$0x0] =	vst.idx.msk $0xffff, v16  }
0x1db: {  	v18 =	vor.u32 v6, v12;
	v16 =	vld.idx.msk [tilespmem:v20+s3+$0x0], $0xffff  }
0x1dc: {  	v6 =	vld [tilespmem:$0x1FED0];
	v20 =	vor.u32 v39, v10;
	_ =	sdelay $0x3  }
0x1dd: {  	[tilespmem:v18+s16+$0x0] =	vst.idx.msk $0xffff, v16  }
0x1de: {  	v18 =	vor.u32 v6, v12;
	v16 =	vld.idx.msk [tilespmem:v20+s3+$0x0], $0xffff  }
0x1df: {  	v20 =	vor.u32 v41, v14;
	_ =	sdelay $0x3  }
0x1e0: {  	[tilespmem:v18+s16+$0x0] =	vst.idx.msk $0xffff, v16  }
0x1e1: {  	v18 =	vor.u32 v32, v12;
	v16 =	vld.idx.msk [tilespmem:v20+s3+$0x0], $0xffff  }
0x1e2: {  	v20 =	vor.u32 v43, v10;
	_ =	sdelay $0x3  }
0x1e3: {  	[tilespmem:v18+s16+$0x0] =	vst.idx.msk $0xffff, v16  }
0x1e4: {  	v18 =	vor.u32 v34, v12;
	v16 =	vld.idx.msk [tilespmem:v20+s3+$0x0], $0xffff  }
0x1e5: {  	v6 =	vld [tilespmem:$0x1FEE0];
	v20 =	vor.u32 v45, v14;
	_ =	sdelay $0x3  }
0x1e6: {  	[tilespmem:v18+s16+$0x0] =	vst.idx.msk $0xffff, v16  }
0x1e7: {  	v18 =	vor.u32 v6, v12;
	v16 =	vld.idx.msk [tilespmem:v20+s3+$0x0], $0xffff  }
0x1e8: {  	v6 =	vld [tilespmem:$0x1FEF0];
	v20 =	vor.u32 v47, v10;
	_ =	sdelay $0x3  }
0x1e9: {  	[tilespmem:v18+s16+$0x0] =	vst.idx.msk $0xffff, v16  }
0x1ea: {  	v18 =	vor.u32 v6, v12;
	v16 =	vld.idx.msk [tilespmem:v20+s3+$0x0], $0xffff  }
0x1eb: {  	v6 =	vld [tilespmem:$0x1FF50];
	v20 =	vor.u32 v49, v14;
	_ =	sdelay $0x3  }
0x1ec: {  	[tilespmem:v18+s16+$0x0] =	vst.idx.msk $0xffff, v16  }
0x1ed: {  	v18 =	vor.u32 v6, v12;
	v16 =	vld.idx.msk [tilespmem:v20+s3+$0x0], $0xffff  }
0x1ee: {  	v6 =	vld [tilespmem:$0x1FF30];
	v20 =	vor.u32 v51, v10;
	_ =	sdelay $0x3  }
0x1ef: {  	[tilespmem:v18+s16+$0x0] =	vst.idx.msk $0xffff, v16  }
0x1f0: {  	v18 =	vor.u32 v6, v12;
	v16 =	vld.idx.msk [tilespmem:v20+s3+$0x0], $0xffff  }
0x1f1: {  	v6 =	vld [tilespmem:$0x1FF00];
	v20 =	vor.u32 v53, v14;
	_ =	sdelay $0x3  }
0x1f2: {  	[tilespmem:v18+s16+$0x0] =	vst.idx.msk $0xffff, v16  }
0x1f3: {  	v18 =	vor.u32 v6, v12;
	v16 =	vld.idx.msk [tilespmem:v20+s3+$0x0], $0xffff  }
0x1f4: {  	v6 =	vld [tilespmem:$0x1FF60];
	v20 =	vor.u32 v55, v10;
	_ =	sdelay $0x3  }
0x1f5: {  	[tilespmem:v18+s16+$0x0] =	vst.idx.msk $0xffff, v16  }
0x1f6: {  	v18 =	vor.u32 v6, v12;
	v16 =	vld.idx.msk [tilespmem:v20+s3+$0x0], $0xffff  }
0x1f7: {  	v6 =	vld [tilespmem:$0x1FF40];
	v20 =	vor.u32 v57, v14;
	_ =	sdelay $0x3  }
0x1f8: {  	[tilespmem:v18+s16+$0x0] =	vst.idx.msk $0xffff, v16  }
0x1f9: {  	v18 =	vor.u32 v6, v12;
	v16 =	vld.idx.msk [tilespmem:v20+s3+$0x0], $0xffff  }
0x1fa: {  	v6 =	vld [tilespmem:$0x1FF20];
	v20 =	vor.u32 v59, v10;
	_ =	sdelay $0x3  }
0x1fb: {  	[tilespmem:v18+s16+$0x0] =	vst.idx.msk $0xffff, v16  }
0x1fc: {  	v18 =	vor.u32 v6, v12;
	v16 =	vld.idx.msk [tilespmem:v20+s3+$0x0], $0xffff  }
0x1fd: {  	v14 =	vor.u32 v61, v14;
	v6 =	vld [tilespmem:$0x1FF10];
	_ =	sdelay $0x3  }
0x1fe: {  	[tilespmem:v18+s16+$0x0] =	vst.idx.msk $0xffff, v16  }
0x1ff: {  	v16 =	vor.u32 v6, v12;
	v14 =	vld.idx.msk [tilespmem:v14+s3+$0x0], $0xffff  }
0x200: {  	v10 =	vor.u32 v2, v10;
	v6 =	vld [tilespmem:$0x1FF70];
	_ =	sdelay $0x3  }
0x201: {  	s28 =	sadd.s32 $0x1, s25;
	[tilespmem:v16+s16+$0x0] =	vst.idx.msk $0xffff, v14  }
0x202: {  	v12 =	vor.u32 v6, v12;
	v16 =	vadd.s32 s28, v1;
	v14 =	vld.idx.msk [tilespmem:v10+s3+$0x0], $0xffff  }
0x203: {  	v10 =	vand.u32 $0xF, v16  }
0x204: {  	v18 =	vor.u32 v3, v10;
	_ =	sdelay $0x1  }
0x205: {  	v16 =	vshll.u32 v16, $0x6  }
0x206: {  	[tilespmem:v12+s16+$0x0] =	vst.idx.msk $0xffff, v14;
	v14 =	vand.u32 $0x40, v16  }
0x207: {  	v16 =	vand.u32 $0x380, v16;
	v30 =	vor.u32 v1, v14  }
0x208: {  	v12 =	vld.idx.msk [tilespmem:v18+s3+$0x0], $0xffff;
	v18 =	vor.u32 v30, v16  }
0x209: {  	v20 =	vor.u32 v5, v10;
	_ =	sdelay $0x3  }
0x20a: {  	[tilespmem:v18+s16+$0x0] =	vst.idx.msk $0xffff, v12;
	v18 =	vor.u32 $0x400, v16  }
0x20b: {  	v12 =	vld.idx.msk [tilespmem:v20+s3+$0x0], $0xffff;
	v20 =	vor.u32 v30, v18  }
0x20c: {  	v22 =	vor.u32 v7, v10;
	_ =	sdelay $0x3  }
0x20d: {  	[tilespmem:v20+s16+$0x0] =	vst.idx.msk $0xffff, v12;
	v20 =	vor.u32 $0x800, v16  }
0x20e: {  	v12 =	vld.idx.msk [tilespmem:v22+s3+$0x0], $0xffff;
	v22 =	vor.u32 v30, v20  }
0x20f: {  	v24 =	vor.u32 v9, v10;
	_ =	sdelay $0x3  }
0x210: {  	[tilespmem:v22+s16+$0x0] =	vst.idx.msk $0xffff, v12;
	v22 =	vor.u32 $0xC00, v16  }
0x211: {  	v12 =	vld.idx.msk [tilespmem:v24+s3+$0x0], $0xffff;
	v24 =	vor.u32 v30, v22  }
0x212: {  	v26 =	vor.u32 v11, v10;
	_ =	sdelay $0x3  }
0x213: {  	[tilespmem:v24+s16+$0x0] =	vst.idx.msk $0xffff, v12;
	v24 =	vor.u32 $0x1000, v16  }
0x214: {  	v12 =	vld.idx.msk [tilespmem:v26+s3+$0x0], $0xffff;
	v26 =	vor.u32 v30, v24  }
0x215: {  	v28 =	vor.u32 v13, v10;
	_ =	sdelay $0x3  }
0x216: {  	[tilespmem:v26+s16+$0x0] =	vst.idx.msk $0xffff, v12;
	v26 =	vor.u32 $0x1400, v16  }
0x217: {  	v12 =	vld.idx.msk [tilespmem:v28+s3+$0x0], $0xffff;
	v28 =	vor.u32 v30, v26  }
0x218: {  	v38 =	vor.u32 v4, v10;
	_ =	sdelay $0x3  }
0x219: {  	[tilespmem:v28+s16+$0x0] =	vst.idx.msk $0xffff, v12;
	v28 =	vor.u32 $0x1800, v16  }
0x21a: {  	v8 =	vmov v32;
	v12 =	vld.idx.msk [tilespmem:v38+s3+$0x0], $0xffff;
	v32 =	vor.u32 v30, v28  }
0x21b: {  	v38 =	vor.u32 v46, v10;
	_ =	sdelay $0x3  }
0x21c: {  	[tilespmem:v32+s16+$0x0] =	vst.idx.msk $0xffff, v12;
	v12 =	vor.u32 $0x1C00, v16  }
0x21d: {  	v32 =	vld.idx.msk [tilespmem:v38+s3+$0x0], $0xffff;
	v30 =	vor.u32 v30, v12  }
0x21e: {  	v38 =	vor.u32 v17, v10;
	_ =	sdelay $0x3  }
0x21f: {  	[tilespmem:v30+s16+$0x0] =	vst.idx.msk $0xffff, v32  }
0x220: {  	v30 =	vld.idx.msk [tilespmem:v38+s3+$0x0], $0xffff  }
0x221: {  	v38 =	vld [tilespmem:$0x1FDF0];
	_ =	sdelay $0x4  }
0x222: {  	v32 =	vor.u32 v38, v14  }
0x223: {  	v6 =	vmov v34;
	v34 =	vor.u32 v32, v16  }
0x224: {  	v38 =	vmov v36;
	v36 =	vor.u32 v19, v10;
	_ =	sdelay $0x3  }
0x225: {  	[tilespmem:v34+s16+$0x0] =	vst.idx.msk $0xffff, v30  }
0x226: {  	v34 =	vor.u32 v32, v18;
	v30 =	vld.idx.msk [tilespmem:v36+s3+$0x0], $0xffff  }
0x227: {  	v36 =	vor.u32 v21, v10;
	_ =	sdelay $0x3  }
0x228: {  	[tilespmem:v34+s16+$0x0] =	vst.idx.msk $0xffff, v30  }
0x229: {  	v34 =	vor.u32 v32, v20;
	v30 =	vld.idx.msk [tilespmem:v36+s3+$0x0], $0xffff  }
0x22a: {  	v36 =	vor.u32 v23, v10;
	_ =	sdelay $0x3  }
0x22b: {  	[tilespmem:v34+s16+$0x0] =	vst.idx.msk $0xffff, v30  }
0x22c: {  	v34 =	vor.u32 v32, v22;
	v30 =	vld.idx.msk [tilespmem:v36+s3+$0x0], $0xffff  }
0x22d: {  	v36 =	vor.u32 v25, v10;
	_ =	sdelay $0x3  }
0x22e: {  	[tilespmem:v34+s16+$0x0] =	vst.idx.msk $0xffff, v30  }
0x22f: {  	v34 =	vor.u32 v32, v24;
	v30 =	vld.idx.msk [tilespmem:v36+s3+$0x0], $0xffff  }
0x230: {  	v36 =	vor.u32 v27, v10;
	_ =	sdelay $0x3  }
0x231: {  	[tilespmem:v34+s16+$0x0] =	vst.idx.msk $0xffff, v30  }
0x232: {  	v34 =	vor.u32 v32, v26;
	v30 =	vld.idx.msk [tilespmem:v36+s3+$0x0], $0xffff  }
0x233: {  	v36 =	vor.u32 v29, v10;
	_ =	sdelay $0x3  }
0x234: {  	[tilespmem:v34+s16+$0x0] =	vst.idx.msk $0xffff, v30  }
0x235: {  	v34 =	vor.u32 v32, v28;
	v30 =	vld.idx.msk [tilespmem:v36+s3+$0x0], $0xffff  }
0x236: {  	v36 =	vor.u32 v31, v10;
	_ =	sdelay $0x3  }
0x237: {  	[tilespmem:v34+s16+$0x0] =	vst.idx.msk $0xffff, v30  }
0x238: {  	v32 =	vor.u32 v32, v12;
	v30 =	vld.idx.msk [tilespmem:v36+s3+$0x0], $0xffff  }
0x239: {  	v36 =	vor.u32 v33, v10;
	_ =	sdelay $0x3  }
0x23a: {  	[tilespmem:v32+s16+$0x0] =	vst.idx.msk $0xffff, v30  }
0x23b: {  	v30 =	vld.idx.msk [tilespmem:v36+s3+$0x0], $0xffff  }
0x23c: {  	v36 =	vld [tilespmem:$0x1FE00];
	_ =	sdelay $0x4  }
0x23d: {  	v32 =	vor.u32 v36, v14  }
0x23e: {  	v34 =	vor.u32 v32, v16  }
0x23f: {  	v36 =	vor.u32 v35, v10;
	_ =	sdelay $0x3  }
0x240: {  	[tilespmem:v34+s16+$0x0] =	vst.idx.msk $0xffff, v30  }
0x241: {  	v34 =	vor.u32 v32, v18;
	v30 =	vld.idx.msk [tilespmem:v36+s3+$0x0], $0xffff  }
0x242: {  	v36 =	vor.u32 v37, v10;
	_ =	sdelay $0x3  }
0x243: {  	[tilespmem:v34+s16+$0x0] =	vst.idx.msk $0xffff, v30  }
0x244: {  	v34 =	vor.u32 v32, v20;
	v30 =	vld.idx.msk [tilespmem:v36+s3+$0x0], $0xffff  }
0x245: {  	v36 =	vor.u32 v39, v10;
	_ =	sdelay $0x3  }
0x246: {  	[tilespmem:v34+s16+$0x0] =	vst.idx.msk $0xffff, v30  }
0x247: {  	v34 =	vor.u32 v32, v22;
	v30 =	vld.idx.msk [tilespmem:v36+s3+$0x0], $0xffff  }
0x248: {  	v36 =	vor.u32 v41, v10;
	_ =	sdelay $0x3  }
0x249: {  	[tilespmem:v34+s16+$0x0] =	vst.idx.msk $0xffff, v30  }
0x24a: {  	v34 =	vor.u32 v32, v24;
	v30 =	vld.idx.msk [tilespmem:v36+s3+$0x0], $0xffff  }
0x24b: {  	v36 =	vor.u32 v43, v10;
	_ =	sdelay $0x3  }
0x24c: {  	[tilespmem:v34+s16+$0x0] =	vst.idx.msk $0xffff, v30  }
0x24d: {  	v34 =	vor.u32 v32, v26;
	v30 =	vld.idx.msk [tilespmem:v36+s3+$0x0], $0xffff  }
0x24e: {  	v36 =	vor.u32 v45, v10;
	_ =	sdelay $0x3  }
0x24f: {  	[tilespmem:v34+s16+$0x0] =	vst.idx.msk $0xffff, v30  }
0x250: {  	v34 =	vor.u32 v32, v28;
	v30 =	vld.idx.msk [tilespmem:v36+s3+$0x0], $0xffff  }
0x251: {  	v36 =	vor.u32 v47, v10;
	_ =	sdelay $0x3  }
0x252: {  	[tilespmem:v34+s16+$0x0] =	vst.idx.msk $0xffff, v30  }
0x253: {  	v32 =	vor.u32 v32, v12;
	v30 =	vld.idx.msk [tilespmem:v36+s3+$0x0], $0xffff;
	_ =	sdelay $0x4  }
0x254: {  	[tilespmem:v32+s16+$0x0] =	vst.idx.msk $0xffff, v30;
	v30 =	vld [tilespmem:$0x1FE10]  }
0x255: {  	v34 =	vor.u32 v49, v10;
	_ =	sdelay $0x3  }
0x256: {  	v30 =	vor.u32 v30, v14  }
0x257: {  	v32 =	vld.idx.msk [tilespmem:v34+s3+$0x0], $0xffff;
	v14 =	vor.u32 v30, v16  }
0x258: {  	v16 =	vor.u32 v51, v10;
	_ =	sdelay $0x3  }
0x259: {  	[tilespmem:v14+s16+$0x0] =	vst.idx.msk $0xffff, v32  }
0x25a: {  	v14 =	vld.idx.msk [tilespmem:v16+s3+$0x0], $0xffff;
	v16 =	vor.u32 v30, v18  }
0x25b: {  	v18 =	vor.u32 v53, v10;
	_ =	sdelay $0x3  }
0x25c: {  	[tilespmem:v16+s16+$0x0] =	vst.idx.msk $0xffff, v14  }
0x25d: {  	v16 =	vor.u32 v30, v20;
	v14 =	vld.idx.msk [tilespmem:v18+s3+$0x0], $0xffff  }
0x25e: {  	v18 =	vor.u32 v55, v10;
	_ =	sdelay $0x3  }
0x25f: {  	[tilespmem:v16+s16+$0x0] =	vst.idx.msk $0xffff, v14  }
0x260: {  	v16 =	vor.u32 v30, v22;
	v14 =	vld.idx.msk [tilespmem:v18+s3+$0x0], $0xffff  }
0x261: {  	v18 =	vor.u32 v57, v10;
	_ =	sdelay $0x3  }
0x262: {  	[tilespmem:v16+s16+$0x0] =	vst.idx.msk $0xffff, v14  }
0x263: {  	v16 =	vor.u32 v30, v24;
	v14 =	vld.idx.msk [tilespmem:v18+s3+$0x0], $0xffff  }
0x264: {  	v18 =	vor.u32 v59, v10;
	_ =	sdelay $0x3  }
0x265: {  	[tilespmem:v16+s16+$0x0] =	vst.idx.msk $0xffff, v14  }
0x266: {  	v16 =	vor.u32 v30, v26;
	v14 =	vld.idx.msk [tilespmem:v18+s3+$0x0], $0xffff  }
0x267: {  	v18 =	vor.u32 v61, v10;
	_ =	sdelay $0x3  }
0x268: {  	[tilespmem:v16+s16+$0x0] =	vst.idx.msk $0xffff, v14  }
0x269: {  	v16 =	vor.u32 v30, v28;
	v14 =	vld.idx.msk [tilespmem:v18+s3+$0x0], $0xffff  }
0x26a: {  	p2 =	sne.s32 s26, $0xE;
	v18 =	vor.u32 v2, v10  }
.Ltmp5:
0x26b: {  	_ = 	snop;
	(pc) =	sbr.rel @p2 .LBB2_4-.Ltmp5, $3  }
0x26c: {  	_ =	sdelay $0x1  }
0x26d: {  	s25 =	smov.u32 s26;
	[tilespmem:v16+s16+$0x0] =	vst.idx.msk $0xffff, v14  }
0x26e: {  	s26 =	sadd.s32 $0x2, s26;
	v36 =	vmovc v38;
	v34 =	vmov v6;
	v32 =	vmov v8;
	v10 =	vadd.s32 s25, v1;
	v16 =	vld.idx.msk [tilespmem:v18+s3+$0x0], $0xffff  }
0x26f: {  	v14 =	vand.u32 $0xF, v10;
	v12 =	vor.u32 v30, v12  }
0x270: {  	v18 =	vor.u32 v3, v14;
	_ =	sdelay $0x2  }
0x271: {  	v20 =	vshll.u32 v10, $0x6  }
0x272: {  	[tilespmem:v12+s16+$0x0] =	vst.idx.msk $0xffff, v16;
	v12 =	vand.u32 $0x380, v20  }
0x273: {  	v16 =	vld.idx.msk [tilespmem:v18+s3+$0x0], $0xffff;
	v18 =	vor.u32 v36, v12  }
0x274: {  	v20 =	vor.u32 v5, v10;
	_ =	sdelay $0x3  }
0x275: {  	[tilespmem:v18+s16+$0x0] =	vst.idx.msk $0xffff, v16  }
0x276: {  	v18 =	vor.u32 v48, v12;
	v16 =	vld.idx.msk [tilespmem:v20+s3+$0x0], $0xffff  }
0x277: {  	v20 =	vor.u32 v7, v14;
	_ =	sdelay $0x3  }
0x278: {  	[tilespmem:v18+s16+$0x0] =	vst.idx.msk $0xffff, v16  }
0x279: {  	v18 =	vor.u32 v63, v12;
	v16 =	vld.idx.msk [tilespmem:v20+s3+$0x0], $0xffff  }
0x27a: {  	v20 =	vor.u32 v9, v10;
	_ =	sdelay $0x3  }
0x27b: {  	[tilespmem:v18+s16+$0x0] =	vst.idx.msk $0xffff, v16  }
0x27c: {  	v18 =	vor.u32 v62, v12;
	v16 =	vld.idx.msk [tilespmem:v20+s3+$0x0], $0xffff  }
0x27d: {  	v20 =	vor.u32 v11, v14;
	_ =	sdelay $0x3  }
0x27e: {  	[tilespmem:v18+s16+$0x0] =	vst.idx.msk $0xffff, v16  }
0x27f: {  	v18 =	vor.u32 v0, v12;
	v16 =	vld.idx.msk [tilespmem:v20+s3+$0x0], $0xffff  }
0x280: {  	v20 =	vor.u32 v13, v10;
	_ =	sdelay $0x3  }
0x281: {  	[tilespmem:v18+s16+$0x0] =	vst.idx.msk $0xffff, v16  }
0x282: {  	v18 =	vor.u32 v60, v12;
	v16 =	vld.idx.msk [tilespmem:v20+s3+$0x0], $0xffff  }
0x283: {  	v20 =	vor.u32 v4, v14;
	_ =	sdelay $0x3  }
0x284: {  	[tilespmem:v18+s16+$0x0] =	vst.idx.msk $0xffff, v16  }
0x285: {  	v18 =	vor.u32 v58, v12;
	v16 =	vld.idx.msk [tilespmem:v20+s3+$0x0], $0xffff  }
0x286: {  	v20 =	vor.u32 v46, v10;
	_ =	sdelay $0x3  }
0x287: {  	[tilespmem:v18+s16+$0x0] =	vst.idx.msk $0xffff, v16  }
0x288: {  	v18 =	vor.u32 v56, v12;
	v16 =	vld.idx.msk [tilespmem:v20+s3+$0x0], $0xffff  }
0x289: {  	v20 =	vor.u32 v17, v14;
	_ =	sdelay $0x3  }
0x28a: {  	[tilespmem:v18+s16+$0x0] =	vst.idx.msk $0xffff, v16  }
0x28b: {  	v18 =	vor.u32 v54, v12;
	v16 =	vld.idx.msk [tilespmem:v20+s3+$0x0], $0xffff  }
0x28c: {  	v20 =	vor.u32 v19, v10;
	_ =	sdelay $0x3  }
0x28d: {  	[tilespmem:v18+s16+$0x0] =	vst.idx.msk $0xffff, v16  }
0x28e: {  	v18 =	vor.u32 v52, v12;
	v16 =	vld.idx.msk [tilespmem:v20+s3+$0x0], $0xffff  }
0x28f: {  	v20 =	vor.u32 v21, v14;
	_ =	sdelay $0x3  }
0x290: {  	[tilespmem:v18+s16+$0x0] =	vst.idx.msk $0xffff, v16  }
0x291: {  	v18 =	vor.u32 v50, v12;
	v16 =	vld.idx.msk [tilespmem:v20+s3+$0x0], $0xffff  }
0x292: {  	v20 =	vor.u32 v23, v10;
	_ =	sdelay $0x3  }
0x293: {  	[tilespmem:v18+s16+$0x0] =	vst.idx.msk $0xffff, v16  }
0x294: {  	v18 =	vor.u32 v44, v12;
	v16 =	vld.idx.msk [tilespmem:v20+s3+$0x0], $0xffff  }
0x295: {  	v20 =	vor.u32 v25, v14;
	_ =	sdelay $0x3  }
0x296: {  	[tilespmem:v18+s16+$0x0] =	vst.idx.msk $0xffff, v16  }
0x297: {  	v18 =	vor.u32 v42, v12;
	v16 =	vld.idx.msk [tilespmem:v20+s3+$0x0], $0xffff  }
0x298: {  	v20 =	vor.u32 v27, v10;
	_ =	sdelay $0x3  }
0x299: {  	[tilespmem:v18+s16+$0x0] =	vst.idx.msk $0xffff, v16  }
0x29a: {  	v18 =	vor.u32 v40, v12;
	v16 =	vld.idx.msk [tilespmem:v20+s3+$0x0], $0xffff  }
0x29b: {  	v20 =	vor.u32 v29, v14;
	_ =	sdelay $0x3  }
0x29c: {  	[tilespmem:v18+s16+$0x0] =	vst.idx.msk $0xffff, v16  }
0x29d: {  	v18 =	vor.u32 v15, v12;
	v16 =	vld.idx.msk [tilespmem:v20+s3+$0x0], $0xffff  }
0x29e: {  	v0 =	vld [tilespmem:$0x1FEA0];
	v20 =	vor.u32 v31, v10;
	_ =	sdelay $0x3  }
0x29f: {  	[tilespmem:v18+s16+$0x0] =	vst.idx.msk $0xffff, v16  }
0x2a0: {  	v18 =	vor.u32 v0, v12;
	v16 =	vld.idx.msk [tilespmem:v20+s3+$0x0], $0xffff  }
0x2a1: {  	v0 =	vld [tilespmem:$0x1FEB0];
	v20 =	vor.u32 v33, v14;
	_ =	sdelay $0x3  }
0x2a2: {  	[tilespmem:v18+s16+$0x0] =	vst.idx.msk $0xffff, v16  }
0x2a3: {  	v18 =	vor.u32 v0, v12;
	v16 =	vld.idx.msk [tilespmem:v20+s3+$0x0], $0xffff  }
0x2a4: {  	v0 =	vld [tilespmem:$0x1FF80];
	v20 =	vor.u32 v35, v10;
	_ =	sdelay $0x3  }
0x2a5: {  	[tilespmem:v18+s16+$0x0] =	vst.idx.msk $0xffff, v16  }
0x2a6: {  	v18 =	vor.u32 v0, v12;
	v16 =	vld.idx.msk [tilespmem:v20+s3+$0x0], $0xffff  }
0x2a7: {  	v0 =	vld [tilespmem:$0x1FEC0];
	v20 =	vor.u32 v37, v14;
	_ =	sdelay $0x3  }
0x2a8: {  	[tilespmem:v18+s16+$0x0] =	vst.idx.msk $0xffff, v16  }
0x2a9: {  	v18 =	vor.u32 v0, v12;
	v16 =	vld.idx.msk [tilespmem:v20+s3+$0x0], $0xffff  }
0x2aa: {  	v0 =	vld [tilespmem:$0x1FED0];
	v20 =	vor.u32 v39, v10;
	_ =	sdelay $0x3  }
0x2ab: {  	[tilespmem:v18+s16+$0x0] =	vst.idx.msk $0xffff, v16  }
0x2ac: {  	v18 =	vor.u32 v0, v12;
	v16 =	vld.idx.msk [tilespmem:v20+s3+$0x0], $0xffff  }
0x2ad: {  	v20 =	vor.u32 v41, v14;
	_ =	sdelay $0x3  }
0x2ae: {  	[tilespmem:v18+s16+$0x0] =	vst.idx.msk $0xffff, v16  }
0x2af: {  	v18 =	vor.u32 v32, v12;
	v16 =	vld.idx.msk [tilespmem:v20+s3+$0x0], $0xffff  }
0x2b0: {  	v20 =	vor.u32 v43, v10;
	_ =	sdelay $0x3  }
0x2b1: {  	[tilespmem:v18+s16+$0x0] =	vst.idx.msk $0xffff, v16  }
0x2b2: {  	v18 =	vor.u32 v34, v12;
	v16 =	vld.idx.msk [tilespmem:v20+s3+$0x0], $0xffff  }
0x2b3: {  	v0 =	vld [tilespmem:$0x1FEE0];
	v20 =	vor.u32 v45, v14;
	_ =	sdelay $0x3  }
0x2b4: {  	[tilespmem:v18+s16+$0x0] =	vst.idx.msk $0xffff, v16  }
0x2b5: {  	v18 =	vor.u32 v0, v12;
	v16 =	vld.idx.msk [tilespmem:v20+s3+$0x0], $0xffff  }
0x2b6: {  	v0 =	vld [tilespmem:$0x1FEF0];
	v20 =	vor.u32 v47, v10;
	_ =	sdelay $0x3  }
0x2b7: {  	[tilespmem:v18+s16+$0x0] =	vst.idx.msk $0xffff, v16  }
0x2b8: {  	v18 =	vor.u32 v0, v12;
	v16 =	vld.idx.msk [tilespmem:v20+s3+$0x0], $0xffff  }
0x2b9: {  	v62 =	vld [tilespmem:$0x1FF50];
	v20 =	vor.u32 v49, v14;
	_ =	sdelay $0x3  }
0x2ba: {  	[tilespmem:v18+s16+$0x0] =	vst.idx.msk $0xffff, v16  }
0x2bb: {  	v18 =	vor.u32 v62, v12;
	v16 =	vld.idx.msk [tilespmem:v20+s3+$0x0], $0xffff  }
0x2bc: {  	v52 =	vld [tilespmem:$0x1FF30];
	v20 =	vor.u32 v51, v10;
	_ =	sdelay $0x3  }
0x2bd: {  	[tilespmem:v18+s16+$0x0] =	vst.idx.msk $0xffff, v16  }
0x2be: {  	v18 =	vor.u32 v52, v12;
	v16 =	vld.idx.msk [tilespmem:v20+s3+$0x0], $0xffff  }
0x2bf: {  	v60 =	vld [tilespmem:$0x1FF00];
	v20 =	vor.u32 v53, v14;
	_ =	sdelay $0x3  }
0x2c0: {  	[tilespmem:v18+s16+$0x0] =	vst.idx.msk $0xffff, v16  }
0x2c1: {  	v18 =	vor.u32 v60, v12;
	v16 =	vld.idx.msk [tilespmem:v20+s3+$0x0], $0xffff  }
0x2c2: {  	v50 =	vmov v42;
	v42 =	vld [tilespmem:$0x1FF60];
	v20 =	vor.u32 v55, v10;
	_ =	sdelay $0x3  }
0x2c3: {  	[tilespmem:v18+s16+$0x0] =	vst.idx.msk $0xffff, v16  }
0x2c4: {  	v18 =	vor.u32 v42, v12;
	v16 =	vld.idx.msk [tilespmem:v20+s3+$0x0], $0xffff  }
0x2c5: {  	v63 =	vld [tilespmem:$0x1FF40];
	v20 =	vor.u32 v57, v14;
	_ =	sdelay $0x3  }
0x2c6: {  	[tilespmem:v18+s16+$0x0] =	vst.idx.msk $0xffff, v16  }
0x2c7: {  	v18 =	vor.u32 v63, v12;
	v16 =	vld.idx.msk [tilespmem:v20+s3+$0x0], $0xffff  }
0x2c8: {  	v15 =	vld [tilespmem:$0x1FF20];
	v20 =	vor.u32 v59, v10;
	_ =	sdelay $0x3  }
0x2c9: {  	[tilespmem:v18+s16+$0x0] =	vst.idx.msk $0xffff, v16  }
0x2ca: {  	v18 =	vor.u32 v15, v12;
	v16 =	vld.idx.msk [tilespmem:v20+s3+$0x0], $0xffff  }
0x2cb: {  	v54 =	vld [tilespmem:$0x1FF10];
	v14 =	vor.u32 v61, v14;
	_ =	sdelay $0x3  }
0x2cc: {  	[tilespmem:v18+s16+$0x0] =	vst.idx.msk $0xffff, v16  }
0x2cd: {  	v16 =	vor.u32 v54, v12;
	v14 =	vld.idx.msk [tilespmem:v14+s3+$0x0], $0xffff  }
0x2ce: {  	v58 =	vmov v56;
	v56 =	vld [tilespmem:$0x1FF70];
	v10 =	vor.u32 v2, v10;
	_ =	sdelay $0x2  }
0x2cf: {  	s25 =	sadd.s32 $0x1, s25  }
0x2d0: {  	[tilespmem:v16+s16+$0x0] =	vst.idx.msk $0xffff, v14;
	v14 =	vadd.s32 s25, v1  }
0x2d1: {  	v12 =	vor.u32 v56, v12;
	v16 =	vld.idx.msk [tilespmem:v10+s3+$0x0], $0xffff;
	v10 =	vand.u32 $0xF, v14  }
0x2d2: {  	v18 =	vor.u32 v3, v10;
	_ =	sdelay $0x1  }
0x2d3: {  	v14 =	vshll.u32 v14, $0x6  }
0x2d4: {  	v20 =	vand.u32 $0x40, v14  }
0x2d5: {  	v14 =	vand.u32 $0x380, v14;
	[tilespmem:v12+s16+$0x0] =	vst.idx.msk $0xffff, v16;
	v12 =	vor.u32 v1, v20  }
0x2d6: {  	v16 =	vld.idx.msk [tilespmem:v18+s3+$0x0], $0xffff;
	v18 =	vor.u32 v12, v14  }
0x2d7: {  	v22 =	vor.u32 v5, v10;
	_ =	sdelay $0x3  }
0x2d8: {  	[tilespmem:v18+s16+$0x0] =	vst.idx.msk $0xffff, v16;
	v16 =	vor.u32 $0x400, v14  }
0x2d9: {  	v18 =	vld.idx.msk [tilespmem:v22+s3+$0x0], $0xffff;
	v22 =	vor.u32 v12, v16  }
0x2da: {  	v24 =	vor.u32 v7, v10;
	_ =	sdelay $0x3  }
0x2db: {  	[tilespmem:v22+s16+$0x0] =	vst.idx.msk $0xffff, v18;
	v18 =	vor.u32 $0x800, v14  }
0x2dc: {  	v22 =	vld.idx.msk [tilespmem:v24+s3+$0x0], $0xffff;
	v24 =	vor.u32 v12, v18  }
0x2dd: {  	v26 =	vor.u32 v9, v10;
	_ =	sdelay $0x3  }
0x2de: {  	[tilespmem:v24+s16+$0x0] =	vst.idx.msk $0xffff, v22;
	v22 =	vor.u32 $0xC00, v14  }
0x2df: {  	v24 =	vld.idx.msk [tilespmem:v26+s3+$0x0], $0xffff;
	v26 =	vor.u32 v12, v22  }
0x2e0: {  	v28 =	vor.u32 v11, v10;
	_ =	sdelay $0x3  }
0x2e1: {  	[tilespmem:v26+s16+$0x0] =	vst.idx.msk $0xffff, v24;
	v24 =	vor.u32 $0x1000, v14  }
0x2e2: {  	v26 =	vld.idx.msk [tilespmem:v28+s3+$0x0], $0xffff;
	v28 =	vor.u32 v12, v24  }
0x2e3: {  	v30 =	vor.u32 v13, v10;
	_ =	sdelay $0x3  }
0x2e4: {  	[tilespmem:v28+s16+$0x0] =	vst.idx.msk $0xffff, v26;
	v26 =	vor.u32 $0x1400, v14  }
0x2e5: {  	v28 =	vld.idx.msk [tilespmem:v30+s3+$0x0], $0xffff;
	v30 =	vor.u32 v12, v26  }
0x2e6: {  	v36 =	vor.u32 v4, v10;
	_ =	sdelay $0x3  }
0x2e7: {  	[tilespmem:v30+s16+$0x0] =	vst.idx.msk $0xffff, v28;
	v28 =	vor.u32 $0x1800, v14  }
0x2e8: {  	v30 =	vld.idx.msk [tilespmem:v36+s3+$0x0], $0xffff;
	v36 =	vor.u32 v12, v28  }
0x2e9: {  	v46 =	vor.u32 v46, v10;
	_ =	sdelay $0x3  }
0x2ea: {  	v0 =	vld [tilespmem:$0x1FDF0];
	[tilespmem:v36+s16+$0x0] =	vst.idx.msk $0xffff, v30;
	v30 =	vor.u32 $0x1C00, v14  }
0x2eb: {  	v32 =	vld.idx.msk [tilespmem:v46+s3+$0x0], $0xffff;
	v12 =	vor.u32 v12, v30  }
0x2ec: {  	v36 =	vor.u32 v17, v10;
	_ =	sdelay $0x3  }
0x2ed: {  	[tilespmem:v12+s16+$0x0] =	vst.idx.msk $0xffff, v32;
	v12 =	vor.u32 v0, v20  }
0x2ee: {  	v32 =	vld.idx.msk [tilespmem:v36+s3+$0x0], $0xffff;
	v34 =	vor.u32 v12, v14  }
0x2ef: {  	v46 =	vor.u32 v19, v10;
	_ =	sdelay $0x3  }
0x2f0: {  	[tilespmem:v34+s16+$0x0] =	vst.idx.msk $0xffff, v32  }
0x2f1: {  	v34 =	vor.u32 v12, v16;
	v32 =	vld.idx.msk [tilespmem:v46+s3+$0x0], $0xffff  }
0x2f2: {  	v46 =	vor.u32 v21, v10;
	_ =	sdelay $0x3  }
0x2f3: {  	[tilespmem:v34+s16+$0x0] =	vst.idx.msk $0xffff, v32  }
0x2f4: {  	v34 =	vor.u32 v12, v18;
	v32 =	vld.idx.msk [tilespmem:v46+s3+$0x0], $0xffff  }
0x2f5: {  	v46 =	vor.u32 v23, v10;
	_ =	sdelay $0x3  }
0x2f6: {  	[tilespmem:v34+s16+$0x0] =	vst.idx.msk $0xffff, v32  }
0x2f7: {  	v34 =	vor.u32 v12, v22;
	v32 =	vld.idx.msk [tilespmem:v46+s3+$0x0], $0xffff  }
0x2f8: {  	v46 =	vor.u32 v25, v10;
	_ =	sdelay $0x3  }
0x2f9: {  	[tilespmem:v34+s16+$0x0] =	vst.idx.msk $0xffff, v32  }
0x2fa: {  	v34 =	vor.u32 v12, v24;
	v32 =	vld.idx.msk [tilespmem:v46+s3+$0x0], $0xffff  }
0x2fb: {  	v46 =	vor.u32 v27, v10;
	_ =	sdelay $0x3  }
0x2fc: {  	[tilespmem:v34+s16+$0x0] =	vst.idx.msk $0xffff, v32  }
0x2fd: {  	v34 =	vor.u32 v12, v26;
	v32 =	vld.idx.msk [tilespmem:v46+s3+$0x0], $0xffff  }
0x2fe: {  	v46 =	vor.u32 v29, v10;
	_ =	sdelay $0x3  }
0x2ff: {  	[tilespmem:v34+s16+$0x0] =	vst.idx.msk $0xffff, v32  }
0x300: {  	v34 =	vor.u32 v12, v28;
	v32 =	vld.idx.msk [tilespmem:v46+s3+$0x0], $0xffff  }
0x301: {  	v46 =	vor.u32 v31, v10;
	_ =	sdelay $0x3  }
0x302: {  	v0 =	vld [tilespmem:$0x1FE00];
	[tilespmem:v34+s16+$0x0] =	vst.idx.msk $0xffff, v32  }
0x303: {  	v12 =	vor.u32 v12, v30;
	v32 =	vld.idx.msk [tilespmem:v46+s3+$0x0], $0xffff  }
0x304: {  	v36 =	vor.u32 v33, v10;
	_ =	sdelay $0x3  }
0x305: {  	[tilespmem:v12+s16+$0x0] =	vst.idx.msk $0xffff, v32;
	v12 =	vor.u32 v0, v20  }
0x306: {  	v32 =	vld.idx.msk [tilespmem:v36+s3+$0x0], $0xffff;
	v34 =	vor.u32 v12, v14  }
0x307: {  	v46 =	vor.u32 v35, v10;
	_ =	sdelay $0x3  }
0x308: {  	[tilespmem:v34+s16+$0x0] =	vst.idx.msk $0xffff, v32  }
0x309: {  	v34 =	vor.u32 v12, v16;
	v32 =	vld.idx.msk [tilespmem:v46+s3+$0x0], $0xffff  }
0x30a: {  	v46 =	vor.u32 v37, v10;
	_ =	sdelay $0x3  }
0x30b: {  	[tilespmem:v34+s16+$0x0] =	vst.idx.msk $0xffff, v32  }
0x30c: {  	v34 =	vor.u32 v12, v18;
	v32 =	vld.idx.msk [tilespmem:v46+s3+$0x0], $0xffff  }
0x30d: {  	v46 =	vor.u32 v39, v10;
	_ =	sdelay $0x3  }
0x30e: {  	[tilespmem:v34+s16+$0x0] =	vst.idx.msk $0xffff, v32  }
0x30f: {  	v34 =	vor.u32 v12, v22;
	v32 =	vld.idx.msk [tilespmem:v46+s3+$0x0], $0xffff  }
0x310: {  	v46 =	vor.u32 v41, v10;
	_ =	sdelay $0x3  }
0x311: {  	[tilespmem:v34+s16+$0x0] =	vst.idx.msk $0xffff, v32  }
0x312: {  	v34 =	vor.u32 v12, v24;
	v32 =	vld.idx.msk [tilespmem:v46+s3+$0x0], $0xffff  }
0x313: {  	v46 =	vor.u32 v43, v10;
	_ =	sdelay $0x3  }
0x314: {  	[tilespmem:v34+s16+$0x0] =	vst.idx.msk $0xffff, v32  }
0x315: {  	v34 =	vor.u32 v12, v26;
	v32 =	vld.idx.msk [tilespmem:v46+s3+$0x0], $0xffff  }
0x316: {  	v46 =	vor.u32 v45, v10;
	_ =	sdelay $0x3  }
0x317: {  	[tilespmem:v34+s16+$0x0] =	vst.idx.msk $0xffff, v32  }
0x318: {  	v34 =	vor.u32 v12, v28;
	v32 =	vld.idx.msk [tilespmem:v46+s3+$0x0], $0xffff  }
0x319: {  	v46 =	vor.u32 v47, v10;
	_ =	sdelay $0x3  }
0x31a: {  	v0 =	vld [tilespmem:$0x1FE10];
	[tilespmem:v34+s16+$0x0] =	vst.idx.msk $0xffff, v32  }
0x31b: {  	v12 =	vor.u32 v12, v30;
	v32 =	vld.idx.msk [tilespmem:v46+s3+$0x0], $0xffff  }
0x31c: {  	v36 =	vmov v38;
	v38 =	vor.u32 v49, v10;
	_ =	sdelay $0x3  }
0x31d: {  	[tilespmem:v12+s16+$0x0] =	vst.idx.msk $0xffff, v32;
	v12 =	vor.u32 v0, v20  }
0x31e: {  	v20 =	vld.idx.msk [tilespmem:v38+s3+$0x0], $0xffff;
	v14 =	vor.u32 v12, v14  }
0x31f: {  	v46 =	vor.u32 v51, v10;
	_ =	sdelay $0x3  }
0x320: {  	[tilespmem:v14+s16+$0x0] =	vst.idx.msk $0xffff, v20  }
0x321: {  	v16 =	vor.u32 v12, v16;
	v14 =	vld.idx.msk [tilespmem:v46+s3+$0x0], $0xffff  }
0x322: {  	v20 =	vor.u32 v53, v10;
	_ =	sdelay $0x3  }
0x323: {  	[tilespmem:v16+s16+$0x0] =	vst.idx.msk $0xffff, v14  }
0x324: {  	v16 =	vor.u32 v12, v18;
	v14 =	vld.idx.msk [tilespmem:v20+s3+$0x0], $0xffff  }
0x325: {  	v18 =	vor.u32 v55, v10;
	_ =	sdelay $0x3  }
0x326: {  	[tilespmem:v16+s16+$0x0] =	vst.idx.msk $0xffff, v14  }
0x327: {  	v16 =	vor.u32 v12, v22;
	v14 =	vld.idx.msk [tilespmem:v18+s3+$0x0], $0xffff  }
0x328: {  	v18 =	vor.u32 v57, v10;
	_ =	sdelay $0x3  }
0x329: {  	[tilespmem:v16+s16+$0x0] =	vst.idx.msk $0xffff, v14  }
0x32a: {  	v16 =	vor.u32 v12, v24;
	v14 =	vld.idx.msk [tilespmem:v18+s3+$0x0], $0xffff  }
0x32b: {  	v18 =	vor.u32 v59, v10;
	_ =	sdelay $0x3  }
0x32c: {  	[tilespmem:v16+s16+$0x0] =	vst.idx.msk $0xffff, v14  }
0x32d: {  	v16 =	vor.u32 v12, v26;
	v14 =	vld.idx.msk [tilespmem:v18+s3+$0x0], $0xffff  }
0x32e: {  	v18 =	vor.u32 v61, v10;
	_ =	sdelay $0x3  }
0x32f: {  	[tilespmem:v16+s16+$0x0] =	vst.idx.msk $0xffff, v14  }
0x330: {  	v16 =	vor.u32 v12, v28;
	v14 =	vld.idx.msk [tilespmem:v18+s3+$0x0], $0xffff  }
0x331: {  	v10 =	vor.u32 v2, v10;
	_ =	sdelay $0x3  }
0x332: {  	[tilespmem:v16+s16+$0x0] =	vst.idx.msk $0xffff, v14  }
0x333: {  	v12 =	vor.u32 v12, v30;
	v10 =	vld.idx.msk [tilespmem:v10+s3+$0x0], $0xffff;
	_ =	sdelay $0x2  }
0x334: {  	p2 =	sgt.u32 s23, $0x1E43  }
0x335: {  	s26 =	simm.s32 @!p2 $0x400;
	s25 =	sshll.u32 @!p2 s23, $0x7  }
0x336: {  	s28 =	simm.s32 @!p2 $0x7A1400;
	s29 =	simm.s32 @!p2 $0x0;
	s25 =	sadd.s32 @!p2 s25, s9;
	[tilespmem:v12+s16+$0x0] =	vst.idx.msk $0xffff, v10  }
0x337: {  	[tilespmem:s29], [sflag:$0x1] =	stream.strided.gather @!p2 [hbm4b:s25+s26], $0x2000, s28, s26, $0x38;
	[tilespmem:$0x8000] =	vst v63  }
0x338: {  	p2 =	sgt.u32 s24, $0x1E83  }
.Ltmp6:
0x339: {  	_ = 	snop;
	(pc) =	sbr.rel @p2 .LBB2_9-.Ltmp6, $4  }
0x33a: {  	v32 =	vmov v8;
	v8 =	vmov v50;
	v50 =	vld [tilespmem:$0x1FF80]  }
0x33b: {  	s31 =	sshll.u32 s23, $0xA;
	v5 =	vmovc v7;
	v7 =	vmov v9;
	v9 =	vmov v11;
	v11 =	vmov v13;
	v46 =	vld [tilespmem:$0x1FFA0]  }
0x33c: {  	v13 =	vmovc v4;
	v34 =	vmovc v6;
	v0 =	vmov v56;
	v38 =	vmov v42;
	v20 =	vmov v60;
	v26 =	vld [tilespmem:$0x1FFB0];
	s25 =	sadd.s32 s5, s31  }
0x33d: {  	v60 =	vmovc v63;
	v22 =	vmovc v62;
	v24 =	vmov v54;
	v30 =	vmov v15;
	v14 =	vmov v58;
	v58 =	vld [tilespmem:$0x1FFC0];
	[hbm4b:s25+s3] =	stream.linear.scatter [tilespmem:s16], [sflag:$0x3], $0x2000, $0x38  }
0x33e: {  	s25 =	simm.s32 $0x0;
	v1 =	vlaneseq.u32;
	_ =	swait.ge [sflag:s17], $0x2000  }
0x33f: {  	v10 =	vadd.s32 s25, v1;
	[sflag:s17] =	ssyncset.done $0x0  }
0x340: {  	s25 =	simm.s32 @!p1 $0x4;
	v12 =	vand.u32 $0xF, v10;
	[sflag:s17] =	ssyncadd.s32 $0xFFFFE000  }
0x341: {  	v28 =	vmov v38;
	v38 =	vmov v14;
	v14 =	vor.u32 v3, v12;
	_ =	swait.ge @!p1 [sflag:s25], $0x2000  }
0x342: {  	v4 =	vld [tilespmem:$0x1FE20];
	_ =	sdelay $0x1  }
0x343: {  	v16 =	vshll.u32 v10, $0x6;
	[sflag:s25] =	ssyncset.done @!p1 $0x0  }
0x344: {  	v16 =	vand.u32 $0x380, v16;
	[sflag:s25] =	ssyncadd.s32 @!p1 $0xFFFFE000  }
0x345: {  	v18 =	vor.u32 v36, v16;
	v14 =	vld.idx.msk [tilespmem:v14+s14+$0x0], $0xffff  }
0x346: {  	v63 =	vmov v20;
	v20 =	vor.u32 v4, v10;
	_ =	sdelay $0x3  }
0x347: {  	[tilespmem:v18+s18+$0x0] =	vst.idx.msk $0xffff, v14  }
0x348: {  	v18 =	vor.u32 v48, v16;
	v14 =	vld.idx.msk [tilespmem:v20+s14+$0x0], $0xffff;
	_ =	sdelay $0x4  }
0x349: {  	v20 =	vor.u32 v5, v12;
	[tilespmem:v18+s18+$0x0] =	vst.idx.msk $0xffff, v14;
	v18 =	vld [tilespmem:$0x1FE30];
	_ =	sdelay $0x4  }
0x34a: {  	v14 =	vld.idx.msk [tilespmem:v20+s14+$0x0], $0xffff;
	v18 =	vor.u32 v18, v16  }
0x34b: {  	v20 =	vor.u32 v7, v10;
	_ =	sdelay $0x3  }
0x34c: {  	[tilespmem:v18+s18+$0x0] =	vst.idx.msk $0xffff, v14  }
0x34d: {  	v18 =	vor.u32 v46, v16;
	v14 =	vld.idx.msk [tilespmem:v20+s14+$0x0], $0xffff  }
0x34e: {  	v20 =	vor.u32 v9, v12;
	_ =	sdelay $0x3  }
0x34f: {  	[tilespmem:v18+s18+$0x0] =	vst.idx.msk $0xffff, v14  }
0x350: {  	v18 =	vor.u32 v26, v16;
	v14 =	vld.idx.msk [tilespmem:v20+s14+$0x0], $0xffff  }
0x351: {  	v62 =	vld [tilespmem:$0x1FE40];
	v20 =	vor.u32 v11, v10;
	_ =	sdelay $0x3  }
0x352: {  	[tilespmem:v18+s18+$0x0] =	vst.idx.msk $0xffff, v14  }
0x353: {  	v18 =	vor.u32 v62, v16;
	v14 =	vld.idx.msk [tilespmem:v20+s14+$0x0], $0xffff  }
0x354: {  	v54 =	vmov v44;
	v44 =	vld [tilespmem:$0x1FE50];
	v20 =	vor.u32 v13, v12  }
0x355: {  	v6 =	vld [tilespmem:$0x1FE60];
	_ =	sdelay $0x2  }
0x356: {  	[tilespmem:v18+s18+$0x0] =	vst.idx.msk $0xffff, v14  }
0x357: {  	v18 =	vor.u32 v44, v16;
	v14 =	vld.idx.msk [tilespmem:v20+s14+$0x0], $0xffff  }
0x358: {  	v20 =	vor.u32 v6, v10;
	_ =	sdelay $0x3  }
0x359: {  	[tilespmem:v18+s18+$0x0] =	vst.idx.msk $0xffff, v14  }
0x35a: {  	v15 =	vmov v52;
	v52 =	vmov v17;
	v18 =	vor.u32 v38, v16;
	v14 =	vld.idx.msk [tilespmem:v20+s14+$0x0], $0xffff  }
0x35b: {  	v42 =	vmov v58;
	v58 =	vld [tilespmem:$0x1FE70];
	v20 =	vor.u32 v52, v12;
	_ =	sdelay $0x3  }
0x35c: {  	[tilespmem:v18+s18+$0x0] =	vst.idx.msk $0xffff, v14  }
0x35d: {  	v18 =	vor.u32 v58, v16;
	v14 =	vld.idx.msk [tilespmem:v20+s14+$0x0], $0xffff  }
0x35e: {  	v20 =	vor.u32 v19, v10;
	_ =	sdelay $0x3  }
0x35f: {  	[tilespmem:v18+s18+$0x0] =	vst.idx.msk $0xffff, v14  }
0x360: {  	v18 =	vor.u32 v42, v16;
	v14 =	vld.idx.msk [tilespmem:v20+s14+$0x0], $0xffff  }
0x361: {  	v56 =	vmov v48;
	v48 =	vmov v50;
	v50 =	vld [tilespmem:$0x1FE80];
	v20 =	vor.u32 v21, v12;
	_ =	sdelay $0x3  }
0x362: {  	[tilespmem:v18+s18+$0x0] =	vst.idx.msk $0xffff, v14  }
0x363: {  	v18 =	vor.u32 v50, v16;
	v14 =	vld.idx.msk [tilespmem:v20+s14+$0x0], $0xffff  }
0x364: {  	v20 =	vor.u32 v23, v10;
	_ =	sdelay $0x3  }
0x365: {  	[tilespmem:v18+s18+$0x0] =	vst.idx.msk $0xffff, v14  }
0x366: {  	v18 =	vor.u32 v54, v16;
	v14 =	vld.idx.msk [tilespmem:v20+s14+$0x0], $0xffff  }
0x367: {  	v20 =	vor.u32 v25, v12;
	_ =	sdelay $0x3  }
0x368: {  	[tilespmem:v18+s18+$0x0] =	vst.idx.msk $0xffff, v14  }
0x369: {  	v18 =	vor.u32 v8, v16;
	v14 =	vld.idx.msk [tilespmem:v20+s14+$0x0], $0xffff  }
0x36a: {  	v20 =	vor.u32 v27, v10;
	_ =	sdelay $0x3  }
0x36b: {  	[tilespmem:v18+s18+$0x0] =	vst.idx.msk $0xffff, v14  }
0x36c: {  	v18 =	vor.u32 v40, v16;
	v14 =	vld.idx.msk [tilespmem:v20+s14+$0x0], $0xffff  }
0x36d: {  	v17 =	vmov v46;
	v46 =	vld [tilespmem:$0x1FE90];
	v20 =	vor.u32 v29, v12;
	_ =	sdelay $0x3  }
0x36e: {  	[tilespmem:v18+s18+$0x0] =	vst.idx.msk $0xffff, v14  }
0x36f: {  	v42 =	vmov v15;
	v18 =	vor.u32 v46, v16;
	v14 =	vld.idx.msk [tilespmem:v20+s14+$0x0], $0xffff  }
0x370: {  	v15 =	vmovc v6;
	v6 =	vmovc v50;
	v50 =	vmov v63;
	v63 =	vmov v0;
	v0 =	vld [tilespmem:$0x1FEA0];
	v20 =	vor.u32 v31, v10;
	_ =	sdelay $0x3  }
0x371: {  	[tilespmem:v18+s18+$0x0] =	vst.idx.msk $0xffff, v14  }
0x372: {  	v18 =	vor.u32 v0, v16;
	v14 =	vld.idx.msk [tilespmem:v20+s14+$0x0], $0xffff  }
0x373: {  	v0 =	vld [tilespmem:$0x1FEB0];
	v20 =	vor.u32 v33, v12;
	_ =	sdelay $0x3  }
0x374: {  	[tilespmem:v18+s18+$0x0] =	vst.idx.msk $0xffff, v14  }
0x375: {  	v18 =	vor.u32 v0, v16;
	v14 =	vld.idx.msk [tilespmem:v20+s14+$0x0], $0xffff  }
0x376: {  	v20 =	vor.u32 v35, v10;
	_ =	sdelay $0x3  }
0x377: {  	[tilespmem:v18+s18+$0x0] =	vst.idx.msk $0xffff, v14  }
0x378: {  	v18 =	vor.u32 v48, v16;
	v14 =	vld.idx.msk [tilespmem:v20+s14+$0x0], $0xffff  }
0x379: {  	v0 =	vld [tilespmem:$0x1FEC0];
	v20 =	vor.u32 v37, v12;
	_ =	sdelay $0x3  }
0x37a: {  	[tilespmem:v18+s18+$0x0] =	vst.idx.msk $0xffff, v14  }
0x37b: {  	v18 =	vor.u32 v0, v16;
	v14 =	vld.idx.msk [tilespmem:v20+s14+$0x0], $0xffff  }
0x37c: {  	v0 =	vld [tilespmem:$0x1FED0];
	v20 =	vor.u32 v39, v10;
	_ =	sdelay $0x3  }
0x37d: {  	[tilespmem:v18+s18+$0x0] =	vst.idx.msk $0xffff, v14  }
0x37e: {  	v18 =	vor.u32 v0, v16;
	v14 =	vld.idx.msk [tilespmem:v20+s14+$0x0], $0xffff  }
0x37f: {  	v20 =	vor.u32 v41, v12;
	_ =	sdelay $0x3  }
0x380: {  	[tilespmem:v18+s18+$0x0] =	vst.idx.msk $0xffff, v14  }
0x381: {  	v18 =	vor.u32 v32, v16;
	v14 =	vld.idx.msk [tilespmem:v20+s14+$0x0], $0xffff  }
0x382: {  	v20 =	vor.u32 v43, v10;
	_ =	sdelay $0x3  }
0x383: {  	[tilespmem:v18+s18+$0x0] =	vst.idx.msk $0xffff, v14  }
0x384: {  	v18 =	vor.u32 v34, v16;
	v14 =	vld.idx.msk [tilespmem:v20+s14+$0x0], $0xffff  }
0x385: {  	v38 =	vld [tilespmem:$0x1FEE0];
	v20 =	vor.u32 v45, v12;
	_ =	sdelay $0x3  }
0x386: {  	[tilespmem:v18+s18+$0x0] =	vst.idx.msk $0xffff, v14  }
0x387: {  	v18 =	vor.u32 v38, v16;
	v14 =	vld.idx.msk [tilespmem:v20+s14+$0x0], $0xffff  }
0x388: {  	v54 =	vmov v8;
	v8 =	vmov v40;
	v40 =	vld [tilespmem:$0x1FEF0];
	v20 =	vor.u32 v47, v10;
	_ =	sdelay $0x3  }
0x389: {  	[tilespmem:v18+s18+$0x0] =	vst.idx.msk $0xffff, v14  }
0x38a: {  	v18 =	vor.u32 v40, v16;
	v14 =	vld.idx.msk [tilespmem:v20+s14+$0x0], $0xffff  }
0x38b: {  	v20 =	vor.u32 v49, v12;
	_ =	sdelay $0x3  }
0x38c: {  	[tilespmem:v18+s18+$0x0] =	vst.idx.msk $0xffff, v14  }
0x38d: {  	v18 =	vor.u32 v22, v16;
	v14 =	vld.idx.msk [tilespmem:v20+s14+$0x0], $0xffff  }
0x38e: {  	v20 =	vor.u32 v51, v10;
	_ =	sdelay $0x3  }
0x38f: {  	[tilespmem:v18+s18+$0x0] =	vst.idx.msk $0xffff, v14  }
0x390: {  	v18 =	vor.u32 v42, v16;
	v14 =	vld.idx.msk [tilespmem:v20+s14+$0x0], $0xffff  }
0x391: {  	v20 =	vor.u32 v53, v12;
	_ =	sdelay $0x3  }
0x392: {  	[tilespmem:v18+s18+$0x0] =	vst.idx.msk $0xffff, v14  }
0x393: {  	v18 =	vor.u32 v50, v16;
	v14 =	vld.idx.msk [tilespmem:v20+s14+$0x0], $0xffff  }
0x394: {  	v20 =	vor.u32 v55, v10;
	_ =	sdelay $0x3  }
0x395: {  	[tilespmem:v18+s18+$0x0] =	vst.idx.msk $0xffff, v14  }
0x396: {  	v18 =	vor.u32 v28, v16;
	v14 =	vld.idx.msk [tilespmem:v20+s14+$0x0], $0xffff  }
0x397: {  	v20 =	vor.u32 v57, v12;
	_ =	sdelay $0x3  }
0x398: {  	[tilespmem:v18+s18+$0x0] =	vst.idx.msk $0xffff, v14  }
0x399: {  	v18 =	vor.u32 v60, v16;
	v14 =	vld.idx.msk [tilespmem:v20+s14+$0x0], $0xffff  }
0x39a: {  	v20 =	vor.u32 v59, v10;
	_ =	sdelay $0x3  }
0x39b: {  	[tilespmem:v18+s18+$0x0] =	vst.idx.msk $0xffff, v14  }
0x39c: {  	v18 =	vor.u32 v30, v16;
	v14 =	vld.idx.msk [tilespmem:v20+s14+$0x0], $0xffff  }
0x39d: {  	v12 =	vor.u32 v61, v12;
	_ =	sdelay $0x3  }
0x39e: {  	[tilespmem:v18+s18+$0x0] =	vst.idx.msk $0xffff, v14  }
0x39f: {  	v14 =	vor.u32 v24, v16;
	v12 =	vld.idx.msk [tilespmem:v12+s14+$0x0], $0xffff  }
0x3a0: {  	v10 =	vor.u32 v2, v10;
	_ =	sdelay $0x2  }
0x3a1: {  	s31 =	simm.s32 $0x1  }
0x3a2: {  	[tilespmem:v14+s18+$0x0] =	vst.idx.msk $0xffff, v12;
	v12 =	vadd.s32 s31, v1  }
0x3a3: {  	v16 =	vor.u32 v63, v16;
	v14 =	vld.idx.msk [tilespmem:v10+s14+$0x0], $0xffff;
	v10 =	vand.u32 $0xF, v12  }
0x3a4: {  	v18 =	vor.u32 v3, v10;
	_ =	sdelay $0x1  }
0x3a5: {  	v12 =	vshll.u32 v12, $0x6  }
0x3a6: {  	v20 =	vand.u32 $0x40, v12  }
0x3a7: {  	[tilespmem:v16+s18+$0x0] =	vst.idx.msk $0xffff, v14;
	v14 =	vor.u32 v1, v20;
	v16 =	vand.u32 $0x380, v12  }
0x3a8: {  	v12 =	vld.idx.msk [tilespmem:v18+s14+$0x0], $0xffff;
	v18 =	vor.u32 v14, v16  }
0x3a9: {  	v22 =	vor.u32 v4, v10;
	_ =	sdelay $0x3  }
0x3aa: {  	[tilespmem:v18+s18+$0x0] =	vst.idx.msk $0xffff, v12;
	v18 =	vor.u32 $0x400, v16  }
0x3ab: {  	v12 =	vld.idx.msk [tilespmem:v22+s14+$0x0], $0xffff;
	v22 =	vor.u32 v14, v18  }
0x3ac: {  	v24 =	vor.u32 v5, v10;
	_ =	sdelay $0x3  }
0x3ad: {  	[tilespmem:v22+s18+$0x0] =	vst.idx.msk $0xffff, v12;
	v22 =	vor.u32 $0x800, v16  }
0x3ae: {  	v12 =	vld.idx.msk [tilespmem:v24+s14+$0x0], $0xffff;
	v24 =	vor.u32 v14, v22  }
0x3af: {  	v26 =	vor.u32 v7, v10;
	_ =	sdelay $0x3  }
0x3b0: {  	[tilespmem:v24+s18+$0x0] =	vst.idx.msk $0xffff, v12;
	v24 =	vor.u32 $0xC00, v16  }
0x3b1: {  	v12 =	vld.idx.msk [tilespmem:v26+s14+$0x0], $0xffff;
	v26 =	vor.u32 v14, v24  }
0x3b2: {  	v28 =	vor.u32 v9, v10;
	_ =	sdelay $0x3  }
0x3b3: {  	[tilespmem:v26+s18+$0x0] =	vst.idx.msk $0xffff, v12;
	v26 =	vor.u32 $0x1000, v16  }
0x3b4: {  	v12 =	vld.idx.msk [tilespmem:v28+s14+$0x0], $0xffff;
	v28 =	vor.u32 v14, v26  }
0x3b5: {  	v30 =	vor.u32 v11, v10;
	_ =	sdelay $0x3  }
0x3b6: {  	[tilespmem:v28+s18+$0x0] =	vst.idx.msk $0xffff, v12;
	v28 =	vor.u32 $0x1400, v16  }
0x3b7: {  	v12 =	vld.idx.msk [tilespmem:v30+s14+$0x0], $0xffff;
	v30 =	vor.u32 v14, v28  }
0x3b8: {  	v40 =	vmovc v54;
	v54 =	vmov v8;
	v8 =	vmov v32;
	v32 =	vor.u32 v13, v10;
	_ =	sdelay $0x3  }
0x3b9: {  	v48 =	vmov v34;
	v34 =	vor.u32 $0x1800, v16;
	[tilespmem:v30+s18+$0x0] =	vst.idx.msk $0xffff, v12  }
0x3ba: {  	v30 =	vor.u32 v14, v34;
	v12 =	vld.idx.msk [tilespmem:v32+s14+$0x0], $0xffff  }
0x3bb: {  	v32 =	vor.u32 v15, v10;
	_ =	sdelay $0x3  }
0x3bc: {  	[tilespmem:v30+s18+$0x0] =	vst.idx.msk $0xffff, v12;
	v12 =	vor.u32 $0x1C00, v16  }
0x3bd: {  	v30 =	vld.idx.msk [tilespmem:v32+s14+$0x0], $0xffff;
	v14 =	vor.u32 v14, v12;
	_ =	sdelay $0x4  }
0x3be: {  	[tilespmem:v14+s18+$0x0] =	vst.idx.msk $0xffff, v30;
	v14 =	vld [tilespmem:$0x1FDF0]  }
0x3bf: {  	v63 =	vmovc v6;
	v6 =	vmov v17;
	v17 =	vmov v52;
	v52 =	vor.u32 v52, v10;
	_ =	sdelay $0x3  }
0x3c0: {  	v14 =	vor.u32 v14, v20  }
0x3c1: {  	v30 =	vld.idx.msk [tilespmem:v52+s14+$0x0], $0xffff;
	v32 =	vor.u32 v14, v16  }
0x3c2: {  	v52 =	vmov v36;
	v36 =	vor.u32 v19, v10;
	_ =	sdelay $0x3  }
0x3c3: {  	[tilespmem:v32+s18+$0x0] =	vst.idx.msk $0xffff, v30  }
0x3c4: {  	v32 =	vor.u32 v14, v18;
	v30 =	vld.idx.msk [tilespmem:v36+s14+$0x0], $0xffff  }
0x3c5: {  	v36 =	vor.u32 v21, v10;
	_ =	sdelay $0x3  }
0x3c6: {  	[tilespmem:v32+s18+$0x0] =	vst.idx.msk $0xffff, v30  }
0x3c7: {  	v32 =	vor.u32 v14, v22;
	v30 =	vld.idx.msk [tilespmem:v36+s14+$0x0], $0xffff  }
0x3c8: {  	v36 =	vor.u32 v23, v10;
	_ =	sdelay $0x3  }
0x3c9: {  	[tilespmem:v32+s18+$0x0] =	vst.idx.msk $0xffff, v30  }
0x3ca: {  	v32 =	vor.u32 v14, v24;
	v30 =	vld.idx.msk [tilespmem:v36+s14+$0x0], $0xffff  }
0x3cb: {  	v36 =	vor.u32 v25, v10;
	_ =	sdelay $0x3  }
0x3cc: {  	[tilespmem:v32+s18+$0x0] =	vst.idx.msk $0xffff, v30  }
0x3cd: {  	v32 =	vor.u32 v14, v26;
	v30 =	vld.idx.msk [tilespmem:v36+s14+$0x0], $0xffff  }
0x3ce: {  	v36 =	vor.u32 v27, v10;
	_ =	sdelay $0x3  }
0x3cf: {  	[tilespmem:v32+s18+$0x0] =	vst.idx.msk $0xffff, v30  }
0x3d0: {  	v32 =	vor.u32 v14, v28;
	v30 =	vld.idx.msk [tilespmem:v36+s14+$0x0], $0xffff  }
0x3d1: {  	v36 =	vor.u32 v29, v10;
	_ =	sdelay $0x3  }
0x3d2: {  	[tilespmem:v32+s18+$0x0] =	vst.idx.msk $0xffff, v30  }
0x3d3: {  	v32 =	vor.u32 v14, v34;
	v30 =	vld.idx.msk [tilespmem:v36+s14+$0x0], $0xffff  }
0x3d4: {  	v36 =	vor.u32 v31, v10;
	_ =	sdelay $0x3  }
0x3d5: {  	[tilespmem:v32+s18+$0x0] =	vst.idx.msk $0xffff, v30  }
0x3d6: {  	v14 =	vor.u32 v14, v12;
	v30 =	vld.idx.msk [tilespmem:v36+s14+$0x0], $0xffff;
	_ =	sdelay $0x4  }
0x3d7: {  	[tilespmem:v14+s18+$0x0] =	vst.idx.msk $0xffff, v30;
	v14 =	vld [tilespmem:$0x1FE00]  }
0x3d8: {  	v36 =	vor.u32 v33, v10;
	_ =	sdelay $0x3  }
0x3d9: {  	v14 =	vor.u32 v14, v20  }
0x3da: {  	v30 =	vld.idx.msk [tilespmem:v36+s14+$0x0], $0xffff;
	v32 =	vor.u32 v14, v16  }
0x3db: {  	v36 =	vor.u32 v35, v10;
	_ =	sdelay $0x3  }
0x3dc: {  	[tilespmem:v32+s18+$0x0] =	vst.idx.msk $0xffff, v30  }
0x3dd: {  	v32 =	vor.u32 v14, v18;
	v30 =	vld.idx.msk [tilespmem:v36+s14+$0x0], $0xffff  }
0x3de: {  	v36 =	vor.u32 v37, v10;
	_ =	sdelay $0x3  }
0x3df: {  	[tilespmem:v32+s18+$0x0] =	vst.idx.msk $0xffff, v30  }
0x3e0: {  	v32 =	vor.u32 v14, v22;
	v30 =	vld.idx.msk [tilespmem:v36+s14+$0x0], $0xffff  }
0x3e1: {  	v36 =	vor.u32 v39, v10;
	_ =	sdelay $0x3  }
0x3e2: {  	[tilespmem:v32+s18+$0x0] =	vst.idx.msk $0xffff, v30  }
0x3e3: {  	v32 =	vor.u32 v14, v24;
	v30 =	vld.idx.msk [tilespmem:v36+s14+$0x0], $0xffff  }
0x3e4: {  	v36 =	vor.u32 v41, v10;
	_ =	sdelay $0x3  }
0x3e5: {  	[tilespmem:v32+s18+$0x0] =	vst.idx.msk $0xffff, v30  }
0x3e6: {  	v32 =	vor.u32 v14, v26;
	v30 =	vld.idx.msk [tilespmem:v36+s14+$0x0], $0xffff  }
0x3e7: {  	v36 =	vor.u32 v43, v10;
	_ =	sdelay $0x3  }
0x3e8: {  	[tilespmem:v32+s18+$0x0] =	vst.idx.msk $0xffff, v30  }
0x3e9: {  	v32 =	vor.u32 v14, v28;
	v30 =	vld.idx.msk [tilespmem:v36+s14+$0x0], $0xffff  }
0x3ea: {  	v36 =	vor.u32 v45, v10;
	_ =	sdelay $0x3  }
0x3eb: {  	[tilespmem:v32+s18+$0x0] =	vst.idx.msk $0xffff, v30  }
0x3ec: {  	v32 =	vor.u32 v14, v34;
	v30 =	vld.idx.msk [tilespmem:v36+s14+$0x0], $0xffff  }
0x3ed: {  	v36 =	vor.u32 v47, v10;
	_ =	sdelay $0x3  }
0x3ee: {  	[tilespmem:v32+s18+$0x0] =	vst.idx.msk $0xffff, v30  }
0x3ef: {  	v14 =	vor.u32 v14, v12;
	v30 =	vld.idx.msk [tilespmem:v36+s14+$0x0], $0xffff;
	_ =	sdelay $0x4  }
0x3f0: {  	[tilespmem:v14+s18+$0x0] =	vst.idx.msk $0xffff, v30;
	v14 =	vld [tilespmem:$0x1FE10]  }
0x3f1: {  	v36 =	vor.u32 v49, v10;
	_ =	sdelay $0x3  }
0x3f2: {  	v30 =	vor.u32 v14, v20  }
0x3f3: {  	v14 =	vld.idx.msk [tilespmem:v36+s14+$0x0], $0xffff;
	v16 =	vor.u32 v30, v16  }
0x3f4: {  	v20 =	vor.u32 v51, v10;
	_ =	sdelay $0x3  }
0x3f5: {  	[tilespmem:v16+s18+$0x0] =	vst.idx.msk $0xffff, v14  }
0x3f6: {  	v16 =	vor.u32 v30, v18;
	v14 =	vld.idx.msk [tilespmem:v20+s14+$0x0], $0xffff  }
0x3f7: {  	v18 =	vor.u32 v53, v10;
	_ =	sdelay $0x3  }
0x3f8: {  	[tilespmem:v16+s18+$0x0] =	vst.idx.msk $0xffff, v14  }
0x3f9: {  	v16 =	vor.u32 v30, v22;
	v14 =	vld.idx.msk [tilespmem:v18+s14+$0x0], $0xffff  }
0x3fa: {  	v18 =	vor.u32 v55, v10;
	_ =	sdelay $0x3  }
0x3fb: {  	[tilespmem:v16+s18+$0x0] =	vst.idx.msk $0xffff, v14  }
0x3fc: {  	v16 =	vor.u32 v30, v24;
	v14 =	vld.idx.msk [tilespmem:v18+s14+$0x0], $0xffff  }
0x3fd: {  	v18 =	vor.u32 v57, v10;
	_ =	sdelay $0x3  }
0x3fe: {  	[tilespmem:v16+s18+$0x0] =	vst.idx.msk $0xffff, v14  }
0x3ff: {  	v16 =	vor.u32 v30, v26;
	v14 =	vld.idx.msk [tilespmem:v18+s14+$0x0], $0xffff  }
0x400: {  	v18 =	vor.u32 v59, v10;
	_ =	sdelay $0x3  }
0x401: {  	[tilespmem:v16+s18+$0x0] =	vst.idx.msk $0xffff, v14  }
0x402: {  	v16 =	vor.u32 v30, v28;
	v14 =	vld.idx.msk [tilespmem:v18+s14+$0x0], $0xffff  }
0x403: {  	v18 =	vor.u32 v61, v10;
	_ =	sdelay $0x3  }
0x404: {  	[tilespmem:v16+s18+$0x0] =	vst.idx.msk $0xffff, v14  }
0x405: {  	v16 =	vor.u32 v30, v34;
	v14 =	vld.idx.msk [tilespmem:v18+s14+$0x0], $0xffff  }
0x406: {  	v0 =	vld [tilespmem:$0x1FE30];
	v18 =	vor.u32 v2, v10  }
0x407: {  	v38 =	vld [tilespmem:$0x1FFB0]  }
0x408: {  	v42 =	vmov v58;
	v58 =	vld [tilespmem:$0x1FFC0]  }
0x409: {  	v50 =	vmov v44;
	v44 =	vmov v56;
	v56 =	vld [tilespmem:$0x1FFD0]  }
0x40a: {  	s25 =	simm.s32 $0x2;
	v60 =	vld [tilespmem:$0x1FFF0];
	[tilespmem:v16+s18+$0x0] =	vst.idx.msk $0xffff, v14  }
0x40b: {  	s26 =	simm.s32 $0x4;
	v10 =	vadd.s32 s25, v1;
	v16 =	vld.idx.msk [tilespmem:v18+s14+$0x0], $0xffff  }
.LBB2_7:
0x40c: {  	v14 =	vand.u32 $0xF, v10;
	v12 =	vor.u32 v30, v12  }
0x40d: {  	v18 =	vor.u32 v3, v14;
	_ =	sdelay $0x2  }
0x40e: {  	v20 =	vshll.u32 v10, $0x6  }
0x40f: {  	[tilespmem:v12+s18+$0x0] =	vst.idx.msk $0xffff, v16;
	v12 =	vand.u32 $0x380, v20  }
0x410: {  	v16 =	vld.idx.msk [tilespmem:v18+s14+$0x0], $0xffff;
	v18 =	vor.u32 v52, v12  }
0x411: {  	v20 =	vor.u32 v4, v10;
	_ =	sdelay $0x3  }
0x412: {  	[tilespmem:v18+s18+$0x0] =	vst.idx.msk $0xffff, v16  }
0x413: {  	v18 =	vor.u32 v44, v12;
	v16 =	vld.idx.msk [tilespmem:v20+s14+$0x0], $0xffff  }
0x414: {  	v20 =	vor.u32 v5, v14;
	_ =	sdelay $0x3  }
0x415: {  	[tilespmem:v18+s18+$0x0] =	vst.idx.msk $0xffff, v16  }
0x416: {  	v18 =	vor.u32 v0, v12;
	v16 =	vld.idx.msk [tilespmem:v20+s14+$0x0], $0xffff  }
0x417: {  	v20 =	vor.u32 v7, v10;
	_ =	sdelay $0x3  }
0x418: {  	[tilespmem:v18+s18+$0x0] =	vst.idx.msk $0xffff, v16  }
0x419: {  	v18 =	vor.u32 v6, v12;
	v16 =	vld.idx.msk [tilespmem:v20+s14+$0x0], $0xffff  }
0x41a: {  	v20 =	vor.u32 v9, v14;
	_ =	sdelay $0x3  }
0x41b: {  	[tilespmem:v18+s18+$0x0] =	vst.idx.msk $0xffff, v16  }
0x41c: {  	v18 =	vor.u32 v38, v12;
	v16 =	vld.idx.msk [tilespmem:v20+s14+$0x0], $0xffff  }
0x41d: {  	v20 =	vor.u32 v11, v10;
	_ =	sdelay $0x3  }
0x41e: {  	[tilespmem:v18+s18+$0x0] =	vst.idx.msk $0xffff, v16  }
0x41f: {  	v18 =	vor.u32 v62, v12;
	v16 =	vld.idx.msk [tilespmem:v20+s14+$0x0], $0xffff  }
0x420: {  	v20 =	vor.u32 v13, v14;
	_ =	sdelay $0x3  }
0x421: {  	[tilespmem:v18+s18+$0x0] =	vst.idx.msk $0xffff, v16  }
0x422: {  	v18 =	vor.u32 v50, v12;
	v16 =	vld.idx.msk [tilespmem:v20+s14+$0x0], $0xffff  }
0x423: {  	v20 =	vor.u32 v15, v10;
	_ =	sdelay $0x3  }
0x424: {  	[tilespmem:v18+s18+$0x0] =	vst.idx.msk $0xffff, v16  }
0x425: {  	v18 =	vor.u32 v60, v12;
	v16 =	vld.idx.msk [tilespmem:v20+s14+$0x0], $0xffff  }
0x426: {  	v20 =	vor.u32 v17, v14;
	_ =	sdelay $0x3  }
0x427: {  	[tilespmem:v18+s18+$0x0] =	vst.idx.msk $0xffff, v16  }
0x428: {  	v18 =	vor.u32 v42, v12;
	v16 =	vld.idx.msk [tilespmem:v20+s14+$0x0], $0xffff  }
0x429: {  	v20 =	vor.u32 v19, v10;
	_ =	sdelay $0x3  }
0x42a: {  	[tilespmem:v18+s18+$0x0] =	vst.idx.msk $0xffff, v16  }
0x42b: {  	v18 =	vor.u32 v58, v12;
	v16 =	vld.idx.msk [tilespmem:v20+s14+$0x0], $0xffff  }
0x42c: {  	v20 =	vor.u32 v21, v14;
	_ =	sdelay $0x3  }
0x42d: {  	[tilespmem:v18+s18+$0x0] =	vst.idx.msk $0xffff, v16  }
0x42e: {  	v18 =	vor.u32 v63, v12;
	v16 =	vld.idx.msk [tilespmem:v20+s14+$0x0], $0xffff  }
0x42f: {  	v20 =	vor.u32 v23, v10;
	_ =	sdelay $0x3  }
0x430: {  	[tilespmem:v18+s18+$0x0] =	vst.idx.msk $0xffff, v16  }
0x431: {  	v18 =	vor.u32 v56, v12;
	v16 =	vld.idx.msk [tilespmem:v20+s14+$0x0], $0xffff  }
0x432: {  	v20 =	vor.u32 v25, v14;
	_ =	sdelay $0x3  }
0x433: {  	[tilespmem:v18+s18+$0x0] =	vst.idx.msk $0xffff, v16  }
0x434: {  	v18 =	vor.u32 v40, v12;
	v16 =	vld.idx.msk [tilespmem:v20+s14+$0x0], $0xffff  }
0x435: {  	v20 =	vor.u32 v27, v10;
	_ =	sdelay $0x3  }
0x436: {  	[tilespmem:v18+s18+$0x0] =	vst.idx.msk $0xffff, v16  }
0x437: {  	v18 =	vor.u32 v54, v12;
	v16 =	vld.idx.msk [tilespmem:v20+s14+$0x0], $0xffff  }
0x438: {  	v20 =	vor.u32 v29, v14;
	_ =	sdelay $0x3  }
0x439: {  	[tilespmem:v18+s18+$0x0] =	vst.idx.msk $0xffff, v16  }
0x43a: {  	v18 =	vor.u32 v46, v12;
	v16 =	vld.idx.msk [tilespmem:v20+s14+$0x0], $0xffff;
	_ =	sdelay $0x4  }
0x43b: {  	v20 =	vor.u32 v31, v10;
	[tilespmem:v18+s18+$0x0] =	vst.idx.msk $0xffff, v16;
	v18 =	vld [tilespmem:$0x1FEA0];
	_ =	sdelay $0x4  }
0x43c: {  	v16 =	vld.idx.msk [tilespmem:v20+s14+$0x0], $0xffff;
	v18 =	vor.u32 v18, v12;
	_ =	sdelay $0x4  }
0x43d: {  	v20 =	vor.u32 v33, v14;
	[tilespmem:v18+s18+$0x0] =	vst.idx.msk $0xffff, v16;
	v18 =	vld [tilespmem:$0x1FEB0];
	_ =	sdelay $0x4  }
0x43e: {  	v16 =	vld.idx.msk [tilespmem:v20+s14+$0x0], $0xffff;
	v18 =	vor.u32 v18, v12;
	_ =	sdelay $0x4  }
0x43f: {  	v20 =	vor.u32 v35, v10;
	[tilespmem:v18+s18+$0x0] =	vst.idx.msk $0xffff, v16;
	v18 =	vld [tilespmem:$0x1FF80];
	_ =	sdelay $0x4  }
0x440: {  	v16 =	vld.idx.msk [tilespmem:v20+s14+$0x0], $0xffff;
	v18 =	vor.u32 v18, v12;
	_ =	sdelay $0x4  }
0x441: {  	v20 =	vor.u32 v37, v14;
	[tilespmem:v18+s18+$0x0] =	vst.idx.msk $0xffff, v16;
	v18 =	vld [tilespmem:$0x1FEC0];
	_ =	sdelay $0x4  }
0x442: {  	v16 =	vld.idx.msk [tilespmem:v20+s14+$0x0], $0xffff;
	v18 =	vor.u32 v18, v12;
	_ =	sdelay $0x4  }
0x443: {  	v20 =	vor.u32 v39, v10;
	[tilespmem:v18+s18+$0x0] =	vst.idx.msk $0xffff, v16;
	v18 =	vld [tilespmem:$0x1FED0];
	_ =	sdelay $0x4  }
0x444: {  	v16 =	vld.idx.msk [tilespmem:v20+s14+$0x0], $0xffff;
	v18 =	vor.u32 v18, v12  }
0x445: {  	v20 =	vor.u32 v41, v14;
	_ =	sdelay $0x3  }
0x446: {  	[tilespmem:v18+s18+$0x0] =	vst.idx.msk $0xffff, v16  }
0x447: {  	v18 =	vor.u32 v8, v12;
	v16 =	vld.idx.msk [tilespmem:v20+s14+$0x0], $0xffff  }
0x448: {  	v20 =	vor.u32 v43, v10;
	_ =	sdelay $0x3  }
0x449: {  	[tilespmem:v18+s18+$0x0] =	vst.idx.msk $0xffff, v16  }
0x44a: {  	v18 =	vor.u32 v48, v12;
	v16 =	vld.idx.msk [tilespmem:v20+s14+$0x0], $0xffff;
	_ =	sdelay $0x4  }
0x44b: {  	v20 =	vor.u32 v45, v14;
	[tilespmem:v18+s18+$0x0] =	vst.idx.msk $0xffff, v16;
	v18 =	vld [tilespmem:$0x1FEE0];
	_ =	sdelay $0x4  }
0x44c: {  	v16 =	vld.idx.msk [tilespmem:v20+s14+$0x0], $0xffff;
	v18 =	vor.u32 v18, v12;
	_ =	sdelay $0x4  }
0x44d: {  	v20 =	vor.u32 v47, v10;
	[tilespmem:v18+s18+$0x0] =	vst.idx.msk $0xffff, v16;
	v18 =	vld [tilespmem:$0x1FEF0];
	_ =	sdelay $0x4  }
0x44e: {  	v16 =	vld.idx.msk [tilespmem:v20+s14+$0x0], $0xffff;
	v18 =	vor.u32 v18, v12;
	_ =	sdelay $0x4  }
0x44f: {  	v20 =	vor.u32 v49, v14;
	[tilespmem:v18+s18+$0x0] =	vst.idx.msk $0xffff, v16;
	v18 =	vld [tilespmem:$0x1FF50];
	_ =	sdelay $0x4  }
0x450: {  	v16 =	vld.idx.msk [tilespmem:v20+s14+$0x0], $0xffff;
	v18 =	vor.u32 v18, v12;
	_ =	sdelay $0x4  }
0x451: {  	v20 =	vor.u32 v51, v10;
	[tilespmem:v18+s18+$0x0] =	vst.idx.msk $0xffff, v16;
	v18 =	vld [tilespmem:$0x1FF30];
	_ =	sdelay $0x4  }
0x452: {  	v16 =	vld.idx.msk [tilespmem:v20+s14+$0x0], $0xffff;
	v18 =	vor.u32 v18, v12;
	_ =	sdelay $0x4  }
0x453: {  	v20 =	vor.u32 v53, v14;
	[tilespmem:v18+s18+$0x0] =	vst.idx.msk $0xffff, v16;
	v18 =	vld [tilespmem:$0x1FF00];
	_ =	sdelay $0x4  }
0x454: {  	v16 =	vld.idx.msk [tilespmem:v20+s14+$0x0], $0xffff;
	v18 =	vor.u32 v18, v12;
	_ =	sdelay $0x4  }
0x455: {  	v20 =	vor.u32 v55, v10;
	[tilespmem:v18+s18+$0x0] =	vst.idx.msk $0xffff, v16;
	v18 =	vld [tilespmem:$0x1FF60];
	_ =	sdelay $0x4  }
0x456: {  	v16 =	vld.idx.msk [tilespmem:v20+s14+$0x0], $0xffff;
	v18 =	vor.u32 v18, v12;
	_ =	sdelay $0x4  }
0x457: {  	v20 =	vor.u32 v57, v14;
	[tilespmem:v18+s18+$0x0] =	vst.idx.msk $0xffff, v16;
	v18 =	vld [tilespmem:$0x1FF40];
	_ =	sdelay $0x4  }
0x458: {  	v16 =	vld.idx.msk [tilespmem:v20+s14+$0x0], $0xffff;
	v18 =	vor.u32 v18, v12;
	_ =	sdelay $0x4  }
0x459: {  	v20 =	vor.u32 v59, v10;
	[tilespmem:v18+s18+$0x0] =	vst.idx.msk $0xffff, v16;
	v18 =	vld [tilespmem:$0x1FF20];
	_ =	sdelay $0x4  }
0x45a: {  	v16 =	vld.idx.msk [tilespmem:v20+s14+$0x0], $0xffff;
	v18 =	vor.u32 v18, v12;
	_ =	sdelay $0x4  }
0x45b: {  	v14 =	vor.u32 v61, v14;
	[tilespmem:v18+s18+$0x0] =	vst.idx.msk $0xffff, v16;
	v16 =	vld [tilespmem:$0x1FF10];
	_ =	sdelay $0x4  }
0x45c: {  	v14 =	vld.idx.msk [tilespmem:v14+s14+$0x0], $0xffff;
	v16 =	vor.u32 v16, v12  }
0x45d: {  	v10 =	vor.u32 v2, v10;
	_ =	sdelay $0x3  }
0x45e: {  	[tilespmem:v16+s18+$0x0] =	vst.idx.msk $0xffff, v14  }
0x45f: {  	v14 =	vld.idx.msk [tilespmem:v10+s14+$0x0], $0xffff  }
0x460: {  	v10 =	vld [tilespmem:$0x1FF70];
	_ =	sdelay $0x3  }
0x461: {  	s28 =	sadd.s32 $0x1, s25  }
0x462: {  	v16 =	vadd.s32 s28, v1;
	v12 =	vor.u32 v10, v12  }
0x463: {  	v10 =	vand.u32 $0xF, v16  }
0x464: {  	v18 =	vor.u32 v3, v10;
	_ =	sdelay $0x1  }
0x465: {  	v16 =	vshll.u32 v16, $0x6  }
0x466: {  	[tilespmem:v12+s18+$0x0] =	vst.idx.msk $0xffff, v14;
	v14 =	vand.u32 $0x40, v16  }
0x467: {  	v16 =	vand.u32 $0x380, v16;
	v30 =	vor.u32 v1, v14  }
0x468: {  	v12 =	vld.idx.msk [tilespmem:v18+s14+$0x0], $0xffff;
	v18 =	vor.u32 v30, v16  }
0x469: {  	v20 =	vor.u32 v4, v10;
	_ =	sdelay $0x3  }
0x46a: {  	[tilespmem:v18+s18+$0x0] =	vst.idx.msk $0xffff, v12;
	v18 =	vor.u32 $0x400, v16  }
0x46b: {  	v12 =	vld.idx.msk [tilespmem:v20+s14+$0x0], $0xffff;
	v20 =	vor.u32 v30, v18  }
0x46c: {  	v22 =	vor.u32 v5, v10;
	_ =	sdelay $0x3  }
0x46d: {  	[tilespmem:v20+s18+$0x0] =	vst.idx.msk $0xffff, v12;
	v20 =	vor.u32 $0x800, v16  }
0x46e: {  	v12 =	vld.idx.msk [tilespmem:v22+s14+$0x0], $0xffff;
	v22 =	vor.u32 v30, v20  }
0x46f: {  	v24 =	vor.u32 v7, v10;
	_ =	sdelay $0x3  }
0x470: {  	[tilespmem:v22+s18+$0x0] =	vst.idx.msk $0xffff, v12;
	v22 =	vor.u32 $0xC00, v16  }
0x471: {  	v12 =	vld.idx.msk [tilespmem:v24+s14+$0x0], $0xffff;
	v24 =	vor.u32 v30, v22  }
0x472: {  	v26 =	vor.u32 v9, v10;
	_ =	sdelay $0x3  }
0x473: {  	[tilespmem:v24+s18+$0x0] =	vst.idx.msk $0xffff, v12;
	v24 =	vor.u32 $0x1000, v16  }
0x474: {  	v12 =	vld.idx.msk [tilespmem:v26+s14+$0x0], $0xffff;
	v26 =	vor.u32 v30, v24  }
0x475: {  	v28 =	vor.u32 v11, v10;
	_ =	sdelay $0x3  }
0x476: {  	[tilespmem:v26+s18+$0x0] =	vst.idx.msk $0xffff, v12;
	v26 =	vor.u32 $0x1400, v16  }
0x477: {  	v12 =	vld.idx.msk [tilespmem:v28+s14+$0x0], $0xffff;
	v28 =	vor.u32 v30, v26  }
0x478: {  	v32 =	vor.u32 v13, v10;
	_ =	sdelay $0x3  }
0x479: {  	[tilespmem:v28+s18+$0x0] =	vst.idx.msk $0xffff, v12;
	v28 =	vor.u32 $0x1800, v16  }
0x47a: {  	v12 =	vld.idx.msk [tilespmem:v32+s14+$0x0], $0xffff;
	v36 =	vor.u32 v30, v28  }
0x47b: {  	v34 =	vor.u32 v15, v10;
	_ =	sdelay $0x3  }
0x47c: {  	[tilespmem:v36+s18+$0x0] =	vst.idx.msk $0xffff, v12;
	v12 =	vor.u32 $0x1C00, v16  }
0x47d: {  	v32 =	vld.idx.msk [tilespmem:v34+s14+$0x0], $0xffff;
	v30 =	vor.u32 v30, v12  }
0x47e: {  	v36 =	vor.u32 v17, v10;
	_ =	sdelay $0x3  }
0x47f: {  	[tilespmem:v30+s18+$0x0] =	vst.idx.msk $0xffff, v32  }
0x480: {  	v30 =	vld.idx.msk [tilespmem:v36+s14+$0x0], $0xffff  }
0x481: {  	v36 =	vld [tilespmem:$0x1FDF0];
	_ =	sdelay $0x4  }
0x482: {  	v32 =	vor.u32 v36, v14  }
0x483: {  	v34 =	vor.u32 v32, v16  }
0x484: {  	v36 =	vor.u32 v19, v10;
	_ =	sdelay $0x3  }
0x485: {  	[tilespmem:v34+s18+$0x0] =	vst.idx.msk $0xffff, v30  }
0x486: {  	v34 =	vor.u32 v32, v18;
	v30 =	vld.idx.msk [tilespmem:v36+s14+$0x0], $0xffff  }
0x487: {  	v36 =	vor.u32 v21, v10;
	_ =	sdelay $0x3  }
0x488: {  	[tilespmem:v34+s18+$0x0] =	vst.idx.msk $0xffff, v30  }
0x489: {  	v34 =	vor.u32 v32, v20;
	v30 =	vld.idx.msk [tilespmem:v36+s14+$0x0], $0xffff  }
0x48a: {  	v36 =	vor.u32 v23, v10;
	_ =	sdelay $0x3  }
0x48b: {  	[tilespmem:v34+s18+$0x0] =	vst.idx.msk $0xffff, v30  }
0x48c: {  	v34 =	vor.u32 v32, v22;
	v30 =	vld.idx.msk [tilespmem:v36+s14+$0x0], $0xffff  }
0x48d: {  	v36 =	vor.u32 v25, v10;
	_ =	sdelay $0x3  }
0x48e: {  	[tilespmem:v34+s18+$0x0] =	vst.idx.msk $0xffff, v30  }
0x48f: {  	v34 =	vor.u32 v32, v24;
	v30 =	vld.idx.msk [tilespmem:v36+s14+$0x0], $0xffff  }
0x490: {  	v36 =	vor.u32 v27, v10;
	_ =	sdelay $0x3  }
0x491: {  	[tilespmem:v34+s18+$0x0] =	vst.idx.msk $0xffff, v30  }
0x492: {  	v34 =	vor.u32 v32, v26;
	v30 =	vld.idx.msk [tilespmem:v36+s14+$0x0], $0xffff  }
0x493: {  	v36 =	vor.u32 v29, v10;
	_ =	sdelay $0x3  }
0x494: {  	[tilespmem:v34+s18+$0x0] =	vst.idx.msk $0xffff, v30  }
0x495: {  	v34 =	vor.u32 v32, v28;
	v30 =	vld.idx.msk [tilespmem:v36+s14+$0x0], $0xffff  }
0x496: {  	v36 =	vor.u32 v31, v10;
	_ =	sdelay $0x3  }
0x497: {  	[tilespmem:v34+s18+$0x0] =	vst.idx.msk $0xffff, v30  }
0x498: {  	v32 =	vor.u32 v32, v12;
	v30 =	vld.idx.msk [tilespmem:v36+s14+$0x0], $0xffff  }
0x499: {  	v36 =	vor.u32 v33, v10;
	_ =	sdelay $0x3  }
0x49a: {  	[tilespmem:v32+s18+$0x0] =	vst.idx.msk $0xffff, v30  }
0x49b: {  	v30 =	vld.idx.msk [tilespmem:v36+s14+$0x0], $0xffff  }
0x49c: {  	v36 =	vld [tilespmem:$0x1FE00];
	_ =	sdelay $0x4  }
0x49d: {  	v32 =	vor.u32 v36, v14  }
0x49e: {  	v34 =	vor.u32 v32, v16  }
0x49f: {  	v36 =	vor.u32 v35, v10;
	_ =	sdelay $0x3  }
0x4a0: {  	[tilespmem:v34+s18+$0x0] =	vst.idx.msk $0xffff, v30  }
0x4a1: {  	v34 =	vor.u32 v32, v18;
	v30 =	vld.idx.msk [tilespmem:v36+s14+$0x0], $0xffff  }
0x4a2: {  	v36 =	vor.u32 v37, v10;
	_ =	sdelay $0x3  }
0x4a3: {  	[tilespmem:v34+s18+$0x0] =	vst.idx.msk $0xffff, v30  }
0x4a4: {  	v34 =	vor.u32 v32, v20;
	v30 =	vld.idx.msk [tilespmem:v36+s14+$0x0], $0xffff  }
0x4a5: {  	v36 =	vor.u32 v39, v10;
	_ =	sdelay $0x3  }
0x4a6: {  	[tilespmem:v34+s18+$0x0] =	vst.idx.msk $0xffff, v30  }
0x4a7: {  	v34 =	vor.u32 v32, v22;
	v30 =	vld.idx.msk [tilespmem:v36+s14+$0x0], $0xffff  }
0x4a8: {  	v36 =	vor.u32 v41, v10;
	_ =	sdelay $0x3  }
0x4a9: {  	[tilespmem:v34+s18+$0x0] =	vst.idx.msk $0xffff, v30  }
0x4aa: {  	v34 =	vor.u32 v32, v24;
	v30 =	vld.idx.msk [tilespmem:v36+s14+$0x0], $0xffff  }
0x4ab: {  	v36 =	vor.u32 v43, v10;
	_ =	sdelay $0x3  }
0x4ac: {  	[tilespmem:v34+s18+$0x0] =	vst.idx.msk $0xffff, v30  }
0x4ad: {  	v34 =	vor.u32 v32, v26;
	v30 =	vld.idx.msk [tilespmem:v36+s14+$0x0], $0xffff  }
0x4ae: {  	v36 =	vor.u32 v45, v10;
	_ =	sdelay $0x3  }
0x4af: {  	[tilespmem:v34+s18+$0x0] =	vst.idx.msk $0xffff, v30  }
0x4b0: {  	v34 =	vor.u32 v32, v28;
	v30 =	vld.idx.msk [tilespmem:v36+s14+$0x0], $0xffff  }
0x4b1: {  	v36 =	vor.u32 v47, v10;
	_ =	sdelay $0x3  }
0x4b2: {  	[tilespmem:v34+s18+$0x0] =	vst.idx.msk $0xffff, v30  }
0x4b3: {  	v32 =	vor.u32 v32, v12;
	v30 =	vld.idx.msk [tilespmem:v36+s14+$0x0], $0xffff;
	_ =	sdelay $0x4  }
0x4b4: {  	[tilespmem:v32+s18+$0x0] =	vst.idx.msk $0xffff, v30;
	v30 =	vld [tilespmem:$0x1FE10]  }
0x4b5: {  	v36 =	vor.u32 v49, v10;
	_ =	sdelay $0x3  }
0x4b6: {  	v30 =	vor.u32 v30, v14  }
0x4b7: {  	v32 =	vld.idx.msk [tilespmem:v36+s14+$0x0], $0xffff;
	v14 =	vor.u32 v30, v16  }
0x4b8: {  	v16 =	vor.u32 v51, v10;
	_ =	sdelay $0x3  }
0x4b9: {  	[tilespmem:v14+s18+$0x0] =	vst.idx.msk $0xffff, v32  }
0x4ba: {  	v14 =	vld.idx.msk [tilespmem:v16+s14+$0x0], $0xffff;
	v16 =	vor.u32 v30, v18  }
0x4bb: {  	v18 =	vor.u32 v53, v10;
	_ =	sdelay $0x3  }
0x4bc: {  	[tilespmem:v16+s18+$0x0] =	vst.idx.msk $0xffff, v14  }
0x4bd: {  	v16 =	vor.u32 v30, v20;
	v14 =	vld.idx.msk [tilespmem:v18+s14+$0x0], $0xffff  }
0x4be: {  	v18 =	vor.u32 v55, v10;
	_ =	sdelay $0x3  }
0x4bf: {  	[tilespmem:v16+s18+$0x0] =	vst.idx.msk $0xffff, v14  }
0x4c0: {  	v16 =	vor.u32 v30, v22;
	v14 =	vld.idx.msk [tilespmem:v18+s14+$0x0], $0xffff  }
0x4c1: {  	v18 =	vor.u32 v57, v10;
	_ =	sdelay $0x3  }
0x4c2: {  	[tilespmem:v16+s18+$0x0] =	vst.idx.msk $0xffff, v14  }
0x4c3: {  	v16 =	vor.u32 v30, v24;
	v14 =	vld.idx.msk [tilespmem:v18+s14+$0x0], $0xffff  }
0x4c4: {  	v18 =	vor.u32 v59, v10;
	_ =	sdelay $0x3  }
0x4c5: {  	[tilespmem:v16+s18+$0x0] =	vst.idx.msk $0xffff, v14  }
0x4c6: {  	v16 =	vor.u32 v30, v26;
	v14 =	vld.idx.msk [tilespmem:v18+s14+$0x0], $0xffff  }
0x4c7: {  	v18 =	vor.u32 v61, v10;
	_ =	sdelay $0x3  }
0x4c8: {  	[tilespmem:v16+s18+$0x0] =	vst.idx.msk $0xffff, v14  }
0x4c9: {  	v16 =	vor.u32 v30, v28;
	v14 =	vld.idx.msk [tilespmem:v18+s14+$0x0], $0xffff  }
0x4ca: {  	p1 =	sne.s32 s26, $0xE;
	v18 =	vor.u32 v2, v10  }
.Ltmp7:
0x4cb: {  	_ = 	snop;
	(pc) =	sbr.rel @p1 .LBB2_7-.Ltmp7, $3  }
0x4cc: {  	_ =	sdelay $0x1  }
0x4cd: {  	s25 =	smov.u32 s26;
	[tilespmem:v16+s18+$0x0] =	vst.idx.msk $0xffff, v14  }
0x4ce: {  	s26 =	sadd.s32 $0x2, s26;
	v10 =	vadd.s32 s25, v1;
	v16 =	vld.idx.msk [tilespmem:v18+s14+$0x0], $0xffff  }
0x4cf: {  	v14 =	vand.u32 $0xF, v10;
	v12 =	vor.u32 v30, v12  }
0x4d0: {  	v18 =	vor.u32 v3, v14;
	_ =	sdelay $0x2  }
0x4d1: {  	v20 =	vshll.u32 v10, $0x6  }
0x4d2: {  	[tilespmem:v12+s18+$0x0] =	vst.idx.msk $0xffff, v16;
	v12 =	vand.u32 $0x380, v20  }
0x4d3: {  	v16 =	vld.idx.msk [tilespmem:v18+s14+$0x0], $0xffff;
	v18 =	vor.u32 v52, v12  }
0x4d4: {  	v20 =	vor.u32 v4, v10;
	_ =	sdelay $0x3  }
0x4d5: {  	[tilespmem:v18+s18+$0x0] =	vst.idx.msk $0xffff, v16  }
0x4d6: {  	v18 =	vor.u32 v44, v12;
	v16 =	vld.idx.msk [tilespmem:v20+s14+$0x0], $0xffff  }
0x4d7: {  	v20 =	vor.u32 v5, v14;
	_ =	sdelay $0x3  }
0x4d8: {  	[tilespmem:v18+s18+$0x0] =	vst.idx.msk $0xffff, v16  }
0x4d9: {  	v18 =	vor.u32 v0, v12;
	v16 =	vld.idx.msk [tilespmem:v20+s14+$0x0], $0xffff  }
0x4da: {  	v20 =	vor.u32 v7, v10;
	_ =	sdelay $0x3  }
0x4db: {  	[tilespmem:v18+s18+$0x0] =	vst.idx.msk $0xffff, v16  }
0x4dc: {  	v18 =	vor.u32 v6, v12;
	v16 =	vld.idx.msk [tilespmem:v20+s14+$0x0], $0xffff  }
0x4dd: {  	v20 =	vor.u32 v9, v14;
	_ =	sdelay $0x3  }
0x4de: {  	[tilespmem:v18+s18+$0x0] =	vst.idx.msk $0xffff, v16  }
0x4df: {  	v18 =	vor.u32 v38, v12;
	v16 =	vld.idx.msk [tilespmem:v20+s14+$0x0], $0xffff  }
0x4e0: {  	v20 =	vor.u32 v11, v10;
	_ =	sdelay $0x3  }
0x4e1: {  	[tilespmem:v18+s18+$0x0] =	vst.idx.msk $0xffff, v16  }
0x4e2: {  	v18 =	vor.u32 v62, v12;
	v16 =	vld.idx.msk [tilespmem:v20+s14+$0x0], $0xffff  }
0x4e3: {  	v20 =	vor.u32 v13, v14;
	_ =	sdelay $0x3  }
0x4e4: {  	[tilespmem:v18+s18+$0x0] =	vst.idx.msk $0xffff, v16  }
0x4e5: {  	v18 =	vor.u32 v50, v12;
	v16 =	vld.idx.msk [tilespmem:v20+s14+$0x0], $0xffff  }
0x4e6: {  	v20 =	vor.u32 v15, v10;
	_ =	sdelay $0x3  }
0x4e7: {  	[tilespmem:v18+s18+$0x0] =	vst.idx.msk $0xffff, v16  }
0x4e8: {  	v18 =	vor.u32 v60, v12;
	v16 =	vld.idx.msk [tilespmem:v20+s14+$0x0], $0xffff  }
0x4e9: {  	v20 =	vor.u32 v17, v14;
	_ =	sdelay $0x3  }
0x4ea: {  	[tilespmem:v18+s18+$0x0] =	vst.idx.msk $0xffff, v16  }
0x4eb: {  	v18 =	vor.u32 v42, v12;
	v16 =	vld.idx.msk [tilespmem:v20+s14+$0x0], $0xffff  }
0x4ec: {  	v20 =	vor.u32 v19, v10;
	_ =	sdelay $0x3  }
0x4ed: {  	[tilespmem:v18+s18+$0x0] =	vst.idx.msk $0xffff, v16  }
0x4ee: {  	v18 =	vor.u32 v58, v12;
	v16 =	vld.idx.msk [tilespmem:v20+s14+$0x0], $0xffff  }
0x4ef: {  	v20 =	vor.u32 v21, v14;
	_ =	sdelay $0x3  }
0x4f0: {  	[tilespmem:v18+s18+$0x0] =	vst.idx.msk $0xffff, v16  }
0x4f1: {  	v18 =	vor.u32 v63, v12;
	v16 =	vld.idx.msk [tilespmem:v20+s14+$0x0], $0xffff  }
0x4f2: {  	v20 =	vor.u32 v23, v10;
	_ =	sdelay $0x3  }
0x4f3: {  	[tilespmem:v18+s18+$0x0] =	vst.idx.msk $0xffff, v16  }
0x4f4: {  	v18 =	vor.u32 v56, v12;
	v16 =	vld.idx.msk [tilespmem:v20+s14+$0x0], $0xffff  }
0x4f5: {  	v20 =	vor.u32 v25, v14;
	_ =	sdelay $0x3  }
0x4f6: {  	[tilespmem:v18+s18+$0x0] =	vst.idx.msk $0xffff, v16  }
0x4f7: {  	v18 =	vor.u32 v40, v12;
	v16 =	vld.idx.msk [tilespmem:v20+s14+$0x0], $0xffff  }
0x4f8: {  	v20 =	vor.u32 v27, v10;
	_ =	sdelay $0x3  }
0x4f9: {  	[tilespmem:v18+s18+$0x0] =	vst.idx.msk $0xffff, v16  }
0x4fa: {  	v18 =	vor.u32 v54, v12;
	v16 =	vld.idx.msk [tilespmem:v20+s14+$0x0], $0xffff  }
0x4fb: {  	v20 =	vor.u32 v29, v14;
	_ =	sdelay $0x3  }
0x4fc: {  	[tilespmem:v18+s18+$0x0] =	vst.idx.msk $0xffff, v16  }
0x4fd: {  	v18 =	vor.u32 v46, v12;
	v16 =	vld.idx.msk [tilespmem:v20+s14+$0x0], $0xffff  }
0x4fe: {  	v0 =	vld [tilespmem:$0x1FEA0];
	v20 =	vor.u32 v31, v10;
	_ =	sdelay $0x3  }
0x4ff: {  	[tilespmem:v18+s18+$0x0] =	vst.idx.msk $0xffff, v16  }
0x500: {  	v18 =	vor.u32 v0, v12;
	v16 =	vld.idx.msk [tilespmem:v20+s14+$0x0], $0xffff  }
0x501: {  	v0 =	vld [tilespmem:$0x1FEB0];
	v20 =	vor.u32 v33, v14;
	_ =	sdelay $0x3  }
0x502: {  	[tilespmem:v18+s18+$0x0] =	vst.idx.msk $0xffff, v16  }
0x503: {  	v18 =	vor.u32 v0, v12;
	v16 =	vld.idx.msk [tilespmem:v20+s14+$0x0], $0xffff  }
0x504: {  	v50 =	vld [tilespmem:$0x1FF80];
	v20 =	vor.u32 v35, v10;
	_ =	sdelay $0x3  }
0x505: {  	[tilespmem:v18+s18+$0x0] =	vst.idx.msk $0xffff, v16  }
0x506: {  	v18 =	vor.u32 v50, v12;
	v16 =	vld.idx.msk [tilespmem:v20+s14+$0x0], $0xffff  }
0x507: {  	v0 =	vld [tilespmem:$0x1FEC0];
	v20 =	vor.u32 v37, v14;
	_ =	sdelay $0x3  }
0x508: {  	[tilespmem:v18+s18+$0x0] =	vst.idx.msk $0xffff, v16  }
0x509: {  	v18 =	vor.u32 v0, v12;
	v16 =	vld.idx.msk [tilespmem:v20+s14+$0x0], $0xffff  }
0x50a: {  	v0 =	vld [tilespmem:$0x1FED0];
	v20 =	vor.u32 v39, v10;
	_ =	sdelay $0x3  }
0x50b: {  	[tilespmem:v18+s18+$0x0] =	vst.idx.msk $0xffff, v16  }
0x50c: {  	v18 =	vor.u32 v0, v12;
	v16 =	vld.idx.msk [tilespmem:v20+s14+$0x0], $0xffff  }
0x50d: {  	v20 =	vor.u32 v41, v14;
	_ =	sdelay $0x3  }
0x50e: {  	[tilespmem:v18+s18+$0x0] =	vst.idx.msk $0xffff, v16  }
0x50f: {  	v18 =	vor.u32 v8, v12;
	v16 =	vld.idx.msk [tilespmem:v20+s14+$0x0], $0xffff  }
0x510: {  	v20 =	vor.u32 v43, v10;
	_ =	sdelay $0x3  }
0x511: {  	[tilespmem:v18+s18+$0x0] =	vst.idx.msk $0xffff, v16  }
0x512: {  	v18 =	vor.u32 v48, v12;
	v16 =	vld.idx.msk [tilespmem:v20+s14+$0x0], $0xffff  }
0x513: {  	v0 =	vld [tilespmem:$0x1FEE0];
	v20 =	vor.u32 v45, v14;
	_ =	sdelay $0x3  }
0x514: {  	[tilespmem:v18+s18+$0x0] =	vst.idx.msk $0xffff, v16  }
0x515: {  	v18 =	vor.u32 v0, v12;
	v16 =	vld.idx.msk [tilespmem:v20+s14+$0x0], $0xffff  }
0x516: {  	v0 =	vld [tilespmem:$0x1FEF0];
	v20 =	vor.u32 v47, v10;
	_ =	sdelay $0x3  }
0x517: {  	[tilespmem:v18+s18+$0x0] =	vst.idx.msk $0xffff, v16  }
0x518: {  	v18 =	vor.u32 v0, v12;
	v16 =	vld.idx.msk [tilespmem:v20+s14+$0x0], $0xffff  }
0x519: {  	v46 =	vld [tilespmem:$0x1FF50];
	v20 =	vor.u32 v49, v14;
	_ =	sdelay $0x3  }
0x51a: {  	[tilespmem:v18+s18+$0x0] =	vst.idx.msk $0xffff, v16  }
0x51b: {  	v18 =	vor.u32 v46, v12;
	v16 =	vld.idx.msk [tilespmem:v20+s14+$0x0], $0xffff  }
0x51c: {  	v63 =	vmov v54;
	v54 =	vld [tilespmem:$0x1FF30];
	v20 =	vor.u32 v51, v10;
	_ =	sdelay $0x3  }
0x51d: {  	[tilespmem:v18+s18+$0x0] =	vst.idx.msk $0xffff, v16  }
0x51e: {  	v18 =	vor.u32 v54, v12;
	v16 =	vld.idx.msk [tilespmem:v20+s14+$0x0], $0xffff  }
0x51f: {  	v42 =	vmov v58;
	v58 =	vld [tilespmem:$0x1FF00];
	v20 =	vor.u32 v53, v14;
	_ =	sdelay $0x3  }
0x520: {  	[tilespmem:v18+s18+$0x0] =	vst.idx.msk $0xffff, v16  }
0x521: {  	v18 =	vor.u32 v58, v12;
	v16 =	vld.idx.msk [tilespmem:v20+s14+$0x0], $0xffff  }
0x522: {  	v38 =	vld [tilespmem:$0x1FF60];
	v20 =	vor.u32 v55, v10;
	_ =	sdelay $0x3  }
0x523: {  	[tilespmem:v18+s18+$0x0] =	vst.idx.msk $0xffff, v16  }
0x524: {  	v18 =	vor.u32 v38, v12;
	v16 =	vld.idx.msk [tilespmem:v20+s14+$0x0], $0xffff  }
0x525: {  	v62 =	vmov v60;
	v60 =	vld [tilespmem:$0x1FF40];
	v20 =	vor.u32 v57, v14;
	_ =	sdelay $0x3  }
0x526: {  	[tilespmem:v18+s18+$0x0] =	vst.idx.msk $0xffff, v16  }
0x527: {  	v18 =	vor.u32 v60, v12;
	v16 =	vld.idx.msk [tilespmem:v20+s14+$0x0], $0xffff  }
0x528: {  	v56 =	vld [tilespmem:$0x1FF20];
	v20 =	vor.u32 v59, v10;
	_ =	sdelay $0x3  }
0x529: {  	[tilespmem:v18+s18+$0x0] =	vst.idx.msk $0xffff, v16  }
0x52a: {  	v18 =	vor.u32 v56, v12;
	v16 =	vld.idx.msk [tilespmem:v20+s14+$0x0], $0xffff  }
0x52b: {  	v44 =	vld [tilespmem:$0x1FF10];
	v14 =	vor.u32 v61, v14;
	_ =	sdelay $0x3  }
0x52c: {  	[tilespmem:v18+s18+$0x0] =	vst.idx.msk $0xffff, v16  }
0x52d: {  	v16 =	vor.u32 v44, v12;
	v14 =	vld.idx.msk [tilespmem:v14+s14+$0x0], $0xffff  }
0x52e: {  	v40 =	vld [tilespmem:$0x1FF70];
	v10 =	vor.u32 v2, v10;
	_ =	sdelay $0x2  }
0x52f: {  	s25 =	sadd.s32 $0x1, s25  }
0x530: {  	[tilespmem:v16+s18+$0x0] =	vst.idx.msk $0xffff, v14;
	v14 =	vadd.s32 s25, v1  }
0x531: {  	v12 =	vor.u32 v40, v12;
	v16 =	vld.idx.msk [tilespmem:v10+s14+$0x0], $0xffff;
	v10 =	vand.u32 $0xF, v14  }
0x532: {  	v18 =	vor.u32 v3, v10;
	_ =	sdelay $0x1  }
0x533: {  	v14 =	vshll.u32 v14, $0x6  }
0x534: {  	v20 =	vand.u32 $0x40, v14  }
0x535: {  	v14 =	vand.u32 $0x380, v14;
	[tilespmem:v12+s18+$0x0] =	vst.idx.msk $0xffff, v16;
	v12 =	vor.u32 v1, v20  }
0x536: {  	v16 =	vld.idx.msk [tilespmem:v18+s14+$0x0], $0xffff;
	v18 =	vor.u32 v12, v14  }
0x537: {  	v22 =	vor.u32 v4, v10;
	_ =	sdelay $0x3  }
0x538: {  	[tilespmem:v18+s18+$0x0] =	vst.idx.msk $0xffff, v16;
	v16 =	vor.u32 $0x400, v14  }
0x539: {  	v18 =	vld.idx.msk [tilespmem:v22+s14+$0x0], $0xffff;
	v22 =	vor.u32 v12, v16  }
0x53a: {  	v24 =	vor.u32 v5, v10;
	_ =	sdelay $0x3  }
0x53b: {  	[tilespmem:v22+s18+$0x0] =	vst.idx.msk $0xffff, v18;
	v18 =	vor.u32 $0x800, v14  }
0x53c: {  	v22 =	vld.idx.msk [tilespmem:v24+s14+$0x0], $0xffff;
	v24 =	vor.u32 v12, v18  }
0x53d: {  	v26 =	vor.u32 v7, v10;
	_ =	sdelay $0x3  }
0x53e: {  	[tilespmem:v24+s18+$0x0] =	vst.idx.msk $0xffff, v22;
	v22 =	vor.u32 $0xC00, v14  }
0x53f: {  	v24 =	vld.idx.msk [tilespmem:v26+s14+$0x0], $0xffff;
	v26 =	vor.u32 v12, v22  }
0x540: {  	v28 =	vor.u32 v9, v10;
	_ =	sdelay $0x3  }
0x541: {  	[tilespmem:v26+s18+$0x0] =	vst.idx.msk $0xffff, v24;
	v24 =	vor.u32 $0x1000, v14  }
0x542: {  	v26 =	vld.idx.msk [tilespmem:v28+s14+$0x0], $0xffff;
	v28 =	vor.u32 v12, v24  }
0x543: {  	v30 =	vor.u32 v11, v10;
	_ =	sdelay $0x3  }
0x544: {  	[tilespmem:v28+s18+$0x0] =	vst.idx.msk $0xffff, v26;
	v26 =	vor.u32 $0x1400, v14  }
0x545: {  	v28 =	vld.idx.msk [tilespmem:v30+s14+$0x0], $0xffff;
	v30 =	vor.u32 v12, v26  }
0x546: {  	v32 =	vor.u32 v13, v10;
	_ =	sdelay $0x3  }
0x547: {  	[tilespmem:v30+s18+$0x0] =	vst.idx.msk $0xffff, v28;
	v28 =	vor.u32 $0x1800, v14  }
0x548: {  	v30 =	vld.idx.msk [tilespmem:v32+s14+$0x0], $0xffff;
	v32 =	vor.u32 v12, v28  }
0x549: {  	v34 =	vor.u32 v15, v10;
	_ =	sdelay $0x3  }
0x54a: {  	v0 =	vld [tilespmem:$0x1FDF0];
	[tilespmem:v32+s18+$0x0] =	vst.idx.msk $0xffff, v30;
	v30 =	vor.u32 $0x1C00, v14  }
0x54b: {  	v32 =	vld.idx.msk [tilespmem:v34+s14+$0x0], $0xffff;
	v12 =	vor.u32 v12, v30  }
0x54c: {  	v34 =	vor.u32 v17, v10;
	_ =	sdelay $0x3  }
0x54d: {  	v4 =	vor.u32 v0, v20;
	[tilespmem:v12+s18+$0x0] =	vst.idx.msk $0xffff, v32  }
0x54e: {  	v32 =	vor.u32 v4, v14;
	v12 =	vld.idx.msk [tilespmem:v34+s14+$0x0], $0xffff  }
0x54f: {  	v34 =	vor.u32 v19, v10;
	_ =	sdelay $0x3  }
0x550: {  	[tilespmem:v32+s18+$0x0] =	vst.idx.msk $0xffff, v12  }
0x551: {  	v32 =	vor.u32 v4, v16;
	v12 =	vld.idx.msk [tilespmem:v34+s14+$0x0], $0xffff  }
0x552: {  	v34 =	vor.u32 v21, v10;
	_ =	sdelay $0x3  }
0x553: {  	[tilespmem:v32+s18+$0x0] =	vst.idx.msk $0xffff, v12  }
0x554: {  	v32 =	vor.u32 v4, v18;
	v12 =	vld.idx.msk [tilespmem:v34+s14+$0x0], $0xffff  }
0x555: {  	v34 =	vor.u32 v23, v10;
	_ =	sdelay $0x3  }
0x556: {  	[tilespmem:v32+s18+$0x0] =	vst.idx.msk $0xffff, v12  }
0x557: {  	v32 =	vor.u32 v4, v22;
	v12 =	vld.idx.msk [tilespmem:v34+s14+$0x0], $0xffff  }
0x558: {  	v34 =	vor.u32 v25, v10;
	_ =	sdelay $0x3  }
0x559: {  	[tilespmem:v32+s18+$0x0] =	vst.idx.msk $0xffff, v12  }
0x55a: {  	v32 =	vor.u32 v4, v24;
	v12 =	vld.idx.msk [tilespmem:v34+s14+$0x0], $0xffff  }
0x55b: {  	v34 =	vor.u32 v27, v10;
	_ =	sdelay $0x3  }
0x55c: {  	[tilespmem:v32+s18+$0x0] =	vst.idx.msk $0xffff, v12  }
0x55d: {  	v32 =	vor.u32 v4, v26;
	v12 =	vld.idx.msk [tilespmem:v34+s14+$0x0], $0xffff  }
0x55e: {  	v34 =	vor.u32 v29, v10;
	_ =	sdelay $0x3  }
0x55f: {  	[tilespmem:v32+s18+$0x0] =	vst.idx.msk $0xffff, v12  }
0x560: {  	v32 =	vor.u32 v4, v28;
	v12 =	vld.idx.msk [tilespmem:v34+s14+$0x0], $0xffff  }
0x561: {  	v34 =	vor.u32 v31, v10;
	_ =	sdelay $0x3  }
0x562: {  	v0 =	vld [tilespmem:$0x1FE00];
	[tilespmem:v32+s18+$0x0] =	vst.idx.msk $0xffff, v12  }
0x563: {  	v4 =	vor.u32 v4, v30;
	v12 =	vld.idx.msk [tilespmem:v34+s14+$0x0], $0xffff  }
0x564: {  	v32 =	vor.u32 v33, v10;
	_ =	sdelay $0x3  }
0x565: {  	[tilespmem:v4+s18+$0x0] =	vst.idx.msk $0xffff, v12;
	v4 =	vor.u32 v0, v20  }
0x566: {  	v6 =	vld.idx.msk [tilespmem:v32+s14+$0x0], $0xffff;
	v12 =	vor.u32 v4, v14  }
0x567: {  	v32 =	vor.u32 v35, v10;
	_ =	sdelay $0x3  }
0x568: {  	[tilespmem:v12+s18+$0x0] =	vst.idx.msk $0xffff, v6  }
0x569: {  	v12 =	vor.u32 v4, v16;
	v6 =	vld.idx.msk [tilespmem:v32+s14+$0x0], $0xffff  }
0x56a: {  	v32 =	vor.u32 v37, v10;
	_ =	sdelay $0x3  }
0x56b: {  	[tilespmem:v12+s18+$0x0] =	vst.idx.msk $0xffff, v6  }
0x56c: {  	v12 =	vor.u32 v4, v18;
	v6 =	vld.idx.msk [tilespmem:v32+s14+$0x0], $0xffff  }
0x56d: {  	v32 =	vor.u32 v39, v10;
	_ =	sdelay $0x3  }
0x56e: {  	[tilespmem:v12+s18+$0x0] =	vst.idx.msk $0xffff, v6  }
0x56f: {  	v12 =	vor.u32 v4, v22;
	v6 =	vld.idx.msk [tilespmem:v32+s14+$0x0], $0xffff  }
0x570: {  	v32 =	vor.u32 v41, v10;
	_ =	sdelay $0x3  }
0x571: {  	[tilespmem:v12+s18+$0x0] =	vst.idx.msk $0xffff, v6  }
0x572: {  	v12 =	vor.u32 v4, v24;
	v6 =	vld.idx.msk [tilespmem:v32+s14+$0x0], $0xffff  }
0x573: {  	v32 =	vor.u32 v43, v10;
	_ =	sdelay $0x3  }
0x574: {  	[tilespmem:v12+s18+$0x0] =	vst.idx.msk $0xffff, v6  }
0x575: {  	v12 =	vor.u32 v4, v26;
	v6 =	vld.idx.msk [tilespmem:v32+s14+$0x0], $0xffff  }
0x576: {  	v32 =	vor.u32 v45, v10;
	_ =	sdelay $0x3  }
0x577: {  	[tilespmem:v12+s18+$0x0] =	vst.idx.msk $0xffff, v6  }
0x578: {  	v12 =	vor.u32 v4, v28;
	v6 =	vld.idx.msk [tilespmem:v32+s14+$0x0], $0xffff  }
0x579: {  	v32 =	vor.u32 v47, v10;
	_ =	sdelay $0x3  }
0x57a: {  	v0 =	vld [tilespmem:$0x1FE10];
	[tilespmem:v12+s18+$0x0] =	vst.idx.msk $0xffff, v6  }
0x57b: {  	v4 =	vor.u32 v4, v30;
	v6 =	vld.idx.msk [tilespmem:v32+s14+$0x0], $0xffff  }
0x57c: {  	v12 =	vor.u32 v49, v10;
	_ =	sdelay $0x3  }
0x57d: {  	[tilespmem:v4+s18+$0x0] =	vst.idx.msk $0xffff, v6;
	v4 =	vor.u32 v0, v20  }
0x57e: {  	v36 =	vmov v52;
	v52 =	vmov v8;
	v6 =	vld.idx.msk [tilespmem:v12+s14+$0x0], $0xffff;
	v8 =	vor.u32 v4, v14  }
0x57f: {  	v12 =	vor.u32 v51, v10;
	_ =	sdelay $0x3  }
0x580: {  	[tilespmem:v8+s18+$0x0] =	vst.idx.msk $0xffff, v6  }
0x581: {  	v8 =	vor.u32 v4, v16;
	v6 =	vld.idx.msk [tilespmem:v12+s14+$0x0], $0xffff  }
0x582: {  	v12 =	vor.u32 v53, v10;
	_ =	sdelay $0x3  }
0x583: {  	[tilespmem:v8+s18+$0x0] =	vst.idx.msk $0xffff, v6  }
0x584: {  	v8 =	vor.u32 v4, v18;
	v6 =	vld.idx.msk [tilespmem:v12+s14+$0x0], $0xffff  }
0x585: {  	v12 =	vor.u32 v55, v10;
	_ =	sdelay $0x3  }
0x586: {  	[tilespmem:v8+s18+$0x0] =	vst.idx.msk $0xffff, v6  }
0x587: {  	v8 =	vor.u32 v4, v22;
	v6 =	vld.idx.msk [tilespmem:v12+s14+$0x0], $0xffff  }
0x588: {  	v12 =	vor.u32 v57, v10;
	_ =	sdelay $0x3  }
0x589: {  	[tilespmem:v8+s18+$0x0] =	vst.idx.msk $0xffff, v6  }
0x58a: {  	v8 =	vor.u32 v4, v24;
	v6 =	vld.idx.msk [tilespmem:v12+s14+$0x0], $0xffff  }
0x58b: {  	v12 =	vor.u32 v59, v10;
	_ =	sdelay $0x3  }
0x58c: {  	[tilespmem:v8+s18+$0x0] =	vst.idx.msk $0xffff, v6  }
0x58d: {  	v8 =	vor.u32 v4, v26;
	v6 =	vld.idx.msk [tilespmem:v12+s14+$0x0], $0xffff  }
0x58e: {  	v12 =	vor.u32 v61, v10;
	_ =	sdelay $0x3  }
0x58f: {  	[tilespmem:v8+s18+$0x0] =	vst.idx.msk $0xffff, v6  }
0x590: {  	v8 =	vor.u32 v4, v28;
	v6 =	vld.idx.msk [tilespmem:v12+s14+$0x0], $0xffff  }
0x591: {  	v10 =	vor.u32 v2, v10;
	_ =	sdelay $0x3  }
0x592: {  	[tilespmem:v8+s18+$0x0] =	vst.idx.msk $0xffff, v6  }
0x593: {  	v4 =	vor.u32 v4, v30;
	v6 =	vld.idx.msk [tilespmem:v10+s14+$0x0], $0xffff;
	_ =	sdelay $0x2  }
0x594: {  	p1 =	sgt.u32 s23, $0x1E23;
	s31 =	sshll.u32 s24, $0xA  }
.Ltmp8:
0x595: {  	s23 =	sshll.u32 @!p1 s23, $0x7;
	s26 =	simm.s32 @!p1 $0x7A1400;
	v34 =	vmov v48;
	v48 =	vld [tilespmem:$0x1FF90];
	(pc) =	sbr.rel .LBB2_9-.Ltmp8, $4  }
0x596: {  	s28 =	simm.s32 @!p1 $0x2000;
	s23 =	sadd.s32 @!p1 s23, s10;
	s25 =	simm.s32 @!p1 $0x400;
	v22 =	vmov v46;
	v46 =	vld [tilespmem:$0x1FFA0];
	[tilespmem:v4+s18+$0x0] =	vst.idx.msk $0xffff, v6  }
0x597: {  	v24 =	vmov v44;
	v44 =	vld [tilespmem:$0x1FFD0];
	[tilespmem:s28], [sflag:$0x2] =	stream.strided.gather @!p1 [hbm4b:s23+s25], $0x2000, s26, s25, $0x38  }
0x598: {  	v32 =	vmov v52;
	v52 =	vmov v54;
	v20 =	vmov v58;
	v26 =	vld [tilespmem:$0x1FFB0];
	s23 =	sadd.s32 s5, s31  }
0x599: {  	v0 =	vmovc v40;
	v58 =	vmovc v42;
	v40 =	vmov v63;
	v14 =	vmov v62;
	v30 =	vmov v56;
	v8 =	vld [tilespmem:$0x1FFE0];
	[hbm4b:s23+s3] =	stream.linear.scatter [tilespmem:s18], [sflag:$0x4], $0x2000, $0x38  }
.LBB2_11:
0x59a: {  	_ =	sfence.sel $0x180000  }
0x59b: {  	[bflag:$0x0] =	sbarrier.arrive $0xFFFF  }
0x59c: {  	p0 =	sne.s32 s2, $0x0;
	_ =	strace $0x90000047  }
0x59d: {  	s0 =	sadd.s32 @!p0 $0x100000, s1;
	[bflag:$0x2] =	sbarrier.arrive $0xFFFF  }
0x59e: {  	[sflag:s0] =	ssyncadd.tile.s32 @!p0 $0x1;
	_ =	shalt  }
.Lfunc_end2:
_tile_overlayer_lowered:
.L_overlay_start_2:
0x59f: {  	(tag) =	ssettag $0x2  }
0x5a0: {  	s0 =	rddreg [dreg:$0x0];
	s2 =	stileid.u32  }
0x5a1: {  	s1 =	rddreg [dreg:$0x1];
	p0 =	sne.s32 s2, $0x0  }
0x5a2: {  	s3 =	rddreg [dreg:$0x2];
	[bflag:$0x3] =	sbarrier.arrive $0xFFFF;
	s2 =	simm.s32 @!p0 $0x1C05  }
0x5a3: {  	[timem:s3], [sflag:s2] =	dma.local @!p0 [hbm:s0], s1  }
0x5a4: {  	s0 =	simm.s32 @!p0 $0x5  }
0x5a5: {  	_ =	swait.ge @!p0 [sflag:s0], s1  }
0x5a6: {  	s1 =	ssub.s32 @!p0 $0x0, s1;
	[sflag:s0] =	ssyncset.done @!p0 $0x0  }
0x5a7: {  	[sflag:s0] =	ssyncadd.s32 @!p0 s1  }
0x5a8: {  	[bflag:$0x3] =	sbarrier.arrive $0xFFFF  }
0x5a9: {  	_ =	shalt  }

// kernel: kernel.8.cloned.1.call-start
scs
__scs_entry_jumppad:
0x0: {  	(pc) =	sbr.rel $0x88, $3  }
0x1: {  	(tag) =	ssettag $0x0;
	lr =	simm.s32 $0x1  }
0x2: {  	[smem:$0x3F9B] =	sst lr;
	_ =	strace $0xD0000000  }
0x3: {  	_ = 	snop  }
0x4: {  	_ = 	snop  }
0x5: {  	_ = 	snop  }
0x6: {  	_ = 	snop  }
0x7: {  	_ = 	snop  }
__scs_overlays_trampoline_lowered:
0x8: {  	[smem:$0x3FAA] =	sst s0  }
0x9: {  	[smem:$0x3FAB] =	sst s1  }
0xa: {  	[smem:$0x3FAC] =	sst s2  }
0xb: {  	[smem:$0x3FAD] =	sst s3  }
0xc: {  	[smem:$0x3FAE] =	sst s4  }
0xd: {  	[smem:$0x3FAF] =	sst s5  }
0xe: {  	[smem:$0x3FB0] =	sst s6  }
0xf: {  	[smem:$0x3FB1] =	sst s7  }
0x10: {  	[smem:$0x3FB2] =	sst s8  }
0x11: {  	[smem:$0x3FB3] =	sst s9;
	s0 =	simm.s32 @!p0 $0x0  }
0x12: {  	s1 =	sld [smem:$0x3F99];
	s0 =	simm.s32 @p0 $0x1  }
0x13: {  	[smem:$0x3FB4] =	sst s0;
	s0 =	simm.s32 @!p1 $0x0  }
0x14: {  	s2 =	sld [smem:$0x3F98];
	s0 =	simm.s32 @p1 $0x1  }
0x15: {  	[smem:$0x3FB5] =	sst s0;
	s0 =	simm.s32 @!p2 $0x0  }
0x16: {  	s3 =	sld [smem:$0x3FDB];
	s0 =	simm.s32 @p2 $0x1  }
0x17: {  	s4 =	simm.s32 $0x1BF5;
	[smem:$0x3FB7] =	sst s0  }
0x18: {  	s0 =	sld [smem:$0x3F9A];
	_ =	swait.ge [sflag:s4], $0x0  }
0x19: {  	s7 =	sld [smem:$0x3F9B]  }
0x1a: {  	s8 =	sadd.s32 $0xFFFFE003, lr  }
0x1b: {  	s9 =	sadd.s32 $0xFFFFFEF7, lr;
	s5 =	simm.s32 $0xFFFFFFFF;
	p2 =	slt.u32 s8, $0xFFFFF086  }
0x1c: {  	p1 =	slt.u32 s9, $0xF7A;
	s5 =	simm.s32 @!p2 $0x0  }
0x1d: {  	s5 =	simm.s32 @p1 $0x1;
	p0 =	seq.s32 s7, s2  }
0x1e: {  	s7 =	smul.u32 @!p0 $0xF7A, s2;
	p2 =	seq.s32 @!p0 s5, $0x0  }
0x1f: {  	s9 =	smul.u32 $0xF7A, s1;
	s8 =	simm.s32 @!p0 $0x1BF5;
	p2 =	por !p2, p0  }
0x20: {  	[sflag:s8] =	ssyncset.s32 @!p0 $0xFFFFF086;
	s6 =	sadd.s32 @!p0 s3, s7;
	s7 =	simm.s32 @!p0 $0x108  }
0x21: {  	s3 =	sadd.s32 s3, s9;
	s6 =	sadd.s32 @!p0 $0x88, s6;
	s7 =	simm.s32 @p2 $0x1082  }
0x22: {  	[simem:s7], [sflag:s8] =	dma.local @!p0 [hbm:s6], $0xF7A  }
0x23: {  	s9 =	sor.u32 $0xD0000000, s2;
	s6 =	simm.s32 $0x108;
	_ =	swait.ge @!p0 [sflag:s8], $0x0  }
0x24: {  	s3 =	sadd.s32 $0x88, s3;
	s6 =	simm.s32 @!p1 $0x1082;
	[sflag:s4] =	ssyncset.s32 $0xFFFFF086  }
0x25: {  	[simem:s6], [sflag:s4] =	dma.local [hbm:s3], $0xF7A  }
0x26: {  	[smem:$0x3F9B] =	sst s1;
	(tag) =	ssettag s2;
	_ =	strace s9  }
0x27: {  	s1 =	sld [smem:$0x3FAB]  }
0x28: {  	s2 =	sld [smem:$0x3FAC]  }
0x29: {  	s4 =	sld [smem:$0x3FAE]  }
0x2a: {  	p0 =	seq.s32 s5, $0x0;
	s5 =	sld [smem:$0x3FAF]  }
0x2b: {  	s6 =	sld [smem:$0x3FB0]  }
0x2c: {  	s7 =	sld [smem:$0x3FB1]  }
0x2d: {  	s3 =	simm.s32 $0x108;
	s8 =	sld [smem:$0x3FB2]  }
0x2e: {  	s3 =	simm.s32 @!p0 $0x1082;
	s9 =	sld [smem:$0x3FB3]  }
0x2f: {  	lr =	sadd.s32 s0, s3;
	s0 =	sld [smem:$0x3FAA]  }
0x30: {  	s3 =	sld [smem:$0x3FAD]  }
0x31: {  	[smem:$0x3FB6] =	sst s10  }
0x32: {  	s10 =	sld [smem:$0x3FB4];
	_ =	sdelay $0x3  }
0x33: {  	p0 =	seq.s32 s10, $0x1;
	s10 =	sld [smem:$0x3FB6];
	_ =	sdelay $0x3  }
0x34: {  	[smem:$0x3FB6] =	sst s10  }
0x35: {  	s10 =	sld [smem:$0x3FB5];
	_ =	sdelay $0x3  }
0x36: {  	p1 =	seq.s32 s10, $0x1;
	s10 =	sld [smem:$0x3FB6];
	_ =	sdelay $0x3  }
0x37: {  	[smem:$0x3FB6] =	sst s10  }
0x38: {  	s10 =	sld [smem:$0x3FB7]  }
0x39: {  	_ = 	snop;
	(pc) =	sbr.ind lr, $3  }
0x3a: {  	_ = 	snop  }
0x3b: {  	_ = 	snop  }
0x3c: {  	p2 =	seq.s32 s10, $0x1;
	s10 =	sld [smem:$0x3FB6]  }
0x3d: {  	_ =	shalt  }
0x3e: {  	_ =	shalt  }
0x3f: {  	_ =	shalt  }
0x40: {  	_ =	shalt  }
0x41: {  	_ =	shalt  }
0x42: {  	_ =	shalt  }
0x43: {  	_ =	shalt  }
0x44: {  	_ =	shalt  }
0x45: {  	_ =	shalt  }
0x46: {  	_ =	shalt  }
0x47: {  	_ =	shalt  }
0x48: {  	_ =	shalt  }
0x49: {  	_ =	shalt  }
0x4a: {  	_ =	shalt  }
0x4b: {  	_ =	shalt  }
0x4c: {  	_ =	shalt  }
0x4d: {  	_ =	shalt  }
0x4e: {  	_ =	shalt  }
0x4f: {  	_ =	shalt  }
0x50: {  	_ =	shalt  }
0x51: {  	_ =	shalt  }
0x52: {  	_ =	shalt  }
0x53: {  	_ =	shalt  }
0x54: {  	_ =	shalt  }
0x55: {  	_ =	shalt  }
0x56: {  	_ =	shalt  }
0x57: {  	_ =	shalt  }
0x58: {  	_ =	shalt  }
0x59: {  	_ =	shalt  }
0x5a: {  	_ =	shalt  }
0x5b: {  	_ =	shalt  }
0x5c: {  	_ =	shalt  }
0x5d: {  	_ =	shalt  }
0x5e: {  	_ =	shalt  }
0x5f: {  	_ =	shalt  }
0x60: {  	_ =	shalt  }
0x61: {  	_ =	shalt  }
0x62: {  	_ =	shalt  }
0x63: {  	_ =	shalt  }
0x64: {  	_ =	shalt  }
0x65: {  	_ =	shalt  }
0x66: {  	_ =	shalt  }
0x67: {  	_ =	shalt  }
0x68: {  	_ =	shalt  }
0x69: {  	_ =	shalt  }
0x6a: {  	_ =	shalt  }
0x6b: {  	_ =	shalt  }
0x6c: {  	_ =	shalt  }
0x6d: {  	_ =	shalt  }
0x6e: {  	_ =	shalt  }
0x6f: {  	_ =	shalt  }
0x70: {  	_ =	shalt  }
0x71: {  	_ =	shalt  }
0x72: {  	_ =	shalt  }
0x73: {  	_ =	shalt  }
0x74: {  	_ =	shalt  }
0x75: {  	_ =	shalt  }
0x76: {  	_ =	shalt  }
0x77: {  	_ =	shalt  }
0x78: {  	_ =	shalt  }
0x79: {  	_ =	shalt  }
0x7a: {  	_ =	shalt  }
0x7b: {  	_ =	shalt  }
0x7c: {  	_ =	shalt  }
0x7d: {  	_ =	shalt  }
0x7e: {  	_ =	shalt  }
0x7f: {  	_ =	shalt  }
0x80: {  	_ =	shalt  }
0x81: {  	_ =	shalt  }
0x82: {  	_ =	shalt  }
0x83: {  	_ =	shalt  }
0x84: {  	_ =	shalt  }
0x85: {  	_ =	shalt  }
0x86: {  	_ =	shalt  }
0x87: {  	_ =	shalt  }
.Lfunc_end0:
.L_simem_size_0:
called_computation.1_lowered:
.L_overlay_start_0:
0x88: {  	s2 =	sld [smem:$0x3FD9]  }
0x89: {  	s3 =	sld [smem:$0x3FFE];
	_ =	sdelay $0x1  }
0x8a: {  	s1 =	srdreg.scid  }
0x8b: {  	s0 =	sand.u32 $0x1, s1  }
0x8c: {  	s16 =	sshll.u32 s0, $0xA;
	s2 =	sadd.s32 s3, s2  }
0x8d: {  	s2 =	sadd.s32 s2, s16  }
0x8e: {  	[smem:$0x3FC2] =	sst s2  }
0x8f: {  	_ = 	snop  }
0x90: {  	(tm) =	ssettm $0x1  }
0x91: {  	s17 =	sld [smem:$0x3FFB];
	_ =	sdelay $0x3  }
0x92: {  	_ =	strace s17  }
0x93: {  	s2 =	sld [smem:$0x3FFC];
	_ =	sdelay $0x3  }
0x94: {  	_ =	strace s2  }
0x95: {  	s2 =	sld [smem:$0x3FFD];
	_ =	sdelay $0x3  }
0x96: {  	_ =	strace s2  }
0x97: {  	_ =	strace $0x8FFFFFFF  }
0x98: {  	s18 =	sld [smem:$0x3FDB];
	_ =	sdelay $0x1  }
0x99: {  	s19 =	simm.s32 $_scs_section_size  }
0x9a: {  	s4 =	simm.s32 $_size__tile_overlayer_lowered;
	s5 =	simm.s32 $_tile_overlayer_lowered  }
0x9b: {  	s22 =	simm.s32 $0x1BFF;
	s21 =	sshll.u32 s5, $0x1;
	s2 =	sadd.s32 s19, s18  }
0x9c: {  	s6 =	simm.s32 $0x0;
	s20 =	sshll.u32 s4, $0x1;
	s4 =	sadd.s32 s21, s2  }
0x9d: {  	[timem:s6], [sflag:s22] =	dma.local [hbm:s4], s20  }
0x9e: {  	_ =	swait.ge [sflag:s22], s20  }
0x9f: {  	s3 =	ssub.s32 $0x0, s20;
	[sflag:s22] =	ssyncset.done $0x0  }
0xa0: {  	[sflag:s22] =	ssyncadd.s32 s3;
	_ =	sdelay $0x1  }
0xa1: {  	s23 =	simm.s32 $0x1B8B  }
0xa2: {  	_ =	swait.ge [sflag:s23], $0x1  }
0xa3: {  	[sflag:s23] =	ssyncset.done $0x0  }
0xa4: {  	s25 =	simm.s32 $0x1B8E;
	s24 =	sld [smem:$0x3FFE];
	[sflag:s23] =	ssyncadd.s32 $0xFFFFFFFF  }
0xa5: {  	s26 =	simm.s32 $execute0_lowered;
	[smem:$0x3FD2] =	sst s25  }
0xa6: {  	s4 =	sshll.u32 s26, $0x1;
	_ =	strace $0x80000049;
	[dreg:$0x1] =	wrdreg $0xFFFFFFFF  }
0xa7: {  	s28 =	simm.s32 $_size_execute0_lowered;
	s2 =	sadd.s32 s2, s4;
	[dreg:$0x0] =	wrdreg $0x0  }
0xa8: {  	s4 =	sshll.u32 s28, $0x1;
	[dreg:$0x2] =	wrdreg s2  }
0xa9: {  	[dreg:$0x3] =	wrdreg s4  }
0xaa: {  	[dreg:$0x4] =	wrdreg $0xC0  }
0xab: {  	_ =	task [dreg:s6], $0x5FFFF  }
0xac: {  	[dreg:$0x1] =	wrdreg $0xFFFFFFFF  }
0xad: {  	[dreg:$0x0] =	wrdreg $0x60  }
0xae: {  	[dreg:$0x2] =	wrdreg s24  }
0xaf: {  	[dreg:$0x3] =	wrdreg $0x9  }
0xb0: {  	_ =	task.clear_ibuf [dreg:s6], $0x4FFFF;
	_ =	strace $0x90000049  }
0xb1: {  	s29 =	simm.s32 $0x9;
	_ =	strace $0x8000004B  }
0xb2: {  	_ =	swait.ge [sflag:s29], $0x1  }
0xb3: {  	[sflag:s29] =	ssyncadd.s32 $0xFFFFFFFF  }
0xb4: {  	_ =	strace $0x9000004B  }
0xb5: {  	_ =	sfence  }
0xb6: {  	s30 =	sld [smem:$0x0];
	_ =	sdelay $0x2  }
0xb7: {  	s31 =	sshll.u32 s1, $0xD;
	s1 =	sshrl.u32 s1, $0x2  }
0xb8: {  	s3 =	sand.u32 $0x4000, s31;
	s1 =	sadd.s32 s1, s30  }
0xb9: {  	s0 =	sor.u32 s3, s0;
	s1 =	sshll.u32 s1, $0x11  }
0xba: {  	s0 =	sor.u32 s1, s0  }
0xbb: {  	s0 =	sadd.s32 $0x8F2B, s0  }
0xbc: {  	[sflag:s0] =	ssyncadd.remote.s32 $0x1  }
0xbd: {  	_ =	sfence.sel $0xFFFF  }
0xbe: {  	[dreg:$0x0] =	wrdreg $0xFFFFFFFF;
	(pc) =	sbr.abs _section_cstart, $3  }
0xbf: {  	[dreg:$0x1] =	wrdreg $0xFFFFFFFF  }
0xc0: {  	_ =	task.clear_ibuf [dreg:s6], $0x2FFFF;
	_ =	strace $0x9FFFFFFF  }
0xc1: {  	(tm) =	ssettm $0x7FFFFFFF  }
tec
execute0_lowered:
.L_overlay_start_1:
0x0: {  	(tag) =	ssettag $0x1  }
0x1: {  	s1 =	srdreg.scid  }
0x2: {  	s0 =	stileid.u32;
	s4 =	rddreg [dreg:$0x0]  }
0x3: {  	s2 =	simm.s32 $0x0;
	s8 =	simm.s32 $0x6400;
	s9 =	simm.s32 $0x8400  }
0x4: {  	s10 =	simm.s32 $0x1;
	s11 =	simm.s32 $0x2;
	s12 =	simm.s32 $0xA400  }
0x5: {  	s13 =	simm.s32 $0x80;
	s3 =	sand.u32 $0x1, s1;
	s1 =	rddreg [dreg:$0x1]  }
0x6: {  	s14 =	simm.s32 $0x0;
	s5 =	sshll.u32 s0, $0x1;
	[smem:$0x7FF] =	sst s2  }
.Ltmp0:
0x7: {  	s5 =	sor.u32 s3, s5;
	_ =	strace $0x8000004A;
	(pc) =	sbr.rel .LBB2_1-.Ltmp0, $4  }
0x8: {  	s7 =	ssub.s32 $0x2, s3;
	s6 =	smul.u32 $0xC80, s5;
	s5 =	sshll.u32 s5, $0xA  }
0x9: {  	s3 =	sadd.s32 $0x1000, s4;
	s31 =	sshrl.u32 s7, $0x1;
	s5 =	sadd.s32 s5, s4  }
0xa: {  	s7 =	ssub.s32 s7, s31;
	s6 =	sadd.s32 s6, s4;
	s5 =	sadd.s32 $0x7BB400, s5  }
0xb: {  	s4 =	sadd.s32 $0x7A2400, s6;
	s6 =	smax.u32 s7, $0x1;
	s7 =	simm.s32 $0x3  }
.LBB2_20:
0xc: {  	s14 =	sadd.s32 $0x1, s14  }
0xd: {  	p0 =	sne.s32 s14, s6  }
.Ltmp1:
0xe: {  	_ = 	snop;
	(pc) =	sbr.rel @!p0 .LBB2_21-.Ltmp1, $4  }
0xf: {  	[hbm4b:s5+s2] =	stream.linear.scatter [tilespmem:s12], [sflag:$0x3], $0x2000, $0x38;
	[tilespmem:$0xC400] =	vst v63  }
0x10: {  	_ =	swait.ge [sflag:s7], $0x2000  }
0x11: {  	[sflag:s7] =	ssyncset.done $0x0  }
0x12: {  	[sflag:s7] =	ssyncadd.s32 $0xFFFFE000  }
.LBB2_1:
0x13: {  	[tilespmem:s2], [sflag:$0x3] =	stream.linear.gather [hbm4b:s4+s2], $0x6400, $0x38;
	[tilespmem:$0xC400] =	vst v63  }
0x14: {  	_ =	swait.ge [sflag:s7], $0x6400  }
0x15: {  	[sflag:s7] =	ssyncset.done $0x0  }
0x16: {  	s15 =	simm.s32 $0xC8;
	s16 =	simm.s32 $0x48;
	[sflag:s7] =	ssyncadd.s32 $0xFFFF9C00  }
0x17: {  	[tilespmem:s8], [sflag:$0x1] =	stream.indirect.gather [hbm4b:s3+s13], $0x40, s2, s13, $0xb8;
	[tilespmem:$0xC400] =	vst v63  }
0x18: {  	v0 =	vimm.f32 $0.0e+00;
	s17 =	simm.s32 $0x80;
	s18 =	simm.s32 $0x0;
	s19 =	simm.s32 $0x0  }
0x19: {  	v1 =	vimm.f32 $0.0e+00;
	v2 =	vimm.f32 $0.0e+00;
	v3 =	vimm.f32 $0.0e+00;
	[tilespmem:s9], [sflag:$0x2] =	stream.indirect.gather [hbm4b:s3+s13], $0x40, s13, s13, $0xb8;
	[tilespmem:$0xC400] =	vst v63  }
.LBB2_2:
0x1a: {  	s20 =	sshll.u32 s19, $0x5  }
0x1b: {  	s20 =	sand.u32 $0x1FE0, s20  }
0x1c: {  	s20 =	smul.u32 $0x147B, s20;
	_ =	sdelay $0x1  }
0x1d: {  	s20 =	sshrl.u32 s20, $0x11  }
0x1e: {  	s22 =	smul.u32 $0xC8, s20  }
0x1f: {  	s21 =	sshll.u32 s19, $0x8  }
0x20: {  	s22 =	ssub.s32 s22, s21  }
0x21: {  	s23 =	sadd.s32 $0xC8, s22  }
0x22: {  	p0 =	slt.s32 s23, $0x80;
	s22 =	smov.u32 s23  }
0x23: {  	s22 =	simm.s32 @!p0 $0x80  }
0x24: {  	s25 =	sshra.s32 s22, $0x2  }
0x25: {  	p0 =	slt.s32 s25, $0x1  }
.Ltmp2:
0x26: {  	_ = 	snop;
	(pc) =	sbr.rel @p0 .LBB2_6-.Ltmp2, $4  }
0x27: {  	_ = 	snop  }
0x28: {  	_ =	swait.ge [sflag:s10], $0x2000  }
0x29: {  	[sflag:s10] =	ssyncset.done $0x0  }
0x2a: {  	s24 =	simm.s32 $0x6480;
	[sflag:s10] =	ssyncadd.s32 $0xFFFFE000  }
0x2b: {  	v4 =	vld [tilespmem:s24+$0x40]  }
0x2c: {  	v6 =	vld [tilespmem:s24+$0x50]  }
0x2d: {  	v5 =	vld [tilespmem:s24+$0x0]  }
0x2e: {  	v7 =	vld [tilespmem:s24+$0x10]  }
0x2f: {  	v8 =	vld [tilespmem:s24+$0xFFFFFFC0];
	p0 =	sne.s32 s25, $0x1  }
.Ltmp3:
0x30: {  	v9 =	vld [tilespmem:s24+$0xFFFFFFD0];
	(pc) =	sbr.rel @!p0 .LBB2_5-.Ltmp3, $4  }
0x31: {  	v10 =	vld [tilespmem:s24+$0xFFFFFF80]  }
0x32: {  	v12 =	vld [tilespmem:s24+$0xFFFFFF90]  }
0x33: {  	v11 =	vld [tilespmem:s24+$0xFFFFFFA0]  }
0x34: {  	v13 =	vld [tilespmem:s24+$0xFFFFFFB0];
	s25 =	sadd.s32 $0xFFFFFFFF, s25  }
.LBB2_4:
0x35: {  	p0 =	sne.s32 s25, $0x1;
	v14 =	vld [tilespmem:s24+$0xFFFFFFE0]  }
0x36: {  	v15 =	vld [tilespmem:s24+$0xFFFFFFF0]  }
0x37: {  	v16 =	vld [tilespmem:s24+$0x20]  }
0x38: {  	v3 =	vadd.f32 v10, v3;
	v2 =	vadd.f32 v12, v2;
	v10 =	vld [tilespmem:s24+$0x30]  }
0x39: {  	v1 =	vadd.f32 v11, v1;
	v0 =	vadd.f32 v13, v0;
	v11 =	vld [tilespmem:s24+$0x60]  }
0x3a: {  	v3 =	vadd.f32 v8, v3;
	v2 =	vadd.f32 v9, v2;
	v9 =	vld [tilespmem:s24+$0x70];
	s24 =	sadd.s32 $0x100, s24  }
0x3b: {  	v1 =	vadd.f32 v14, v1;
	v12 =	vld [tilespmem:s24+$0x40];
	v0 =	vadd.f32 v15, v0  }
0x3c: {  	v3 =	vadd.f32 v5, v3;
	v2 =	vadd.f32 v7, v2;
	v13 =	vld [tilespmem:s24+$0x50]  }
0x3d: {  	v1 =	vadd.f32 v16, v1;
	v5 =	vld [tilespmem:s24+$0x0];
	v0 =	vadd.f32 v10, v0  }
0x3e: {  	v3 =	vadd.f32 v4, v3;
	v2 =	vadd.f32 v6, v2;
	v7 =	vld [tilespmem:s24+$0x10]  }
0x3f: {  	v1 =	vadd.f32 v11, v1;
	v8 =	vld [tilespmem:s24+$0xFFFFFFC0];
	v0 =	vadd.f32 v9, v0  }
.Ltmp4:
0x40: {  	v9 =	vld [tilespmem:s24+$0xFFFFFFD0];
	v4 =	vmov v12;
	(pc) =	sbr.rel @p0 .LBB2_4-.Ltmp4, $4  }
0x41: {  	v10 =	vld [tilespmem:s24+$0xFFFFFF80];
	v6 =	vmov v13  }
0x42: {  	v12 =	vld [tilespmem:s24+$0xFFFFFF90]  }
0x43: {  	v11 =	vld [tilespmem:s24+$0xFFFFFFA0]  }
0x44: {  	s25 =	sadd.s32 $0xFFFFFFFF, s25;
	v13 =	vld [tilespmem:s24+$0xFFFFFFB0]  }
.LBB2_5:
0x45: {  	v14 =	vld [tilespmem:s24+$0xFFFFFFE0]  }
0x46: {  	v15 =	vld [tilespmem:s24+$0xFFFFFFF0]  }
0x47: {  	v16 =	vld [tilespmem:s24+$0x20]  }
0x48: {  	v61 =	vld [tilespmem:s24+$0x30];
	v3 =	vadd.f32 v10, v3;
	v2 =	vadd.f32 v12, v2  }
0x49: {  	v62 =	vld [tilespmem:s24+$0x60];
	v1 =	vadd.f32 v11, v1;
	v0 =	vadd.f32 v13, v0  }
0x4a: {  	v63 =	vld [tilespmem:s24+$0x70];
	v3 =	vadd.f32 v8, v3;
	v2 =	vadd.f32 v9, v2  }
0x4b: {  	v1 =	vadd.f32 v14, v1;
	v0 =	vadd.f32 v15, v0  }
0x4c: {  	v3 =	vadd.f32 v5, v3;
	v2 =	vadd.f32 v7, v2  }
0x4d: {  	v1 =	vadd.f32 v16, v1;
	v0 =	vadd.f32 v61, v0  }
0x4e: {  	v3 =	vadd.f32 v4, v3;
	v2 =	vadd.f32 v6, v2  }
0x4f: {  	v1 =	vadd.f32 v62, v1;
	v0 =	vadd.f32 v63, v0  }
0x50: {  	v3 =	vadd.f32 $0.0e+00, v3;
	v2 =	vadd.f32 $0.0e+00, v2  }
0x51: {  	v1 =	vadd.f32 $0.0e+00, v1;
	v0 =	vadd.f32 $0.0e+00, v0  }
.LBB2_6:
0x52: {  	s22 =	ssub.s32 $0x80, s22  }
0x53: {  	p0 =	sgt.s32 s23, $0x80;
	s23 =	sshra.s32 s22, $0x2  }
0x54: {  	v4 =	vmul.f32 @!p0 $4.999999890e-03, v3;
	p1 =	slt.s32 s23, $0x1  }
.Ltmp5:
0x55: {  	s20 =	sshll.u32 @!p0 s20, $0x6;
	v5 =	vmul.f32 @!p0 $4.999999890e-03, v2;
	(pc) =	sbr.rel @p1 .LBB2_10-.Ltmp5, $4  }
0x56: {  	[tilespmem:s20+$0xA400] =	vst @!p0 v4;
	v4 =	vmul.f32 @!p0 $4.999999890e-03, v1  }
0x57: {  	[tilespmem:s20+$0xA410] =	vst @!p0 v5;
	v5 =	vmul.f32 @!p0 $4.999999890e-03, v0  }
0x58: {  	v2 =	vpsel !p0, $0x0, v2;
	[tilespmem:s20+$0xA420] =	vst @!p0 v4  }
0x59: {  	v3 =	vpsel !p0, $0x0, v3;
	v0 =	vpsel !p0, $0x0, v0;
	v1 =	vpsel !p0, $0x0, v1;
	[tilespmem:s20+$0xA430] =	vst @!p0 v5  }
0x5a: {  	s20 =	smulhi.u32 $0x51EB851F, s18;
	_ =	sdelay $0x1  }
0x5b: {  	s20 =	sshrl.u32 s20, $0x6  }
0x5c: {  	s20 =	smul.u32 $0xC8, s20;
	_ =	sdelay $0x1  }
0x5d: {  	s20 =	sadd.s32 s20, s15  }
0x5e: {  	p0 =	slt.s32 s20, $0x80  }
0x5f: {  	s20 =	simm.s32 @!p0 $0x80  }
0x60: {  	s22 =	sshll.u32 s20, $0x8;
	s20 =	sshll.u32 s20, $0x6  }
0x61: {  	s24 =	sor.u32 $0xC0, s20  }
0x62: {  	s28 =	sor.u32 $0xD0, s20;
	v4 =	vld [tilespmem:s24+$0x6400]  }
0x63: {  	s25 =	sor.u32 $0x80, s20;
	v5 =	vld [tilespmem:s28+$0x6400]  }
0x64: {  	s29 =	sor.u32 $0x90, s20;
	v9 =	vld [tilespmem:s25+$0x6400]  }
0x65: {  	s30 =	sor.u32 $0x40, s20;
	v11 =	vld [tilespmem:s29+$0x6400]  }
0x66: {  	p0 =	sne.s32 s23, $0x1;
	s22 =	sshra.s32 s22, $0x2;
	s31 =	sor.u32 $0x50, s20;
	v12 =	vld [tilespmem:s30+$0x6400]  }
.Ltmp6:
0x67: {  	s22 =	sadd.s32 $0x6420, s22;
	v13 =	vld [tilespmem:s31+$0x6400];
	(pc) =	sbr.rel @!p0 .LBB2_9-.Ltmp6, $4  }
0x68: {  	v6 =	vld [tilespmem:s22+$0xFFFFFFE0]  }
0x69: {  	v8 =	vld [tilespmem:s22+$0xFFFFFFF0]  }
0x6a: {  	v7 =	vld [tilespmem:s22+$0x0]  }
0x6b: {  	s23 =	sadd.s32 $0xFFFFFFFF, s23;
	s24 =	sor.u32 $0x60, s20;
	v10 =	vld [tilespmem:s22+$0x10]  }
.LBB2_8:
0x6c: {  	p0 =	sne.s32 s23, $0x1;
	v14 =	vld [tilespmem:s24+$0x6400];
	s24 =	sor.u32 $0x70, s20  }
0x6d: {  	v15 =	vld [tilespmem:s24+$0x6400];
	s24 =	sor.u32 $0xA0, s20  }
0x6e: {  	v16 =	vld [tilespmem:s24+$0x6400];
	s24 =	sor.u32 $0xB0, s20  }
0x6f: {  	v3 =	vadd.f32 v6, v3;
	v2 =	vadd.f32 v8, v2;
	v17 =	vld [tilespmem:s24+$0x6400];
	s24 =	sor.u32 $0xE0, s20  }
0x70: {  	v1 =	vadd.f32 v7, v1;
	v0 =	vadd.f32 v10, v0;
	v18 =	vld [tilespmem:s24+$0x6400];
	s24 =	sor.u32 $0xF0, s20  }
0x71: {  	s22 =	sadd.s32 $0x100, s22;
	v3 =	vadd.f32 v12, v3;
	v2 =	vadd.f32 v13, v2;
	v12 =	vld [tilespmem:s24+$0x6400]  }
0x72: {  	v1 =	vadd.f32 v14, v1;
	v6 =	vld [tilespmem:s22+$0xFFFFFFE0];
	v0 =	vadd.f32 v15, v0  }
0x73: {  	v3 =	vadd.f32 v9, v3;
	v2 =	vadd.f32 v11, v2;
	v8 =	vld [tilespmem:s22+$0xFFFFFFF0]  }
0x74: {  	s20 =	sadd.s32 $0x100, s20;
	v1 =	vadd.f32 v16, v1;
	v7 =	vld [tilespmem:s22+$0x0];
	v0 =	vadd.f32 v17, v0  }
0x75: {  	s24 =	sor.u32 $0xC0, s20;
	v3 =	vadd.f32 v4, v3;
	v2 =	vadd.f32 v5, v2;
	v10 =	vld [tilespmem:s22+$0x10]  }
0x76: {  	v1 =	vadd.f32 v18, v1;
	v4 =	vld [tilespmem:s24+$0x6400];
	s24 =	sor.u32 $0xD0, s20;
	v0 =	vadd.f32 v12, v0  }
.Ltmp7:
0x77: {  	s25 =	sor.u32 $0x80, s20;
	v5 =	vld [tilespmem:s24+$0x6400];
	(pc) =	sbr.rel @p0 .LBB2_8-.Ltmp7, $4  }
0x78: {  	s24 =	sor.u32 $0x90, s20;
	v9 =	vld [tilespmem:s25+$0x6400]  }
0x79: {  	s25 =	sor.u32 $0x40, s20;
	v11 =	vld [tilespmem:s24+$0x6400]  }
0x7a: {  	s24 =	sor.u32 $0x50, s20;
	v12 =	vld [tilespmem:s25+$0x6400]  }
0x7b: {  	s23 =	sadd.s32 $0xFFFFFFFF, s23;
	v13 =	vld [tilespmem:s24+$0x6400];
	s24 =	sor.u32 $0x60, s20  }
.LBB2_9:
0x7c: {  	v14 =	vld [tilespmem:s24+$0x6400];
	s22 =	sor.u32 $0x70, s20  }
0x7d: {  	s28 =	sor.u32 $0xA0, s20;
	v15 =	vld [tilespmem:s22+$0x6400]  }
0x7e: {  	s29 =	sor.u32 $0xB0, s20;
	v16 =	vld [tilespmem:s28+$0x6400]  }
0x7f: {  	s30 =	sor.u32 $0xE0, s20;
	v3 =	vadd.f32 v6, v3;
	v61 =	vld [tilespmem:s29+$0x6400];
	v2 =	vadd.f32 v8, v2  }
0x80: {  	s31 =	sor.u32 $0xF0, s20;
	v62 =	vld [tilespmem:s30+$0x6400];
	v1 =	vadd.f32 v7, v1;
	v0 =	vadd.f32 v10, v0  }
0x81: {  	v63 =	vld [tilespmem:s31+$0x6400];
	v3 =	vadd.f32 v12, v3;
	v2 =	vadd.f32 v13, v2  }
0x82: {  	v1 =	vadd.f32 v14, v1;
	v0 =	vadd.f32 v15, v0  }
0x83: {  	v3 =	vadd.f32 v9, v3;
	v2 =	vadd.f32 v11, v2  }
0x84: {  	v1 =	vadd.f32 v16, v1;
	v0 =	vadd.f32 v61, v0  }
0x85: {  	v3 =	vadd.f32 v4, v3;
	v2 =	vadd.f32 v5, v2  }
0x86: {  	v1 =	vadd.f32 v62, v1;
	v0 =	vadd.f32 v63, v0  }
.LBB2_10:
0x87: {  	s22 =	sor.u32 $0x80, s21  }
0x88: {  	s22 =	smulhi.u32 $0x51EB851F, s22  }
0x89: {  	s20 =	sshll.u32 s19, $0xA;
	p0 =	seq.s32 s19, $0x63  }
0x8a: {  	s23 =	sshrl.u32 @!p0 s20, $0x2;
	s24 =	simm.s32 @!p0 $0x80;
	s22 =	sshrl.u32 s22, $0x6  }
0x8b: {  	s25 =	simm.s32 @!p0 $0x6400;
	s23 =	sadd.s32 @!p0 $0x100, s23;
	s26 =	smul.u32 $0xC8, s22  }
0x8c: {  	[tilespmem:s25], [sflag:$0x1] =	stream.indirect.gather @!p0 [hbm4b:s3+s24], $0x40, s23, s24, $0xb8;
	[tilespmem:$0xC400] =	vst v63  }
0x8d: {  	s31 =	ssub.s32 s26, s21  }
0x8e: {  	s23 =	sadd.s32 $0x48, s31  }
0x8f: {  	p1 =	slt.s32 s23, $0x80;
	s21 =	smov.u32 s23  }
0x90: {  	s21 =	simm.s32 @!p1 $0x80  }
0x91: {  	s25 =	sshra.s32 s21, $0x2  }
0x92: {  	p1 =	slt.s32 s25, $0x1  }
.Ltmp8:
0x93: {  	_ = 	snop;
	(pc) =	sbr.rel @p1 .LBB2_14-.Ltmp8, $4  }
0x94: {  	_ = 	snop  }
0x95: {  	_ =	swait.ge [sflag:s11], $0x2000  }
0x96: {  	v3 =	vadd.f32 $0.0e+00, v3;
	v5 =	vadd.f32 $0.0e+00, v2;
	[sflag:s11] =	ssyncset.done $0x0  }
0x97: {  	v6 =	vadd.f32 $0.0e+00, v1;
	v7 =	vadd.f32 $0.0e+00, v0;
	s24 =	simm.s32 $0x8480;
	[sflag:s11] =	ssyncadd.s32 $0xFFFFE000  }
0x98: {  	v0 =	vld [tilespmem:s24+$0x40]  }
0x99: {  	v2 =	vld [tilespmem:s24+$0x50]  }
0x9a: {  	v1 =	vld [tilespmem:s24+$0x0]  }
0x9b: {  	v4 =	vld [tilespmem:s24+$0x10]  }
0x9c: {  	v8 =	vld [tilespmem:s24+$0xFFFFFFC0];
	p1 =	sne.s32 s25, $0x1  }
.Ltmp9:
0x9d: {  	v9 =	vld [tilespmem:s24+$0xFFFFFFD0];
	(pc) =	sbr.rel @!p1 .LBB2_13-.Ltmp9, $4  }
0x9e: {  	v10 =	vld [tilespmem:s24+$0xFFFFFF80]  }
0x9f: {  	v12 =	vld [tilespmem:s24+$0xFFFFFF90]  }
0xa0: {  	v11 =	vld [tilespmem:s24+$0xFFFFFFA0]  }
0xa1: {  	v13 =	vld [tilespmem:s24+$0xFFFFFFB0];
	s25 =	sadd.s32 $0xFFFFFFFF, s25  }
.LBB2_12:
0xa2: {  	p1 =	sne.s32 s25, $0x1;
	v14 =	vld [tilespmem:s24+$0xFFFFFFE0]  }
0xa3: {  	v15 =	vld [tilespmem:s24+$0xFFFFFFF0]  }
0xa4: {  	v16 =	vld [tilespmem:s24+$0x20]  }
0xa5: {  	v3 =	vadd.f32 v10, v3;
	v5 =	vadd.f32 v12, v5;
	v10 =	vld [tilespmem:s24+$0x30]  }
0xa6: {  	v6 =	vadd.f32 v11, v6;
	v7 =	vadd.f32 v13, v7;
	v11 =	vld [tilespmem:s24+$0x60]  }
0xa7: {  	v3 =	vadd.f32 v8, v3;
	v5 =	vadd.f32 v9, v5;
	v9 =	vld [tilespmem:s24+$0x70];
	s24 =	sadd.s32 $0x100, s24  }
0xa8: {  	v6 =	vadd.f32 v14, v6;
	v12 =	vld [tilespmem:s24+$0x40];
	v7 =	vadd.f32 v15, v7  }
0xa9: {  	v3 =	vadd.f32 v1, v3;
	v5 =	vadd.f32 v4, v5;
	v13 =	vld [tilespmem:s24+$0x50]  }
0xaa: {  	v6 =	vadd.f32 v16, v6;
	v1 =	vld [tilespmem:s24+$0x0];
	v7 =	vadd.f32 v10, v7  }
0xab: {  	v3 =	vadd.f32 v0, v3;
	v5 =	vadd.f32 v2, v5;
	v4 =	vld [tilespmem:s24+$0x10]  }
0xac: {  	v6 =	vadd.f32 v11, v6;
	v8 =	vld [tilespmem:s24+$0xFFFFFFC0];
	v7 =	vadd.f32 v9, v7  }
.Ltmp10:
0xad: {  	v9 =	vld [tilespmem:s24+$0xFFFFFFD0];
	v0 =	vmov v12;
	(pc) =	sbr.rel @p1 .LBB2_12-.Ltmp10, $4  }
0xae: {  	v10 =	vld [tilespmem:s24+$0xFFFFFF80];
	v2 =	vmov v13  }
0xaf: {  	v12 =	vld [tilespmem:s24+$0xFFFFFF90]  }
0xb0: {  	v11 =	vld [tilespmem:s24+$0xFFFFFFA0]  }
0xb1: {  	s25 =	sadd.s32 $0xFFFFFFFF, s25;
	v13 =	vld [tilespmem:s24+$0xFFFFFFB0]  }
.LBB2_13:
0xb2: {  	v14 =	vld [tilespmem:s24+$0xFFFFFFE0]  }
0xb3: {  	v15 =	vld [tilespmem:s24+$0xFFFFFFF0]  }
0xb4: {  	v16 =	vld [tilespmem:s24+$0x20]  }
0xb5: {  	v62 =	vld [tilespmem:s24+$0x30];
	v3 =	vadd.f32 v10, v3;
	v5 =	vadd.f32 v12, v5  }
0xb6: {  	v63 =	vld [tilespmem:s24+$0x60];
	v6 =	vadd.f32 v11, v6;
	v7 =	vadd.f32 v13, v7  }
0xb7: {  	v3 =	vadd.f32 v8, v3;
	v8 =	vld [tilespmem:s24+$0x70];
	v5 =	vadd.f32 v9, v5  }
0xb8: {  	v6 =	vadd.f32 v14, v6;
	v7 =	vadd.f32 v15, v7  }
0xb9: {  	v1 =	vadd.f32 v1, v3;
	v3 =	vadd.f32 v4, v5  }
0xba: {  	v4 =	vadd.f32 v16, v6;
	v5 =	vadd.f32 v62, v7  }
0xbb: {  	v0 =	vadd.f32 v0, v1;
	v1 =	vadd.f32 v2, v3  }
0xbc: {  	v2 =	vadd.f32 v63, v4;
	v4 =	vadd.f32 v8, v5  }
0xbd: {  	v3 =	vadd.f32 $0.0e+00, v0;
	v5 =	vadd.f32 $0.0e+00, v1  }
0xbe: {  	v6 =	vadd.f32 $0.0e+00, v2;
	v7 =	vadd.f32 $0.0e+00, v4  }
.LBB2_14:
0xbf: {  	s21 =	ssub.s32 $0x80, s21  }
0xc0: {  	p1 =	sgt.s32 s23, $0x80;
	s23 =	sshra.s32 s21, $0x2  }
0xc1: {  	v0 =	vmul.f32 @!p1 $4.999999890e-03, v3;
	p2 =	slt.s32 s23, $0x1  }
.Ltmp11:
0xc2: {  	s22 =	sshll.u32 @!p1 s22, $0x6;
	v1 =	vmul.f32 @!p1 $4.999999890e-03, v5;
	(pc) =	sbr.rel @p2 .LBB2_18-.Ltmp11, $4  }
0xc3: {  	v2 =	vmul.f32 @!p1 $4.999999890e-03, v7;
	[tilespmem:s22+$0xA400] =	vst @!p1 v0  }
0xc4: {  	v0 =	vmul.f32 @!p1 $4.999999890e-03, v6;
	[tilespmem:s22+$0xA410] =	vst @!p1 v1  }
0xc5: {  	v4 =	vpsel !p1, $0x0, v6;
	[tilespmem:s22+$0xA430] =	vst @!p1 v2  }
0xc6: {  	v3 =	vpsel !p1, $0x0, v3;
	v1 =	vpsel !p1, $0x0, v7;
	v2 =	vpsel !p1, $0x0, v5;
	[tilespmem:s22+$0xA420] =	vst @!p1 v0  }
0xc7: {  	s21 =	smulhi.u32 $0x51EB851F, s17;
	_ =	sdelay $0x1  }
0xc8: {  	s21 =	sshrl.u32 s21, $0x6  }
0xc9: {  	s21 =	smul.u32 $0xC8, s21;
	_ =	sdelay $0x1  }
0xca: {  	s21 =	sadd.s32 s21, s16  }
0xcb: {  	p1 =	slt.s32 s21, $0x80  }
0xcc: {  	s21 =	simm.s32 @!p1 $0x80  }
0xcd: {  	s22 =	sshll.u32 s21, $0x8;
	s21 =	sshll.u32 s21, $0x6  }
0xce: {  	s24 =	sor.u32 $0xC0, s21  }
0xcf: {  	s28 =	sor.u32 $0xD0, s21;
	v0 =	vld [tilespmem:s24+$0x8400]  }
0xd0: {  	s25 =	sor.u32 $0x80, s21;
	v5 =	vld [tilespmem:s28+$0x8400]  }
0xd1: {  	s29 =	sor.u32 $0x90, s21;
	v9 =	vld [tilespmem:s25+$0x8400]  }
0xd2: {  	s30 =	sor.u32 $0x40, s21;
	v11 =	vld [tilespmem:s29+$0x8400]  }
0xd3: {  	p1 =	sne.s32 s23, $0x1;
	s22 =	sshra.s32 s22, $0x2;
	s31 =	sor.u32 $0x50, s21;
	v12 =	vld [tilespmem:s30+$0x8400]  }
.Ltmp12:
0xd4: {  	s22 =	sadd.s32 $0x8420, s22;
	v13 =	vld [tilespmem:s31+$0x8400];
	(pc) =	sbr.rel @!p1 .LBB2_17-.Ltmp12, $4  }
0xd5: {  	v6 =	vld [tilespmem:s22+$0xFFFFFFE0]  }
0xd6: {  	v8 =	vld [tilespmem:s22+$0xFFFFFFF0]  }
0xd7: {  	v7 =	vld [tilespmem:s22+$0x0]  }
0xd8: {  	s23 =	sadd.s32 $0xFFFFFFFF, s23;
	s24 =	sor.u32 $0x60, s21;
	v10 =	vld [tilespmem:s22+$0x10]  }
.LBB2_16:
0xd9: {  	p1 =	sne.s32 s23, $0x1;
	v14 =	vld [tilespmem:s24+$0x8400];
	s24 =	sor.u32 $0x70, s21  }
0xda: {  	v15 =	vld [tilespmem:s24+$0x8400];
	s24 =	sor.u32 $0xA0, s21  }
0xdb: {  	v16 =	vld [tilespmem:s24+$0x8400];
	s24 =	sor.u32 $0xB0, s21  }
0xdc: {  	v3 =	vadd.f32 v6, v3;
	v2 =	vadd.f32 v8, v2;
	v17 =	vld [tilespmem:s24+$0x8400];
	s24 =	sor.u32 $0xE0, s21  }
0xdd: {  	v4 =	vadd.f32 v7, v4;
	v1 =	vadd.f32 v10, v1;
	v18 =	vld [tilespmem:s24+$0x8400];
	s24 =	sor.u32 $0xF0, s21  }
0xde: {  	s22 =	sadd.s32 $0x100, s22;
	v3 =	vadd.f32 v12, v3;
	v2 =	vadd.f32 v13, v2;
	v12 =	vld [tilespmem:s24+$0x8400]  }
0xdf: {  	v4 =	vadd.f32 v14, v4;
	v6 =	vld [tilespmem:s22+$0xFFFFFFE0];
	v1 =	vadd.f32 v15, v1  }
0xe0: {  	v3 =	vadd.f32 v9, v3;
	v2 =	vadd.f32 v11, v2;
	v8 =	vld [tilespmem:s22+$0xFFFFFFF0]  }
0xe1: {  	s21 =	sadd.s32 $0x100, s21;
	v4 =	vadd.f32 v16, v4;
	v7 =	vld [tilespmem:s22+$0x0];
	v1 =	vadd.f32 v17, v1  }
0xe2: {  	s24 =	sor.u32 $0xC0, s21;
	v3 =	vadd.f32 v0, v3;
	v2 =	vadd.f32 v5, v2;
	v10 =	vld [tilespmem:s22+$0x10]  }
0xe3: {  	v4 =	vadd.f32 v18, v4;
	v0 =	vld [tilespmem:s24+$0x8400];
	s24 =	sor.u32 $0xD0, s21;
	v1 =	vadd.f32 v12, v1  }
.Ltmp13:
0xe4: {  	s25 =	sor.u32 $0x80, s21;
	v5 =	vld [tilespmem:s24+$0x8400];
	(pc) =	sbr.rel @p1 .LBB2_16-.Ltmp13, $4  }
0xe5: {  	s24 =	sor.u32 $0x90, s21;
	v9 =	vld [tilespmem:s25+$0x8400]  }
0xe6: {  	s25 =	sor.u32 $0x40, s21;
	v11 =	vld [tilespmem:s24+$0x8400]  }
0xe7: {  	s24 =	sor.u32 $0x50, s21;
	v12 =	vld [tilespmem:s25+$0x8400]  }
0xe8: {  	s23 =	sadd.s32 $0xFFFFFFFF, s23;
	v13 =	vld [tilespmem:s24+$0x8400];
	s24 =	sor.u32 $0x60, s21  }
.LBB2_17:
0xe9: {  	v14 =	vld [tilespmem:s24+$0x8400];
	s22 =	sor.u32 $0x70, s21  }
0xea: {  	s28 =	sor.u32 $0xA0, s21;
	v15 =	vld [tilespmem:s22+$0x8400]  }
0xeb: {  	s29 =	sor.u32 $0xB0, s21;
	v16 =	vld [tilespmem:s28+$0x8400]  }
0xec: {  	s31 =	sor.u32 $0xF0, s21;
	v3 =	vadd.f32 v6, v3;
	v6 =	vld [tilespmem:s29+$0x8400];
	v2 =	vadd.f32 v8, v2  }
0xed: {  	s30 =	sor.u32 $0xE0, s21;
	v63 =	vld [tilespmem:s31+$0x8400];
	v4 =	vadd.f32 v7, v4;
	v1 =	vadd.f32 v10, v1  }
0xee: {  	v7 =	vld [tilespmem:s30+$0x8400];
	v3 =	vadd.f32 v12, v3;
	v2 =	vadd.f32 v13, v2  }
0xef: {  	v4 =	vadd.f32 v14, v4;
	v1 =	vadd.f32 v15, v1  }
0xf0: {  	v3 =	vadd.f32 v9, v3;
	v2 =	vadd.f32 v11, v2  }
0xf1: {  	v4 =	vadd.f32 v16, v4;
	v1 =	vadd.f32 v6, v1  }
0xf2: {  	v3 =	vadd.f32 v0, v3;
	v2 =	vadd.f32 v5, v2  }
0xf3: {  	v4 =	vadd.f32 v7, v4;
	v1 =	vadd.f32 v63, v1  }
.LBB2_18:
.Ltmp14:
0xf4: {  	(pc) =	sbr.rel @p0 .LBB2_20-.Ltmp14, $1  }
0xf5: {  	_ =	sdelay $0x3  }
.Ltmp15:
0xf6: {  	(pc) =	sbr.rel .LBB2_2-.Ltmp15, $4  }
0xf7: {  	s20 =	sshrl.u32 s20, $0x2  }
0xf8: {  	s19 =	sadd.s32 $0x1, s19;
	s15 =	sadd.s32 $0xFFFFFF00, s15;
	s18 =	sadd.s32 $0x100, s18  }
0xf9: {  	v0 =	vadd.f32 $0.0e+00, v1;
	v1 =	vadd.f32 $0.0e+00, v4;
	s16 =	sadd.s32 $0xFFFFFF00, s16;
	s17 =	sadd.s32 $0x100, s17;
	s20 =	sadd.s32 $0x180, s20  }
0xfa: {  	v2 =	vadd.f32 $0.0e+00, v2;
	v3 =	vadd.f32 $0.0e+00, v3;
	[tilespmem:s9], [sflag:$0x2] =	stream.indirect.gather [hbm4b:s3+s13], $0x40, s20, s13, $0xb8;
	[tilespmem:$0xC400] =	vst v63  }
.LBB2_21:
0xfb: {  	_ =	sfence.sel $0x180000  }
0xfc: {  	[bflag:$0x0] =	sbarrier.arrive $0xFFFF  }
0xfd: {  	p0 =	sne.s32 s0, $0x0;
	_ =	strace $0x9000004A  }
0xfe: {  	s0 =	sadd.s32 @!p0 $0x100000, s1;
	[bflag:$0x2] =	sbarrier.arrive $0xFFFF  }
0xff: {  	[sflag:s0] =	ssyncadd.tile.s32 @!p0 $0x1;
	_ =	shalt  }
.Lfunc_end2:
_tile_overlayer_lowered:
.L_overlay_start_2:
0x100: {  	(tag) =	ssettag $0x2  }
0x101: {  	s0 =	rddreg [dreg:$0x0];
	s2 =	stileid.u32  }
0x102: {  	s1 =	rddreg [dreg:$0x1];
	p0 =	sne.s32 s2, $0x0  }
0x103: {  	s3 =	rddreg [dreg:$0x2];
	[bflag:$0x3] =	sbarrier.arrive $0xFFFF;
	s2 =	simm.s32 @!p0 $0x1C03  }
0x104: {  	[timem:s3], [sflag:s2] =	dma.local @!p0 [hbm:s0], s1  }
0x105: {  	s0 =	simm.s32 @!p0 $0x3  }
0x106: {  	_ =	swait.ge @!p0 [sflag:s0], s1  }
0x107: {  	s1 =	ssub.s32 @!p0 $0x0, s1;
	[sflag:s0] =	ssyncset.done @!p0 $0x0  }
0x108: {  	[sflag:s0] =	ssyncadd.s32 @!p0 s1  }
0x109: {  	[bflag:$0x3] =	sbarrier.arrive $0xFFFF  }
0x10a: {  	_ =	shalt  }

</sc_bundles>
